<compile_context>
chip_gen: v7x
topology: tpu7x:2x2x1
jax: 0.10.2.dev20260603
libtpu: 0.0.44.dev20260713+nightly
codegen_flags: <defaults>
</compile_context>

<pallas_src>
import functools

import jax
import jax.numpy as jnp
from jax import lax
from jax.experimental import pallas as pl
from jax.experimental.pallas import tpu as pltpu
from jax.experimental.pallas import tpu_sc as plsc

_N = 10000
_E = 320000
_IN = 128
_H = 64
_NLAYERS = 4
_EPS = 1e-5

_NC = 2
_NS = 16
_NW = _NC * _NS
_BE = 80
_NB = 128
_UNROLL = 8
_EPW = _NB * _BE
_EPAD = _NW * _EPW
_NACC = 10112
_RPT = _NACC // _NS
_K = 4
_HBM_MOD = 5



def _sc_aggr_body(m_hbm, edges_hbm, zro_hbm, out_hbm,
                  src_v, dst_v, rows_v, acc_sh, m_sh, gsem, ssem):
    c = lax.axis_index("c")
    s = lax.axis_index("s")
    wid = c * _NS + s
    pltpu.sync_copy(edges_hbm.at[0, wid], src_v)
    pltpu.sync_copy(edges_hbm.at[1, wid], dst_v)
    pltpu.sync_copy(zro_hbm.at[pl.ds(s * _RPT, _RPT)],
                    acc_sh.at[pl.ds(s * _RPT, _RPT)])

    @pl.when(s < _NS - 1)
    def _stage_m():
        pltpu.sync_copy(m_hbm.at[pl.ds(s * 640, 640)],
                        m_sh.at[pl.ds(s * 640, 640)])

    @pl.when(s == _NS - 1)
    def _stage_m_tail():
        pltpu.sync_copy(m_hbm.at[pl.ds(9600, _N - 9600)],
                        m_sh.at[pl.ds(9600, _N - 9600)])

    plsc.subcore_barrier()

    def src_of(j_mod):
        return m_hbm if (j_mod % _UNROLL) < _HBM_MOD else m_sh

    for b in range(_K):
        pltpu.async_copy(src_of(b).at[src_v.at[b]], rows_v.at[b], gsem.at[b])

    def chunk(i, carry):
        for u in range(_UNROLL):
            j = i * _UNROLL + u
            b = u % _K
            jp = j - 1
            bp = (b - 1) % _K
            pltpu.make_async_copy(src_of(u).at[src_v.at[j]], rows_v.at[b],
                                  gsem.at[b]).wait()
            pltpu.async_copy(rows_v.at[b], acc_sh.at[dst_v.at[j]],
                             ssem.at[b], add=True)

            @pl.when(jnp.logical_and(jp >= 0, jp + _K < _NB))
            def _refill():
                pltpu.make_async_copy(rows_v.at[bp], acc_sh.at[dst_v.at[jp]],
                                      ssem.at[bp]).wait()
                pltpu.async_copy(src_of(u - 1 + _K).at[src_v.at[jp + _K]],
                                 rows_v.at[bp], gsem.at[bp])
        return carry

    lax.fori_loop(0, _NB // _UNROLL, chunk, 0)
    for b in range(_K):
        j = _NB - _K + b
        pltpu.make_async_copy(rows_v.at[b], acc_sh.at[dst_v.at[j]],
                              ssem.at[b]).wait()
    plsc.subcore_barrier()
    pltpu.sync_copy(acc_sh.at[pl.ds(s * _RPT, _RPT)],
                    out_hbm.at[c, pl.ds(s * _RPT, _RPT)])


@functools.cache
def _sc_aggr():
    return pl.kernel(
        _sc_aggr_body,
        out_type=jax.ShapeDtypeStruct((_NC, _NACC, _H), jnp.float32),
        mesh=plsc.VectorSubcoreMesh(core_axis_name="c", subcore_axis_name="s"),
        scratch_types=[
            pltpu.VMEM((_NB, _BE), jnp.int32),
            pltpu.VMEM((_NB, _BE), jnp.int32),
            pltpu.VMEM((_K, _BE, _H), jnp.float32),
            pltpu.VMEM_SHARED((_NACC, _H), jnp.float32),
            pltpu.VMEM_SHARED((_N, _H), jnp.float32),
            pltpu.SemaphoreType.DMA((_K,)),
            pltpu.SemaphoreType.DMA((_K,)),
        ],
        compiler_params=pltpu.CompilerParams(use_tc_tiling_on_sc=False),
    )



def _dot(a, b):
    return jnp.dot(a, b, preferred_element_type=jnp.float32)


def _tc_in_body(x_ref, wi_ref, bi_ref, w1_ref, b1_ref, w2_ref, b2_ref,
                h_ref, m_ref):
    h = jnp.maximum(_dot(x_ref[...], wi_ref[...]) + bi_ref[...], 0.0)
    h_ref[...] = h
    t = jnp.maximum(_dot(h, w1_ref[...]) + b1_ref[...], 0.0)
    m_ref[...] = _dot(t, w2_ref[...]) + b2_ref[...]


def _gru_bn(h, part, wih_r, wih_z, wih_n, bih_r, bih_z, bih_n,
            whh_r, whh_z, whh_n, bhh_r, bhh_z, bhh_n, gam, bet):
    aggr = part[0, :_N] + part[1, :_N]
    r = jax.nn.sigmoid(_dot(aggr, wih_r) + bih_r + _dot(h, whh_r) + bhh_r)
    z = jax.nn.sigmoid(_dot(aggr, wih_z) + bih_z + _dot(h, whh_z) + bhh_z)
    n = jnp.tanh(_dot(aggr, wih_n) + bih_n + r * (_dot(h, whh_n) + bhh_n))
    hn = (1.0 - z) * n + z * h
    mean = jnp.mean(hn, axis=0, keepdims=True)
    var = jnp.mean((hn - mean) ** 2, axis=0, keepdims=True)
    return (hn - mean) / jnp.sqrt(var + _EPS) * gam + bet + h


def _tc_up_body(h_ref, part_ref, wih_r_ref, wih_z_ref, wih_n_ref,
                bih_r_ref, bih_z_ref, bih_n_ref, whh_r_ref, whh_z_ref,
                whh_n_ref, bhh_r_ref, bhh_z_ref, bhh_n_ref, gam_ref, bet_ref,
                w1_ref, b1_ref, w2_ref, b2_ref, h_out_ref, m_out_ref):
    hb = _gru_bn(h_ref[...], part_ref[...],
                 wih_r_ref[...], wih_z_ref[...], wih_n_ref[...],
                 bih_r_ref[...], bih_z_ref[...], bih_n_ref[...],
                 whh_r_ref[...], whh_z_ref[...], whh_n_ref[...],
                 bhh_r_ref[...], bhh_z_ref[...], bhh_n_ref[...],
                 gam_ref[...], bet_ref[...])
    h_out_ref[...] = hb
    t = jnp.maximum(_dot(hb, w1_ref[...]) + b1_ref[...], 0.0)
    m_out_ref[...] = _dot(t, w2_ref[...]) + b2_ref[...]


def _tc_last_body(h_ref, part_ref, wih_r_ref, wih_z_ref, wih_n_ref,
                  bih_r_ref, bih_z_ref, bih_n_ref, whh_r_ref, whh_z_ref,
                  whh_n_ref, bhh_r_ref, bhh_z_ref, bhh_n_ref, gam_ref,
                  bet_ref, wo_ref, bo_ref, out_ref):
    hb = _gru_bn(h_ref[...], part_ref[...],
                 wih_r_ref[...], wih_z_ref[...], wih_n_ref[...],
                 bih_r_ref[...], bih_z_ref[...], bih_n_ref[...],
                 whh_r_ref[...], whh_z_ref[...], whh_n_ref[...],
                 bhh_r_ref[...], bhh_z_ref[...], bhh_n_ref[...],
                 gam_ref[...], bet_ref[...])
    out_ref[...] = _dot(hb, wo_ref[...]) + bo_ref[...]


def _f32_out(shape):
    return jax.ShapeDtypeStruct(shape, jnp.float32)


@functools.cache
def _tc_in():
    return pl.pallas_call(
        _tc_in_body,
        out_shape=[_f32_out((_N, _H)), _f32_out((_N, _H))],
    )


@functools.cache
def _tc_up():
    return pl.pallas_call(
        _tc_up_body,
        out_shape=[_f32_out((_N, _H)), _f32_out((_N, _H))],
    )


@functools.cache
def _tc_last():
    return pl.pallas_call(
        _tc_last_body,
        out_shape=_f32_out((_N, 1)),
    )


def _split_gru(lp):
    w_ih, w_hh = lp["gru_w_ih"], lp["gru_w_hh"]
    b_ih, b_hh = lp["gru_b_ih"], lp["gru_b_hh"]
    parts = []
    for k in range(3):
        parts.append(w_ih[k * _H:(k + 1) * _H].T)
    for k in range(3):
        parts.append(b_ih[k * _H:(k + 1) * _H].reshape(1, _H))
    for k in range(3):
        parts.append(w_hh[k * _H:(k + 1) * _H].T)
    for k in range(3):
        parts.append(b_hh[k * _H:(k + 1) * _H].reshape(1, _H))
    return (parts[0], parts[1], parts[2], parts[3], parts[4], parts[5],
            parts[6], parts[7], parts[8], parts[9], parts[10], parts[11],
            lp["bn_gamma"].reshape(1, _H), lp["bn_beta"].reshape(1, _H))


def kernel(x, edge_index, params):
    src = edge_index[0]
    dst = edge_index[1]
    pad = _EPAD - _E
    pad_src = jnp.arange(pad, dtype=jnp.int32) % _N
    pad_dst = _N + (jnp.arange(pad, dtype=jnp.int32) % (_NACC - _N))
    edges_p = jnp.concatenate(
        [edge_index, jnp.stack([pad_src, pad_dst])],
        axis=1).reshape(2, _NW, _NB, _BE)
    zeros_acc = jnp.zeros((_NACC, _H), jnp.float32)

    layers = params["layers"]
    lp0 = layers[0]
    h, m = _tc_in()(
        x, params["input_w"], params["input_b"].reshape(1, _H),
        lp0["msg_w1"], lp0["msg_b1"].reshape(1, _H),
        lp0["msg_w2"], lp0["msg_b2"].reshape(1, _H))

    out = None
    for li in range(_NLAYERS):
        lp = layers[li]
        part = _sc_aggr()(m, edges_p, zeros_acc)
        gru = _split_gru(lp)
        if li < _NLAYERS - 1:
            lpn = layers[li + 1]
            h, m = _tc_up()(
                h, part, *gru,
                lpn["msg_w1"], lpn["msg_b1"].reshape(1, _H),
                lpn["msg_w2"], lpn["msg_b2"].reshape(1, _H))
        else:
            out = _tc_last()(
                h, part, *gru,
                params["out_w"], params["out_b"].reshape(1, 1))
    return jnp.squeeze(out, axis=-1)

# --- scband reference (transcript-rebuilt; emitter-appended) ---
"""Pipeline reference for scband-mpnnreg-80814104641847 (READ-ONLY COPY).

The authoritative reference and input builder live on the scoring server;
editing this copy changes nothing except your own understanding.
"""

import jax, jax.numpy as jnp
import numpy as np

N_NODES = 10000
N_EDGES = 320000
IN_CH = 128
HIDDEN = 64
N_LAYERS = 4
BN_EPS = 1e-5


def _init_params(rng):
    def lin(fan_in, fan_out):
        return (jnp.asarray(rng.standard_normal((fan_in, fan_out)) * (1.0 / np.sqrt(fan_in)), jnp.float32),
                jnp.asarray(rng.standard_normal((fan_out,)) * 0.01, jnp.float32))
    w_in, b_in = lin(IN_CH, HIDDEN)
    layers = []
    for _ in range(N_LAYERS):
        mw1, mb1 = lin(HIDDEN, HIDDEN)
        mw2, mb2 = lin(HIDDEN, HIDDEN)
        w_ih = jnp.asarray(rng.standard_normal((3 * HIDDEN, HIDDEN)) * (1.0 / np.sqrt(HIDDEN)), jnp.float32)
        b_ih = jnp.asarray(rng.standard_normal((3 * HIDDEN,)) * 0.01, jnp.float32)
        w_hh = jnp.asarray(rng.standard_normal((3 * HIDDEN, HIDDEN)) * (1.0 / np.sqrt(HIDDEN)), jnp.float32)
        b_hh = jnp.asarray(rng.standard_normal((3 * HIDDEN,)) * 0.01, jnp.float32)
        layers.append({"msg_w1": mw1, "msg_b1": mb1, "msg_w2": mw2, "msg_b2": mb2,
                       "gru_w_ih": w_ih, "gru_b_ih": b_ih, "gru_w_hh": w_hh, "gru_b_hh": b_hh,
                       "bn_gamma": jnp.ones((HIDDEN,), jnp.float32), "bn_beta": jnp.zeros((HIDDEN,), jnp.float32)})
    w_out, b_out = lin(HIDDEN, 1)
    return {"input_w": w_in, "input_b": b_in, "layers": layers, "out_w": w_out, "out_b": b_out}


def setup_inputs(seed: int = 0) -> dict:
    key = jax.random.key(seed)
    k_x, _ = jax.random.split(key)
    x = jax.random.normal(k_x, (N_NODES, IN_CH), dtype=jnp.float32)
    rng = np.random.default_rng(0)
    edge_index = jnp.asarray(rng.integers(0, N_NODES, size=(2, N_EDGES)), dtype=jnp.int32)
    params = _init_params(rng)
    return {"x": x, "edge_index": edge_index, "params": params}


def _gru_cell(inp, h, w_ih, b_ih, w_hh, b_hh):
    gi = inp @ w_ih.T + b_ih
    gh = h @ w_hh.T + b_hh
    i_r, i_z, i_n = jnp.split(gi, 3, axis=-1)
    h_r, h_z, h_n = jnp.split(gh, 3, axis=-1)
    r = jax.nn.sigmoid(i_r + h_r)
    z = jax.nn.sigmoid(i_z + h_z)
    n = jnp.tanh(i_n + r * h_n)
    return (1.0 - z) * n + z * h


def reference(x, edge_index, params):
    src = edge_index[0]
    dst = edge_index[1]
    h = jax.nn.relu(x @ params["input_w"] + params["input_b"])
    for lp in params["layers"]:
        residual = h
        x_j = jnp.take(h, src, axis=0)
        m = jax.nn.relu(x_j @ lp["msg_w1"] + lp["msg_b1"]) @ lp["msg_w2"] + lp["msg_b2"]
        aggr = jax.ops.segment_sum(m, dst, num_segments=h.shape[0])
        h = _gru_cell(aggr, h, lp["gru_w_ih"], lp["gru_b_ih"], lp["gru_w_hh"], lp["gru_b_hh"])
        mean = jnp.mean(h, axis=0)
        var = jnp.var(h, axis=0)
        h = (h - mean) / jnp.sqrt(var + BN_EPS) * lp["bn_gamma"] + lp["bn_beta"]
        h = h + residual
    out = h @ params["out_w"] + params["out_b"]
    return jnp.squeeze(out, axis=-1)

if __name__ == "__main__":
    import jax
    _d = setup_inputs()
    print(jax.jit(kernel)(*tuple(_d.values())))

</pallas_src>

<mosaic_0001>
#map = affine_map<(d0, d1) -> (0, 0)>
#map1 = affine_map<(d0, d1) -> (0, 0, 0, 0)>
#map2 = affine_map<(d0, d1) -> (0, 0, 0)>
module attributes {stable_mosaic.version = 14 : i64} {
  func.func @_sc_aggr_body(%arg0: i32, %arg1: i32, %arg2: memref<10000x64xf32, #tpu.memory_space<hbm>>, %arg3: memref<2x32x128x80xi32, #tpu.memory_space<hbm>>, %arg4: memref<10112x64xf32, #tpu.memory_space<hbm>>, %arg5: memref<2x10112x64xf32, #tpu.memory_space<hbm>>, %arg6: memref<128x80xi32, #tpu.memory_space<vmem>>, %arg7: memref<128x80xi32, #tpu.memory_space<vmem>>, %arg8: memref<4x80x64xf32, #tpu.memory_space<vmem>>, %arg9: memref<10112x64xf32, #tpu.memory_space<vmem_shared>>, %arg10: memref<10000x64xf32, #tpu.memory_space<vmem_shared>>, %arg11: memref<4x!tpu.dma_semaphore, #tpu.memory_space<semaphore_mem>>, %arg12: memref<4x!tpu.dma_semaphore, #tpu.memory_space<semaphore_mem>>) attributes {dimension_semantics = [#tpu.dimension_semantics<core_parallel>, #tpu.dimension_semantics<subcore_parallel>], iteration_bounds = array<i64: 2, 16>, scalar_prefetch = 0 : i64, scratch_operands = 7 : i64, tpu.core_type = #tpu.core_type<sc_vector_subcore>, window_params = [{transform_indices = #map}, {transform_indices = #map1}, {transform_indices = #map}, {transform_indices = #map2}]} {
    %mul3A = arith.constant 16 : i32
    %mul3A_0 = arith.muli %arg0, %mul3A : i32
    %add3A = arith.addi %mul3A_0, %arg1 : i32
    %run_scoped3A = arith.constant 0 : i32
    "tpu.region"() ({
      %run_scoped3A_140 = tpu.sem_alloc : memref<!tpu.dma_semaphore, #tpu.memory_space<semaphore_mem>>
      %dma_start3A_141 = arith.constant 0 : i32
      %dma_start3A_142 = arith.constant 0 : i32
      %dma_start3A_143 = tpu.memref_slice %arg3[%run_scoped3A, %add3A, %dma_start3A_141, %dma_start3A_142] : memref<2x32x128x80xi32, #tpu.memory_space<hbm>> -> memref<1x1x128x80xi32, #tpu.memory_space<hbm>>
      %dma_start3A_144 = tpu.memref_squeeze %dma_start3A_143 : memref<1x1x128x80xi32, #tpu.memory_space<hbm>> -> memref<128x80xi32, #tpu.memory_space<hbm>>
      %dma_start3A_145 = arith.constant 0 : i32
      %dma_start3A_146 = arith.constant 0 : i32
      %dma_start3A_147 = tpu.memref_slice %arg3[%run_scoped3A, %add3A, %dma_start3A_145, %dma_start3A_146] : memref<2x32x128x80xi32, #tpu.memory_space<hbm>> -> memref<1x1x128x80xi32, #tpu.memory_space<hbm>>
      %dma_start3A_148 = tpu.memref_squeeze %dma_start3A_147 : memref<1x1x128x80xi32, #tpu.memory_space<hbm>> -> memref<128x80xi32, #tpu.memory_space<hbm>>
      tpu.enqueue_dma source(%dma_start3A_148 : memref<128x80xi32, #tpu.memory_space<hbm>>) target(%arg6 : memref<128x80xi32, #tpu.memory_space<vmem>>) target_semaphore(%run_scoped3A_140 : memref<!tpu.dma_semaphore, #tpu.memory_space<semaphore_mem>>)
      %dma_wait3A_149 = arith.constant 0 : i32
      %dma_wait3A_150 = arith.constant 0 : i32
      %dma_wait3A_151 = tpu.memref_slice %arg3[%run_scoped3A, %add3A, %dma_wait3A_149, %dma_wait3A_150] : memref<2x32x128x80xi32, #tpu.memory_space<hbm>> -> memref<1x1x128x80xi32, #tpu.memory_space<hbm>>
      %dma_wait3A_152 = tpu.memref_squeeze %dma_wait3A_151 : memref<1x1x128x80xi32, #tpu.memory_space<hbm>> -> memref<128x80xi32, #tpu.memory_space<hbm>>
      %dma_wait3A_153 = arith.constant 0 : i32
      %dma_wait3A_154 = arith.constant 0 : i32
      %dma_wait3A_155 = tpu.memref_slice %arg3[%run_scoped3A, %add3A, %dma_wait3A_153, %dma_wait3A_154] : memref<2x32x128x80xi32, #tpu.memory_space<hbm>> -> memref<1x1x128x80xi32, #tpu.memory_space<hbm>>
      %dma_wait3A_156 = tpu.memref_squeeze %dma_wait3A_155 : memref<1x1x128x80xi32, #tpu.memory_space<hbm>> -> memref<128x80xi32, #tpu.memory_space<hbm>>
      tpu.wait_dma2 semaphore(%run_scoped3A_140 : memref<!tpu.dma_semaphore, #tpu.memory_space<semaphore_mem>>) src(%dma_wait3A_156 : memref<128x80xi32, #tpu.memory_space<hbm>>) dst(%arg6 : memref<128x80xi32, #tpu.memory_space<vmem>>)
      tpu.yield
    }) : () -> ()
    %run_scoped3A_1 = arith.constant 1 : i32
    "tpu.region"() ({
      %run_scoped3A_140 = tpu.sem_alloc : memref<!tpu.dma_semaphore, #tpu.memory_space<semaphore_mem>>
      %dma_start3A_141 = arith.constant 0 : i32
      %dma_start3A_142 = arith.constant 0 : i32
      %dma_start3A_143 = tpu.memref_slice %arg3[%run_scoped3A_1, %add3A, %dma_start3A_141, %dma_start3A_142] : memref<2x32x128x80xi32, #tpu.memory_space<hbm>> -> memref<1x1x128x80xi32, #tpu.memory_space<hbm>>
      %dma_start3A_144 = tpu.memref_squeeze %dma_start3A_143 : memref<1x1x128x80xi32, #tpu.memory_space<hbm>> -> memref<128x80xi32, #tpu.memory_space<hbm>>
      %dma_start3A_145 = arith.constant 0 : i32
      %dma_start3A_146 = arith.constant 0 : i32
      %dma_start3A_147 = tpu.memref_slice %arg3[%run_scoped3A_1, %add3A, %dma_start3A_145, %dma_start3A_146] : memref<2x32x128x80xi32, #tpu.memory_space<hbm>> -> memref<1x1x128x80xi32, #tpu.memory_space<hbm>>
      %dma_start3A_148 = tpu.memref_squeeze %dma_start3A_147 : memref<1x1x128x80xi32, #tpu.memory_space<hbm>> -> memref<128x80xi32, #tpu.memory_space<hbm>>
      tpu.enqueue_dma source(%dma_start3A_148 : memref<128x80xi32, #tpu.memory_space<hbm>>) target(%arg7 : memref<128x80xi32, #tpu.memory_space<vmem>>) target_semaphore(%run_scoped3A_140 : memref<!tpu.dma_semaphore, #tpu.memory_space<semaphore_mem>>)
      %dma_wait3A_149 = arith.constant 0 : i32
      %dma_wait3A_150 = arith.constant 0 : i32
      %dma_wait3A_151 = tpu.memref_slice %arg3[%run_scoped3A_1, %add3A, %dma_wait3A_149, %dma_wait3A_150] : memref<2x32x128x80xi32, #tpu.memory_space<hbm>> -> memref<1x1x128x80xi32, #tpu.memory_space<hbm>>
      %dma_wait3A_152 = tpu.memref_squeeze %dma_wait3A_151 : memref<1x1x128x80xi32, #tpu.memory_space<hbm>> -> memref<128x80xi32, #tpu.memory_space<hbm>>
      %dma_wait3A_153 = arith.constant 0 : i32
      %dma_wait3A_154 = arith.constant 0 : i32
      %dma_wait3A_155 = tpu.memref_slice %arg3[%run_scoped3A_1, %add3A, %dma_wait3A_153, %dma_wait3A_154] : memref<2x32x128x80xi32, #tpu.memory_space<hbm>> -> memref<1x1x128x80xi32, #tpu.memory_space<hbm>>
      %dma_wait3A_156 = tpu.memref_squeeze %dma_wait3A_155 : memref<1x1x128x80xi32, #tpu.memory_space<hbm>> -> memref<128x80xi32, #tpu.memory_space<hbm>>
      tpu.wait_dma2 semaphore(%run_scoped3A_140 : memref<!tpu.dma_semaphore, #tpu.memory_space<semaphore_mem>>) src(%dma_wait3A_156 : memref<128x80xi32, #tpu.memory_space<hbm>>) dst(%arg7 : memref<128x80xi32, #tpu.memory_space<vmem>>)
      tpu.yield
    }) : () -> ()
    %mul3A_2 = arith.constant 632 : i32
    %mul3A_3 = arith.muli %arg1, %mul3A_2 : i32
    %mul3A_4 = arith.constant 632 : i32
    %mul3A_5 = arith.muli %arg1, %mul3A_4 : i32
    "tpu.region"() ({
      %run_scoped3A_140 = tpu.sem_alloc : memref<!tpu.dma_semaphore, #tpu.memory_space<semaphore_mem>>
      %dma_start3A_141 = arith.constant 0 : i32
      %dma_start3A_142 = tpu.memref_slice %arg9[%mul3A_5, %dma_start3A_141] : memref<10112x64xf32, #tpu.memory_space<vmem_shared>> -> memref<632x64xf32, #tpu.memory_space<vmem_shared>>
      %dma_start3A_143 = arith.constant 0 : i32
      %dma_start3A_144 = tpu.memref_slice %arg4[%mul3A_3, %dma_start3A_143] : memref<10112x64xf32, #tpu.memory_space<hbm>> -> memref<632x64xf32, #tpu.memory_space<hbm>>
      tpu.enqueue_dma source(%dma_start3A_144 : memref<632x64xf32, #tpu.memory_space<hbm>>) target(%dma_start3A_142 : memref<632x64xf32, #tpu.memory_space<vmem_shared>>) target_semaphore(%run_scoped3A_140 : memref<!tpu.dma_semaphore, #tpu.memory_space<semaphore_mem>>)
      %dma_wait3A_145 = arith.constant 0 : i32
      %dma_wait3A_146 = tpu.memref_slice %arg9[%mul3A_5, %dma_wait3A_145] : memref<10112x64xf32, #tpu.memory_space<vmem_shared>> -> memref<632x64xf32, #tpu.memory_space<vmem_shared>>
      %dma_wait3A_147 = arith.constant 0 : i32
      %dma_wait3A_148 = tpu.memref_slice %arg4[%mul3A_3, %dma_wait3A_147] : memref<10112x64xf32, #tpu.memory_space<hbm>> -> memref<632x64xf32, #tpu.memory_space<hbm>>
      tpu.wait_dma2 semaphore(%run_scoped3A_140 : memref<!tpu.dma_semaphore, #tpu.memory_space<semaphore_mem>>) src(%dma_wait3A_148 : memref<632x64xf32, #tpu.memory_space<hbm>>) dst(%dma_wait3A_146 : memref<632x64xf32, #tpu.memory_space<vmem_shared>>)
      tpu.yield
    }) : () -> ()
    %lt3A = arith.constant 15 : i32
    %lt3A_6 = arith.cmpi slt, %arg1, %lt3A : i32
    %convert_element_type3A = arith.extui %lt3A_6 : i1 to i32
    %cond3A = arith.constant 0 : i32
    %cond3A_7 = arith.cmpi ne, %convert_element_type3A, %cond3A : i32
    scf.if %cond3A_7 {
      %mul3A_140 = arith.constant 640 : i32
      %mul3A_141 = arith.muli %arg1, %mul3A_140 : i32
      %mul3A_142 = arith.constant 640 : i32
      %mul3A_143 = arith.muli %arg1, %mul3A_142 : i32
      "tpu.region"() ({
        %run_scoped3A_144 = tpu.sem_alloc : memref<!tpu.dma_semaphore, #tpu.memory_space<semaphore_mem>>
        %dma_start3A_145 = arith.constant 0 : i32
        %dma_start3A_146 = tpu.memref_slice %arg10[%mul3A_143, %dma_start3A_145] : memref<10000x64xf32, #tpu.memory_space<vmem_shared>> -> memref<640x64xf32, #tpu.memory_space<vmem_shared>>
        %dma_start3A_147 = arith.constant 0 : i32
        %dma_start3A_148 = tpu.memref_slice %arg2[%mul3A_141, %dma_start3A_147] : memref<10000x64xf32, #tpu.memory_space<hbm>> -> memref<640x64xf32, #tpu.memory_space<hbm>>
        tpu.enqueue_dma source(%dma_start3A_148 : memref<640x64xf32, #tpu.memory_space<hbm>>) target(%dma_start3A_146 : memref<640x64xf32, #tpu.memory_space<vmem_shared>>) target_semaphore(%run_scoped3A_144 : memref<!tpu.dma_semaphore, #tpu.memory_space<semaphore_mem>>)
        %dma_wait3A_149 = arith.constant 0 : i32
        %dma_wait3A_150 = tpu.memref_slice %arg10[%mul3A_143, %dma_wait3A_149] : memref<10000x64xf32, #tpu.memory_space<vmem_shared>> -> memref<640x64xf32, #tpu.memory_space<vmem_shared>>
        %dma_wait3A_151 = arith.constant 0 : i32
        %dma_wait3A_152 = tpu.memref_slice %arg2[%mul3A_141, %dma_wait3A_151] : memref<10000x64xf32, #tpu.memory_space<hbm>> -> memref<640x64xf32, #tpu.memory_space<hbm>>
        tpu.wait_dma2 semaphore(%run_scoped3A_144 : memref<!tpu.dma_semaphore, #tpu.memory_space<semaphore_mem>>) src(%dma_wait3A_152 : memref<640x64xf32, #tpu.memory_space<hbm>>) dst(%dma_wait3A_150 : memref<640x64xf32, #tpu.memory_space<vmem_shared>>)
        tpu.yield
      }) : () -> ()
    } else {
    }
    %eq3A = arith.constant 15 : i32
    %eq3A_8 = arith.cmpi eq, %arg1, %eq3A : i32
    %convert_element_type3A_9 = arith.extui %eq3A_8 : i1 to i32
    %cond3A_10 = arith.constant 0 : i32
    %cond3A_11 = arith.cmpi ne, %convert_element_type3A_9, %cond3A_10 : i32
    scf.if %cond3A_11 {
      "tpu.region"() ({
        %run_scoped3A_140 = tpu.sem_alloc : memref<!tpu.dma_semaphore, #tpu.memory_space<semaphore_mem>>
        %dma_start3A_141 = arith.constant 9600 : i32
        %dma_start3A_142 = arith.constant 0 : i32
        %dma_start3A_143 = tpu.memref_slice %arg10[%dma_start3A_141, %dma_start3A_142] : memref<10000x64xf32, #tpu.memory_space<vmem_shared>> -> memref<400x64xf32, #tpu.memory_space<vmem_shared>>
        %dma_start3A_144 = arith.constant 9600 : i32
        %dma_start3A_145 = arith.constant 0 : i32
        %dma_start3A_146 = tpu.memref_slice %arg2[%dma_start3A_144, %dma_start3A_145] : memref<10000x64xf32, #tpu.memory_space<hbm>> -> memref<400x64xf32, #tpu.memory_space<hbm>>
        tpu.enqueue_dma source(%dma_start3A_146 : memref<400x64xf32, #tpu.memory_space<hbm>>) target(%dma_start3A_143 : memref<400x64xf32, #tpu.memory_space<vmem_shared>>) target_semaphore(%run_scoped3A_140 : memref<!tpu.dma_semaphore, #tpu.memory_space<semaphore_mem>>)
        %dma_wait3A_147 = arith.constant 9600 : i32
        %dma_wait3A_148 = arith.constant 0 : i32
        %dma_wait3A_149 = tpu.memref_slice %arg10[%dma_wait3A_147, %dma_wait3A_148] : memref<10000x64xf32, #tpu.memory_space<vmem_shared>> -> memref<400x64xf32, #tpu.memory_space<vmem_shared>>
        %dma_wait3A_150 = arith.constant 9600 : i32
        %dma_wait3A_151 = arith.constant 0 : i32
        %dma_wait3A_152 = tpu.memref_slice %arg2[%dma_wait3A_150, %dma_wait3A_151] : memref<10000x64xf32, #tpu.memory_space<hbm>> -> memref<400x64xf32, #tpu.memory_space<hbm>>
        tpu.wait_dma2 semaphore(%run_scoped3A_140 : memref<!tpu.dma_semaphore, #tpu.memory_space<semaphore_mem>>) src(%dma_wait3A_152 : memref<400x64xf32, #tpu.memory_space<hbm>>) dst(%dma_wait3A_149 : memref<400x64xf32, #tpu.memory_space<vmem_shared>>)
        tpu.yield
      }) : () -> ()
    } else {
    }
    %barrier3A = arith.constant 0 : index
    tpu.barrier barrier_id(%barrier3A)
    %dma_start3A = arith.constant 0 : i32
    %dma_start3A_12 = arith.constant 0 : i32
    %dma_start3A_13 = arith.constant 0 : i32
    %dma_start3A_14 = arith.constant 0 : i32
    %dma_start3A_15 = arith.constant 0 : i32
    %dma_start3A_16 = tpu.memref_slice %arg8[%dma_start3A_12, %dma_start3A_14, %dma_start3A_15] : memref<4x80x64xf32, #tpu.memory_space<vmem>> -> memref<1x80x64xf32, #tpu.memory_space<vmem>>
    %dma_start3A_17 = tpu.memref_squeeze %dma_start3A_16 : memref<1x80x64xf32, #tpu.memory_space<vmem>> -> memref<80x64xf32, #tpu.memory_space<vmem>>
    %dma_start3A_18 = arith.constant 0 : i32
    %dma_start3A_19 = tpu.memref_slice %arg6[%dma_start3A, %dma_start3A_18] : memref<128x80xi32, #tpu.memory_space<vmem>> -> memref<1x80xi32, #tpu.memory_space<vmem>>
    %dma_start3A_20 = tpu.memref_squeeze %dma_start3A_19 : memref<1x80xi32, #tpu.memory_space<vmem>> -> memref<80xi32, #tpu.memory_space<vmem>>
    %dma_start3A_21 = arith.constant 0 : i32
    %dma_start3A_22 = arith.constant 0 : i32
    %dma_start3A_23 = tpu.memref_slice %arg2[%dma_start3A_21, %dma_start3A_22] : memref<10000x64xf32, #tpu.memory_space<hbm>> -> memref<10000x64xf32, #tpu.memory_space<hbm>>
    %dma_start3A_24 = tpu.memref_slice %arg11[%dma_start3A_13] : memref<4x!tpu.dma_semaphore, #tpu.memory_space<semaphore_mem>> -> memref<1x!tpu.dma_semaphore, #tpu.memory_space<semaphore_mem>>
    %dma_start3A_25 = tpu.memref_squeeze %dma_start3A_24 : memref<1x!tpu.dma_semaphore, #tpu.memory_space<semaphore_mem>> -> memref<!tpu.dma_semaphore, #tpu.memory_space<semaphore_mem>>
    tpu.enqueue_indirect_dma source(%dma_start3A_23 : memref<10000x64xf32, #tpu.memory_space<hbm>>) target(%dma_start3A_17 : memref<80x64xf32, #tpu.memory_space<vmem>>) offsets(%dma_start3A_20 : memref<80xi32, #tpu.memory_space<vmem>>) semaphore(%dma_start3A_25 : memref<!tpu.dma_semaphore, #tpu.memory_space<semaphore_mem>>)
    %dma_start3A_26 = arith.constant 1 : i32
    %dma_start3A_27 = arith.constant 1 : i32
    %dma_start3A_28 = arith.constant 1 : i32
    %dma_start3A_29 = arith.constant 0 : i32
    %dma_start3A_30 = arith.constant 0 : i32
    %dma_start3A_31 = tpu.memref_slice %arg8[%dma_start3A_27, %dma_start3A_29, %dma_start3A_30] : memref<4x80x64xf32, #tpu.memory_space<vmem>> -> memref<1x80x64xf32, #tpu.memory_space<vmem>>
    %dma_start3A_32 = tpu.memref_squeeze %dma_start3A_31 : memref<1x80x64xf32, #tpu.memory_space<vmem>> -> memref<80x64xf32, #tpu.memory_space<vmem>>
    %dma_start3A_33 = arith.constant 0 : i32
    %dma_start3A_34 = tpu.memref_slice %arg6[%dma_start3A_26, %dma_start3A_33] : memref<128x80xi32, #tpu.memory_space<vmem>> -> memref<1x80xi32, #tpu.memory_space<vmem>>
    %dma_start3A_35 = tpu.memref_squeeze %dma_start3A_34 : memref<1x80xi32, #tpu.memory_space<vmem>> -> memref<80xi32, #tpu.memory_space<vmem>>
    %dma_start3A_36 = arith.constant 0 : i32
    %dma_start3A_37 = arith.constant 0 : i32
    %dma_start3A_38 = tpu.memref_slice %arg2[%dma_start3A_36, %dma_start3A_37] : memref<10000x64xf32, #tpu.memory_space<hbm>> -> memref<10000x64xf32, #tpu.memory_space<hbm>>
    %dma_start3A_39 = tpu.memref_slice %arg11[%dma_start3A_28] : memref<4x!tpu.dma_semaphore, #tpu.memory_space<semaphore_mem>> -> memref<1x!tpu.dma_semaphore, #tpu.memory_space<semaphore_mem>>
    %dma_start3A_40 = tpu.memref_squeeze %dma_start3A_39 : memref<1x!tpu.dma_semaphore, #tpu.memory_space<semaphore_mem>> -> memref<!tpu.dma_semaphore, #tpu.memory_space<semaphore_mem>>
    tpu.enqueue_indirect_dma source(%dma_start3A_38 : memref<10000x64xf32, #tpu.memory_space<hbm>>) target(%dma_start3A_32 : memref<80x64xf32, #tpu.memory_space<vmem>>) offsets(%dma_start3A_35 : memref<80xi32, #tpu.memory_space<vmem>>) semaphore(%dma_start3A_40 : memref<!tpu.dma_semaphore, #tpu.memory_space<semaphore_mem>>)
    %dma_start3A_41 = arith.constant 2 : i32
    %dma_start3A_42 = arith.constant 2 : i32
    %dma_start3A_43 = arith.constant 2 : i32
    %dma_start3A_44 = arith.constant 0 : i32
    %dma_start3A_45 = arith.constant 0 : i32
    %dma_start3A_46 = tpu.memref_slice %arg8[%dma_start3A_42, %dma_start3A_44, %dma_start3A_45] : memref<4x80x64xf32, #tpu.memory_space<vmem>> -> memref<1x80x64xf32, #tpu.memory_space<vmem>>
    %dma_start3A_47 = tpu.memref_squeeze %dma_start3A_46 : memref<1x80x64xf32, #tpu.memory_space<vmem>> -> memref<80x64xf32, #tpu.memory_space<vmem>>
    %dma_start3A_48 = arith.constant 0 : i32
    %dma_start3A_49 = tpu.memref_slice %arg6[%dma_start3A_41, %dma_start3A_48] : memref<128x80xi32, #tpu.memory_space<vmem>> -> memref<1x80xi32, #tpu.memory_space<vmem>>
    %dma_start3A_50 = tpu.memref_squeeze %dma_start3A_49 : memref<1x80xi32, #tpu.memory_space<vmem>> -> memref<80xi32, #tpu.memory_space<vmem>>
    %dma_start3A_51 = arith.constant 0 : i32
    %dma_start3A_52 = arith.constant 0 : i32
    %dma_start3A_53 = tpu.memref_slice %arg2[%dma_start3A_51, %dma_start3A_52] : memref<10000x64xf32, #tpu.memory_space<hbm>> -> memref<10000x64xf32, #tpu.memory_space<hbm>>
    %dma_start3A_54 = tpu.memref_slice %arg11[%dma_start3A_43] : memref<4x!tpu.dma_semaphore, #tpu.memory_space<semaphore_mem>> -> memref<1x!tpu.dma_semaphore, #tpu.memory_space<semaphore_mem>>
    %dma_start3A_55 = tpu.memref_squeeze %dma_start3A_54 : memref<1x!tpu.dma_semaphore, #tpu.memory_space<semaphore_mem>> -> memref<!tpu.dma_semaphore, #tpu.memory_space<semaphore_mem>>
    tpu.enqueue_indirect_dma source(%dma_start3A_53 : memref<10000x64xf32, #tpu.memory_space<hbm>>) target(%dma_start3A_47 : memref<80x64xf32, #tpu.memory_space<vmem>>) offsets(%dma_start3A_50 : memref<80xi32, #tpu.memory_space<vmem>>) semaphore(%dma_start3A_55 : memref<!tpu.dma_semaphore, #tpu.memory_space<semaphore_mem>>)
    %dma_start3A_56 = arith.constant 3 : i32
    %dma_start3A_57 = arith.constant 3 : i32
    %dma_start3A_58 = arith.constant 3 : i32
    %dma_start3A_59 = arith.constant 0 : i32
    %dma_start3A_60 = arith.constant 0 : i32
    %dma_start3A_61 = tpu.memref_slice %arg8[%dma_start3A_57, %dma_start3A_59, %dma_start3A_60] : memref<4x80x64xf32, #tpu.memory_space<vmem>> -> memref<1x80x64xf32, #tpu.memory_space<vmem>>
    %dma_start3A_62 = tpu.memref_squeeze %dma_start3A_61 : memref<1x80x64xf32, #tpu.memory_space<vmem>> -> memref<80x64xf32, #tpu.memory_space<vmem>>
    %dma_start3A_63 = arith.constant 0 : i32
    %dma_start3A_64 = tpu.memref_slice %arg6[%dma_start3A_56, %dma_start3A_63] : memref<128x80xi32, #tpu.memory_space<vmem>> -> memref<1x80xi32, #tpu.memory_space<vmem>>
    %dma_start3A_65 = tpu.memref_squeeze %dma_start3A_64 : memref<1x80xi32, #tpu.memory_space<vmem>> -> memref<80xi32, #tpu.memory_space<vmem>>
    %dma_start3A_66 = arith.constant 0 : i32
    %dma_start3A_67 = arith.constant 0 : i32
    %dma_start3A_68 = tpu.memref_slice %arg2[%dma_start3A_66, %dma_start3A_67] : memref<10000x64xf32, #tpu.memory_space<hbm>> -> memref<10000x64xf32, #tpu.memory_space<hbm>>
    %dma_start3A_69 = tpu.memref_slice %arg11[%dma_start3A_58] : memref<4x!tpu.dma_semaphore, #tpu.memory_space<semaphore_mem>> -> memref<1x!tpu.dma_semaphore, #tpu.memory_space<semaphore_mem>>
    %dma_start3A_70 = tpu.memref_squeeze %dma_start3A_69 : memref<1x!tpu.dma_semaphore, #tpu.memory_space<semaphore_mem>> -> memref<!tpu.dma_semaphore, #tpu.memory_space<semaphore_mem>>
    tpu.enqueue_indirect_dma source(%dma_start3A_68 : memref<10000x64xf32, #tpu.memory_space<hbm>>) target(%dma_start3A_62 : memref<80x64xf32, #tpu.memory_space<vmem>>) offsets(%dma_start3A_65 : memref<80xi32, #tpu.memory_space<vmem>>) semaphore(%dma_start3A_70 : memref<!tpu.dma_semaphore, #tpu.memory_space<semaphore_mem>>)
    %scan3A = arith.constant 0 : i32
    %scan3A_71 = arith.constant 0 : i32
    %scan3A_72 = arith.constant 16 : i32
    %scan3A_73 = arith.addi %scan3A_71, %scan3A_72 : i32
    %scan3A_74 = arith.constant 1 : i32
    scf.for %scan3A_140 = %scan3A_71 to %scan3A_73 step %scan3A_74  : i32 {
      %mul3A_141 = arith.constant 8 : i32
      %mul3A_142 = arith.muli %scan3A_140, %mul3A_141 : i32
      %add3A_143 = arith.constant 0 : i32
      %add3A_144 = arith.addi %mul3A_142, %add3A_143 : i32
      %sub3A = arith.constant 1 : i32
      %sub3A_145 = arith.subi %add3A_144, %sub3A : i32
      %dma_wait3A_146 = arith.constant 0 : i32
      %dma_wait3A_147 = arith.constant 0 : i32
      %dma_wait3A_148 = arith.constant 0 : i32
      %dma_wait3A_149 = arith.constant 0 : i32
      %dma_wait3A_150 = tpu.memref_slice %arg8[%dma_wait3A_146, %dma_wait3A_148, %dma_wait3A_149] : memref<4x80x64xf32, #tpu.memory_space<vmem>> -> memref<1x80x64xf32, #tpu.memory_space<vmem>>
      %dma_wait3A_151 = tpu.memref_squeeze %dma_wait3A_150 : memref<1x80x64xf32, #tpu.memory_space<vmem>> -> memref<80x64xf32, #tpu.memory_space<vmem>>
      %dma_wait3A_152 = arith.constant 0 : i32
      %dma_wait3A_153 = tpu.memref_slice %arg6[%add3A_144, %dma_wait3A_152] : memref<128x80xi32, #tpu.memory_space<vmem>> -> memref<1x80xi32, #tpu.memory_space<vmem>>
      %dma_wait3A_154 = tpu.memref_squeeze %dma_wait3A_153 : memref<1x80xi32, #tpu.memory_space<vmem>> -> memref<80xi32, #tpu.memory_space<vmem>>
      %dma_wait3A_155 = arith.constant 0 : i32
      %dma_wait3A_156 = arith.constant 0 : i32
      %dma_wait3A_157 = tpu.memref_slice %arg2[%dma_wait3A_155, %dma_wait3A_156] : memref<10000x64xf32, #tpu.memory_space<hbm>> -> memref<10000x64xf32, #tpu.memory_space<hbm>>
      %dma_wait3A_158 = tpu.memref_slice %arg11[%dma_wait3A_147] : memref<4x!tpu.dma_semaphore, #tpu.memory_space<semaphore_mem>> -> memref<1x!tpu.dma_semaphore, #tpu.memory_space<semaphore_mem>>
      %dma_wait3A_159 = tpu.memref_squeeze %dma_wait3A_158 : memref<1x!tpu.dma_semaphore, #tpu.memory_space<semaphore_mem>> -> memref<!tpu.dma_semaphore, #tpu.memory_space<semaphore_mem>>
      tpu.wait_indirect_dma semaphore(%dma_wait3A_159 : memref<!tpu.dma_semaphore, #tpu.memory_space<semaphore_mem>>) src(%dma_wait3A_157 : memref<10000x64xf32, #tpu.memory_space<hbm>>) dst(%dma_wait3A_151 : memref<80x64xf32, #tpu.memory_space<vmem>>)
      %dma_start3A_160 = arith.constant 0 : i32
      %dma_start3A_161 = arith.constant 0 : i32
      %dma_start3A_162 = arith.constant 0 : i32
      %dma_start3A_163 = arith.constant 0 : i32
      %dma_start3A_164 = tpu.memref_slice %arg8[%dma_start3A_160, %dma_start3A_162, %dma_start3A_163] : memref<4x80x64xf32, #tpu.memory_space<vmem>> -> memref<1x80x64xf32, #tpu.memory_space<vmem>>
      %dma_start3A_165 = tpu.memref_squeeze %dma_start3A_164 : memref<1x80x64xf32, #tpu.memory_space<vmem>> -> memref<80x64xf32, #tpu.memory_space<vmem>>
      %dma_start3A_166 = arith.constant 0 : i32
      %dma_start3A_167 = tpu.memref_slice %arg7[%add3A_144, %dma_start3A_166] : memref<128x80xi32, #tpu.memory_space<vmem>> -> memref<1x80xi32, #tpu.memory_space<vmem>>
      %dma_start3A_168 = tpu.memref_squeeze %dma_start3A_167 : memref<1x80xi32, #tpu.memory_space<vmem>> -> memref<80xi32, #tpu.memory_space<vmem>>
      %dma_start3A_169 = arith.constant 0 : i32
      %dma_start3A_170 = arith.constant 0 : i32
      %dma_start3A_171 = tpu.memref_slice %arg9[%dma_start3A_169, %dma_start3A_170] : memref<10112x64xf32, #tpu.memory_space<vmem_shared>> -> memref<10112x64xf32, #tpu.memory_space<vmem_shared>>
      %dma_start3A_172 = tpu.memref_slice %arg12[%dma_start3A_161] : memref<4x!tpu.dma_semaphore, #tpu.memory_space<semaphore_mem>> -> memref<1x!tpu.dma_semaphore, #tpu.memory_space<semaphore_mem>>
      %dma_start3A_173 = tpu.memref_squeeze %dma_start3A_172 : memref<1x!tpu.dma_semaphore, #tpu.memory_space<semaphore_mem>> -> memref<!tpu.dma_semaphore, #tpu.memory_space<semaphore_mem>>
      tpu.enqueue_indirect_dma source(%dma_start3A_165 : memref<80x64xf32, #tpu.memory_space<vmem>>) target(%dma_start3A_171 : memref<10112x64xf32, #tpu.memory_space<vmem_shared>>) offsets(%dma_start3A_168 : memref<80xi32, #tpu.memory_space<vmem>>) semaphore(%dma_start3A_173 : memref<!tpu.dma_semaphore, #tpu.memory_space<semaphore_mem>>) {add = true}
      %ge3A = arith.constant 0 : i32
      %ge3A_174 = arith.cmpi sge, %sub3A_145, %ge3A : i32
      %add3A_175 = arith.constant 4 : i32
      %add3A_176 = arith.addi %sub3A_145, %add3A_175 : i32
      %lt3A_177 = arith.constant 128 : i32
      %lt3A_178 = arith.cmpi slt, %add3A_176, %lt3A_177 : i32
      %and3A = arith.andi %ge3A_174, %lt3A_178 : i1
      %convert_element_type3A_179 = arith.extui %and3A : i1 to i32
      %cond3A_180 = arith.constant 0 : i32
      %cond3A_181 = arith.cmpi ne, %convert_element_type3A_179, %cond3A_180 : i32
      scf.if %cond3A_181 {
        %dma_wait3A_490 = arith.constant 3 : i32
        %dma_wait3A_491 = arith.constant 3 : i32
        %dma_wait3A_492 = arith.constant 0 : i32
        %dma_wait3A_493 = arith.constant 0 : i32
        %dma_wait3A_494 = tpu.memref_slice %arg8[%dma_wait3A_490, %dma_wait3A_492, %dma_wait3A_493] : memref<4x80x64xf32, #tpu.memory_space<vmem>> -> memref<1x80x64xf32, #tpu.memory_space<vmem>>
        %dma_wait3A_495 = tpu.memref_squeeze %dma_wait3A_494 : memref<1x80x64xf32, #tpu.memory_space<vmem>> -> memref<80x64xf32, #tpu.memory_space<vmem>>
        %dma_wait3A_496 = arith.constant 0 : i32
        %dma_wait3A_497 = tpu.memref_slice %arg7[%sub3A_145, %dma_wait3A_496] : memref<128x80xi32, #tpu.memory_space<vmem>> -> memref<1x80xi32, #tpu.memory_space<vmem>>
        %dma_wait3A_498 = tpu.memref_squeeze %dma_wait3A_497 : memref<1x80xi32, #tpu.memory_space<vmem>> -> memref<80xi32, #tpu.memory_space<vmem>>
        %dma_wait3A_499 = arith.constant 0 : i32
        %dma_wait3A_500 = arith.constant 0 : i32
        %dma_wait3A_501 = tpu.memref_slice %arg9[%dma_wait3A_499, %dma_wait3A_500] : memref<10112x64xf32, #tpu.memory_space<vmem_shared>> -> memref<10112x64xf32, #tpu.memory_space<vmem_shared>>
        %dma_wait3A_502 = tpu.memref_slice %arg12[%dma_wait3A_491] : memref<4x!tpu.dma_semaphore, #tpu.memory_space<semaphore_mem>> -> memref<1x!tpu.dma_semaphore, #tpu.memory_space<semaphore_mem>>
        %dma_wait3A_503 = tpu.memref_squeeze %dma_wait3A_502 : memref<1x!tpu.dma_semaphore, #tpu.memory_space<semaphore_mem>> -> memref<!tpu.dma_semaphore, #tpu.memory_space<semaphore_mem>>
        tpu.wait_indirect_dma semaphore(%dma_wait3A_503 : memref<!tpu.dma_semaphore, #tpu.memory_space<semaphore_mem>>) src(%dma_wait3A_495 : memref<80x64xf32, #tpu.memory_space<vmem>>) dst(%dma_wait3A_501 : memref<10112x64xf32, #tpu.memory_space<vmem_shared>>)
        %add3A_504 = arith.constant 4 : i32
        %add3A_505 = arith.addi %sub3A_145, %add3A_504 : i32
        %dma_start3A_506 = arith.constant 3 : i32
        %dma_start3A_507 = arith.constant 3 : i32
        %dma_start3A_508 = arith.constant 0 : i32
        %dma_start3A_509 = arith.constant 0 : i32
        %dma_start3A_510 = tpu.memref_slice %arg8[%dma_start3A_506, %dma_start3A_508, %dma_start3A_509] : memref<4x80x64xf32, #tpu.memory_space<vmem>> -> memref<1x80x64xf32, #tpu.memory_space<vmem>>
        %dma_start3A_511 = tpu.memref_squeeze %dma_start3A_510 : memref<1x80x64xf32, #tpu.memory_space<vmem>> -> memref<80x64xf32, #tpu.memory_space<vmem>>
        %dma_start3A_512 = arith.constant 0 : i32
        %dma_start3A_513 = tpu.memref_slice %arg6[%add3A_505, %dma_start3A_512] : memref<128x80xi32, #tpu.memory_space<vmem>> -> memref<1x80xi32, #tpu.memory_space<vmem>>
        %dma_start3A_514 = tpu.memref_squeeze %dma_start3A_513 : memref<1x80xi32, #tpu.memory_space<vmem>> -> memref<80xi32, #tpu.memory_space<vmem>>
        %dma_start3A_515 = arith.constant 0 : i32
        %dma_start3A_516 = arith.constant 0 : i32
        %dma_start3A_517 = tpu.memref_slice %arg2[%dma_start3A_515, %dma_start3A_516] : memref<10000x64xf32, #tpu.memory_space<hbm>> -> memref<10000x64xf32, #tpu.memory_space<hbm>>
        %dma_start3A_518 = tpu.memref_slice %arg11[%dma_start3A_507] : memref<4x!tpu.dma_semaphore, #tpu.memory_space<semaphore_mem>> -> memref<1x!tpu.dma_semaphore, #tpu.memory_space<semaphore_mem>>
        %dma_start3A_519 = tpu.memref_squeeze %dma_start3A_518 : memref<1x!tpu.dma_semaphore, #tpu.memory_space<semaphore_mem>> -> memref<!tpu.dma_semaphore, #tpu.memory_space<semaphore_mem>>
        tpu.enqueue_indirect_dma source(%dma_start3A_517 : memref<10000x64xf32, #tpu.memory_space<hbm>>) target(%dma_start3A_511 : memref<80x64xf32, #tpu.memory_space<vmem>>) offsets(%dma_start3A_514 : memref<80xi32, #tpu.memory_space<vmem>>) semaphore(%dma_start3A_519 : memref<!tpu.dma_semaphore, #tpu.memory_space<semaphore_mem>>)
      } else {
      }
      %mul3A_182 = arith.constant 8 : i32
      %mul3A_183 = arith.muli %scan3A_140, %mul3A_182 : i32
      %add3A_184 = arith.constant 1 : i32
      %add3A_185 = arith.addi %mul3A_183, %add3A_184 : i32
      %sub3A_186 = arith.constant 1 : i32
      %sub3A_187 = arith.subi %add3A_185, %sub3A_186 : i32
      %dma_wait3A_188 = arith.constant 1 : i32
      %dma_wait3A_189 = arith.constant 1 : i32
      %dma_wait3A_190 = arith.constant 0 : i32
      %dma_wait3A_191 = arith.constant 0 : i32
      %dma_wait3A_192 = tpu.memref_slice %arg8[%dma_wait3A_188, %dma_wait3A_190, %dma_wait3A_191] : memref<4x80x64xf32, #tpu.memory_space<vmem>> -> memref<1x80x64xf32, #tpu.memory_space<vmem>>
      %dma_wait3A_193 = tpu.memref_squeeze %dma_wait3A_192 : memref<1x80x64xf32, #tpu.memory_space<vmem>> -> memref<80x64xf32, #tpu.memory_space<vmem>>
      %dma_wait3A_194 = arith.constant 0 : i32
      %dma_wait3A_195 = tpu.memref_slice %arg6[%add3A_185, %dma_wait3A_194] : memref<128x80xi32, #tpu.memory_space<vmem>> -> memref<1x80xi32, #tpu.memory_space<vmem>>
      %dma_wait3A_196 = tpu.memref_squeeze %dma_wait3A_195 : memref<1x80xi32, #tpu.memory_space<vmem>> -> memref<80xi32, #tpu.memory_space<vmem>>
      %dma_wait3A_197 = arith.constant 0 : i32
      %dma_wait3A_198 = arith.constant 0 : i32
      %dma_wait3A_199 = tpu.memref_slice %arg2[%dma_wait3A_197, %dma_wait3A_198] : memref<10000x64xf32, #tpu.memory_space<hbm>> -> memref<10000x64xf32, #tpu.memory_space<hbm>>
      %dma_wait3A_200 = tpu.memref_slice %arg11[%dma_wait3A_189] : memref<4x!tpu.dma_semaphore, #tpu.memory_space<semaphore_mem>> -> memref<1x!tpu.dma_semaphore, #tpu.memory_space<semaphore_mem>>
      %dma_wait3A_201 = tpu.memref_squeeze %dma_wait3A_200 : memref<1x!tpu.dma_semaphore, #tpu.memory_space<semaphore_mem>> -> memref<!tpu.dma_semaphore, #tpu.memory_space<semaphore_mem>>
      tpu.wait_indirect_dma semaphore(%dma_wait3A_201 : memref<!tpu.dma_semaphore, #tpu.memory_space<semaphore_mem>>) src(%dma_wait3A_199 : memref<10000x64xf32, #tpu.memory_space<hbm>>) dst(%dma_wait3A_193 : memref<80x64xf32, #tpu.memory_space<vmem>>)
      %dma_start3A_202 = arith.constant 1 : i32
      %dma_start3A_203 = arith.constant 1 : i32
      %dma_start3A_204 = arith.constant 0 : i32
      %dma_start3A_205 = arith.constant 0 : i32
      %dma_start3A_206 = tpu.memref_slice %arg8[%dma_start3A_202, %dma_start3A_204, %dma_start3A_205] : memref<4x80x64xf32, #tpu.memory_space<vmem>> -> memref<1x80x64xf32, #tpu.memory_space<vmem>>
      %dma_start3A_207 = tpu.memref_squeeze %dma_start3A_206 : memref<1x80x64xf32, #tpu.memory_space<vmem>> -> memref<80x64xf32, #tpu.memory_space<vmem>>
      %dma_start3A_208 = arith.constant 0 : i32
      %dma_start3A_209 = tpu.memref_slice %arg7[%add3A_185, %dma_start3A_208] : memref<128x80xi32, #tpu.memory_space<vmem>> -> memref<1x80xi32, #tpu.memory_space<vmem>>
      %dma_start3A_210 = tpu.memref_squeeze %dma_start3A_209 : memref<1x80xi32, #tpu.memory_space<vmem>> -> memref<80xi32, #tpu.memory_space<vmem>>
      %dma_start3A_211 = arith.constant 0 : i32
      %dma_start3A_212 = arith.constant 0 : i32
      %dma_start3A_213 = tpu.memref_slice %arg9[%dma_start3A_211, %dma_start3A_212] : memref<10112x64xf32, #tpu.memory_space<vmem_shared>> -> memref<10112x64xf32, #tpu.memory_space<vmem_shared>>
      %dma_start3A_214 = tpu.memref_slice %arg12[%dma_start3A_203] : memref<4x!tpu.dma_semaphore, #tpu.memory_space<semaphore_mem>> -> memref<1x!tpu.dma_semaphore, #tpu.memory_space<semaphore_mem>>
      %dma_start3A_215 = tpu.memref_squeeze %dma_start3A_214 : memref<1x!tpu.dma_semaphore, #tpu.memory_space<semaphore_mem>> -> memref<!tpu.dma_semaphore, #tpu.memory_space<semaphore_mem>>
      tpu.enqueue_indirect_dma source(%dma_start3A_207 : memref<80x64xf32, #tpu.memory_space<vmem>>) target(%dma_start3A_213 : memref<10112x64xf32, #tpu.memory_space<vmem_shared>>) offsets(%dma_start3A_210 : memref<80xi32, #tpu.memory_space<vmem>>) semaphore(%dma_start3A_215 : memref<!tpu.dma_semaphore, #tpu.memory_space<semaphore_mem>>) {add = true}
      %ge3A_216 = arith.constant 0 : i32
      %ge3A_217 = arith.cmpi sge, %sub3A_187, %ge3A_216 : i32
      %add3A_218 = arith.constant 4 : i32
      %add3A_219 = arith.addi %sub3A_187, %add3A_218 : i32
      %lt3A_220 = arith.constant 128 : i32
      %lt3A_221 = arith.cmpi slt, %add3A_219, %lt3A_220 : i32
      %and3A_222 = arith.andi %ge3A_217, %lt3A_221 : i1
      %convert_element_type3A_223 = arith.extui %and3A_222 : i1 to i32
      %cond3A_224 = arith.constant 0 : i32
      %cond3A_225 = arith.cmpi ne, %convert_element_type3A_223, %cond3A_224 : i32
      scf.if %cond3A_225 {
        %dma_wait3A_490 = arith.constant 0 : i32
        %dma_wait3A_491 = arith.constant 0 : i32
        %dma_wait3A_492 = arith.constant 0 : i32
        %dma_wait3A_493 = arith.constant 0 : i32
        %dma_wait3A_494 = tpu.memref_slice %arg8[%dma_wait3A_490, %dma_wait3A_492, %dma_wait3A_493] : memref<4x80x64xf32, #tpu.memory_space<vmem>> -> memref<1x80x64xf32, #tpu.memory_space<vmem>>
        %dma_wait3A_495 = tpu.memref_squeeze %dma_wait3A_494 : memref<1x80x64xf32, #tpu.memory_space<vmem>> -> memref<80x64xf32, #tpu.memory_space<vmem>>
        %dma_wait3A_496 = arith.constant 0 : i32
        %dma_wait3A_497 = tpu.memref_slice %arg7[%sub3A_187, %dma_wait3A_496] : memref<128x80xi32, #tpu.memory_space<vmem>> -> memref<1x80xi32, #tpu.memory_space<vmem>>
        %dma_wait3A_498 = tpu.memref_squeeze %dma_wait3A_497 : memref<1x80xi32, #tpu.memory_space<vmem>> -> memref<80xi32, #tpu.memory_space<vmem>>
        %dma_wait3A_499 = arith.constant 0 : i32
        %dma_wait3A_500 = arith.constant 0 : i32
        %dma_wait3A_501 = tpu.memref_slice %arg9[%dma_wait3A_499, %dma_wait3A_500] : memref<10112x64xf32, #tpu.memory_space<vmem_shared>> -> memref<10112x64xf32, #tpu.memory_space<vmem_shared>>
        %dma_wait3A_502 = tpu.memref_slice %arg12[%dma_wait3A_491] : memref<4x!tpu.dma_semaphore, #tpu.memory_space<semaphore_mem>> -> memref<1x!tpu.dma_semaphore, #tpu.memory_space<semaphore_mem>>
        %dma_wait3A_503 = tpu.memref_squeeze %dma_wait3A_502 : memref<1x!tpu.dma_semaphore, #tpu.memory_space<semaphore_mem>> -> memref<!tpu.dma_semaphore, #tpu.memory_space<semaphore_mem>>
        tpu.wait_indirect_dma semaphore(%dma_wait3A_503 : memref<!tpu.dma_semaphore, #tpu.memory_space<semaphore_mem>>) src(%dma_wait3A_495 : memref<80x64xf32, #tpu.memory_space<vmem>>) dst(%dma_wait3A_501 : memref<10112x64xf32, #tpu.memory_space<vmem_shared>>)
        %add3A_504 = arith.constant 4 : i32
        %add3A_505 = arith.addi %sub3A_187, %add3A_504 : i32
        %dma_start3A_506 = arith.constant 0 : i32
        %dma_start3A_507 = arith.constant 0 : i32
        %dma_start3A_508 = arith.constant 0 : i32
        %dma_start3A_509 = arith.constant 0 : i32
        %dma_start3A_510 = tpu.memref_slice %arg8[%dma_start3A_506, %dma_start3A_508, %dma_start3A_509] : memref<4x80x64xf32, #tpu.memory_space<vmem>> -> memref<1x80x64xf32, #tpu.memory_space<vmem>>
        %dma_start3A_511 = tpu.memref_squeeze %dma_start3A_510 : memref<1x80x64xf32, #tpu.memory_space<vmem>> -> memref<80x64xf32, #tpu.memory_space<vmem>>
        %dma_start3A_512 = arith.constant 0 : i32
        %dma_start3A_513 = tpu.memref_slice %arg6[%add3A_505, %dma_start3A_512] : memref<128x80xi32, #tpu.memory_space<vmem>> -> memref<1x80xi32, #tpu.memory_space<vmem>>
        %dma_start3A_514 = tpu.memref_squeeze %dma_start3A_513 : memref<1x80xi32, #tpu.memory_space<vmem>> -> memref<80xi32, #tpu.memory_space<vmem>>
        %dma_start3A_515 = arith.constant 0 : i32
        %dma_start3A_516 = arith.constant 0 : i32
        %dma_start3A_517 = tpu.memref_slice %arg2[%dma_start3A_515, %dma_start3A_516] : memref<10000x64xf32, #tpu.memory_space<hbm>> -> memref<10000x64xf32, #tpu.memory_space<hbm>>
        %dma_start3A_518 = tpu.memref_slice %arg11[%dma_start3A_507] : memref<4x!tpu.dma_semaphore, #tpu.memory_space<semaphore_mem>> -> memref<1x!tpu.dma_semaphore, #tpu.memory_space<semaphore_mem>>
        %dma_start3A_519 = tpu.memref_squeeze %dma_start3A_518 : memref<1x!tpu.dma_semaphore, #tpu.memory_space<semaphore_mem>> -> memref<!tpu.dma_semaphore, #tpu.memory_space<semaphore_mem>>
        tpu.enqueue_indirect_dma source(%dma_start3A_517 : memref<10000x64xf32, #tpu.memory_space<hbm>>) target(%dma_start3A_511 : memref<80x64xf32, #tpu.memory_space<vmem>>) offsets(%dma_start3A_514 : memref<80xi32, #tpu.memory_space<vmem>>) semaphore(%dma_start3A_519 : memref<!tpu.dma_semaphore, #tpu.memory_space<semaphore_mem>>)
      } else {
      }
      %mul3A_226 = arith.constant 8 : i32
      %mul3A_227 = arith.muli %scan3A_140, %mul3A_226 : i32
      %add3A_228 = arith.constant 2 : i32
      %add3A_229 = arith.addi %mul3A_227, %add3A_228 : i32
      %sub3A_230 = arith.constant 1 : i32
      %sub3A_231 = arith.subi %add3A_229, %sub3A_230 : i32
      %dma_wait3A_232 = arith.constant 2 : i32
      %dma_wait3A_233 = arith.constant 2 : i32
      %dma_wait3A_234 = arith.constant 0 : i32
      %dma_wait3A_235 = arith.constant 0 : i32
      %dma_wait3A_236 = tpu.memref_slice %arg8[%dma_wait3A_232, %dma_wait3A_234, %dma_wait3A_235] : memref<4x80x64xf32, #tpu.memory_space<vmem>> -> memref<1x80x64xf32, #tpu.memory_space<vmem>>
      %dma_wait3A_237 = tpu.memref_squeeze %dma_wait3A_236 : memref<1x80x64xf32, #tpu.memory_space<vmem>> -> memref<80x64xf32, #tpu.memory_space<vmem>>
      %dma_wait3A_238 = arith.constant 0 : i32
      %dma_wait3A_239 = tpu.memref_slice %arg6[%add3A_229, %dma_wait3A_238] : memref<128x80xi32, #tpu.memory_space<vmem>> -> memref<1x80xi32, #tpu.memory_space<vmem>>
      %dma_wait3A_240 = tpu.memref_squeeze %dma_wait3A_239 : memref<1x80xi32, #tpu.memory_space<vmem>> -> memref<80xi32, #tpu.memory_space<vmem>>
      %dma_wait3A_241 = arith.constant 0 : i32
      %dma_wait3A_242 = arith.constant 0 : i32
      %dma_wait3A_243 = tpu.memref_slice %arg2[%dma_wait3A_241, %dma_wait3A_242] : memref<10000x64xf32, #tpu.memory_space<hbm>> -> memref<10000x64xf32, #tpu.memory_space<hbm>>
      %dma_wait3A_244 = tpu.memref_slice %arg11[%dma_wait3A_233] : memref<4x!tpu.dma_semaphore, #tpu.memory_space<semaphore_mem>> -> memref<1x!tpu.dma_semaphore, #tpu.memory_space<semaphore_mem>>
      %dma_wait3A_245 = tpu.memref_squeeze %dma_wait3A_244 : memref<1x!tpu.dma_semaphore, #tpu.memory_space<semaphore_mem>> -> memref<!tpu.dma_semaphore, #tpu.memory_space<semaphore_mem>>
      tpu.wait_indirect_dma semaphore(%dma_wait3A_245 : memref<!tpu.dma_semaphore, #tpu.memory_space<semaphore_mem>>) src(%dma_wait3A_243 : memref<10000x64xf32, #tpu.memory_space<hbm>>) dst(%dma_wait3A_237 : memref<80x64xf32, #tpu.memory_space<vmem>>)
      %dma_start3A_246 = arith.constant 2 : i32
      %dma_start3A_247 = arith.constant 2 : i32
      %dma_start3A_248 = arith.constant 0 : i32
      %dma_start3A_249 = arith.constant 0 : i32
      %dma_start3A_250 = tpu.memref_slice %arg8[%dma_start3A_246, %dma_start3A_248, %dma_start3A_249] : memref<4x80x64xf32, #tpu.memory_space<vmem>> -> memref<1x80x64xf32, #tpu.memory_space<vmem>>
      %dma_start3A_251 = tpu.memref_squeeze %dma_start3A_250 : memref<1x80x64xf32, #tpu.memory_space<vmem>> -> memref<80x64xf32, #tpu.memory_space<vmem>>
      %dma_start3A_252 = arith.constant 0 : i32
      %dma_start3A_253 = tpu.memref_slice %arg7[%add3A_229, %dma_start3A_252] : memref<128x80xi32, #tpu.memory_space<vmem>> -> memref<1x80xi32, #tpu.memory_space<vmem>>
      %dma_start3A_254 = tpu.memref_squeeze %dma_start3A_253 : memref<1x80xi32, #tpu.memory_space<vmem>> -> memref<80xi32, #tpu.memory_space<vmem>>
      %dma_start3A_255 = arith.constant 0 : i32
      %dma_start3A_256 = arith.constant 0 : i32
      %dma_start3A_257 = tpu.memref_slice %arg9[%dma_start3A_255, %dma_start3A_256] : memref<10112x64xf32, #tpu.memory_space<vmem_shared>> -> memref<10112x64xf32, #tpu.memory_space<vmem_shared>>
      %dma_start3A_258 = tpu.memref_slice %arg12[%dma_start3A_247] : memref<4x!tpu.dma_semaphore, #tpu.memory_space<semaphore_mem>> -> memref<1x!tpu.dma_semaphore, #tpu.memory_space<semaphore_mem>>
      %dma_start3A_259 = tpu.memref_squeeze %dma_start3A_258 : memref<1x!tpu.dma_semaphore, #tpu.memory_space<semaphore_mem>> -> memref<!tpu.dma_semaphore, #tpu.memory_space<semaphore_mem>>
      tpu.enqueue_indirect_dma source(%dma_start3A_251 : memref<80x64xf32, #tpu.memory_space<vmem>>) target(%dma_start3A_257 : memref<10112x64xf32, #tpu.memory_space<vmem_shared>>) offsets(%dma_start3A_254 : memref<80xi32, #tpu.memory_space<vmem>>) semaphore(%dma_start3A_259 : memref<!tpu.dma_semaphore, #tpu.memory_space<semaphore_mem>>) {add = true}
      %ge3A_260 = arith.constant 0 : i32
      %ge3A_261 = arith.cmpi sge, %sub3A_231, %ge3A_260 : i32
      %add3A_262 = arith.constant 4 : i32
      %add3A_263 = arith.addi %sub3A_231, %add3A_262 : i32
      %lt3A_264 = arith.constant 128 : i32
      %lt3A_265 = arith.cmpi slt, %add3A_263, %lt3A_264 : i32
      %and3A_266 = arith.andi %ge3A_261, %lt3A_265 : i1
      %convert_element_type3A_267 = arith.extui %and3A_266 : i1 to i32
      %cond3A_268 = arith.constant 0 : i32
      %cond3A_269 = arith.cmpi ne, %convert_element_type3A_267, %cond3A_268 : i32
      scf.if %cond3A_269 {
        %dma_wait3A_490 = arith.constant 1 : i32
        %dma_wait3A_491 = arith.constant 1 : i32
        %dma_wait3A_492 = arith.constant 0 : i32
        %dma_wait3A_493 = arith.constant 0 : i32
        %dma_wait3A_494 = tpu.memref_slice %arg8[%dma_wait3A_490, %dma_wait3A_492, %dma_wait3A_493] : memref<4x80x64xf32, #tpu.memory_space<vmem>> -> memref<1x80x64xf32, #tpu.memory_space<vmem>>
        %dma_wait3A_495 = tpu.memref_squeeze %dma_wait3A_494 : memref<1x80x64xf32, #tpu.memory_space<vmem>> -> memref<80x64xf32, #tpu.memory_space<vmem>>
        %dma_wait3A_496 = arith.constant 0 : i32
        %dma_wait3A_497 = tpu.memref_slice %arg7[%sub3A_231, %dma_wait3A_496] : memref<128x80xi32, #tpu.memory_space<vmem>> -> memref<1x80xi32, #tpu.memory_space<vmem>>
        %dma_wait3A_498 = tpu.memref_squeeze %dma_wait3A_497 : memref<1x80xi32, #tpu.memory_space<vmem>> -> memref<80xi32, #tpu.memory_space<vmem>>
        %dma_wait3A_499 = arith.constant 0 : i32
        %dma_wait3A_500 = arith.constant 0 : i32
        %dma_wait3A_501 = tpu.memref_slice %arg9[%dma_wait3A_499, %dma_wait3A_500] : memref<10112x64xf32, #tpu.memory_space<vmem_shared>> -> memref<10112x64xf32, #tpu.memory_space<vmem_shared>>
        %dma_wait3A_502 = tpu.memref_slice %arg12[%dma_wait3A_491] : memref<4x!tpu.dma_semaphore, #tpu.memory_space<semaphore_mem>> -> memref<1x!tpu.dma_semaphore, #tpu.memory_space<semaphore_mem>>
        %dma_wait3A_503 = tpu.memref_squeeze %dma_wait3A_502 : memref<1x!tpu.dma_semaphore, #tpu.memory_space<semaphore_mem>> -> memref<!tpu.dma_semaphore, #tpu.memory_space<semaphore_mem>>
        tpu.wait_indirect_dma semaphore(%dma_wait3A_503 : memref<!tpu.dma_semaphore, #tpu.memory_space<semaphore_mem>>) src(%dma_wait3A_495 : memref<80x64xf32, #tpu.memory_space<vmem>>) dst(%dma_wait3A_501 : memref<10112x64xf32, #tpu.memory_space<vmem_shared>>)
        %add3A_504 = arith.constant 4 : i32
        %add3A_505 = arith.addi %sub3A_231, %add3A_504 : i32
        %dma_start3A_506 = arith.constant 1 : i32
        %dma_start3A_507 = arith.constant 1 : i32
        %dma_start3A_508 = arith.constant 0 : i32
        %dma_start3A_509 = arith.constant 0 : i32
        %dma_start3A_510 = tpu.memref_slice %arg8[%dma_start3A_506, %dma_start3A_508, %dma_start3A_509] : memref<4x80x64xf32, #tpu.memory_space<vmem>> -> memref<1x80x64xf32, #tpu.memory_space<vmem>>
        %dma_start3A_511 = tpu.memref_squeeze %dma_start3A_510 : memref<1x80x64xf32, #tpu.memory_space<vmem>> -> memref<80x64xf32, #tpu.memory_space<vmem>>
        %dma_start3A_512 = arith.constant 0 : i32
        %dma_start3A_513 = tpu.memref_slice %arg6[%add3A_505, %dma_start3A_512] : memref<128x80xi32, #tpu.memory_space<vmem>> -> memref<1x80xi32, #tpu.memory_space<vmem>>
        %dma_start3A_514 = tpu.memref_squeeze %dma_start3A_513 : memref<1x80xi32, #tpu.memory_space<vmem>> -> memref<80xi32, #tpu.memory_space<vmem>>
        %dma_start3A_515 = arith.constant 0 : i32
        %dma_start3A_516 = arith.constant 0 : i32
        %dma_start3A_517 = tpu.memref_slice %arg10[%dma_start3A_515, %dma_start3A_516] : memref<10000x64xf32, #tpu.memory_space<vmem_shared>> -> memref<10000x64xf32, #tpu.memory_space<vmem_shared>>
        %dma_start3A_518 = tpu.memref_slice %arg11[%dma_start3A_507] : memref<4x!tpu.dma_semaphore, #tpu.memory_space<semaphore_mem>> -> memref<1x!tpu.dma_semaphore, #tpu.memory_space<semaphore_mem>>
        %dma_start3A_519 = tpu.memref_squeeze %dma_start3A_518 : memref<1x!tpu.dma_semaphore, #tpu.memory_space<semaphore_mem>> -> memref<!tpu.dma_semaphore, #tpu.memory_space<semaphore_mem>>
        tpu.enqueue_indirect_dma source(%dma_start3A_517 : memref<10000x64xf32, #tpu.memory_space<vmem_shared>>) target(%dma_start3A_511 : memref<80x64xf32, #tpu.memory_space<vmem>>) offsets(%dma_start3A_514 : memref<80xi32, #tpu.memory_space<vmem>>) semaphore(%dma_start3A_519 : memref<!tpu.dma_semaphore, #tpu.memory_space<semaphore_mem>>)
      } else {
      }
      %mul3A_270 = arith.constant 8 : i32
      %mul3A_271 = arith.muli %scan3A_140, %mul3A_270 : i32
      %add3A_272 = arith.constant 3 : i32
      %add3A_273 = arith.addi %mul3A_271, %add3A_272 : i32
      %sub3A_274 = arith.constant 1 : i32
      %sub3A_275 = arith.subi %add3A_273, %sub3A_274 : i32
      %dma_wait3A_276 = arith.constant 3 : i32
      %dma_wait3A_277 = arith.constant 3 : i32
      %dma_wait3A_278 = arith.constant 0 : i32
      %dma_wait3A_279 = arith.constant 0 : i32
      %dma_wait3A_280 = tpu.memref_slice %arg8[%dma_wait3A_276, %dma_wait3A_278, %dma_wait3A_279] : memref<4x80x64xf32, #tpu.memory_space<vmem>> -> memref<1x80x64xf32, #tpu.memory_space<vmem>>
      %dma_wait3A_281 = tpu.memref_squeeze %dma_wait3A_280 : memref<1x80x64xf32, #tpu.memory_space<vmem>> -> memref<80x64xf32, #tpu.memory_space<vmem>>
      %dma_wait3A_282 = arith.constant 0 : i32
      %dma_wait3A_283 = tpu.memref_slice %arg6[%add3A_273, %dma_wait3A_282] : memref<128x80xi32, #tpu.memory_space<vmem>> -> memref<1x80xi32, #tpu.memory_space<vmem>>
      %dma_wait3A_284 = tpu.memref_squeeze %dma_wait3A_283 : memref<1x80xi32, #tpu.memory_space<vmem>> -> memref<80xi32, #tpu.memory_space<vmem>>
      %dma_wait3A_285 = arith.constant 0 : i32
      %dma_wait3A_286 = arith.constant 0 : i32
      %dma_wait3A_287 = tpu.memref_slice %arg2[%dma_wait3A_285, %dma_wait3A_286] : memref<10000x64xf32, #tpu.memory_space<hbm>> -> memref<10000x64xf32, #tpu.memory_space<hbm>>
      %dma_wait3A_288 = tpu.memref_slice %arg11[%dma_wait3A_277] : memref<4x!tpu.dma_semaphore, #tpu.memory_space<semaphore_mem>> -> memref<1x!tpu.dma_semaphore, #tpu.memory_space<semaphore_mem>>
      %dma_wait3A_289 = tpu.memref_squeeze %dma_wait3A_288 : memref<1x!tpu.dma_semaphore, #tpu.memory_space<semaphore_mem>> -> memref<!tpu.dma_semaphore, #tpu.memory_space<semaphore_mem>>
      tpu.wait_indirect_dma semaphore(%dma_wait3A_289 : memref<!tpu.dma_semaphore, #tpu.memory_space<semaphore_mem>>) src(%dma_wait3A_287 : memref<10000x64xf32, #tpu.memory_space<hbm>>) dst(%dma_wait3A_281 : memref<80x64xf32, #tpu.memory_space<vmem>>)
      %dma_start3A_290 = arith.constant 3 : i32
      %dma_start3A_291 = arith.constant 3 : i32
      %dma_start3A_292 = arith.constant 0 : i32
      %dma_start3A_293 = arith.constant 0 : i32
      %dma_start3A_294 = tpu.memref_slice %arg8[%dma_start3A_290, %dma_start3A_292, %dma_start3A_293] : memref<4x80x64xf32, #tpu.memory_space<vmem>> -> memref<1x80x64xf32, #tpu.memory_space<vmem>>
      %dma_start3A_295 = tpu.memref_squeeze %dma_start3A_294 : memref<1x80x64xf32, #tpu.memory_space<vmem>> -> memref<80x64xf32, #tpu.memory_space<vmem>>
      %dma_start3A_296 = arith.constant 0 : i32
      %dma_start3A_297 = tpu.memref_slice %arg7[%add3A_273, %dma_start3A_296] : memref<128x80xi32, #tpu.memory_space<vmem>> -> memref<1x80xi32, #tpu.memory_space<vmem>>
      %dma_start3A_298 = tpu.memref_squeeze %dma_start3A_297 : memref<1x80xi32, #tpu.memory_space<vmem>> -> memref<80xi32, #tpu.memory_space<vmem>>
      %dma_start3A_299 = arith.constant 0 : i32
      %dma_start3A_300 = arith.constant 0 : i32
      %dma_start3A_301 = tpu.memref_slice %arg9[%dma_start3A_299, %dma_start3A_300] : memref<10112x64xf32, #tpu.memory_space<vmem_shared>> -> memref<10112x64xf32, #tpu.memory_space<vmem_shared>>
      %dma_start3A_302 = tpu.memref_slice %arg12[%dma_start3A_291] : memref<4x!tpu.dma_semaphore, #tpu.memory_space<semaphore_mem>> -> memref<1x!tpu.dma_semaphore, #tpu.memory_space<semaphore_mem>>
      %dma_start3A_303 = tpu.memref_squeeze %dma_start3A_302 : memref<1x!tpu.dma_semaphore, #tpu.memory_space<semaphore_mem>> -> memref<!tpu.dma_semaphore, #tpu.memory_space<semaphore_mem>>
      tpu.enqueue_indirect_dma source(%dma_start3A_295 : memref<80x64xf32, #tpu.memory_space<vmem>>) target(%dma_start3A_301 : memref<10112x64xf32, #tpu.memory_space<vmem_shared>>) offsets(%dma_start3A_298 : memref<80xi32, #tpu.memory_space<vmem>>) semaphore(%dma_start3A_303 : memref<!tpu.dma_semaphore, #tpu.memory_space<semaphore_mem>>) {add = true}
      %ge3A_304 = arith.constant 0 : i32
      %ge3A_305 = arith.cmpi sge, %sub3A_275, %ge3A_304 : i32
      %add3A_306 = arith.constant 4 : i32
      %add3A_307 = arith.addi %sub3A_275, %add3A_306 : i32
      %lt3A_308 = arith.constant 128 : i32
      %lt3A_309 = arith.cmpi slt, %add3A_307, %lt3A_308 : i32
      %and3A_310 = arith.andi %ge3A_305, %lt3A_309 : i1
      %convert_element_type3A_311 = arith.extui %and3A_310 : i1 to i32
      %cond3A_312 = arith.constant 0 : i32
      %cond3A_313 = arith.cmpi ne, %convert_element_type3A_311, %cond3A_312 : i32
      scf.if %cond3A_313 {
        %dma_wait3A_490 = arith.constant 2 : i32
        %dma_wait3A_491 = arith.constant 2 : i32
        %dma_wait3A_492 = arith.constant 0 : i32
        %dma_wait3A_493 = arith.constant 0 : i32
        %dma_wait3A_494 = tpu.memref_slice %arg8[%dma_wait3A_490, %dma_wait3A_492, %dma_wait3A_493] : memref<4x80x64xf32, #tpu.memory_space<vmem>> -> memref<1x80x64xf32, #tpu.memory_space<vmem>>
        %dma_wait3A_495 = tpu.memref_squeeze %dma_wait3A_494 : memref<1x80x64xf32, #tpu.memory_space<vmem>> -> memref<80x64xf32, #tpu.memory_space<vmem>>
        %dma_wait3A_496 = arith.constant 0 : i32
        %dma_wait3A_497 = tpu.memref_slice %arg7[%sub3A_275, %dma_wait3A_496] : memref<128x80xi32, #tpu.memory_space<vmem>> -> memref<1x80xi32, #tpu.memory_space<vmem>>
        %dma_wait3A_498 = tpu.memref_squeeze %dma_wait3A_497 : memref<1x80xi32, #tpu.memory_space<vmem>> -> memref<80xi32, #tpu.memory_space<vmem>>
        %dma_wait3A_499 = arith.constant 0 : i32
        %dma_wait3A_500 = arith.constant 0 : i32
        %dma_wait3A_501 = tpu.memref_slice %arg9[%dma_wait3A_499, %dma_wait3A_500] : memref<10112x64xf32, #tpu.memory_space<vmem_shared>> -> memref<10112x64xf32, #tpu.memory_space<vmem_shared>>
        %dma_wait3A_502 = tpu.memref_slice %arg12[%dma_wait3A_491] : memref<4x!tpu.dma_semaphore, #tpu.memory_space<semaphore_mem>> -> memref<1x!tpu.dma_semaphore, #tpu.memory_space<semaphore_mem>>
        %dma_wait3A_503 = tpu.memref_squeeze %dma_wait3A_502 : memref<1x!tpu.dma_semaphore, #tpu.memory_space<semaphore_mem>> -> memref<!tpu.dma_semaphore, #tpu.memory_space<semaphore_mem>>
        tpu.wait_indirect_dma semaphore(%dma_wait3A_503 : memref<!tpu.dma_semaphore, #tpu.memory_space<semaphore_mem>>) src(%dma_wait3A_495 : memref<80x64xf32, #tpu.memory_space<vmem>>) dst(%dma_wait3A_501 : memref<10112x64xf32, #tpu.memory_space<vmem_shared>>)
        %add3A_504 = arith.constant 4 : i32
        %add3A_505 = arith.addi %sub3A_275, %add3A_504 : i32
        %dma_start3A_506 = arith.constant 2 : i32
        %dma_start3A_507 = arith.constant 2 : i32
        %dma_start3A_508 = arith.constant 0 : i32
        %dma_start3A_509 = arith.constant 0 : i32
        %dma_start3A_510 = tpu.memref_slice %arg8[%dma_start3A_506, %dma_start3A_508, %dma_start3A_509] : memref<4x80x64xf32, #tpu.memory_space<vmem>> -> memref<1x80x64xf32, #tpu.memory_space<vmem>>
        %dma_start3A_511 = tpu.memref_squeeze %dma_start3A_510 : memref<1x80x64xf32, #tpu.memory_space<vmem>> -> memref<80x64xf32, #tpu.memory_space<vmem>>
        %dma_start3A_512 = arith.constant 0 : i32
        %dma_start3A_513 = tpu.memref_slice %arg6[%add3A_505, %dma_start3A_512] : memref<128x80xi32, #tpu.memory_space<vmem>> -> memref<1x80xi32, #tpu.memory_space<vmem>>
        %dma_start3A_514 = tpu.memref_squeeze %dma_start3A_513 : memref<1x80xi32, #tpu.memory_space<vmem>> -> memref<80xi32, #tpu.memory_space<vmem>>
        %dma_start3A_515 = arith.constant 0 : i32
        %dma_start3A_516 = arith.constant 0 : i32
        %dma_start3A_517 = tpu.memref_slice %arg10[%dma_start3A_515, %dma_start3A_516] : memref<10000x64xf32, #tpu.memory_space<vmem_shared>> -> memref<10000x64xf32, #tpu.memory_space<vmem_shared>>
        %dma_start3A_518 = tpu.memref_slice %arg11[%dma_start3A_507] : memref<4x!tpu.dma_semaphore, #tpu.memory_space<semaphore_mem>> -> memref<1x!tpu.dma_semaphore, #tpu.memory_space<semaphore_mem>>
        %dma_start3A_519 = tpu.memref_squeeze %dma_start3A_518 : memref<1x!tpu.dma_semaphore, #tpu.memory_space<semaphore_mem>> -> memref<!tpu.dma_semaphore, #tpu.memory_space<semaphore_mem>>
        tpu.enqueue_indirect_dma source(%dma_start3A_517 : memref<10000x64xf32, #tpu.memory_space<vmem_shared>>) target(%dma_start3A_511 : memref<80x64xf32, #tpu.memory_space<vmem>>) offsets(%dma_start3A_514 : memref<80xi32, #tpu.memory_space<vmem>>) semaphore(%dma_start3A_519 : memref<!tpu.dma_semaphore, #tpu.memory_space<semaphore_mem>>)
      } else {
      }
      %mul3A_314 = arith.constant 8 : i32
      %mul3A_315 = arith.muli %scan3A_140, %mul3A_314 : i32
      %add3A_316 = arith.constant 4 : i32
      %add3A_317 = arith.addi %mul3A_315, %add3A_316 : i32
      %sub3A_318 = arith.constant 1 : i32
      %sub3A_319 = arith.subi %add3A_317, %sub3A_318 : i32
      %dma_wait3A_320 = arith.constant 0 : i32
      %dma_wait3A_321 = arith.constant 0 : i32
      %dma_wait3A_322 = arith.constant 0 : i32
      %dma_wait3A_323 = arith.constant 0 : i32
      %dma_wait3A_324 = tpu.memref_slice %arg8[%dma_wait3A_320, %dma_wait3A_322, %dma_wait3A_323] : memref<4x80x64xf32, #tpu.memory_space<vmem>> -> memref<1x80x64xf32, #tpu.memory_space<vmem>>
      %dma_wait3A_325 = tpu.memref_squeeze %dma_wait3A_324 : memref<1x80x64xf32, #tpu.memory_space<vmem>> -> memref<80x64xf32, #tpu.memory_space<vmem>>
      %dma_wait3A_326 = arith.constant 0 : i32
      %dma_wait3A_327 = tpu.memref_slice %arg6[%add3A_317, %dma_wait3A_326] : memref<128x80xi32, #tpu.memory_space<vmem>> -> memref<1x80xi32, #tpu.memory_space<vmem>>
      %dma_wait3A_328 = tpu.memref_squeeze %dma_wait3A_327 : memref<1x80xi32, #tpu.memory_space<vmem>> -> memref<80xi32, #tpu.memory_space<vmem>>
      %dma_wait3A_329 = arith.constant 0 : i32
      %dma_wait3A_330 = arith.constant 0 : i32
      %dma_wait3A_331 = tpu.memref_slice %arg2[%dma_wait3A_329, %dma_wait3A_330] : memref<10000x64xf32, #tpu.memory_space<hbm>> -> memref<10000x64xf32, #tpu.memory_space<hbm>>
      %dma_wait3A_332 = tpu.memref_slice %arg11[%dma_wait3A_321] : memref<4x!tpu.dma_semaphore, #tpu.memory_space<semaphore_mem>> -> memref<1x!tpu.dma_semaphore, #tpu.memory_space<semaphore_mem>>
      %dma_wait3A_333 = tpu.memref_squeeze %dma_wait3A_332 : memref<1x!tpu.dma_semaphore, #tpu.memory_space<semaphore_mem>> -> memref<!tpu.dma_semaphore, #tpu.memory_space<semaphore_mem>>
      tpu.wait_indirect_dma semaphore(%dma_wait3A_333 : memref<!tpu.dma_semaphore, #tpu.memory_space<semaphore_mem>>) src(%dma_wait3A_331 : memref<10000x64xf32, #tpu.memory_space<hbm>>) dst(%dma_wait3A_325 : memref<80x64xf32, #tpu.memory_space<vmem>>)
      %dma_start3A_334 = arith.constant 0 : i32
      %dma_start3A_335 = arith.constant 0 : i32
      %dma_start3A_336 = arith.constant 0 : i32
      %dma_start3A_337 = arith.constant 0 : i32
      %dma_start3A_338 = tpu.memref_slice %arg8[%dma_start3A_334, %dma_start3A_336, %dma_start3A_337] : memref<4x80x64xf32, #tpu.memory_space<vmem>> -> memref<1x80x64xf32, #tpu.memory_space<vmem>>
      %dma_start3A_339 = tpu.memref_squeeze %dma_start3A_338 : memref<1x80x64xf32, #tpu.memory_space<vmem>> -> memref<80x64xf32, #tpu.memory_space<vmem>>
      %dma_start3A_340 = arith.constant 0 : i32
      %dma_start3A_341 = tpu.memref_slice %arg7[%add3A_317, %dma_start3A_340] : memref<128x80xi32, #tpu.memory_space<vmem>> -> memref<1x80xi32, #tpu.memory_space<vmem>>
      %dma_start3A_342 = tpu.memref_squeeze %dma_start3A_341 : memref<1x80xi32, #tpu.memory_space<vmem>> -> memref<80xi32, #tpu.memory_space<vmem>>
      %dma_start3A_343 = arith.constant 0 : i32
      %dma_start3A_344 = arith.constant 0 : i32
      %dma_start3A_345 = tpu.memref_slice %arg9[%dma_start3A_343, %dma_start3A_344] : memref<10112x64xf32, #tpu.memory_space<vmem_shared>> -> memref<10112x64xf32, #tpu.memory_space<vmem_shared>>
      %dma_start3A_346 = tpu.memref_slice %arg12[%dma_start3A_335] : memref<4x!tpu.dma_semaphore, #tpu.memory_space<semaphore_mem>> -> memref<1x!tpu.dma_semaphore, #tpu.memory_space<semaphore_mem>>
      %dma_start3A_347 = tpu.memref_squeeze %dma_start3A_346 : memref<1x!tpu.dma_semaphore, #tpu.memory_space<semaphore_mem>> -> memref<!tpu.dma_semaphore, #tpu.memory_space<semaphore_mem>>
      tpu.enqueue_indirect_dma source(%dma_start3A_339 : memref<80x64xf32, #tpu.memory_space<vmem>>) target(%dma_start3A_345 : memref<10112x64xf32, #tpu.memory_space<vmem_shared>>) offsets(%dma_start3A_342 : memref<80xi32, #tpu.memory_space<vmem>>) semaphore(%dma_start3A_347 : memref<!tpu.dma_semaphore, #tpu.memory_space<semaphore_mem>>) {add = true}
      %ge3A_348 = arith.constant 0 : i32
      %ge3A_349 = arith.cmpi sge, %sub3A_319, %ge3A_348 : i32
      %add3A_350 = arith.constant 4 : i32
      %add3A_351 = arith.addi %sub3A_319, %add3A_350 : i32
      %lt3A_352 = arith.constant 128 : i32
      %lt3A_353 = arith.cmpi slt, %add3A_351, %lt3A_352 : i32
      %and3A_354 = arith.andi %ge3A_349, %lt3A_353 : i1
      %convert_element_type3A_355 = arith.extui %and3A_354 : i1 to i32
      %cond3A_356 = arith.constant 0 : i32
      %cond3A_357 = arith.cmpi ne, %convert_element_type3A_355, %cond3A_356 : i32
      scf.if %cond3A_357 {
        %dma_wait3A_490 = arith.constant 3 : i32
        %dma_wait3A_491 = arith.constant 3 : i32
        %dma_wait3A_492 = arith.constant 0 : i32
        %dma_wait3A_493 = arith.constant 0 : i32
        %dma_wait3A_494 = tpu.memref_slice %arg8[%dma_wait3A_490, %dma_wait3A_492, %dma_wait3A_493] : memref<4x80x64xf32, #tpu.memory_space<vmem>> -> memref<1x80x64xf32, #tpu.memory_space<vmem>>
        %dma_wait3A_495 = tpu.memref_squeeze %dma_wait3A_494 : memref<1x80x64xf32, #tpu.memory_space<vmem>> -> memref<80x64xf32, #tpu.memory_space<vmem>>
        %dma_wait3A_496 = arith.constant 0 : i32
        %dma_wait3A_497 = tpu.memref_slice %arg7[%sub3A_319, %dma_wait3A_496] : memref<128x80xi32, #tpu.memory_space<vmem>> -> memref<1x80xi32, #tpu.memory_space<vmem>>
        %dma_wait3A_498 = tpu.memref_squeeze %dma_wait3A_497 : memref<1x80xi32, #tpu.memory_space<vmem>> -> memref<80xi32, #tpu.memory_space<vmem>>
        %dma_wait3A_499 = arith.constant 0 : i32
        %dma_wait3A_500 = arith.constant 0 : i32
        %dma_wait3A_501 = tpu.memref_slice %arg9[%dma_wait3A_499, %dma_wait3A_500] : memref<10112x64xf32, #tpu.memory_space<vmem_shared>> -> memref<10112x64xf32, #tpu.memory_space<vmem_shared>>
        %dma_wait3A_502 = tpu.memref_slice %arg12[%dma_wait3A_491] : memref<4x!tpu.dma_semaphore, #tpu.memory_space<semaphore_mem>> -> memref<1x!tpu.dma_semaphore, #tpu.memory_space<semaphore_mem>>
        %dma_wait3A_503 = tpu.memref_squeeze %dma_wait3A_502 : memref<1x!tpu.dma_semaphore, #tpu.memory_space<semaphore_mem>> -> memref<!tpu.dma_semaphore, #tpu.memory_space<semaphore_mem>>
        tpu.wait_indirect_dma semaphore(%dma_wait3A_503 : memref<!tpu.dma_semaphore, #tpu.memory_space<semaphore_mem>>) src(%dma_wait3A_495 : memref<80x64xf32, #tpu.memory_space<vmem>>) dst(%dma_wait3A_501 : memref<10112x64xf32, #tpu.memory_space<vmem_shared>>)
        %add3A_504 = arith.constant 4 : i32
        %add3A_505 = arith.addi %sub3A_319, %add3A_504 : i32
        %dma_start3A_506 = arith.constant 3 : i32
        %dma_start3A_507 = arith.constant 3 : i32
        %dma_start3A_508 = arith.constant 0 : i32
        %dma_start3A_509 = arith.constant 0 : i32
        %dma_start3A_510 = tpu.memref_slice %arg8[%dma_start3A_506, %dma_start3A_508, %dma_start3A_509] : memref<4x80x64xf32, #tpu.memory_space<vmem>> -> memref<1x80x64xf32, #tpu.memory_space<vmem>>
        %dma_start3A_511 = tpu.memref_squeeze %dma_start3A_510 : memref<1x80x64xf32, #tpu.memory_space<vmem>> -> memref<80x64xf32, #tpu.memory_space<vmem>>
        %dma_start3A_512 = arith.constant 0 : i32
        %dma_start3A_513 = tpu.memref_slice %arg6[%add3A_505, %dma_start3A_512] : memref<128x80xi32, #tpu.memory_space<vmem>> -> memref<1x80xi32, #tpu.memory_space<vmem>>
        %dma_start3A_514 = tpu.memref_squeeze %dma_start3A_513 : memref<1x80xi32, #tpu.memory_space<vmem>> -> memref<80xi32, #tpu.memory_space<vmem>>
        %dma_start3A_515 = arith.constant 0 : i32
        %dma_start3A_516 = arith.constant 0 : i32
        %dma_start3A_517 = tpu.memref_slice %arg10[%dma_start3A_515, %dma_start3A_516] : memref<10000x64xf32, #tpu.memory_space<vmem_shared>> -> memref<10000x64xf32, #tpu.memory_space<vmem_shared>>
        %dma_start3A_518 = tpu.memref_slice %arg11[%dma_start3A_507] : memref<4x!tpu.dma_semaphore, #tpu.memory_space<semaphore_mem>> -> memref<1x!tpu.dma_semaphore, #tpu.memory_space<semaphore_mem>>
        %dma_start3A_519 = tpu.memref_squeeze %dma_start3A_518 : memref<1x!tpu.dma_semaphore, #tpu.memory_space<semaphore_mem>> -> memref<!tpu.dma_semaphore, #tpu.memory_space<semaphore_mem>>
        tpu.enqueue_indirect_dma source(%dma_start3A_517 : memref<10000x64xf32, #tpu.memory_space<vmem_shared>>) target(%dma_start3A_511 : memref<80x64xf32, #tpu.memory_space<vmem>>) offsets(%dma_start3A_514 : memref<80xi32, #tpu.memory_space<vmem>>) semaphore(%dma_start3A_519 : memref<!tpu.dma_semaphore, #tpu.memory_space<semaphore_mem>>)
      } else {
      }
      %mul3A_358 = arith.constant 8 : i32
      %mul3A_359 = arith.muli %scan3A_140, %mul3A_358 : i32
      %add3A_360 = arith.constant 5 : i32
      %add3A_361 = arith.addi %mul3A_359, %add3A_360 : i32
      %sub3A_362 = arith.constant 1 : i32
      %sub3A_363 = arith.subi %add3A_361, %sub3A_362 : i32
      %dma_wait3A_364 = arith.constant 1 : i32
      %dma_wait3A_365 = arith.constant 1 : i32
      %dma_wait3A_366 = arith.constant 0 : i32
      %dma_wait3A_367 = arith.constant 0 : i32
      %dma_wait3A_368 = tpu.memref_slice %arg8[%dma_wait3A_364, %dma_wait3A_366, %dma_wait3A_367] : memref<4x80x64xf32, #tpu.memory_space<vmem>> -> memref<1x80x64xf32, #tpu.memory_space<vmem>>
      %dma_wait3A_369 = tpu.memref_squeeze %dma_wait3A_368 : memref<1x80x64xf32, #tpu.memory_space<vmem>> -> memref<80x64xf32, #tpu.memory_space<vmem>>
      %dma_wait3A_370 = arith.constant 0 : i32
      %dma_wait3A_371 = tpu.memref_slice %arg6[%add3A_361, %dma_wait3A_370] : memref<128x80xi32, #tpu.memory_space<vmem>> -> memref<1x80xi32, #tpu.memory_space<vmem>>
      %dma_wait3A_372 = tpu.memref_squeeze %dma_wait3A_371 : memref<1x80xi32, #tpu.memory_space<vmem>> -> memref<80xi32, #tpu.memory_space<vmem>>
      %dma_wait3A_373 = arith.constant 0 : i32
      %dma_wait3A_374 = arith.constant 0 : i32
      %dma_wait3A_375 = tpu.memref_slice %arg10[%dma_wait3A_373, %dma_wait3A_374] : memref<10000x64xf32, #tpu.memory_space<vmem_shared>> -> memref<10000x64xf32, #tpu.memory_space<vmem_shared>>
      %dma_wait3A_376 = tpu.memref_slice %arg11[%dma_wait3A_365] : memref<4x!tpu.dma_semaphore, #tpu.memory_space<semaphore_mem>> -> memref<1x!tpu.dma_semaphore, #tpu.memory_space<semaphore_mem>>
      %dma_wait3A_377 = tpu.memref_squeeze %dma_wait3A_376 : memref<1x!tpu.dma_semaphore, #tpu.memory_space<semaphore_mem>> -> memref<!tpu.dma_semaphore, #tpu.memory_space<semaphore_mem>>
      tpu.wait_indirect_dma semaphore(%dma_wait3A_377 : memref<!tpu.dma_semaphore, #tpu.memory_space<semaphore_mem>>) src(%dma_wait3A_375 : memref<10000x64xf32, #tpu.memory_space<vmem_shared>>) dst(%dma_wait3A_369 : memref<80x64xf32, #tpu.memory_space<vmem>>)
      %dma_start3A_378 = arith.constant 1 : i32
      %dma_start3A_379 = arith.constant 1 : i32
      %dma_start3A_380 = arith.constant 0 : i32
      %dma_start3A_381 = arith.constant 0 : i32
      %dma_start3A_382 = tpu.memref_slice %arg8[%dma_start3A_378, %dma_start3A_380, %dma_start3A_381] : memref<4x80x64xf32, #tpu.memory_space<vmem>> -> memref<1x80x64xf32, #tpu.memory_space<vmem>>
      %dma_start3A_383 = tpu.memref_squeeze %dma_start3A_382 : memref<1x80x64xf32, #tpu.memory_space<vmem>> -> memref<80x64xf32, #tpu.memory_space<vmem>>
      %dma_start3A_384 = arith.constant 0 : i32
      %dma_start3A_385 = tpu.memref_slice %arg7[%add3A_361, %dma_start3A_384] : memref<128x80xi32, #tpu.memory_space<vmem>> -> memref<1x80xi32, #tpu.memory_space<vmem>>
      %dma_start3A_386 = tpu.memref_squeeze %dma_start3A_385 : memref<1x80xi32, #tpu.memory_space<vmem>> -> memref<80xi32, #tpu.memory_space<vmem>>
      %dma_start3A_387 = arith.constant 0 : i32
      %dma_start3A_388 = arith.constant 0 : i32
      %dma_start3A_389 = tpu.memref_slice %arg9[%dma_start3A_387, %dma_start3A_388] : memref<10112x64xf32, #tpu.memory_space<vmem_shared>> -> memref<10112x64xf32, #tpu.memory_space<vmem_shared>>
      %dma_start3A_390 = tpu.memref_slice %arg12[%dma_start3A_379] : memref<4x!tpu.dma_semaphore, #tpu.memory_space<semaphore_mem>> -> memref<1x!tpu.dma_semaphore, #tpu.memory_space<semaphore_mem>>
      %dma_start3A_391 = tpu.memref_squeeze %dma_start3A_390 : memref<1x!tpu.dma_semaphore, #tpu.memory_space<semaphore_mem>> -> memref<!tpu.dma_semaphore, #tpu.memory_space<semaphore_mem>>
      tpu.enqueue_indirect_dma source(%dma_start3A_383 : memref<80x64xf32, #tpu.memory_space<vmem>>) target(%dma_start3A_389 : memref<10112x64xf32, #tpu.memory_space<vmem_shared>>) offsets(%dma_start3A_386 : memref<80xi32, #tpu.memory_space<vmem>>) semaphore(%dma_start3A_391 : memref<!tpu.dma_semaphore, #tpu.memory_space<semaphore_mem>>) {add = true}
      %ge3A_392 = arith.constant 0 : i32
      %ge3A_393 = arith.cmpi sge, %sub3A_363, %ge3A_392 : i32
      %add3A_394 = arith.constant 4 : i32
      %add3A_395 = arith.addi %sub3A_363, %add3A_394 : i32
      %lt3A_396 = arith.constant 128 : i32
      %lt3A_397 = arith.cmpi slt, %add3A_395, %lt3A_396 : i32
      %and3A_398 = arith.andi %ge3A_393, %lt3A_397 : i1
      %convert_element_type3A_399 = arith.extui %and3A_398 : i1 to i32
      %cond3A_400 = arith.constant 0 : i32
      %cond3A_401 = arith.cmpi ne, %convert_element_type3A_399, %cond3A_400 : i32
      scf.if %cond3A_401 {
        %dma_wait3A_490 = arith.constant 0 : i32
        %dma_wait3A_491 = arith.constant 0 : i32
        %dma_wait3A_492 = arith.constant 0 : i32
        %dma_wait3A_493 = arith.constant 0 : i32
        %dma_wait3A_494 = tpu.memref_slice %arg8[%dma_wait3A_490, %dma_wait3A_492, %dma_wait3A_493] : memref<4x80x64xf32, #tpu.memory_space<vmem>> -> memref<1x80x64xf32, #tpu.memory_space<vmem>>
        %dma_wait3A_495 = tpu.memref_squeeze %dma_wait3A_494 : memref<1x80x64xf32, #tpu.memory_space<vmem>> -> memref<80x64xf32, #tpu.memory_space<vmem>>
        %dma_wait3A_496 = arith.constant 0 : i32
        %dma_wait3A_497 = tpu.memref_slice %arg7[%sub3A_363, %dma_wait3A_496] : memref<128x80xi32, #tpu.memory_space<vmem>> -> memref<1x80xi32, #tpu.memory_space<vmem>>
        %dma_wait3A_498 = tpu.memref_squeeze %dma_wait3A_497 : memref<1x80xi32, #tpu.memory_space<vmem>> -> memref<80xi32, #tpu.memory_space<vmem>>
        %dma_wait3A_499 = arith.constant 0 : i32
        %dma_wait3A_500 = arith.constant 0 : i32
        %dma_wait3A_501 = tpu.memref_slice %arg9[%dma_wait3A_499, %dma_wait3A_500] : memref<10112x64xf32, #tpu.memory_space<vmem_shared>> -> memref<10112x64xf32, #tpu.memory_space<vmem_shared>>
        %dma_wait3A_502 = tpu.memref_slice %arg12[%dma_wait3A_491] : memref<4x!tpu.dma_semaphore, #tpu.memory_space<semaphore_mem>> -> memref<1x!tpu.dma_semaphore, #tpu.memory_space<semaphore_mem>>
        %dma_wait3A_503 = tpu.memref_squeeze %dma_wait3A_502 : memref<1x!tpu.dma_semaphore, #tpu.memory_space<semaphore_mem>> -> memref<!tpu.dma_semaphore, #tpu.memory_space<semaphore_mem>>
        tpu.wait_indirect_dma semaphore(%dma_wait3A_503 : memref<!tpu.dma_semaphore, #tpu.memory_space<semaphore_mem>>) src(%dma_wait3A_495 : memref<80x64xf32, #tpu.memory_space<vmem>>) dst(%dma_wait3A_501 : memref<10112x64xf32, #tpu.memory_space<vmem_shared>>)
        %add3A_504 = arith.constant 4 : i32
        %add3A_505 = arith.addi %sub3A_363, %add3A_504 : i32
        %dma_start3A_506 = arith.constant 0 : i32
        %dma_start3A_507 = arith.constant 0 : i32
        %dma_start3A_508 = arith.constant 0 : i32
        %dma_start3A_509 = arith.constant 0 : i32
        %dma_start3A_510 = tpu.memref_slice %arg8[%dma_start3A_506, %dma_start3A_508, %dma_start3A_509] : memref<4x80x64xf32, #tpu.memory_space<vmem>> -> memref<1x80x64xf32, #tpu.memory_space<vmem>>
        %dma_start3A_511 = tpu.memref_squeeze %dma_start3A_510 : memref<1x80x64xf32, #tpu.memory_space<vmem>> -> memref<80x64xf32, #tpu.memory_space<vmem>>
        %dma_start3A_512 = arith.constant 0 : i32
        %dma_start3A_513 = tpu.memref_slice %arg6[%add3A_505, %dma_start3A_512] : memref<128x80xi32, #tpu.memory_space<vmem>> -> memref<1x80xi32, #tpu.memory_space<vmem>>
        %dma_start3A_514 = tpu.memref_squeeze %dma_start3A_513 : memref<1x80xi32, #tpu.memory_space<vmem>> -> memref<80xi32, #tpu.memory_space<vmem>>
        %dma_start3A_515 = arith.constant 0 : i32
        %dma_start3A_516 = arith.constant 0 : i32
        %dma_start3A_517 = tpu.memref_slice %arg2[%dma_start3A_515, %dma_start3A_516] : memref<10000x64xf32, #tpu.memory_space<hbm>> -> memref<10000x64xf32, #tpu.memory_space<hbm>>
        %dma_start3A_518 = tpu.memref_slice %arg11[%dma_start3A_507] : memref<4x!tpu.dma_semaphore, #tpu.memory_space<semaphore_mem>> -> memref<1x!tpu.dma_semaphore, #tpu.memory_space<semaphore_mem>>
        %dma_start3A_519 = tpu.memref_squeeze %dma_start3A_518 : memref<1x!tpu.dma_semaphore, #tpu.memory_space<semaphore_mem>> -> memref<!tpu.dma_semaphore, #tpu.memory_space<semaphore_mem>>
        tpu.enqueue_indirect_dma source(%dma_start3A_517 : memref<10000x64xf32, #tpu.memory_space<hbm>>) target(%dma_start3A_511 : memref<80x64xf32, #tpu.memory_space<vmem>>) offsets(%dma_start3A_514 : memref<80xi32, #tpu.memory_space<vmem>>) semaphore(%dma_start3A_519 : memref<!tpu.dma_semaphore, #tpu.memory_space<semaphore_mem>>)
      } else {
      }
      %mul3A_402 = arith.constant 8 : i32
      %mul3A_403 = arith.muli %scan3A_140, %mul3A_402 : i32
      %add3A_404 = arith.constant 6 : i32
      %add3A_405 = arith.addi %mul3A_403, %add3A_404 : i32
      %sub3A_406 = arith.constant 1 : i32
      %sub3A_407 = arith.subi %add3A_405, %sub3A_406 : i32
      %dma_wait3A_408 = arith.constant 2 : i32
      %dma_wait3A_409 = arith.constant 2 : i32
      %dma_wait3A_410 = arith.constant 0 : i32
      %dma_wait3A_411 = arith.constant 0 : i32
      %dma_wait3A_412 = tpu.memref_slice %arg8[%dma_wait3A_408, %dma_wait3A_410, %dma_wait3A_411] : memref<4x80x64xf32, #tpu.memory_space<vmem>> -> memref<1x80x64xf32, #tpu.memory_space<vmem>>
      %dma_wait3A_413 = tpu.memref_squeeze %dma_wait3A_412 : memref<1x80x64xf32, #tpu.memory_space<vmem>> -> memref<80x64xf32, #tpu.memory_space<vmem>>
      %dma_wait3A_414 = arith.constant 0 : i32
      %dma_wait3A_415 = tpu.memref_slice %arg6[%add3A_405, %dma_wait3A_414] : memref<128x80xi32, #tpu.memory_space<vmem>> -> memref<1x80xi32, #tpu.memory_space<vmem>>
      %dma_wait3A_416 = tpu.memref_squeeze %dma_wait3A_415 : memref<1x80xi32, #tpu.memory_space<vmem>> -> memref<80xi32, #tpu.memory_space<vmem>>
      %dma_wait3A_417 = arith.constant 0 : i32
      %dma_wait3A_418 = arith.constant 0 : i32
      %dma_wait3A_419 = tpu.memref_slice %arg10[%dma_wait3A_417, %dma_wait3A_418] : memref<10000x64xf32, #tpu.memory_space<vmem_shared>> -> memref<10000x64xf32, #tpu.memory_space<vmem_shared>>
      %dma_wait3A_420 = tpu.memref_slice %arg11[%dma_wait3A_409] : memref<4x!tpu.dma_semaphore, #tpu.memory_space<semaphore_mem>> -> memref<1x!tpu.dma_semaphore, #tpu.memory_space<semaphore_mem>>
      %dma_wait3A_421 = tpu.memref_squeeze %dma_wait3A_420 : memref<1x!tpu.dma_semaphore, #tpu.memory_space<semaphore_mem>> -> memref<!tpu.dma_semaphore, #tpu.memory_space<semaphore_mem>>
      tpu.wait_indirect_dma semaphore(%dma_wait3A_421 : memref<!tpu.dma_semaphore, #tpu.memory_space<semaphore_mem>>) src(%dma_wait3A_419 : memref<10000x64xf32, #tpu.memory_space<vmem_shared>>) dst(%dma_wait3A_413 : memref<80x64xf32, #tpu.memory_space<vmem>>)
      %dma_start3A_422 = arith.constant 2 : i32
      %dma_start3A_423 = arith.constant 2 : i32
      %dma_start3A_424 = arith.constant 0 : i32
      %dma_start3A_425 = arith.constant 0 : i32
      %dma_start3A_426 = tpu.memref_slice %arg8[%dma_start3A_422, %dma_start3A_424, %dma_start3A_425] : memref<4x80x64xf32, #tpu.memory_space<vmem>> -> memref<1x80x64xf32, #tpu.memory_space<vmem>>
      %dma_start3A_427 = tpu.memref_squeeze %dma_start3A_426 : memref<1x80x64xf32, #tpu.memory_space<vmem>> -> memref<80x64xf32, #tpu.memory_space<vmem>>
      %dma_start3A_428 = arith.constant 0 : i32
      %dma_start3A_429 = tpu.memref_slice %arg7[%add3A_405, %dma_start3A_428] : memref<128x80xi32, #tpu.memory_space<vmem>> -> memref<1x80xi32, #tpu.memory_space<vmem>>
      %dma_start3A_430 = tpu.memref_squeeze %dma_start3A_429 : memref<1x80xi32, #tpu.memory_space<vmem>> -> memref<80xi32, #tpu.memory_space<vmem>>
      %dma_start3A_431 = arith.constant 0 : i32
      %dma_start3A_432 = arith.constant 0 : i32
      %dma_start3A_433 = tpu.memref_slice %arg9[%dma_start3A_431, %dma_start3A_432] : memref<10112x64xf32, #tpu.memory_space<vmem_shared>> -> memref<10112x64xf32, #tpu.memory_space<vmem_shared>>
      %dma_start3A_434 = tpu.memref_slice %arg12[%dma_start3A_423] : memref<4x!tpu.dma_semaphore, #tpu.memory_space<semaphore_mem>> -> memref<1x!tpu.dma_semaphore, #tpu.memory_space<semaphore_mem>>
      %dma_start3A_435 = tpu.memref_squeeze %dma_start3A_434 : memref<1x!tpu.dma_semaphore, #tpu.memory_space<semaphore_mem>> -> memref<!tpu.dma_semaphore, #tpu.memory_space<semaphore_mem>>
      tpu.enqueue_indirect_dma source(%dma_start3A_427 : memref<80x64xf32, #tpu.memory_space<vmem>>) target(%dma_start3A_433 : memref<10112x64xf32, #tpu.memory_space<vmem_shared>>) offsets(%dma_start3A_430 : memref<80xi32, #tpu.memory_space<vmem>>) semaphore(%dma_start3A_435 : memref<!tpu.dma_semaphore, #tpu.memory_space<semaphore_mem>>) {add = true}
      %ge3A_436 = arith.constant 0 : i32
      %ge3A_437 = arith.cmpi sge, %sub3A_407, %ge3A_436 : i32
      %add3A_438 = arith.constant 4 : i32
      %add3A_439 = arith.addi %sub3A_407, %add3A_438 : i32
      %lt3A_440 = arith.constant 128 : i32
      %lt3A_441 = arith.cmpi slt, %add3A_439, %lt3A_440 : i32
      %and3A_442 = arith.andi %ge3A_437, %lt3A_441 : i1
      %convert_element_type3A_443 = arith.extui %and3A_442 : i1 to i32
      %cond3A_444 = arith.constant 0 : i32
      %cond3A_445 = arith.cmpi ne, %convert_element_type3A_443, %cond3A_444 : i32
      scf.if %cond3A_445 {
        %dma_wait3A_490 = arith.constant 1 : i32
        %dma_wait3A_491 = arith.constant 1 : i32
        %dma_wait3A_492 = arith.constant 0 : i32
        %dma_wait3A_493 = arith.constant 0 : i32
        %dma_wait3A_494 = tpu.memref_slice %arg8[%dma_wait3A_490, %dma_wait3A_492, %dma_wait3A_493] : memref<4x80x64xf32, #tpu.memory_space<vmem>> -> memref<1x80x64xf32, #tpu.memory_space<vmem>>
        %dma_wait3A_495 = tpu.memref_squeeze %dma_wait3A_494 : memref<1x80x64xf32, #tpu.memory_space<vmem>> -> memref<80x64xf32, #tpu.memory_space<vmem>>
        %dma_wait3A_496 = arith.constant 0 : i32
        %dma_wait3A_497 = tpu.memref_slice %arg7[%sub3A_407, %dma_wait3A_496] : memref<128x80xi32, #tpu.memory_space<vmem>> -> memref<1x80xi32, #tpu.memory_space<vmem>>
        %dma_wait3A_498 = tpu.memref_squeeze %dma_wait3A_497 : memref<1x80xi32, #tpu.memory_space<vmem>> -> memref<80xi32, #tpu.memory_space<vmem>>
        %dma_wait3A_499 = arith.constant 0 : i32
        %dma_wait3A_500 = arith.constant 0 : i32
        %dma_wait3A_501 = tpu.memref_slice %arg9[%dma_wait3A_499, %dma_wait3A_500] : memref<10112x64xf32, #tpu.memory_space<vmem_shared>> -> memref<10112x64xf32, #tpu.memory_space<vmem_shared>>
        %dma_wait3A_502 = tpu.memref_slice %arg12[%dma_wait3A_491] : memref<4x!tpu.dma_semaphore, #tpu.memory_space<semaphore_mem>> -> memref<1x!tpu.dma_semaphore, #tpu.memory_space<semaphore_mem>>
        %dma_wait3A_503 = tpu.memref_squeeze %dma_wait3A_502 : memref<1x!tpu.dma_semaphore, #tpu.memory_space<semaphore_mem>> -> memref<!tpu.dma_semaphore, #tpu.memory_space<semaphore_mem>>
        tpu.wait_indirect_dma semaphore(%dma_wait3A_503 : memref<!tpu.dma_semaphore, #tpu.memory_space<semaphore_mem>>) src(%dma_wait3A_495 : memref<80x64xf32, #tpu.memory_space<vmem>>) dst(%dma_wait3A_501 : memref<10112x64xf32, #tpu.memory_space<vmem_shared>>)
        %add3A_504 = arith.constant 4 : i32
        %add3A_505 = arith.addi %sub3A_407, %add3A_504 : i32
        %dma_start3A_506 = arith.constant 1 : i32
        %dma_start3A_507 = arith.constant 1 : i32
        %dma_start3A_508 = arith.constant 0 : i32
        %dma_start3A_509 = arith.constant 0 : i32
        %dma_start3A_510 = tpu.memref_slice %arg8[%dma_start3A_506, %dma_start3A_508, %dma_start3A_509] : memref<4x80x64xf32, #tpu.memory_space<vmem>> -> memref<1x80x64xf32, #tpu.memory_space<vmem>>
        %dma_start3A_511 = tpu.memref_squeeze %dma_start3A_510 : memref<1x80x64xf32, #tpu.memory_space<vmem>> -> memref<80x64xf32, #tpu.memory_space<vmem>>
        %dma_start3A_512 = arith.constant 0 : i32
        %dma_start3A_513 = tpu.memref_slice %arg6[%add3A_505, %dma_start3A_512] : memref<128x80xi32, #tpu.memory_space<vmem>> -> memref<1x80xi32, #tpu.memory_space<vmem>>
        %dma_start3A_514 = tpu.memref_squeeze %dma_start3A_513 : memref<1x80xi32, #tpu.memory_space<vmem>> -> memref<80xi32, #tpu.memory_space<vmem>>
        %dma_start3A_515 = arith.constant 0 : i32
        %dma_start3A_516 = arith.constant 0 : i32
        %dma_start3A_517 = tpu.memref_slice %arg2[%dma_start3A_515, %dma_start3A_516] : memref<10000x64xf32, #tpu.memory_space<hbm>> -> memref<10000x64xf32, #tpu.memory_space<hbm>>
        %dma_start3A_518 = tpu.memref_slice %arg11[%dma_start3A_507] : memref<4x!tpu.dma_semaphore, #tpu.memory_space<semaphore_mem>> -> memref<1x!tpu.dma_semaphore, #tpu.memory_space<semaphore_mem>>
        %dma_start3A_519 = tpu.memref_squeeze %dma_start3A_518 : memref<1x!tpu.dma_semaphore, #tpu.memory_space<semaphore_mem>> -> memref<!tpu.dma_semaphore, #tpu.memory_space<semaphore_mem>>
        tpu.enqueue_indirect_dma source(%dma_start3A_517 : memref<10000x64xf32, #tpu.memory_space<hbm>>) target(%dma_start3A_511 : memref<80x64xf32, #tpu.memory_space<vmem>>) offsets(%dma_start3A_514 : memref<80xi32, #tpu.memory_space<vmem>>) semaphore(%dma_start3A_519 : memref<!tpu.dma_semaphore, #tpu.memory_space<semaphore_mem>>)
      } else {
      }
      %mul3A_446 = arith.constant 8 : i32
      %mul3A_447 = arith.muli %scan3A_140, %mul3A_446 : i32
      %add3A_448 = arith.constant 7 : i32
      %add3A_449 = arith.addi %mul3A_447, %add3A_448 : i32
      %sub3A_450 = arith.constant 1 : i32
      %sub3A_451 = arith.subi %add3A_449, %sub3A_450 : i32
      %dma_wait3A_452 = arith.constant 3 : i32
      %dma_wait3A_453 = arith.constant 3 : i32
      %dma_wait3A_454 = arith.constant 0 : i32
      %dma_wait3A_455 = arith.constant 0 : i32
      %dma_wait3A_456 = tpu.memref_slice %arg8[%dma_wait3A_452, %dma_wait3A_454, %dma_wait3A_455] : memref<4x80x64xf32, #tpu.memory_space<vmem>> -> memref<1x80x64xf32, #tpu.memory_space<vmem>>
      %dma_wait3A_457 = tpu.memref_squeeze %dma_wait3A_456 : memref<1x80x64xf32, #tpu.memory_space<vmem>> -> memref<80x64xf32, #tpu.memory_space<vmem>>
      %dma_wait3A_458 = arith.constant 0 : i32
      %dma_wait3A_459 = tpu.memref_slice %arg6[%add3A_449, %dma_wait3A_458] : memref<128x80xi32, #tpu.memory_space<vmem>> -> memref<1x80xi32, #tpu.memory_space<vmem>>
      %dma_wait3A_460 = tpu.memref_squeeze %dma_wait3A_459 : memref<1x80xi32, #tpu.memory_space<vmem>> -> memref<80xi32, #tpu.memory_space<vmem>>
      %dma_wait3A_461 = arith.constant 0 : i32
      %dma_wait3A_462 = arith.constant 0 : i32
      %dma_wait3A_463 = tpu.memref_slice %arg10[%dma_wait3A_461, %dma_wait3A_462] : memref<10000x64xf32, #tpu.memory_space<vmem_shared>> -> memref<10000x64xf32, #tpu.memory_space<vmem_shared>>
      %dma_wait3A_464 = tpu.memref_slice %arg11[%dma_wait3A_453] : memref<4x!tpu.dma_semaphore, #tpu.memory_space<semaphore_mem>> -> memref<1x!tpu.dma_semaphore, #tpu.memory_space<semaphore_mem>>
      %dma_wait3A_465 = tpu.memref_squeeze %dma_wait3A_464 : memref<1x!tpu.dma_semaphore, #tpu.memory_space<semaphore_mem>> -> memref<!tpu.dma_semaphore, #tpu.memory_space<semaphore_mem>>
      tpu.wait_indirect_dma semaphore(%dma_wait3A_465 : memref<!tpu.dma_semaphore, #tpu.memory_space<semaphore_mem>>) src(%dma_wait3A_463 : memref<10000x64xf32, #tpu.memory_space<vmem_shared>>) dst(%dma_wait3A_457 : memref<80x64xf32, #tpu.memory_space<vmem>>)
      %dma_start3A_466 = arith.constant 3 : i32
      %dma_start3A_467 = arith.constant 3 : i32
      %dma_start3A_468 = arith.constant 0 : i32
      %dma_start3A_469 = arith.constant 0 : i32
      %dma_start3A_470 = tpu.memref_slice %arg8[%dma_start3A_466, %dma_start3A_468, %dma_start3A_469] : memref<4x80x64xf32, #tpu.memory_space<vmem>> -> memref<1x80x64xf32, #tpu.memory_space<vmem>>
      %dma_start3A_471 = tpu.memref_squeeze %dma_start3A_470 : memref<1x80x64xf32, #tpu.memory_space<vmem>> -> memref<80x64xf32, #tpu.memory_space<vmem>>
      %dma_start3A_472 = arith.constant 0 : i32
      %dma_start3A_473 = tpu.memref_slice %arg7[%add3A_449, %dma_start3A_472] : memref<128x80xi32, #tpu.memory_space<vmem>> -> memref<1x80xi32, #tpu.memory_space<vmem>>
      %dma_start3A_474 = tpu.memref_squeeze %dma_start3A_473 : memref<1x80xi32, #tpu.memory_space<vmem>> -> memref<80xi32, #tpu.memory_space<vmem>>
      %dma_start3A_475 = arith.constant 0 : i32
      %dma_start3A_476 = arith.constant 0 : i32
      %dma_start3A_477 = tpu.memref_slice %arg9[%dma_start3A_475, %dma_start3A_476] : memref<10112x64xf32, #tpu.memory_space<vmem_shared>> -> memref<10112x64xf32, #tpu.memory_space<vmem_shared>>
      %dma_start3A_478 = tpu.memref_slice %arg12[%dma_start3A_467] : memref<4x!tpu.dma_semaphore, #tpu.memory_space<semaphore_mem>> -> memref<1x!tpu.dma_semaphore, #tpu.memory_space<semaphore_mem>>
      %dma_start3A_479 = tpu.memref_squeeze %dma_start3A_478 : memref<1x!tpu.dma_semaphore, #tpu.memory_space<semaphore_mem>> -> memref<!tpu.dma_semaphore, #tpu.memory_space<semaphore_mem>>
      tpu.enqueue_indirect_dma source(%dma_start3A_471 : memref<80x64xf32, #tpu.memory_space<vmem>>) target(%dma_start3A_477 : memref<10112x64xf32, #tpu.memory_space<vmem_shared>>) offsets(%dma_start3A_474 : memref<80xi32, #tpu.memory_space<vmem>>) semaphore(%dma_start3A_479 : memref<!tpu.dma_semaphore, #tpu.memory_space<semaphore_mem>>) {add = true}
      %ge3A_480 = arith.constant 0 : i32
      %ge3A_481 = arith.cmpi sge, %sub3A_451, %ge3A_480 : i32
      %add3A_482 = arith.constant 4 : i32
      %add3A_483 = arith.addi %sub3A_451, %add3A_482 : i32
      %lt3A_484 = arith.constant 128 : i32
      %lt3A_485 = arith.cmpi slt, %add3A_483, %lt3A_484 : i32
      %and3A_486 = arith.andi %ge3A_481, %lt3A_485 : i1
      %convert_element_type3A_487 = arith.extui %and3A_486 : i1 to i32
      %cond3A_488 = arith.constant 0 : i32
      %cond3A_489 = arith.cmpi ne, %convert_element_type3A_487, %cond3A_488 : i32
      scf.if %cond3A_489 {
        %dma_wait3A_490 = arith.constant 2 : i32
        %dma_wait3A_491 = arith.constant 2 : i32
        %dma_wait3A_492 = arith.constant 0 : i32
        %dma_wait3A_493 = arith.constant 0 : i32
        %dma_wait3A_494 = tpu.memref_slice %arg8[%dma_wait3A_490, %dma_wait3A_492, %dma_wait3A_493] : memref<4x80x64xf32, #tpu.memory_space<vmem>> -> memref<1x80x64xf32, #tpu.memory_space<vmem>>
        %dma_wait3A_495 = tpu.memref_squeeze %dma_wait3A_494 : memref<1x80x64xf32, #tpu.memory_space<vmem>> -> memref<80x64xf32, #tpu.memory_space<vmem>>
        %dma_wait3A_496 = arith.constant 0 : i32
        %dma_wait3A_497 = tpu.memref_slice %arg7[%sub3A_451, %dma_wait3A_496] : memref<128x80xi32, #tpu.memory_space<vmem>> -> memref<1x80xi32, #tpu.memory_space<vmem>>
        %dma_wait3A_498 = tpu.memref_squeeze %dma_wait3A_497 : memref<1x80xi32, #tpu.memory_space<vmem>> -> memref<80xi32, #tpu.memory_space<vmem>>
        %dma_wait3A_499 = arith.constant 0 : i32
        %dma_wait3A_500 = arith.constant 0 : i32
        %dma_wait3A_501 = tpu.memref_slice %arg9[%dma_wait3A_499, %dma_wait3A_500] : memref<10112x64xf32, #tpu.memory_space<vmem_shared>> -> memref<10112x64xf32, #tpu.memory_space<vmem_shared>>
        %dma_wait3A_502 = tpu.memref_slice %arg12[%dma_wait3A_491] : memref<4x!tpu.dma_semaphore, #tpu.memory_space<semaphore_mem>> -> memref<1x!tpu.dma_semaphore, #tpu.memory_space<semaphore_mem>>
        %dma_wait3A_503 = tpu.memref_squeeze %dma_wait3A_502 : memref<1x!tpu.dma_semaphore, #tpu.memory_space<semaphore_mem>> -> memref<!tpu.dma_semaphore, #tpu.memory_space<semaphore_mem>>
        tpu.wait_indirect_dma semaphore(%dma_wait3A_503 : memref<!tpu.dma_semaphore, #tpu.memory_space<semaphore_mem>>) src(%dma_wait3A_495 : memref<80x64xf32, #tpu.memory_space<vmem>>) dst(%dma_wait3A_501 : memref<10112x64xf32, #tpu.memory_space<vmem_shared>>)
        %add3A_504 = arith.constant 4 : i32
        %add3A_505 = arith.addi %sub3A_451, %add3A_504 : i32
        %dma_start3A_506 = arith.constant 2 : i32
        %dma_start3A_507 = arith.constant 2 : i32
        %dma_start3A_508 = arith.constant 0 : i32
        %dma_start3A_509 = arith.constant 0 : i32
        %dma_start3A_510 = tpu.memref_slice %arg8[%dma_start3A_506, %dma_start3A_508, %dma_start3A_509] : memref<4x80x64xf32, #tpu.memory_space<vmem>> -> memref<1x80x64xf32, #tpu.memory_space<vmem>>
        %dma_start3A_511 = tpu.memref_squeeze %dma_start3A_510 : memref<1x80x64xf32, #tpu.memory_space<vmem>> -> memref<80x64xf32, #tpu.memory_space<vmem>>
        %dma_start3A_512 = arith.constant 0 : i32
        %dma_start3A_513 = tpu.memref_slice %arg6[%add3A_505, %dma_start3A_512] : memref<128x80xi32, #tpu.memory_space<vmem>> -> memref<1x80xi32, #tpu.memory_space<vmem>>
        %dma_start3A_514 = tpu.memref_squeeze %dma_start3A_513 : memref<1x80xi32, #tpu.memory_space<vmem>> -> memref<80xi32, #tpu.memory_space<vmem>>
        %dma_start3A_515 = arith.constant 0 : i32
        %dma_start3A_516 = arith.constant 0 : i32
        %dma_start3A_517 = tpu.memref_slice %arg2[%dma_start3A_515, %dma_start3A_516] : memref<10000x64xf32, #tpu.memory_space<hbm>> -> memref<10000x64xf32, #tpu.memory_space<hbm>>
        %dma_start3A_518 = tpu.memref_slice %arg11[%dma_start3A_507] : memref<4x!tpu.dma_semaphore, #tpu.memory_space<semaphore_mem>> -> memref<1x!tpu.dma_semaphore, #tpu.memory_space<semaphore_mem>>
        %dma_start3A_519 = tpu.memref_squeeze %dma_start3A_518 : memref<1x!tpu.dma_semaphore, #tpu.memory_space<semaphore_mem>> -> memref<!tpu.dma_semaphore, #tpu.memory_space<semaphore_mem>>
        tpu.enqueue_indirect_dma source(%dma_start3A_517 : memref<10000x64xf32, #tpu.memory_space<hbm>>) target(%dma_start3A_511 : memref<80x64xf32, #tpu.memory_space<vmem>>) offsets(%dma_start3A_514 : memref<80xi32, #tpu.memory_space<vmem>>) semaphore(%dma_start3A_519 : memref<!tpu.dma_semaphore, #tpu.memory_space<semaphore_mem>>)
      } else {
      }
    }
    %scan3A_75 = arith.constant 16 : i32
    %dma_wait3A = arith.constant 0 : i32
    %dma_wait3A_76 = arith.constant 124 : i32
    %dma_wait3A_77 = arith.constant 0 : i32
    %dma_wait3A_78 = arith.constant 0 : i32
    %dma_wait3A_79 = arith.constant 0 : i32
    %dma_wait3A_80 = tpu.memref_slice %arg8[%dma_wait3A, %dma_wait3A_78, %dma_wait3A_79] : memref<4x80x64xf32, #tpu.memory_space<vmem>> -> memref<1x80x64xf32, #tpu.memory_space<vmem>>
    %dma_wait3A_81 = tpu.memref_squeeze %dma_wait3A_80 : memref<1x80x64xf32, #tpu.memory_space<vmem>> -> memref<80x64xf32, #tpu.memory_space<vmem>>
    %dma_wait3A_82 = arith.constant 0 : i32
    %dma_wait3A_83 = tpu.memref_slice %arg7[%dma_wait3A_76, %dma_wait3A_82] : memref<128x80xi32, #tpu.memory_space<vmem>> -> memref<1x80xi32, #tpu.memory_space<vmem>>
    %dma_wait3A_84 = tpu.memref_squeeze %dma_wait3A_83 : memref<1x80xi32, #tpu.memory_space<vmem>> -> memref<80xi32, #tpu.memory_space<vmem>>
    %dma_wait3A_85 = arith.constant 0 : i32
    %dma_wait3A_86 = arith.constant 0 : i32
    %dma_wait3A_87 = tpu.memref_slice %arg9[%dma_wait3A_85, %dma_wait3A_86] : memref<10112x64xf32, #tpu.memory_space<vmem_shared>> -> memref<10112x64xf32, #tpu.memory_space<vmem_shared>>
    %dma_wait3A_88 = tpu.memref_slice %arg12[%dma_wait3A_77] : memref<4x!tpu.dma_semaphore, #tpu.memory_space<semaphore_mem>> -> memref<1x!tpu.dma_semaphore, #tpu.memory_space<semaphore_mem>>
    %dma_wait3A_89 = tpu.memref_squeeze %dma_wait3A_88 : memref<1x!tpu.dma_semaphore, #tpu.memory_space<semaphore_mem>> -> memref<!tpu.dma_semaphore, #tpu.memory_space<semaphore_mem>>
    tpu.wait_indirect_dma semaphore(%dma_wait3A_89 : memref<!tpu.dma_semaphore, #tpu.memory_space<semaphore_mem>>) src(%dma_wait3A_81 : memref<80x64xf32, #tpu.memory_space<vmem>>) dst(%dma_wait3A_87 : memref<10112x64xf32, #tpu.memory_space<vmem_shared>>)
    %dma_wait3A_90 = arith.constant 1 : i32
    %dma_wait3A_91 = arith.constant 125 : i32
    %dma_wait3A_92 = arith.constant 1 : i32
    %dma_wait3A_93 = arith.constant 0 : i32
    %dma_wait3A_94 = arith.constant 0 : i32
    %dma_wait3A_95 = tpu.memref_slice %arg8[%dma_wait3A_90, %dma_wait3A_93, %dma_wait3A_94] : memref<4x80x64xf32, #tpu.memory_space<vmem>> -> memref<1x80x64xf32, #tpu.memory_space<vmem>>
    %dma_wait3A_96 = tpu.memref_squeeze %dma_wait3A_95 : memref<1x80x64xf32, #tpu.memory_space<vmem>> -> memref<80x64xf32, #tpu.memory_space<vmem>>
    %dma_wait3A_97 = arith.constant 0 : i32
    %dma_wait3A_98 = tpu.memref_slice %arg7[%dma_wait3A_91, %dma_wait3A_97] : memref<128x80xi32, #tpu.memory_space<vmem>> -> memref<1x80xi32, #tpu.memory_space<vmem>>
    %dma_wait3A_99 = tpu.memref_squeeze %dma_wait3A_98 : memref<1x80xi32, #tpu.memory_space<vmem>> -> memref<80xi32, #tpu.memory_space<vmem>>
    %dma_wait3A_100 = arith.constant 0 : i32
    %dma_wait3A_101 = arith.constant 0 : i32
    %dma_wait3A_102 = tpu.memref_slice %arg9[%dma_wait3A_100, %dma_wait3A_101] : memref<10112x64xf32, #tpu.memory_space<vmem_shared>> -> memref<10112x64xf32, #tpu.memory_space<vmem_shared>>
    %dma_wait3A_103 = tpu.memref_slice %arg12[%dma_wait3A_92] : memref<4x!tpu.dma_semaphore, #tpu.memory_space<semaphore_mem>> -> memref<1x!tpu.dma_semaphore, #tpu.memory_space<semaphore_mem>>
    %dma_wait3A_104 = tpu.memref_squeeze %dma_wait3A_103 : memref<1x!tpu.dma_semaphore, #tpu.memory_space<semaphore_mem>> -> memref<!tpu.dma_semaphore, #tpu.memory_space<semaphore_mem>>
    tpu.wait_indirect_dma semaphore(%dma_wait3A_104 : memref<!tpu.dma_semaphore, #tpu.memory_space<semaphore_mem>>) src(%dma_wait3A_96 : memref<80x64xf32, #tpu.memory_space<vmem>>) dst(%dma_wait3A_102 : memref<10112x64xf32, #tpu.memory_space<vmem_shared>>)
    %dma_wait3A_105 = arith.constant 2 : i32
    %dma_wait3A_106 = arith.constant 126 : i32
    %dma_wait3A_107 = arith.constant 2 : i32
    %dma_wait3A_108 = arith.constant 0 : i32
    %dma_wait3A_109 = arith.constant 0 : i32
    %dma_wait3A_110 = tpu.memref_slice %arg8[%dma_wait3A_105, %dma_wait3A_108, %dma_wait3A_109] : memref<4x80x64xf32, #tpu.memory_space<vmem>> -> memref<1x80x64xf32, #tpu.memory_space<vmem>>
    %dma_wait3A_111 = tpu.memref_squeeze %dma_wait3A_110 : memref<1x80x64xf32, #tpu.memory_space<vmem>> -> memref<80x64xf32, #tpu.memory_space<vmem>>
    %dma_wait3A_112 = arith.constant 0 : i32
    %dma_wait3A_113 = tpu.memref_slice %arg7[%dma_wait3A_106, %dma_wait3A_112] : memref<128x80xi32, #tpu.memory_space<vmem>> -> memref<1x80xi32, #tpu.memory_space<vmem>>
    %dma_wait3A_114 = tpu.memref_squeeze %dma_wait3A_113 : memref<1x80xi32, #tpu.memory_space<vmem>> -> memref<80xi32, #tpu.memory_space<vmem>>
    %dma_wait3A_115 = arith.constant 0 : i32
    %dma_wait3A_116 = arith.constant 0 : i32
    %dma_wait3A_117 = tpu.memref_slice %arg9[%dma_wait3A_115, %dma_wait3A_116] : memref<10112x64xf32, #tpu.memory_space<vmem_shared>> -> memref<10112x64xf32, #tpu.memory_space<vmem_shared>>
    %dma_wait3A_118 = tpu.memref_slice %arg12[%dma_wait3A_107] : memref<4x!tpu.dma_semaphore, #tpu.memory_space<semaphore_mem>> -> memref<1x!tpu.dma_semaphore, #tpu.memory_space<semaphore_mem>>
    %dma_wait3A_119 = tpu.memref_squeeze %dma_wait3A_118 : memref<1x!tpu.dma_semaphore, #tpu.memory_space<semaphore_mem>> -> memref<!tpu.dma_semaphore, #tpu.memory_space<semaphore_mem>>
    tpu.wait_indirect_dma semaphore(%dma_wait3A_119 : memref<!tpu.dma_semaphore, #tpu.memory_space<semaphore_mem>>) src(%dma_wait3A_111 : memref<80x64xf32, #tpu.memory_space<vmem>>) dst(%dma_wait3A_117 : memref<10112x64xf32, #tpu.memory_space<vmem_shared>>)
    %dma_wait3A_120 = arith.constant 3 : i32
    %dma_wait3A_121 = arith.constant 127 : i32
    %dma_wait3A_122 = arith.constant 3 : i32
    %dma_wait3A_123 = arith.constant 0 : i32
    %dma_wait3A_124 = arith.constant 0 : i32
    %dma_wait3A_125 = tpu.memref_slice %arg8[%dma_wait3A_120, %dma_wait3A_123, %dma_wait3A_124] : memref<4x80x64xf32, #tpu.memory_space<vmem>> -> memref<1x80x64xf32, #tpu.memory_space<vmem>>
    %dma_wait3A_126 = tpu.memref_squeeze %dma_wait3A_125 : memref<1x80x64xf32, #tpu.memory_space<vmem>> -> memref<80x64xf32, #tpu.memory_space<vmem>>
    %dma_wait3A_127 = arith.constant 0 : i32
    %dma_wait3A_128 = tpu.memref_slice %arg7[%dma_wait3A_121, %dma_wait3A_127] : memref<128x80xi32, #tpu.memory_space<vmem>> -> memref<1x80xi32, #tpu.memory_space<vmem>>
    %dma_wait3A_129 = tpu.memref_squeeze %dma_wait3A_128 : memref<1x80xi32, #tpu.memory_space<vmem>> -> memref<80xi32, #tpu.memory_space<vmem>>
    %dma_wait3A_130 = arith.constant 0 : i32
    %dma_wait3A_131 = arith.constant 0 : i32
    %dma_wait3A_132 = tpu.memref_slice %arg9[%dma_wait3A_130, %dma_wait3A_131] : memref<10112x64xf32, #tpu.memory_space<vmem_shared>> -> memref<10112x64xf32, #tpu.memory_space<vmem_shared>>
    %dma_wait3A_133 = tpu.memref_slice %arg12[%dma_wait3A_122] : memref<4x!tpu.dma_semaphore, #tpu.memory_space<semaphore_mem>> -> memref<1x!tpu.dma_semaphore, #tpu.memory_space<semaphore_mem>>
    %dma_wait3A_134 = tpu.memref_squeeze %dma_wait3A_133 : memref<1x!tpu.dma_semaphore, #tpu.memory_space<semaphore_mem>> -> memref<!tpu.dma_semaphore, #tpu.memory_space<semaphore_mem>>
    tpu.wait_indirect_dma semaphore(%dma_wait3A_134 : memref<!tpu.dma_semaphore, #tpu.memory_space<semaphore_mem>>) src(%dma_wait3A_126 : memref<80x64xf32, #tpu.memory_space<vmem>>) dst(%dma_wait3A_132 : memref<10112x64xf32, #tpu.memory_space<vmem_shared>>)
    %barrier3A_135 = arith.constant 0 : index
    tpu.barrier barrier_id(%barrier3A_135)
    %mul3A_136 = arith.constant 632 : i32
    %mul3A_137 = arith.muli %arg1, %mul3A_136 : i32
    %mul3A_138 = arith.constant 632 : i32
    %mul3A_139 = arith.muli %arg1, %mul3A_138 : i32
    "tpu.region"() ({
      %run_scoped3A_140 = tpu.sem_alloc : memref<!tpu.dma_semaphore, #tpu.memory_space<semaphore_mem>>
      %dma_start3A_141 = arith.constant 0 : i32
      %dma_start3A_142 = tpu.memref_slice %arg5[%arg0, %mul3A_139, %dma_start3A_141] : memref<2x10112x64xf32, #tpu.memory_space<hbm>> -> memref<1x632x64xf32, #tpu.memory_space<hbm>>
      %dma_start3A_143 = tpu.memref_squeeze %dma_start3A_142 : memref<1x632x64xf32, #tpu.memory_space<hbm>> -> memref<632x64xf32, #tpu.memory_space<hbm>>
      %dma_start3A_144 = arith.constant 0 : i32
      %dma_start3A_145 = tpu.memref_slice %arg9[%mul3A_137, %dma_start3A_144] : memref<10112x64xf32, #tpu.memory_space<vmem_shared>> -> memref<632x64xf32, #tpu.memory_space<vmem_shared>>
      tpu.enqueue_dma source(%dma_start3A_145 : memref<632x64xf32, #tpu.memory_space<vmem_shared>>) target(%dma_start3A_143 : memref<632x64xf32, #tpu.memory_space<hbm>>) target_semaphore(%run_scoped3A_140 : memref<!tpu.dma_semaphore, #tpu.memory_space<semaphore_mem>>)
      %dma_wait3A_146 = arith.constant 0 : i32
      %dma_wait3A_147 = tpu.memref_slice %arg5[%arg0, %mul3A_139, %dma_wait3A_146] : memref<2x10112x64xf32, #tpu.memory_space<hbm>> -> memref<1x632x64xf32, #tpu.memory_space<hbm>>
      %dma_wait3A_148 = tpu.memref_squeeze %dma_wait3A_147 : memref<1x632x64xf32, #tpu.memory_space<hbm>> -> memref<632x64xf32, #tpu.memory_space<hbm>>
      %dma_wait3A_149 = arith.constant 0 : i32
      %dma_wait3A_150 = tpu.memref_slice %arg9[%mul3A_137, %dma_wait3A_149] : memref<10112x64xf32, #tpu.memory_space<vmem_shared>> -> memref<632x64xf32, #tpu.memory_space<vmem_shared>>
      tpu.wait_dma2 semaphore(%run_scoped3A_140 : memref<!tpu.dma_semaphore, #tpu.memory_space<semaphore_mem>>) src(%dma_wait3A_150 : memref<632x64xf32, #tpu.memory_space<vmem_shared>>) dst(%dma_wait3A_148 : memref<632x64xf32, #tpu.memory_space<hbm>>)
      tpu.yield
    }) : () -> ()
    return
  }
}

#map = affine_map<(d0, d1) -> (0, 0)>
#map1 = affine_map<(d0, d1) -> (0, 0, 0, 0)>
#map2 = affine_map<(d0, d1) -> (0, 0, 0)>
module attributes {stable_mosaic.version = 14 : i64} {
  func.func @_sc_aggr_body(%arg0: i32, %arg1: i32, %arg2: memref<10000x64xf32, #tpu.memory_space<hbm>>, %arg3: memref<2x32x128x80xi32, #tpu.memory_space<hbm>>, %arg4: memref<10112x64xf32, #tpu.memory_space<hbm>>, %arg5: memref<2x10112x64xf32, #tpu.memory_space<hbm>>, %arg6: memref<128x80xi32, #tpu.memory_space<vmem>>, %arg7: memref<128x80xi32, #tpu.memory_space<vmem>>, %arg8: memref<4x80x64xf32, #tpu.memory_space<vmem>>, %arg9: memref<10112x64xf32, #tpu.memory_space<vmem_shared>>, %arg10: memref<10000x64xf32, #tpu.memory_space<vmem_shared>>, %arg11: memref<4x!tpu.dma_semaphore, #tpu.memory_space<semaphore_mem>>, %arg12: memref<4x!tpu.dma_semaphore, #tpu.memory_space<semaphore_mem>>) attributes {dimension_semantics = [#tpu.dimension_semantics<core_parallel>, #tpu.dimension_semantics<subcore_parallel>], iteration_bounds = array<i64: 2, 16>, scalar_prefetch = 0 : i64, scratch_operands = 7 : i64, tpu.core_type = #tpu.core_type<sc_vector_subcore>, window_params = [{transform_indices = #map}, {transform_indices = #map1}, {transform_indices = #map}, {transform_indices = #map2}]} {
    %mul3A = arith.constant 16 : i32
    %mul3A_0 = arith.muli %arg0, %mul3A : i32
    %add3A = arith.addi %mul3A_0, %arg1 : i32
    %run_scoped3A = arith.constant 0 : i32
    "tpu.region"() ({
      %run_scoped3A_140 = tpu.sem_alloc : memref<!tpu.dma_semaphore, #tpu.memory_space<semaphore_mem>>
      %dma_start3A_141 = arith.constant 0 : i32
      %dma_start3A_142 = arith.constant 0 : i32
      %dma_start3A_143 = tpu.memref_slice %arg3[%run_scoped3A, %add3A, %dma_start3A_141, %dma_start3A_142] : memref<2x32x128x80xi32, #tpu.memory_space<hbm>> -> memref<1x1x128x80xi32, #tpu.memory_space<hbm>>
      %dma_start3A_144 = tpu.memref_squeeze %dma_start3A_143 : memref<1x1x128x80xi32, #tpu.memory_space<hbm>> -> memref<128x80xi32, #tpu.memory_space<hbm>>
      %dma_start3A_145 = arith.constant 0 : i32
      %dma_start3A_146 = arith.constant 0 : i32
      %dma_start3A_147 = tpu.memref_slice %arg3[%run_scoped3A, %add3A, %dma_start3A_145, %dma_start3A_146] : memref<2x32x128x80xi32, #tpu.memory_space<hbm>> -> memref<1x1x128x80xi32, #tpu.memory_space<hbm>>
      %dma_start3A_148 = tpu.memref_squeeze %dma_start3A_147 : memref<1x1x128x80xi32, #tpu.memory_space<hbm>> -> memref<128x80xi32, #tpu.memory_space<hbm>>
      tpu.enqueue_dma source(%dma_start3A_148 : memref<128x80xi32, #tpu.memory_space<hbm>>) target(%arg6 : memref<128x80xi32, #tpu.memory_space<vmem>>) target_semaphore(%run_scoped3A_140 : memref<!tpu.dma_semaphore, #tpu.memory_space<semaphore_mem>>)
      %dma_wait3A_149 = arith.constant 0 : i32
      %dma_wait3A_150 = arith.constant 0 : i32
      %dma_wait3A_151 = tpu.memref_slice %arg3[%run_scoped3A, %add3A, %dma_wait3A_149, %dma_wait3A_150] : memref<2x32x128x80xi32, #tpu.memory_space<hbm>> -> memref<1x1x128x80xi32, #tpu.memory_space<hbm>>
      %dma_wait3A_152 = tpu.memref_squeeze %dma_wait3A_151 : memref<1x1x128x80xi32, #tpu.memory_space<hbm>> -> memref<128x80xi32, #tpu.memory_space<hbm>>
      %dma_wait3A_153 = arith.constant 0 : i32
      %dma_wait3A_154 = arith.constant 0 : i32
      %dma_wait3A_155 = tpu.memref_slice %arg3[%run_scoped3A, %add3A, %dma_wait3A_153, %dma_wait3A_154] : memref<2x32x128x80xi32, #tpu.memory_space<hbm>> -> memref<1x1x128x80xi32, #tpu.memory_space<hbm>>
      %dma_wait3A_156 = tpu.memref_squeeze %dma_wait3A_155 : memref<1x1x128x80xi32, #tpu.memory_space<hbm>> -> memref<128x80xi32, #tpu.memory_space<hbm>>
      tpu.wait_dma2 semaphore(%run_scoped3A_140 : memref<!tpu.dma_semaphore, #tpu.memory_space<semaphore_mem>>) src(%dma_wait3A_156 : memref<128x80xi32, #tpu.memory_space<hbm>>) dst(%arg6 : memref<128x80xi32, #tpu.memory_space<vmem>>)
      tpu.yield
    }) : () -> ()
    %run_scoped3A_1 = arith.constant 1 : i32
    "tpu.region"() ({
      %run_scoped3A_140 = tpu.sem_alloc : memref<!tpu.dma_semaphore, #tpu.memory_space<semaphore_mem>>
      %dma_start3A_141 = arith.constant 0 : i32
      %dma_start3A_142 = arith.constant 0 : i32
      %dma_start3A_143 = tpu.memref_slice %arg3[%run_scoped3A_1, %add3A, %dma_start3A_141, %dma_start3A_142] : memref<2x32x128x80xi32, #tpu.memory_space<hbm>> -> memref<1x1x128x80xi32, #tpu.memory_space<hbm>>
      %dma_start3A_144 = tpu.memref_squeeze %dma_start3A_143 : memref<1x1x128x80xi32, #tpu.memory_space<hbm>> -> memref<128x80xi32, #tpu.memory_space<hbm>>
      %dma_start3A_145 = arith.constant 0 : i32
      %dma_start3A_146 = arith.constant 0 : i32
      %dma_start3A_147 = tpu.memref_slice %arg3[%run_scoped3A_1, %add3A, %dma_start3A_145, %dma_start3A_146] : memref<2x32x128x80xi32, #tpu.memory_space<hbm>> -> memref<1x1x128x80xi32, #tpu.memory_space<hbm>>
      %dma_start3A_148 = tpu.memref_squeeze %dma_start3A_147 : memref<1x1x128x80xi32, #tpu.memory_space<hbm>> -> memref<128x80xi32, #tpu.memory_space<hbm>>
      tpu.enqueue_dma source(%dma_start3A_148 : memref<128x80xi32, #tpu.memory_space<hbm>>) target(%arg7 : memref<128x80xi32, #tpu.memory_space<vmem>>) target_semaphore(%run_scoped3A_140 : memref<!tpu.dma_semaphore, #tpu.memory_space<semaphore_mem>>)
      %dma_wait3A_149 = arith.constant 0 : i32
      %dma_wait3A_150 = arith.constant 0 : i32
      %dma_wait3A_151 = tpu.memref_slice %arg3[%run_scoped3A_1, %add3A, %dma_wait3A_149, %dma_wait3A_150] : memref<2x32x128x80xi32, #tpu.memory_space<hbm>> -> memref<1x1x128x80xi32, #tpu.memory_space<hbm>>
      %dma_wait3A_152 = tpu.memref_squeeze %dma_wait3A_151 : memref<1x1x128x80xi32, #tpu.memory_space<hbm>> -> memref<128x80xi32, #tpu.memory_space<hbm>>
      %dma_wait3A_153 = arith.constant 0 : i32
      %dma_wait3A_154 = arith.constant 0 : i32
      %dma_wait3A_155 = tpu.memref_slice %arg3[%run_scoped3A_1, %add3A, %dma_wait3A_153, %dma_wait3A_154] : memref<2x32x128x80xi32, #tpu.memory_space<hbm>> -> memref<1x1x128x80xi32, #tpu.memory_space<hbm>>
      %dma_wait3A_156 = tpu.memref_squeeze %dma_wait3A_155 : memref<1x1x128x80xi32, #tpu.memory_space<hbm>> -> memref<128x80xi32, #tpu.memory_space<hbm>>
      tpu.wait_dma2 semaphore(%run_scoped3A_140 : memref<!tpu.dma_semaphore, #tpu.memory_space<semaphore_mem>>) src(%dma_wait3A_156 : memref<128x80xi32, #tpu.memory_space<hbm>>) dst(%arg7 : memref<128x80xi32, #tpu.memory_space<vmem>>)
      tpu.yield
    }) : () -> ()
    %mul3A_2 = arith.constant 632 : i32
    %mul3A_3 = arith.muli %arg1, %mul3A_2 : i32
    %mul3A_4 = arith.constant 632 : i32
    %mul3A_5 = arith.muli %arg1, %mul3A_4 : i32
    "tpu.region"() ({
      %run_scoped3A_140 = tpu.sem_alloc : memref<!tpu.dma_semaphore, #tpu.memory_space<semaphore_mem>>
      %dma_start3A_141 = arith.constant 0 : i32
      %dma_start3A_142 = tpu.memref_slice %arg9[%mul3A_5, %dma_start3A_141] : memref<10112x64xf32, #tpu.memory_space<vmem_shared>> -> memref<632x64xf32, #tpu.memory_space<vmem_shared>>
      %dma_start3A_143 = arith.constant 0 : i32
      %dma_start3A_144 = tpu.memref_slice %arg4[%mul3A_3, %dma_start3A_143] : memref<10112x64xf32, #tpu.memory_space<hbm>> -> memref<632x64xf32, #tpu.memory_space<hbm>>
      tpu.enqueue_dma source(%dma_start3A_144 : memref<632x64xf32, #tpu.memory_space<hbm>>) target(%dma_start3A_142 : memref<632x64xf32, #tpu.memory_space<vmem_shared>>) target_semaphore(%run_scoped3A_140 : memref<!tpu.dma_semaphore, #tpu.memory_space<semaphore_mem>>)
      %dma_wait3A_145 = arith.constant 0 : i32
      %dma_wait3A_146 = tpu.memref_slice %arg9[%mul3A_5, %dma_wait3A_145] : memref<10112x64xf32, #tpu.memory_space<vmem_shared>> -> memref<632x64xf32, #tpu.memory_space<vmem_shared>>
      %dma_wait3A_147 = arith.constant 0 : i32
      %dma_wait3A_148 = tpu.memref_slice %arg4[%mul3A_3, %dma_wait3A_147] : memref<10112x64xf32, #tpu.memory_space<hbm>> -> memref<632x64xf32, #tpu.memory_space<hbm>>
      tpu.wait_dma2 semaphore(%run_scoped3A_140 : memref<!tpu.dma_semaphore, #tpu.memory_space<semaphore_mem>>) src(%dma_wait3A_148 : memref<632x64xf32, #tpu.memory_space<hbm>>) dst(%dma_wait3A_146 : memref<632x64xf32, #tpu.memory_space<vmem_shared>>)
      tpu.yield
    }) : () -> ()
    %lt3A = arith.constant 15 : i32
    %lt3A_6 = arith.cmpi slt, %arg1, %lt3A : i32
    %convert_element_type3A = arith.extui %lt3A_6 : i1 to i32
    %cond3A = arith.constant 0 : i32
    %cond3A_7 = arith.cmpi ne, %convert_element_type3A, %cond3A : i32
    scf.if %cond3A_7 {
      %mul3A_140 = arith.constant 640 : i32
      %mul3A_141 = arith.muli %arg1, %mul3A_140 : i32
      %mul3A_142 = arith.constant 640 : i32
      %mul3A_143 = arith.muli %arg1, %mul3A_142 : i32
      "tpu.region"() ({
        %run_scoped3A_144 = tpu.sem_alloc : memref<!tpu.dma_semaphore, #tpu.memory_space<semaphore_mem>>
        %dma_start3A_145 = arith.constant 0 : i32
        %dma_start3A_146 = tpu.memref_slice %arg10[%mul3A_143, %dma_start3A_145] : memref<10000x64xf32, #tpu.memory_space<vmem_shared>> -> memref<640x64xf32, #tpu.memory_space<vmem_shared>>
        %dma_start3A_147 = arith.constant 0 : i32
        %dma_start3A_148 = tpu.memref_slice %arg2[%mul3A_141, %dma_start3A_147] : memref<10000x64xf32, #tpu.memory_space<hbm>> -> memref<640x64xf32, #tpu.memory_space<hbm>>
        tpu.enqueue_dma source(%dma_start3A_148 : memref<640x64xf32, #tpu.memory_space<hbm>>) target(%dma_start3A_146 : memref<640x64xf32, #tpu.memory_space<vmem_shared>>) target_semaphore(%run_scoped3A_144 : memref<!tpu.dma_semaphore, #tpu.memory_space<semaphore_mem>>)
        %dma_wait3A_149 = arith.constant 0 : i32
        %dma_wait3A_150 = tpu.memref_slice %arg10[%mul3A_143, %dma_wait3A_149] : memref<10000x64xf32, #tpu.memory_space<vmem_shared>> -> memref<640x64xf32, #tpu.memory_space<vmem_shared>>
        %dma_wait3A_151 = arith.constant 0 : i32
        %dma_wait3A_152 = tpu.memref_slice %arg2[%mul3A_141, %dma_wait3A_151] : memref<10000x64xf32, #tpu.memory_space<hbm>> -> memref<640x64xf32, #tpu.memory_space<hbm>>
        tpu.wait_dma2 semaphore(%run_scoped3A_144 : memref<!tpu.dma_semaphore, #tpu.memory_space<semaphore_mem>>) src(%dma_wait3A_152 : memref<640x64xf32, #tpu.memory_space<hbm>>) dst(%dma_wait3A_150 : memref<640x64xf32, #tpu.memory_space<vmem_shared>>)
        tpu.yield
      }) : () -> ()
    } else {
    }
    %eq3A = arith.constant 15 : i32
    %eq3A_8 = arith.cmpi eq, %arg1, %eq3A : i32
    %convert_element_type3A_9 = arith.extui %eq3A_8 : i1 to i32
    %cond3A_10 = arith.constant 0 : i32
    %cond3A_11 = arith.cmpi ne, %convert_element_type3A_9, %cond3A_10 : i32
    scf.if %cond3A_11 {
      "tpu.region"() ({
        %run_scoped3A_140 = tpu.sem_alloc : memref<!tpu.dma_semaphore, #tpu.memory_space<semaphore_mem>>
        %dma_start3A_141 = arith.constant 9600 : i32
        %dma_start3A_142 = arith.constant 0 : i32
        %dma_start3A_143 = tpu.memref_slice %arg10[%dma_start3A_141, %dma_start3A_142] : memref<10000x64xf32, #tpu.memory_space<vmem_shared>> -> memref<400x64xf32, #tpu.memory_space<vmem_shared>>
        %dma_start3A_144 = arith.constant 9600 : i32
        %dma_start3A_145 = arith.constant 0 : i32
        %dma_start3A_146 = tpu.memref_slice %arg2[%dma_start3A_144, %dma_start3A_145] : memref<10000x64xf32, #tpu.memory_space<hbm>> -> memref<400x64xf32, #tpu.memory_space<hbm>>
        tpu.enqueue_dma source(%dma_start3A_146 : memref<400x64xf32, #tpu.memory_space<hbm>>) target(%dma_start3A_143 : memref<400x64xf32, #tpu.memory_space<vmem_shared>>) target_semaphore(%run_scoped3A_140 : memref<!tpu.dma_semaphore, #tpu.memory_space<semaphore_mem>>)
        %dma_wait3A_147 = arith.constant 9600 : i32
        %dma_wait3A_148 = arith.constant 0 : i32
        %dma_wait3A_149 = tpu.memref_slice %arg10[%dma_wait3A_147, %dma_wait3A_148] : memref<10000x64xf32, #tpu.memory_space<vmem_shared>> -> memref<400x64xf32, #tpu.memory_space<vmem_shared>>
        %dma_wait3A_150 = arith.constant 9600 : i32
        %dma_wait3A_151 = arith.constant 0 : i32
        %dma_wait3A_152 = tpu.memref_slice %arg2[%dma_wait3A_150, %dma_wait3A_151] : memref<10000x64xf32, #tpu.memory_space<hbm>> -> memref<400x64xf32, #tpu.memory_space<hbm>>
        tpu.wait_dma2 semaphore(%run_scoped3A_140 : memref<!tpu.dma_semaphore, #tpu.memory_space<semaphore_mem>>) src(%dma_wait3A_152 : memref<400x64xf32, #tpu.memory_space<hbm>>) dst(%dma_wait3A_149 : memref<400x64xf32, #tpu.memory_space<vmem_shared>>)
        tpu.yield
      }) : () -> ()
    } else {
    }
    %barrier3A = arith.constant 0 : index
    tpu.barrier barrier_id(%barrier3A)
    %dma_start3A = arith.constant 0 : i32
    %dma_start3A_12 = arith.constant 0 : i32
    %dma_start3A_13 = arith.constant 0 : i32
    %dma_start3A_14 = arith.constant 0 : i32
    %dma_start3A_15 = arith.constant 0 : i32
    %dma_start3A_16 = tpu.memref_slice %arg8[%dma_start3A_12, %dma_start3A_14, %dma_start3A_15] : memref<4x80x64xf32, #tpu.memory_space<vmem>> -> memref<1x80x64xf32, #tpu.memory_space<vmem>>
    %dma_start3A_17 = tpu.memref_squeeze %dma_start3A_16 : memref<1x80x64xf32, #tpu.memory_space<vmem>> -> memref<80x64xf32, #tpu.memory_space<vmem>>
    %dma_start3A_18 = arith.constant 0 : i32
    %dma_start3A_19 = tpu.memref_slice %arg6[%dma_start3A, %dma_start3A_18] : memref<128x80xi32, #tpu.memory_space<vmem>> -> memref<1x80xi32, #tpu.memory_space<vmem>>
    %dma_start3A_20 = tpu.memref_squeeze %dma_start3A_19 : memref<1x80xi32, #tpu.memory_space<vmem>> -> memref<80xi32, #tpu.memory_space<vmem>>
    %dma_start3A_21 = arith.constant 0 : i32
    %dma_start3A_22 = arith.constant 0 : i32
    %dma_start3A_23 = tpu.memref_slice %arg2[%dma_start3A_21, %dma_start3A_22] : memref<10000x64xf32, #tpu.memory_space<hbm>> -> memref<10000x64xf32, #tpu.memory_space<hbm>>
    %dma_start3A_24 = tpu.memref_slice %arg11[%dma_start3A_13] : memref<4x!tpu.dma_semaphore, #tpu.memory_space<semaphore_mem>> -> memref<1x!tpu.dma_semaphore, #tpu.memory_space<semaphore_mem>>
    %dma_start3A_25 = tpu.memref_squeeze %dma_start3A_24 : memref<1x!tpu.dma_semaphore, #tpu.memory_space<semaphore_mem>> -> memref<!tpu.dma_semaphore, #tpu.memory_space<semaphore_mem>>
    tpu.enqueue_indirect_dma source(%dma_start3A_23 : memref<10000x64xf32, #tpu.memory_space<hbm>>) target(%dma_start3A_17 : memref<80x64xf32, #tpu.memory_space<vmem>>) offsets(%dma_start3A_20 : memref<80xi32, #tpu.memory_space<vmem>>) semaphore(%dma_start3A_25 : memref<!tpu.dma_semaphore, #tpu.memory_space<semaphore_mem>>)
    %dma_start3A_26 = arith.constant 1 : i32
    %dma_start3A_27 = arith.constant 1 : i32
    %dma_start3A_28 = arith.constant 1 : i32
    %dma_start3A_29 = arith.constant 0 : i32
    %dma_start3A_30 = arith.constant 0 : i32
    %dma_start3A_31 = tpu.memref_slice %arg8[%dma_start3A_27, %dma_start3A_29, %dma_start3A_30] : memref<4x80x64xf32, #tpu.memory_space<vmem>> -> memref<1x80x64xf32, #tpu.memory_space<vmem>>
    %dma_start3A_32 = tpu.memref_squeeze %dma_start3A_31 : memref<1x80x64xf32, #tpu.memory_space<vmem>> -> memref<80x64xf32, #tpu.memory_space<vmem>>
    %dma_start3A_33 = arith.constant 0 : i32
    %dma_start3A_34 = tpu.memref_slice %arg6[%dma_start3A_26, %dma_start3A_33] : memref<128x80xi32, #tpu.memory_space<vmem>> -> memref<1x80xi32, #tpu.memory_space<vmem>>
    %dma_start3A_35 = tpu.memref_squeeze %dma_start3A_34 : memref<1x80xi32, #tpu.memory_space<vmem>> -> memref<80xi32, #tpu.memory_space<vmem>>
    %dma_start3A_36 = arith.constant 0 : i32
    %dma_start3A_37 = arith.constant 0 : i32
    %dma_start3A_38 = tpu.memref_slice %arg2[%dma_start3A_36, %dma_start3A_37] : memref<10000x64xf32, #tpu.memory_space<hbm>> -> memref<10000x64xf32, #tpu.memory_space<hbm>>
    %dma_start3A_39 = tpu.memref_slice %arg11[%dma_start3A_28] : memref<4x!tpu.dma_semaphore, #tpu.memory_space<semaphore_mem>> -> memref<1x!tpu.dma_semaphore, #tpu.memory_space<semaphore_mem>>
    %dma_start3A_40 = tpu.memref_squeeze %dma_start3A_39 : memref<1x!tpu.dma_semaphore, #tpu.memory_space<semaphore_mem>> -> memref<!tpu.dma_semaphore, #tpu.memory_space<semaphore_mem>>
    tpu.enqueue_indirect_dma source(%dma_start3A_38 : memref<10000x64xf32, #tpu.memory_space<hbm>>) target(%dma_start3A_32 : memref<80x64xf32, #tpu.memory_space<vmem>>) offsets(%dma_start3A_35 : memref<80xi32, #tpu.memory_space<vmem>>) semaphore(%dma_start3A_40 : memref<!tpu.dma_semaphore, #tpu.memory_space<semaphore_mem>>)
    %dma_start3A_41 = arith.constant 2 : i32
    %dma_start3A_42 = arith.constant 2 : i32
    %dma_start3A_43 = arith.constant 2 : i32
    %dma_start3A_44 = arith.constant 0 : i32
    %dma_start3A_45 = arith.constant 0 : i32
    %dma_start3A_46 = tpu.memref_slice %arg8[%dma_start3A_42, %dma_start3A_44, %dma_start3A_45] : memref<4x80x64xf32, #tpu.memory_space<vmem>> -> memref<1x80x64xf32, #tpu.memory_space<vmem>>
    %dma_start3A_47 = tpu.memref_squeeze %dma_start3A_46 : memref<1x80x64xf32, #tpu.memory_space<vmem>> -> memref<80x64xf32, #tpu.memory_space<vmem>>
    %dma_start3A_48 = arith.constant 0 : i32
    %dma_start3A_49 = tpu.memref_slice %arg6[%dma_start3A_41, %dma_start3A_48] : memref<128x80xi32, #tpu.memory_space<vmem>> -> memref<1x80xi32, #tpu.memory_space<vmem>>
    %dma_start3A_50 = tpu.memref_squeeze %dma_start3A_49 : memref<1x80xi32, #tpu.memory_space<vmem>> -> memref<80xi32, #tpu.memory_space<vmem>>
    %dma_start3A_51 = arith.constant 0 : i32
    %dma_start3A_52 = arith.constant 0 : i32
    %dma_start3A_53 = tpu.memref_slice %arg2[%dma_start3A_51, %dma_start3A_52] : memref<10000x64xf32, #tpu.memory_space<hbm>> -> memref<10000x64xf32, #tpu.memory_space<hbm>>
    %dma_start3A_54 = tpu.memref_slice %arg11[%dma_start3A_43] : memref<4x!tpu.dma_semaphore, #tpu.memory_space<semaphore_mem>> -> memref<1x!tpu.dma_semaphore, #tpu.memory_space<semaphore_mem>>
    %dma_start3A_55 = tpu.memref_squeeze %dma_start3A_54 : memref<1x!tpu.dma_semaphore, #tpu.memory_space<semaphore_mem>> -> memref<!tpu.dma_semaphore, #tpu.memory_space<semaphore_mem>>
    tpu.enqueue_indirect_dma source(%dma_start3A_53 : memref<10000x64xf32, #tpu.memory_space<hbm>>) target(%dma_start3A_47 : memref<80x64xf32, #tpu.memory_space<vmem>>) offsets(%dma_start3A_50 : memref<80xi32, #tpu.memory_space<vmem>>) semaphore(%dma_start3A_55 : memref<!tpu.dma_semaphore, #tpu.memory_space<semaphore_mem>>)
    %dma_start3A_56 = arith.constant 3 : i32
    %dma_start3A_57 = arith.constant 3 : i32
    %dma_start3A_58 = arith.constant 3 : i32
    %dma_start3A_59 = arith.constant 0 : i32
    %dma_start3A_60 = arith.constant 0 : i32
    %dma_start3A_61 = tpu.memref_slice %arg8[%dma_start3A_57, %dma_start3A_59, %dma_start3A_60] : memref<4x80x64xf32, #tpu.memory_space<vmem>> -> memref<1x80x64xf32, #tpu.memory_space<vmem>>
    %dma_start3A_62 = tpu.memref_squeeze %dma_start3A_61 : memref<1x80x64xf32, #tpu.memory_space<vmem>> -> memref<80x64xf32, #tpu.memory_space<vmem>>
    %dma_start3A_63 = arith.constant 0 : i32
    %dma_start3A_64 = tpu.memref_slice %arg6[%dma_start3A_56, %dma_start3A_63] : memref<128x80xi32, #tpu.memory_space<vmem>> -> memref<1x80xi32, #tpu.memory_space<vmem>>
    %dma_start3A_65 = tpu.memref_squeeze %dma_start3A_64 : memref<1x80xi32, #tpu.memory_space<vmem>> -> memref<80xi32, #tpu.memory_space<vmem>>
    %dma_start3A_66 = arith.constant 0 : i32
    %dma_start3A_67 = arith.constant 0 : i32
    %dma_start3A_68 = tpu.memref_slice %arg2[%dma_start3A_66, %dma_start3A_67] : memref<10000x64xf32, #tpu.memory_space<hbm>> -> memref<10000x64xf32, #tpu.memory_space<hbm>>
    %dma_start3A_69 = tpu.memref_slice %arg11[%dma_start3A_58] : memref<4x!tpu.dma_semaphore, #tpu.memory_space<semaphore_mem>> -> memref<1x!tpu.dma_semaphore, #tpu.memory_space<semaphore_mem>>
    %dma_start3A_70 = tpu.memref_squeeze %dma_start3A_69 : memref<1x!tpu.dma_semaphore, #tpu.memory_space<semaphore_mem>> -> memref<!tpu.dma_semaphore, #tpu.memory_space<semaphore_mem>>
    tpu.enqueue_indirect_dma source(%dma_start3A_68 : memref<10000x64xf32, #tpu.memory_space<hbm>>) target(%dma_start3A_62 : memref<80x64xf32, #tpu.memory_space<vmem>>) offsets(%dma_start3A_65 : memref<80xi32, #tpu.memory_space<vmem>>) semaphore(%dma_start3A_70 : memref<!tpu.dma_semaphore, #tpu.memory_space<semaphore_mem>>)
    %scan3A = arith.constant 0 : i32
    %scan3A_71 = arith.constant 0 : i32
    %scan3A_72 = arith.constant 16 : i32
    %scan3A_73 = arith.addi %scan3A_71, %scan3A_72 : i32
    %scan3A_74 = arith.constant 1 : i32
    scf.for %scan3A_140 = %scan3A_71 to %scan3A_73 step %scan3A_74  : i32 {
      %mul3A_141 = arith.constant 8 : i32
      %mul3A_142 = arith.muli %scan3A_140, %mul3A_141 : i32
      %add3A_143 = arith.constant 0 : i32
      %add3A_144 = arith.addi %mul3A_142, %add3A_143 : i32
      %sub3A = arith.constant 1 : i32
      %sub3A_145 = arith.subi %add3A_144, %sub3A : i32
      %dma_wait3A_146 = arith.constant 0 : i32
      %dma_wait3A_147 = arith.constant 0 : i32
      %dma_wait3A_148 = arith.constant 0 : i32
      %dma_wait3A_149 = arith.constant 0 : i32
      %dma_wait3A_150 = tpu.memref_slice %arg8[%dma_wait3A_146, %dma_wait3A_148, %dma_wait3A_149] : memref<4x80x64xf32, #tpu.memory_space<vmem>> -> memref<1x80x64xf32, #tpu.memory_space<vmem>>
      %dma_wait3A_151 = tpu.memref_squeeze %dma_wait3A_150 : memref<1x80x64xf32, #tpu.memory_space<vmem>> -> memref<80x64xf32, #tpu.memory_space<vmem>>
      %dma_wait3A_152 = arith.constant 0 : i32
      %dma_wait3A_153 = tpu.memref_slice %arg6[%add3A_144, %dma_wait3A_152] : memref<128x80xi32, #tpu.memory_space<vmem>> -> memref<1x80xi32, #tpu.memory_space<vmem>>
      %dma_wait3A_154 = tpu.memref_squeeze %dma_wait3A_153 : memref<1x80xi32, #tpu.memory_space<vmem>> -> memref<80xi32, #tpu.memory_space<vmem>>
      %dma_wait3A_155 = arith.constant 0 : i32
      %dma_wait3A_156 = arith.constant 0 : i32
      %dma_wait3A_157 = tpu.memref_slice %arg2[%dma_wait3A_155, %dma_wait3A_156] : memref<10000x64xf32, #tpu.memory_space<hbm>> -> memref<10000x64xf32, #tpu.memory_space<hbm>>
      %dma_wait3A_158 = tpu.memref_slice %arg11[%dma_wait3A_147] : memref<4x!tpu.dma_semaphore, #tpu.memory_space<semaphore_mem>> -> memref<1x!tpu.dma_semaphore, #tpu.memory_space<semaphore_mem>>
      %dma_wait3A_159 = tpu.memref_squeeze %dma_wait3A_158 : memref<1x!tpu.dma_semaphore, #tpu.memory_space<semaphore_mem>> -> memref<!tpu.dma_semaphore, #tpu.memory_space<semaphore_mem>>
      tpu.wait_indirect_dma semaphore(%dma_wait3A_159 : memref<!tpu.dma_semaphore, #tpu.memory_space<semaphore_mem>>) src(%dma_wait3A_157 : memref<10000x64xf32, #tpu.memory_space<hbm>>) dst(%dma_wait3A_151 : memref<80x64xf32, #tpu.memory_space<vmem>>)
      %dma_start3A_160 = arith.constant 0 : i32
      %dma_start3A_161 = arith.constant 0 : i32
      %dma_start3A_162 = arith.constant 0 : i32
      %dma_start3A_163 = arith.constant 0 : i32
      %dma_start3A_164 = tpu.memref_slice %arg8[%dma_start3A_160, %dma_start3A_162, %dma_start3A_163] : memref<4x80x64xf32, #tpu.memory_space<vmem>> -> memref<1x80x64xf32, #tpu.memory_space<vmem>>
      %dma_start3A_165 = tpu.memref_squeeze %dma_start3A_164 : memref<1x80x64xf32, #tpu.memory_space<vmem>> -> memref<80x64xf32, #tpu.memory_space<vmem>>
      %dma_start3A_166 = arith.constant 0 : i32
      %dma_start3A_167 = tpu.memref_slice %arg7[%add3A_144, %dma_start3A_166] : memref<128x80xi32, #tpu.memory_space<vmem>> -> memref<1x80xi32, #tpu.memory_space<vmem>>
      %dma_start3A_168 = tpu.memref_squeeze %dma_start3A_167 : memref<1x80xi32, #tpu.memory_space<vmem>> -> memref<80xi32, #tpu.memory_space<vmem>>
      %dma_start3A_169 = arith.constant 0 : i32
      %dma_start3A_170 = arith.constant 0 : i32
      %dma_start3A_171 = tpu.memref_slice %arg9[%dma_start3A_169, %dma_start3A_170] : memref<10112x64xf32, #tpu.memory_space<vmem_shared>> -> memref<10112x64xf32, #tpu.memory_space<vmem_shared>>
      %dma_start3A_172 = tpu.memref_slice %arg12[%dma_start3A_161] : memref<4x!tpu.dma_semaphore, #tpu.memory_space<semaphore_mem>> -> memref<1x!tpu.dma_semaphore, #tpu.memory_space<semaphore_mem>>
      %dma_start3A_173 = tpu.memref_squeeze %dma_start3A_172 : memref<1x!tpu.dma_semaphore, #tpu.memory_space<semaphore_mem>> -> memref<!tpu.dma_semaphore, #tpu.memory_space<semaphore_mem>>
      tpu.enqueue_indirect_dma source(%dma_start3A_165 : memref<80x64xf32, #tpu.memory_space<vmem>>) target(%dma_start3A_171 : memref<10112x64xf32, #tpu.memory_space<vmem_shared>>) offsets(%dma_start3A_168 : memref<80xi32, #tpu.memory_space<vmem>>) semaphore(%dma_start3A_173 : memref<!tpu.dma_semaphore, #tpu.memory_space<semaphore_mem>>) {add = true}
      %ge3A = arith.constant 0 : i32
      %ge3A_174 = arith.cmpi sge, %sub3A_145, %ge3A : i32
      %add3A_175 = arith.constant 4 : i32
      %add3A_176 = arith.addi %sub3A_145, %add3A_175 : i32
      %lt3A_177 = arith.constant 128 : i32
      %lt3A_178 = arith.cmpi slt, %add3A_176, %lt3A_177 : i32
      %and3A = arith.andi %ge3A_174, %lt3A_178 : i1
      %convert_element_type3A_179 = arith.extui %and3A : i1 to i32
      %cond3A_180 = arith.constant 0 : i32
      %cond3A_181 = arith.cmpi ne, %convert_element_type3A_179, %cond3A_180 : i32
      scf.if %cond3A_181 {
        %dma_wait3A_490 = arith.constant 3 : i32
        %dma_wait3A_491 = arith.constant 3 : i32
        %dma_wait3A_492 = arith.constant 0 : i32
        %dma_wait3A_493 = arith.constant 0 : i32
        %dma_wait3A_494 = tpu.memref_slice %arg8[%dma_wait3A_490, %dma_wait3A_492, %dma_wait3A_493] : memref<4x80x64xf32, #tpu.memory_space<vmem>> -> memref<1x80x64xf32, #tpu.memory_space<vmem>>
        %dma_wait3A_495 = tpu.memref_squeeze %dma_wait3A_494 : memref<1x80x64xf32, #tpu.memory_space<vmem>> -> memref<80x64xf32, #tpu.memory_space<vmem>>
        %dma_wait3A_496 = arith.constant 0 : i32
        %dma_wait3A_497 = tpu.memref_slice %arg7[%sub3A_145, %dma_wait3A_496] : memref<128x80xi32, #tpu.memory_space<vmem>> -> memref<1x80xi32, #tpu.memory_space<vmem>>
        %dma_wait3A_498 = tpu.memref_squeeze %dma_wait3A_497 : memref<1x80xi32, #tpu.memory_space<vmem>> -> memref<80xi32, #tpu.memory_space<vmem>>
        %dma_wait3A_499 = arith.constant 0 : i32
        %dma_wait3A_500 = arith.constant 0 : i32
        %dma_wait3A_501 = tpu.memref_slice %arg9[%dma_wait3A_499, %dma_wait3A_500] : memref<10112x64xf32, #tpu.memory_space<vmem_shared>> -> memref<10112x64xf32, #tpu.memory_space<vmem_shared>>
        %dma_wait3A_502 = tpu.memref_slice %arg12[%dma_wait3A_491] : memref<4x!tpu.dma_semaphore, #tpu.memory_space<semaphore_mem>> -> memref<1x!tpu.dma_semaphore, #tpu.memory_space<semaphore_mem>>
        %dma_wait3A_503 = tpu.memref_squeeze %dma_wait3A_502 : memref<1x!tpu.dma_semaphore, #tpu.memory_space<semaphore_mem>> -> memref<!tpu.dma_semaphore, #tpu.memory_space<semaphore_mem>>
        tpu.wait_indirect_dma semaphore(%dma_wait3A_503 : memref<!tpu.dma_semaphore, #tpu.memory_space<semaphore_mem>>) src(%dma_wait3A_495 : memref<80x64xf32, #tpu.memory_space<vmem>>) dst(%dma_wait3A_501 : memref<10112x64xf32, #tpu.memory_space<vmem_shared>>)
        %add3A_504 = arith.constant 4 : i32
        %add3A_505 = arith.addi %sub3A_145, %add3A_504 : i32
        %dma_start3A_506 = arith.constant 3 : i32
        %dma_start3A_507 = arith.constant 3 : i32
        %dma_start3A_508 = arith.constant 0 : i32
        %dma_start3A_509 = arith.constant 0 : i32
        %dma_start3A_510 = tpu.memref_slice %arg8[%dma_start3A_506, %dma_start3A_508, %dma_start3A_509] : memref<4x80x64xf32, #tpu.memory_space<vmem>> -> memref<1x80x64xf32, #tpu.memory_space<vmem>>
        %dma_start3A_511 = tpu.memref_squeeze %dma_start3A_510 : memref<1x80x64xf32, #tpu.memory_space<vmem>> -> memref<80x64xf32, #tpu.memory_space<vmem>>
        %dma_start3A_512 = arith.constant 0 : i32
        %dma_start3A_513 = tpu.memref_slice %arg6[%add3A_505, %dma_start3A_512] : memref<128x80xi32, #tpu.memory_space<vmem>> -> memref<1x80xi32, #tpu.memory_space<vmem>>
        %dma_start3A_514 = tpu.memref_squeeze %dma_start3A_513 : memref<1x80xi32, #tpu.memory_space<vmem>> -> memref<80xi32, #tpu.memory_space<vmem>>
        %dma_start3A_515 = arith.constant 0 : i32
        %dma_start3A_516 = arith.constant 0 : i32
        %dma_start3A_517 = tpu.memref_slice %arg2[%dma_start3A_515, %dma_start3A_516] : memref<10000x64xf32, #tpu.memory_space<hbm>> -> memref<10000x64xf32, #tpu.memory_space<hbm>>
        %dma_start3A_518 = tpu.memref_slice %arg11[%dma_start3A_507] : memref<4x!tpu.dma_semaphore, #tpu.memory_space<semaphore_mem>> -> memref<1x!tpu.dma_semaphore, #tpu.memory_space<semaphore_mem>>
        %dma_start3A_519 = tpu.memref_squeeze %dma_start3A_518 : memref<1x!tpu.dma_semaphore, #tpu.memory_space<semaphore_mem>> -> memref<!tpu.dma_semaphore, #tpu.memory_space<semaphore_mem>>
        tpu.enqueue_indirect_dma source(%dma_start3A_517 : memref<10000x64xf32, #tpu.memory_space<hbm>>) target(%dma_start3A_511 : memref<80x64xf32, #tpu.memory_space<vmem>>) offsets(%dma_start3A_514 : memref<80xi32, #tpu.memory_space<vmem>>) semaphore(%dma_start3A_519 : memref<!tpu.dma_semaphore, #tpu.memory_space<semaphore_mem>>)
      } else {
      }
      %mul3A_182 = arith.constant 8 : i32
      %mul3A_183 = arith.muli %scan3A_140, %mul3A_182 : i32
      %add3A_184 = arith.constant 1 : i32
      %add3A_185 = arith.addi %mul3A_183, %add3A_184 : i32
      %sub3A_186 = arith.constant 1 : i32
      %sub3A_187 = arith.subi %add3A_185, %sub3A_186 : i32
      %dma_wait3A_188 = arith.constant 1 : i32
      %dma_wait3A_189 = arith.constant 1 : i32
      %dma_wait3A_190 = arith.constant 0 : i32
      %dma_wait3A_191 = arith.constant 0 : i32
      %dma_wait3A_192 = tpu.memref_slice %arg8[%dma_wait3A_188, %dma_wait3A_190, %dma_wait3A_191] : memref<4x80x64xf32, #tpu.memory_space<vmem>> -> memref<1x80x64xf32, #tpu.memory_space<vmem>>
      %dma_wait3A_193 = tpu.memref_squeeze %dma_wait3A_192 : memref<1x80x64xf32, #tpu.memory_space<vmem>> -> memref<80x64xf32, #tpu.memory_space<vmem>>
      %dma_wait3A_194 = arith.constant 0 : i32
      %dma_wait3A_195 = tpu.memref_slice %arg6[%add3A_185, %dma_wait3A_194] : memref<128x80xi32, #tpu.memory_space<vmem>> -> memref<1x80xi32, #tpu.memory_space<vmem>>
      %dma_wait3A_196 = tpu.memref_squeeze %dma_wait3A_195 : memref<1x80xi32, #tpu.memory_space<vmem>> -> memref<80xi32, #tpu.memory_space<vmem>>
      %dma_wait3A_197 = arith.constant 0 : i32
      %dma_wait3A_198 = arith.constant 0 : i32
      %dma_wait3A_199 = tpu.memref_slice %arg2[%dma_wait3A_197, %dma_wait3A_198] : memref<10000x64xf32, #tpu.memory_space<hbm>> -> memref<10000x64xf32, #tpu.memory_space<hbm>>
      %dma_wait3A_200 = tpu.memref_slice %arg11[%dma_wait3A_189] : memref<4x!tpu.dma_semaphore, #tpu.memory_space<semaphore_mem>> -> memref<1x!tpu.dma_semaphore, #tpu.memory_space<semaphore_mem>>
      %dma_wait3A_201 = tpu.memref_squeeze %dma_wait3A_200 : memref<1x!tpu.dma_semaphore, #tpu.memory_space<semaphore_mem>> -> memref<!tpu.dma_semaphore, #tpu.memory_space<semaphore_mem>>
      tpu.wait_indirect_dma semaphore(%dma_wait3A_201 : memref<!tpu.dma_semaphore, #tpu.memory_space<semaphore_mem>>) src(%dma_wait3A_199 : memref<10000x64xf32, #tpu.memory_space<hbm>>) dst(%dma_wait3A_193 : memref<80x64xf32, #tpu.memory_space<vmem>>)
      %dma_start3A_202 = arith.constant 1 : i32
      %dma_start3A_203 = arith.constant 1 : i32
      %dma_start3A_204 = arith.constant 0 : i32
      %dma_start3A_205 = arith.constant 0 : i32
      %dma_start3A_206 = tpu.memref_slice %arg8[%dma_start3A_202, %dma_start3A_204, %dma_start3A_205] : memref<4x80x64xf32, #tpu.memory_space<vmem>> -> memref<1x80x64xf32, #tpu.memory_space<vmem>>
      %dma_start3A_207 = tpu.memref_squeeze %dma_start3A_206 : memref<1x80x64xf32, #tpu.memory_space<vmem>> -> memref<80x64xf32, #tpu.memory_space<vmem>>
      %dma_start3A_208 = arith.constant 0 : i32
      %dma_start3A_209 = tpu.memref_slice %arg7[%add3A_185, %dma_start3A_208] : memref<128x80xi32, #tpu.memory_space<vmem>> -> memref<1x80xi32, #tpu.memory_space<vmem>>
      %dma_start3A_210 = tpu.memref_squeeze %dma_start3A_209 : memref<1x80xi32, #tpu.memory_space<vmem>> -> memref<80xi32, #tpu.memory_space<vmem>>
      %dma_start3A_211 = arith.constant 0 : i32
      %dma_start3A_212 = arith.constant 0 : i32
      %dma_start3A_213 = tpu.memref_slice %arg9[%dma_start3A_211, %dma_start3A_212] : memref<10112x64xf32, #tpu.memory_space<vmem_shared>> -> memref<10112x64xf32, #tpu.memory_space<vmem_shared>>
      %dma_start3A_214 = tpu.memref_slice %arg12[%dma_start3A_203] : memref<4x!tpu.dma_semaphore, #tpu.memory_space<semaphore_mem>> -> memref<1x!tpu.dma_semaphore, #tpu.memory_space<semaphore_mem>>
      %dma_start3A_215 = tpu.memref_squeeze %dma_start3A_214 : memref<1x!tpu.dma_semaphore, #tpu.memory_space<semaphore_mem>> -> memref<!tpu.dma_semaphore, #tpu.memory_space<semaphore_mem>>
      tpu.enqueue_indirect_dma source(%dma_start3A_207 : memref<80x64xf32, #tpu.memory_space<vmem>>) target(%dma_start3A_213 : memref<10112x64xf32, #tpu.memory_space<vmem_shared>>) offsets(%dma_start3A_210 : memref<80xi32, #tpu.memory_space<vmem>>) semaphore(%dma_start3A_215 : memref<!tpu.dma_semaphore, #tpu.memory_space<semaphore_mem>>) {add = true}
      %ge3A_216 = arith.constant 0 : i32
      %ge3A_217 = arith.cmpi sge, %sub3A_187, %ge3A_216 : i32
      %add3A_218 = arith.constant 4 : i32
      %add3A_219 = arith.addi %sub3A_187, %add3A_218 : i32
      %lt3A_220 = arith.constant 128 : i32
      %lt3A_221 = arith.cmpi slt, %add3A_219, %lt3A_220 : i32
      %and3A_222 = arith.andi %ge3A_217, %lt3A_221 : i1
      %convert_element_type3A_223 = arith.extui %and3A_222 : i1 to i32
      %cond3A_224 = arith.constant 0 : i32
      %cond3A_225 = arith.cmpi ne, %convert_element_type3A_223, %cond3A_224 : i32
      scf.if %cond3A_225 {
        %dma_wait3A_490 = arith.constant 0 : i32
        %dma_wait3A_491 = arith.constant 0 : i32
        %dma_wait3A_492 = arith.constant 0 : i32
        %dma_wait3A_493 = arith.constant 0 : i32
        %dma_wait3A_494 = tpu.memref_slice %arg8[%dma_wait3A_490, %dma_wait3A_492, %dma_wait3A_493] : memref<4x80x64xf32, #tpu.memory_space<vmem>> -> memref<1x80x64xf32, #tpu.memory_space<vmem>>
        %dma_wait3A_495 = tpu.memref_squeeze %dma_wait3A_494 : memref<1x80x64xf32, #tpu.memory_space<vmem>> -> memref<80x64xf32, #tpu.memory_space<vmem>>
        %dma_wait3A_496 = arith.constant 0 : i32
        %dma_wait3A_497 = tpu.memref_slice %arg7[%sub3A_187, %dma_wait3A_496] : memref<128x80xi32, #tpu.memory_space<vmem>> -> memref<1x80xi32, #tpu.memory_space<vmem>>
        %dma_wait3A_498 = tpu.memref_squeeze %dma_wait3A_497 : memref<1x80xi32, #tpu.memory_space<vmem>> -> memref<80xi32, #tpu.memory_space<vmem>>
        %dma_wait3A_499 = arith.constant 0 : i32
        %dma_wait3A_500 = arith.constant 0 : i32
        %dma_wait3A_501 = tpu.memref_slice %arg9[%dma_wait3A_499, %dma_wait3A_500] : memref<10112x64xf32, #tpu.memory_space<vmem_shared>> -> memref<10112x64xf32, #tpu.memory_space<vmem_shared>>
        %dma_wait3A_502 = tpu.memref_slice %arg12[%dma_wait3A_491] : memref<4x!tpu.dma_semaphore, #tpu.memory_space<semaphore_mem>> -> memref<1x!tpu.dma_semaphore, #tpu.memory_space<semaphore_mem>>
        %dma_wait3A_503 = tpu.memref_squeeze %dma_wait3A_502 : memref<1x!tpu.dma_semaphore, #tpu.memory_space<semaphore_mem>> -> memref<!tpu.dma_semaphore, #tpu.memory_space<semaphore_mem>>
        tpu.wait_indirect_dma semaphore(%dma_wait3A_503 : memref<!tpu.dma_semaphore, #tpu.memory_space<semaphore_mem>>) src(%dma_wait3A_495 : memref<80x64xf32, #tpu.memory_space<vmem>>) dst(%dma_wait3A_501 : memref<10112x64xf32, #tpu.memory_space<vmem_shared>>)
        %add3A_504 = arith.constant 4 : i32
        %add3A_505 = arith.addi %sub3A_187, %add3A_504 : i32
        %dma_start3A_506 = arith.constant 0 : i32
        %dma_start3A_507 = arith.constant 0 : i32
        %dma_start3A_508 = arith.constant 0 : i32
        %dma_start3A_509 = arith.constant 0 : i32
        %dma_start3A_510 = tpu.memref_slice %arg8[%dma_start3A_506, %dma_start3A_508, %dma_start3A_509] : memref<4x80x64xf32, #tpu.memory_space<vmem>> -> memref<1x80x64xf32, #tpu.memory_space<vmem>>
        %dma_start3A_511 = tpu.memref_squeeze %dma_start3A_510 : memref<1x80x64xf32, #tpu.memory_space<vmem>> -> memref<80x64xf32, #tpu.memory_space<vmem>>
        %dma_start3A_512 = arith.constant 0 : i32
        %dma_start3A_513 = tpu.memref_slice %arg6[%add3A_505, %dma_start3A_512] : memref<128x80xi32, #tpu.memory_space<vmem>> -> memref<1x80xi32, #tpu.memory_space<vmem>>
        %dma_start3A_514 = tpu.memref_squeeze %dma_start3A_513 : memref<1x80xi32, #tpu.memory_space<vmem>> -> memref<80xi32, #tpu.memory_space<vmem>>
        %dma_start3A_515 = arith.constant 0 : i32
        %dma_start3A_516 = arith.constant 0 : i32
        %dma_start3A_517 = tpu.memref_slice %arg2[%dma_start3A_515, %dma_start3A_516] : memref<10000x64xf32, #tpu.memory_space<hbm>> -> memref<10000x64xf32, #tpu.memory_space<hbm>>
        %dma_start3A_518 = tpu.memref_slice %arg11[%dma_start3A_507] : memref<4x!tpu.dma_semaphore, #tpu.memory_space<semaphore_mem>> -> memref<1x!tpu.dma_semaphore, #tpu.memory_space<semaphore_mem>>
        %dma_start3A_519 = tpu.memref_squeeze %dma_start3A_518 : memref<1x!tpu.dma_semaphore, #tpu.memory_space<semaphore_mem>> -> memref<!tpu.dma_semaphore, #tpu.memory_space<semaphore_mem>>
        tpu.enqueue_indirect_dma source(%dma_start3A_517 : memref<10000x64xf32, #tpu.memory_space<hbm>>) target(%dma_start3A_511 : memref<80x64xf32, #tpu.memory_space<vmem>>) offsets(%dma_start3A_514 : memref<80xi32, #tpu.memory_space<vmem>>) semaphore(%dma_start3A_519 : memref<!tpu.dma_semaphore, #tpu.memory_space<semaphore_mem>>)
      } else {
      }
      %mul3A_226 = arith.constant 8 : i32
      %mul3A_227 = arith.muli %scan3A_140, %mul3A_226 : i32
      %add3A_228 = arith.constant 2 : i32
      %add3A_229 = arith.addi %mul3A_227, %add3A_228 : i32
      %sub3A_230 = arith.constant 1 : i32
      %sub3A_231 = arith.subi %add3A_229, %sub3A_230 : i32
      %dma_wait3A_232 = arith.constant 2 : i32
      %dma_wait3A_233 = arith.constant 2 : i32
      %dma_wait3A_234 = arith.constant 0 : i32
      %dma_wait3A_235 = arith.constant 0 : i32
      %dma_wait3A_236 = tpu.memref_slice %arg8[%dma_wait3A_232, %dma_wait3A_234, %dma_wait3A_235] : memref<4x80x64xf32, #tpu.memory_space<vmem>> -> memref<1x80x64xf32, #tpu.memory_space<vmem>>
      %dma_wait3A_237 = tpu.memref_squeeze %dma_wait3A_236 : memref<1x80x64xf32, #tpu.memory_space<vmem>> -> memref<80x64xf32, #tpu.memory_space<vmem>>
      %dma_wait3A_238 = arith.constant 0 : i32
      %dma_wait3A_239 = tpu.memref_slice %arg6[%add3A_229, %dma_wait3A_238] : memref<128x80xi32, #tpu.memory_space<vmem>> -> memref<1x80xi32, #tpu.memory_space<vmem>>
      %dma_wait3A_240 = tpu.memref_squeeze %dma_wait3A_239 : memref<1x80xi32, #tpu.memory_space<vmem>> -> memref<80xi32, #tpu.memory_space<vmem>>
      %dma_wait3A_241 = arith.constant 0 : i32
      %dma_wait3A_242 = arith.constant 0 : i32
      %dma_wait3A_243 = tpu.memref_slice %arg2[%dma_wait3A_241, %dma_wait3A_242] : memref<10000x64xf32, #tpu.memory_space<hbm>> -> memref<10000x64xf32, #tpu.memory_space<hbm>>
      %dma_wait3A_244 = tpu.memref_slice %arg11[%dma_wait3A_233] : memref<4x!tpu.dma_semaphore, #tpu.memory_space<semaphore_mem>> -> memref<1x!tpu.dma_semaphore, #tpu.memory_space<semaphore_mem>>
      %dma_wait3A_245 = tpu.memref_squeeze %dma_wait3A_244 : memref<1x!tpu.dma_semaphore, #tpu.memory_space<semaphore_mem>> -> memref<!tpu.dma_semaphore, #tpu.memory_space<semaphore_mem>>
      tpu.wait_indirect_dma semaphore(%dma_wait3A_245 : memref<!tpu.dma_semaphore, #tpu.memory_space<semaphore_mem>>) src(%dma_wait3A_243 : memref<10000x64xf32, #tpu.memory_space<hbm>>) dst(%dma_wait3A_237 : memref<80x64xf32, #tpu.memory_space<vmem>>)
      %dma_start3A_246 = arith.constant 2 : i32
      %dma_start3A_247 = arith.constant 2 : i32
      %dma_start3A_248 = arith.constant 0 : i32
      %dma_start3A_249 = arith.constant 0 : i32
      %dma_start3A_250 = tpu.memref_slice %arg8[%dma_start3A_246, %dma_start3A_248, %dma_start3A_249] : memref<4x80x64xf32, #tpu.memory_space<vmem>> -> memref<1x80x64xf32, #tpu.memory_space<vmem>>
      %dma_start3A_251 = tpu.memref_squeeze %dma_start3A_250 : memref<1x80x64xf32, #tpu.memory_space<vmem>> -> memref<80x64xf32, #tpu.memory_space<vmem>>
      %dma_start3A_252 = arith.constant 0 : i32
      %dma_start3A_253 = tpu.memref_slice %arg7[%add3A_229, %dma_start3A_252] : memref<128x80xi32, #tpu.memory_space<vmem>> -> memref<1x80xi32, #tpu.memory_space<vmem>>
      %dma_start3A_254 = tpu.memref_squeeze %dma_start3A_253 : memref<1x80xi32, #tpu.memory_space<vmem>> -> memref<80xi32, #tpu.memory_space<vmem>>
      %dma_start3A_255 = arith.constant 0 : i32
      %dma_start3A_256 = arith.constant 0 : i32
      %dma_start3A_257 = tpu.memref_slice %arg9[%dma_start3A_255, %dma_start3A_256] : memref<10112x64xf32, #tpu.memory_space<vmem_shared>> -> memref<10112x64xf32, #tpu.memory_space<vmem_shared>>
      %dma_start3A_258 = tpu.memref_slice %arg12[%dma_start3A_247] : memref<4x!tpu.dma_semaphore, #tpu.memory_space<semaphore_mem>> -> memref<1x!tpu.dma_semaphore, #tpu.memory_space<semaphore_mem>>
      %dma_start3A_259 = tpu.memref_squeeze %dma_start3A_258 : memref<1x!tpu.dma_semaphore, #tpu.memory_space<semaphore_mem>> -> memref<!tpu.dma_semaphore, #tpu.memory_space<semaphore_mem>>
      tpu.enqueue_indirect_dma source(%dma_start3A_251 : memref<80x64xf32, #tpu.memory_space<vmem>>) target(%dma_start3A_257 : memref<10112x64xf32, #tpu.memory_space<vmem_shared>>) offsets(%dma_start3A_254 : memref<80xi32, #tpu.memory_space<vmem>>) semaphore(%dma_start3A_259 : memref<!tpu.dma_semaphore, #tpu.memory_space<semaphore_mem>>) {add = true}
      %ge3A_260 = arith.constant 0 : i32
      %ge3A_261 = arith.cmpi sge, %sub3A_231, %ge3A_260 : i32
      %add3A_262 = arith.constant 4 : i32
      %add3A_263 = arith.addi %sub3A_231, %add3A_262 : i32
      %lt3A_264 = arith.constant 128 : i32
      %lt3A_265 = arith.cmpi slt, %add3A_263, %lt3A_264 : i32
      %and3A_266 = arith.andi %ge3A_261, %lt3A_265 : i1
      %convert_element_type3A_267 = arith.extui %and3A_266 : i1 to i32
      %cond3A_268 = arith.constant 0 : i32
      %cond3A_269 = arith.cmpi ne, %convert_element_type3A_267, %cond3A_268 : i32
      scf.if %cond3A_269 {
        %dma_wait3A_490 = arith.constant 1 : i32
        %dma_wait3A_491 = arith.constant 1 : i32
        %dma_wait3A_492 = arith.constant 0 : i32
        %dma_wait3A_493 = arith.constant 0 : i32
        %dma_wait3A_494 = tpu.memref_slice %arg8[%dma_wait3A_490, %dma_wait3A_492, %dma_wait3A_493] : memref<4x80x64xf32, #tpu.memory_space<vmem>> -> memref<1x80x64xf32, #tpu.memory_space<vmem>>
        %dma_wait3A_495 = tpu.memref_squeeze %dma_wait3A_494 : memref<1x80x64xf32, #tpu.memory_space<vmem>> -> memref<80x64xf32, #tpu.memory_space<vmem>>
        %dma_wait3A_496 = arith.constant 0 : i32
        %dma_wait3A_497 = tpu.memref_slice %arg7[%sub3A_231, %dma_wait3A_496] : memref<128x80xi32, #tpu.memory_space<vmem>> -> memref<1x80xi32, #tpu.memory_space<vmem>>
        %dma_wait3A_498 = tpu.memref_squeeze %dma_wait3A_497 : memref<1x80xi32, #tpu.memory_space<vmem>> -> memref<80xi32, #tpu.memory_space<vmem>>
        %dma_wait3A_499 = arith.constant 0 : i32
        %dma_wait3A_500 = arith.constant 0 : i32
        %dma_wait3A_501 = tpu.memref_slice %arg9[%dma_wait3A_499, %dma_wait3A_500] : memref<10112x64xf32, #tpu.memory_space<vmem_shared>> -> memref<10112x64xf32, #tpu.memory_space<vmem_shared>>
        %dma_wait3A_502 = tpu.memref_slice %arg12[%dma_wait3A_491] : memref<4x!tpu.dma_semaphore, #tpu.memory_space<semaphore_mem>> -> memref<1x!tpu.dma_semaphore, #tpu.memory_space<semaphore_mem>>
        %dma_wait3A_503 = tpu.memref_squeeze %dma_wait3A_502 : memref<1x!tpu.dma_semaphore, #tpu.memory_space<semaphore_mem>> -> memref<!tpu.dma_semaphore, #tpu.memory_space<semaphore_mem>>
        tpu.wait_indirect_dma semaphore(%dma_wait3A_503 : memref<!tpu.dma_semaphore, #tpu.memory_space<semaphore_mem>>) src(%dma_wait3A_495 : memref<80x64xf32, #tpu.memory_space<vmem>>) dst(%dma_wait3A_501 : memref<10112x64xf32, #tpu.memory_space<vmem_shared>>)
        %add3A_504 = arith.constant 4 : i32
        %add3A_505 = arith.addi %sub3A_231, %add3A_504 : i32
        %dma_start3A_506 = arith.constant 1 : i32
        %dma_start3A_507 = arith.constant 1 : i32
        %dma_start3A_508 = arith.constant 0 : i32
        %dma_start3A_509 = arith.constant 0 : i32
        %dma_start3A_510 = tpu.memref_slice %arg8[%dma_start3A_506, %dma_start3A_508, %dma_start3A_509] : memref<4x80x64xf32, #tpu.memory_space<vmem>> -> memref<1x80x64xf32, #tpu.memory_space<vmem>>
        %dma_start3A_511 = tpu.memref_squeeze %dma_start3A_510 : memref<1x80x64xf32, #tpu.memory_space<vmem>> -> memref<80x64xf32, #tpu.memory_space<vmem>>
        %dma_start3A_512 = arith.constant 0 : i32
        %dma_start3A_513 = tpu.memref_slice %arg6[%add3A_505, %dma_start3A_512] : memref<128x80xi32, #tpu.memory_space<vmem>> -> memref<1x80xi32, #tpu.memory_space<vmem>>
        %dma_start3A_514 = tpu.memref_squeeze %dma_start3A_513 : memref<1x80xi32, #tpu.memory_space<vmem>> -> memref<80xi32, #tpu.memory_space<vmem>>
        %dma_start3A_515 = arith.constant 0 : i32
        %dma_start3A_516 = arith.constant 0 : i32
        %dma_start3A_517 = tpu.memref_slice %arg10[%dma_start3A_515, %dma_start3A_516] : memref<10000x64xf32, #tpu.memory_space<vmem_shared>> -> memref<10000x64xf32, #tpu.memory_space<vmem_shared>>
        %dma_start3A_518 = tpu.memref_slice %arg11[%dma_start3A_507] : memref<4x!tpu.dma_semaphore, #tpu.memory_space<semaphore_mem>> -> memref<1x!tpu.dma_semaphore, #tpu.memory_space<semaphore_mem>>
        %dma_start3A_519 = tpu.memref_squeeze %dma_start3A_518 : memref<1x!tpu.dma_semaphore, #tpu.memory_space<semaphore_mem>> -> memref<!tpu.dma_semaphore, #tpu.memory_space<semaphore_mem>>
        tpu.enqueue_indirect_dma source(%dma_start3A_517 : memref<10000x64xf32, #tpu.memory_space<vmem_shared>>) target(%dma_start3A_511 : memref<80x64xf32, #tpu.memory_space<vmem>>) offsets(%dma_start3A_514 : memref<80xi32, #tpu.memory_space<vmem>>) semaphore(%dma_start3A_519 : memref<!tpu.dma_semaphore, #tpu.memory_space<semaphore_mem>>)
      } else {
      }
      %mul3A_270 = arith.constant 8 : i32
      %mul3A_271 = arith.muli %scan3A_140, %mul3A_270 : i32
      %add3A_272 = arith.constant 3 : i32
      %add3A_273 = arith.addi %mul3A_271, %add3A_272 : i32
      %sub3A_274 = arith.constant 1 : i32
      %sub3A_275 = arith.subi %add3A_273, %sub3A_274 : i32
      %dma_wait3A_276 = arith.constant 3 : i32
      %dma_wait3A_277 = arith.constant 3 : i32
      %dma_wait3A_278 = arith.constant 0 : i32
      %dma_wait3A_279 = arith.constant 0 : i32
      %dma_wait3A_280 = tpu.memref_slice %arg8[%dma_wait3A_276, %dma_wait3A_278, %dma_wait3A_279] : memref<4x80x64xf32, #tpu.memory_space<vmem>> -> memref<1x80x64xf32, #tpu.memory_space<vmem>>
      %dma_wait3A_281 = tpu.memref_squeeze %dma_wait3A_280 : memref<1x80x64xf32, #tpu.memory_space<vmem>> -> memref<80x64xf32, #tpu.memory_space<vmem>>
      %dma_wait3A_282 = arith.constant 0 : i32
      %dma_wait3A_283 = tpu.memref_slice %arg6[%add3A_273, %dma_wait3A_282] : memref<128x80xi32, #tpu.memory_space<vmem>> -> memref<1x80xi32, #tpu.memory_space<vmem>>
      %dma_wait3A_284 = tpu.memref_squeeze %dma_wait3A_283 : memref<1x80xi32, #tpu.memory_space<vmem>> -> memref<80xi32, #tpu.memory_space<vmem>>
      %dma_wait3A_285 = arith.constant 0 : i32
      %dma_wait3A_286 = arith.constant 0 : i32
      %dma_wait3A_287 = tpu.memref_slice %arg2[%dma_wait3A_285, %dma_wait3A_286] : memref<10000x64xf32, #tpu.memory_space<hbm>> -> memref<10000x64xf32, #tpu.memory_space<hbm>>
      %dma_wait3A_288 = tpu.memref_slice %arg11[%dma_wait3A_277] : memref<4x!tpu.dma_semaphore, #tpu.memory_space<semaphore_mem>> -> memref<1x!tpu.dma_semaphore, #tpu.memory_space<semaphore_mem>>
      %dma_wait3A_289 = tpu.memref_squeeze %dma_wait3A_288 : memref<1x!tpu.dma_semaphore, #tpu.memory_space<semaphore_mem>> -> memref<!tpu.dma_semaphore, #tpu.memory_space<semaphore_mem>>
      tpu.wait_indirect_dma semaphore(%dma_wait3A_289 : memref<!tpu.dma_semaphore, #tpu.memory_space<semaphore_mem>>) src(%dma_wait3A_287 : memref<10000x64xf32, #tpu.memory_space<hbm>>) dst(%dma_wait3A_281 : memref<80x64xf32, #tpu.memory_space<vmem>>)
      %dma_start3A_290 = arith.constant 3 : i32
      %dma_start3A_291 = arith.constant 3 : i32
      %dma_start3A_292 = arith.constant 0 : i32
      %dma_start3A_293 = arith.constant 0 : i32
      %dma_start3A_294 = tpu.memref_slice %arg8[%dma_start3A_290, %dma_start3A_292, %dma_start3A_293] : memref<4x80x64xf32, #tpu.memory_space<vmem>> -> memref<1x80x64xf32, #tpu.memory_space<vmem>>
      %dma_start3A_295 = tpu.memref_squeeze %dma_start3A_294 : memref<1x80x64xf32, #tpu.memory_space<vmem>> -> memref<80x64xf32, #tpu.memory_space<vmem>>
      %dma_start3A_296 = arith.constant 0 : i32
      %dma_start3A_297 = tpu.memref_slice %arg7[%add3A_273, %dma_start3A_296] : memref<128x80xi32, #tpu.memory_space<vmem>> -> memref<1x80xi32, #tpu.memory_space<vmem>>
      %dma_start3A_298 = tpu.memref_squeeze %dma_start3A_297 : memref<1x80xi32, #tpu.memory_space<vmem>> -> memref<80xi32, #tpu.memory_space<vmem>>
      %dma_start3A_299 = arith.constant 0 : i32
      %dma_start3A_300 = arith.constant 0 : i32
      %dma_start3A_301 = tpu.memref_slice %arg9[%dma_start3A_299, %dma_start3A_300] : memref<10112x64xf32, #tpu.memory_space<vmem_shared>> -> memref<10112x64xf32, #tpu.memory_space<vmem_shared>>
      %dma_start3A_302 = tpu.memref_slice %arg12[%dma_start3A_291] : memref<4x!tpu.dma_semaphore, #tpu.memory_space<semaphore_mem>> -> memref<1x!tpu.dma_semaphore, #tpu.memory_space<semaphore_mem>>
      %dma_start3A_303 = tpu.memref_squeeze %dma_start3A_302 : memref<1x!tpu.dma_semaphore, #tpu.memory_space<semaphore_mem>> -> memref<!tpu.dma_semaphore, #tpu.memory_space<semaphore_mem>>
      tpu.enqueue_indirect_dma source(%dma_start3A_295 : memref<80x64xf32, #tpu.memory_space<vmem>>) target(%dma_start3A_301 : memref<10112x64xf32, #tpu.memory_space<vmem_shared>>) offsets(%dma_start3A_298 : memref<80xi32, #tpu.memory_space<vmem>>) semaphore(%dma_start3A_303 : memref<!tpu.dma_semaphore, #tpu.memory_space<semaphore_mem>>) {add = true}
      %ge3A_304 = arith.constant 0 : i32
      %ge3A_305 = arith.cmpi sge, %sub3A_275, %ge3A_304 : i32
      %add3A_306 = arith.constant 4 : i32
      %add3A_307 = arith.addi %sub3A_275, %add3A_306 : i32
      %lt3A_308 = arith.constant 128 : i32
      %lt3A_309 = arith.cmpi slt, %add3A_307, %lt3A_308 : i32
      %and3A_310 = arith.andi %ge3A_305, %lt3A_309 : i1
      %convert_element_type3A_311 = arith.extui %and3A_310 : i1 to i32
      %cond3A_312 = arith.constant 0 : i32
      %cond3A_313 = arith.cmpi ne, %convert_element_type3A_311, %cond3A_312 : i32
      scf.if %cond3A_313 {
        %dma_wait3A_490 = arith.constant 2 : i32
        %dma_wait3A_491 = arith.constant 2 : i32
        %dma_wait3A_492 = arith.constant 0 : i32
        %dma_wait3A_493 = arith.constant 0 : i32
        %dma_wait3A_494 = tpu.memref_slice %arg8[%dma_wait3A_490, %dma_wait3A_492, %dma_wait3A_493] : memref<4x80x64xf32, #tpu.memory_space<vmem>> -> memref<1x80x64xf32, #tpu.memory_space<vmem>>
        %dma_wait3A_495 = tpu.memref_squeeze %dma_wait3A_494 : memref<1x80x64xf32, #tpu.memory_space<vmem>> -> memref<80x64xf32, #tpu.memory_space<vmem>>
        %dma_wait3A_496 = arith.constant 0 : i32
        %dma_wait3A_497 = tpu.memref_slice %arg7[%sub3A_275, %dma_wait3A_496] : memref<128x80xi32, #tpu.memory_space<vmem>> -> memref<1x80xi32, #tpu.memory_space<vmem>>
        %dma_wait3A_498 = tpu.memref_squeeze %dma_wait3A_497 : memref<1x80xi32, #tpu.memory_space<vmem>> -> memref<80xi32, #tpu.memory_space<vmem>>
        %dma_wait3A_499 = arith.constant 0 : i32
        %dma_wait3A_500 = arith.constant 0 : i32
        %dma_wait3A_501 = tpu.memref_slice %arg9[%dma_wait3A_499, %dma_wait3A_500] : memref<10112x64xf32, #tpu.memory_space<vmem_shared>> -> memref<10112x64xf32, #tpu.memory_space<vmem_shared>>
        %dma_wait3A_502 = tpu.memref_slice %arg12[%dma_wait3A_491] : memref<4x!tpu.dma_semaphore, #tpu.memory_space<semaphore_mem>> -> memref<1x!tpu.dma_semaphore, #tpu.memory_space<semaphore_mem>>
        %dma_wait3A_503 = tpu.memref_squeeze %dma_wait3A_502 : memref<1x!tpu.dma_semaphore, #tpu.memory_space<semaphore_mem>> -> memref<!tpu.dma_semaphore, #tpu.memory_space<semaphore_mem>>
        tpu.wait_indirect_dma semaphore(%dma_wait3A_503 : memref<!tpu.dma_semaphore, #tpu.memory_space<semaphore_mem>>) src(%dma_wait3A_495 : memref<80x64xf32, #tpu.memory_space<vmem>>) dst(%dma_wait3A_501 : memref<10112x64xf32, #tpu.memory_space<vmem_shared>>)
        %add3A_504 = arith.constant 4 : i32
        %add3A_505 = arith.addi %sub3A_275, %add3A_504 : i32
        %dma_start3A_506 = arith.constant 2 : i32
        %dma_start3A_507 = arith.constant 2 : i32
        %dma_start3A_508 = arith.constant 0 : i32
        %dma_start3A_509 = arith.constant 0 : i32
        %dma_start3A_510 = tpu.memref_slice %arg8[%dma_start3A_506, %dma_start3A_508, %dma_start3A_509] : memref<4x80x64xf32, #tpu.memory_space<vmem>> -> memref<1x80x64xf32, #tpu.memory_space<vmem>>
        %dma_start3A_511 = tpu.memref_squeeze %dma_start3A_510 : memref<1x80x64xf32, #tpu.memory_space<vmem>> -> memref<80x64xf32, #tpu.memory_space<vmem>>
        %dma_start3A_512 = arith.constant 0 : i32
        %dma_start3A_513 = tpu.memref_slice %arg6[%add3A_505, %dma_start3A_512] : memref<128x80xi32, #tpu.memory_space<vmem>> -> memref<1x80xi32, #tpu.memory_space<vmem>>
        %dma_start3A_514 = tpu.memref_squeeze %dma_start3A_513 : memref<1x80xi32, #tpu.memory_space<vmem>> -> memref<80xi32, #tpu.memory_space<vmem>>
        %dma_start3A_515 = arith.constant 0 : i32
        %dma_start3A_516 = arith.constant 0 : i32
        %dma_start3A_517 = tpu.memref_slice %arg10[%dma_start3A_515, %dma_start3A_516] : memref<10000x64xf32, #tpu.memory_space<vmem_shared>> -> memref<10000x64xf32, #tpu.memory_space<vmem_shared>>
        %dma_start3A_518 = tpu.memref_slice %arg11[%dma_start3A_507] : memref<4x!tpu.dma_semaphore, #tpu.memory_space<semaphore_mem>> -> memref<1x!tpu.dma_semaphore, #tpu.memory_space<semaphore_mem>>
        %dma_start3A_519 = tpu.memref_squeeze %dma_start3A_518 : memref<1x!tpu.dma_semaphore, #tpu.memory_space<semaphore_mem>> -> memref<!tpu.dma_semaphore, #tpu.memory_space<semaphore_mem>>
        tpu.enqueue_indirect_dma source(%dma_start3A_517 : memref<10000x64xf32, #tpu.memory_space<vmem_shared>>) target(%dma_start3A_511 : memref<80x64xf32, #tpu.memory_space<vmem>>) offsets(%dma_start3A_514 : memref<80xi32, #tpu.memory_space<vmem>>) semaphore(%dma_start3A_519 : memref<!tpu.dma_semaphore, #tpu.memory_space<semaphore_mem>>)
      } else {
      }
      %mul3A_314 = arith.constant 8 : i32
      %mul3A_315 = arith.muli %scan3A_140, %mul3A_314 : i32
      %add3A_316 = arith.constant 4 : i32
      %add3A_317 = arith.addi %mul3A_315, %add3A_316 : i32
      %sub3A_318 = arith.constant 1 : i32
      %sub3A_319 = arith.subi %add3A_317, %sub3A_318 : i32
      %dma_wait3A_320 = arith.constant 0 : i32
      %dma_wait3A_321 = arith.constant 0 : i32
      %dma_wait3A_322 = arith.constant 0 : i32
      %dma_wait3A_323 = arith.constant 0 : i32
      %dma_wait3A_324 = tpu.memref_slice %arg8[%dma_wait3A_320, %dma_wait3A_322, %dma_wait3A_323] : memref<4x80x64xf32, #tpu.memory_space<vmem>> -> memref<1x80x64xf32, #tpu.memory_space<vmem>>
      %dma_wait3A_325 = tpu.memref_squeeze %dma_wait3A_324 : memref<1x80x64xf32, #tpu.memory_space<vmem>> -> memref<80x64xf32, #tpu.memory_space<vmem>>
      %dma_wait3A_326 = arith.constant 0 : i32
      %dma_wait3A_327 = tpu.memref_slice %arg6[%add3A_317, %dma_wait3A_326] : memref<128x80xi32, #tpu.memory_space<vmem>> -> memref<1x80xi32, #tpu.memory_space<vmem>>
      %dma_wait3A_328 = tpu.memref_squeeze %dma_wait3A_327 : memref<1x80xi32, #tpu.memory_space<vmem>> -> memref<80xi32, #tpu.memory_space<vmem>>
      %dma_wait3A_329 = arith.constant 0 : i32
      %dma_wait3A_330 = arith.constant 0 : i32
      %dma_wait3A_331 = tpu.memref_slice %arg2[%dma_wait3A_329, %dma_wait3A_330] : memref<10000x64xf32, #tpu.memory_space<hbm>> -> memref<10000x64xf32, #tpu.memory_space<hbm>>
      %dma_wait3A_332 = tpu.memref_slice %arg11[%dma_wait3A_321] : memref<4x!tpu.dma_semaphore, #tpu.memory_space<semaphore_mem>> -> memref<1x!tpu.dma_semaphore, #tpu.memory_space<semaphore_mem>>
      %dma_wait3A_333 = tpu.memref_squeeze %dma_wait3A_332 : memref<1x!tpu.dma_semaphore, #tpu.memory_space<semaphore_mem>> -> memref<!tpu.dma_semaphore, #tpu.memory_space<semaphore_mem>>
      tpu.wait_indirect_dma semaphore(%dma_wait3A_333 : memref<!tpu.dma_semaphore, #tpu.memory_space<semaphore_mem>>) src(%dma_wait3A_331 : memref<10000x64xf32, #tpu.memory_space<hbm>>) dst(%dma_wait3A_325 : memref<80x64xf32, #tpu.memory_space<vmem>>)
      %dma_start3A_334 = arith.constant 0 : i32
      %dma_start3A_335 = arith.constant 0 : i32
      %dma_start3A_336 = arith.constant 0 : i32
      %dma_start3A_337 = arith.constant 0 : i32
      %dma_start3A_338 = tpu.memref_slice %arg8[%dma_start3A_334, %dma_start3A_336, %dma_start3A_337] : memref<4x80x64xf32, #tpu.memory_space<vmem>> -> memref<1x80x64xf32, #tpu.memory_space<vmem>>
      %dma_start3A_339 = tpu.memref_squeeze %dma_start3A_338 : memref<1x80x64xf32, #tpu.memory_space<vmem>> -> memref<80x64xf32, #tpu.memory_space<vmem>>
      %dma_start3A_340 = arith.constant 0 : i32
      %dma_start3A_341 = tpu.memref_slice %arg7[%add3A_317, %dma_start3A_340] : memref<128x80xi32, #tpu.memory_space<vmem>> -> memref<1x80xi32, #tpu.memory_space<vmem>>
      %dma_start3A_342 = tpu.memref_squeeze %dma_start3A_341 : memref<1x80xi32, #tpu.memory_space<vmem>> -> memref<80xi32, #tpu.memory_space<vmem>>
      %dma_start3A_343 = arith.constant 0 : i32
      %dma_start3A_344 = arith.constant 0 : i32
      %dma_start3A_345 = tpu.memref_slice %arg9[%dma_start3A_343, %dma_start3A_344] : memref<10112x64xf32, #tpu.memory_space<vmem_shared>> -> memref<10112x64xf32, #tpu.memory_space<vmem_shared>>
      %dma_start3A_346 = tpu.memref_slice %arg12[%dma_start3A_335] : memref<4x!tpu.dma_semaphore, #tpu.memory_space<semaphore_mem>> -> memref<1x!tpu.dma_semaphore, #tpu.memory_space<semaphore_mem>>
      %dma_start3A_347 = tpu.memref_squeeze %dma_start3A_346 : memref<1x!tpu.dma_semaphore, #tpu.memory_space<semaphore_mem>> -> memref<!tpu.dma_semaphore, #tpu.memory_space<semaphore_mem>>
      tpu.enqueue_indirect_dma source(%dma_start3A_339 : memref<80x64xf32, #tpu.memory_space<vmem>>) target(%dma_start3A_345 : memref<10112x64xf32, #tpu.memory_space<vmem_shared>>) offsets(%dma_start3A_342 : memref<80xi32, #tpu.memory_space<vmem>>) semaphore(%dma_start3A_347 : memref<!tpu.dma_semaphore, #tpu.memory_space<semaphore_mem>>) {add = true}
      %ge3A_348 = arith.constant 0 : i32
      %ge3A_349 = arith.cmpi sge, %sub3A_319, %ge3A_348 : i32
      %add3A_350 = arith.constant 4 : i32
      %add3A_351 = arith.addi %sub3A_319, %add3A_350 : i32
      %lt3A_352 = arith.constant 128 : i32
      %lt3A_353 = arith.cmpi slt, %add3A_351, %lt3A_352 : i32
      %and3A_354 = arith.andi %ge3A_349, %lt3A_353 : i1
      %convert_element_type3A_355 = arith.extui %and3A_354 : i1 to i32
      %cond3A_356 = arith.constant 0 : i32
      %cond3A_357 = arith.cmpi ne, %convert_element_type3A_355, %cond3A_356 : i32
      scf.if %cond3A_357 {
        %dma_wait3A_490 = arith.constant 3 : i32
        %dma_wait3A_491 = arith.constant 3 : i32
        %dma_wait3A_492 = arith.constant 0 : i32
        %dma_wait3A_493 = arith.constant 0 : i32
        %dma_wait3A_494 = tpu.memref_slice %arg8[%dma_wait3A_490, %dma_wait3A_492, %dma_wait3A_493] : memref<4x80x64xf32, #tpu.memory_space<vmem>> -> memref<1x80x64xf32, #tpu.memory_space<vmem>>
        %dma_wait3A_495 = tpu.memref_squeeze %dma_wait3A_494 : memref<1x80x64xf32, #tpu.memory_space<vmem>> -> memref<80x64xf32, #tpu.memory_space<vmem>>
        %dma_wait3A_496 = arith.constant 0 : i32
        %dma_wait3A_497 = tpu.memref_slice %arg7[%sub3A_319, %dma_wait3A_496] : memref<128x80xi32, #tpu.memory_space<vmem>> -> memref<1x80xi32, #tpu.memory_space<vmem>>
        %dma_wait3A_498 = tpu.memref_squeeze %dma_wait3A_497 : memref<1x80xi32, #tpu.memory_space<vmem>> -> memref<80xi32, #tpu.memory_space<vmem>>
        %dma_wait3A_499 = arith.constant 0 : i32
        %dma_wait3A_500 = arith.constant 0 : i32
        %dma_wait3A_501 = tpu.memref_slice %arg9[%dma_wait3A_499, %dma_wait3A_500] : memref<10112x64xf32, #tpu.memory_space<vmem_shared>> -> memref<10112x64xf32, #tpu.memory_space<vmem_shared>>
        %dma_wait3A_502 = tpu.memref_slice %arg12[%dma_wait3A_491] : memref<4x!tpu.dma_semaphore, #tpu.memory_space<semaphore_mem>> -> memref<1x!tpu.dma_semaphore, #tpu.memory_space<semaphore_mem>>
        %dma_wait3A_503 = tpu.memref_squeeze %dma_wait3A_502 : memref<1x!tpu.dma_semaphore, #tpu.memory_space<semaphore_mem>> -> memref<!tpu.dma_semaphore, #tpu.memory_space<semaphore_mem>>
        tpu.wait_indirect_dma semaphore(%dma_wait3A_503 : memref<!tpu.dma_semaphore, #tpu.memory_space<semaphore_mem>>) src(%dma_wait3A_495 : memref<80x64xf32, #tpu.memory_space<vmem>>) dst(%dma_wait3A_501 : memref<10112x64xf32, #tpu.memory_space<vmem_shared>>)
        %add3A_504 = arith.constant 4 : i32
        %add3A_505 = arith.addi %sub3A_319, %add3A_504 : i32
        %dma_start3A_506 = arith.constant 3 : i32
        %dma_start3A_507 = arith.constant 3 : i32
        %dma_start3A_508 = arith.constant 0 : i32
        %dma_start3A_509 = arith.constant 0 : i32
        %dma_start3A_510 = tpu.memref_slice %arg8[%dma_start3A_506, %dma_start3A_508, %dma_start3A_509] : memref<4x80x64xf32, #tpu.memory_space<vmem>> -> memref<1x80x64xf32, #tpu.memory_space<vmem>>
        %dma_start3A_511 = tpu.memref_squeeze %dma_start3A_510 : memref<1x80x64xf32, #tpu.memory_space<vmem>> -> memref<80x64xf32, #tpu.memory_space<vmem>>
        %dma_start3A_512 = arith.constant 0 : i32
        %dma_start3A_513 = tpu.memref_slice %arg6[%add3A_505, %dma_start3A_512] : memref<128x80xi32, #tpu.memory_space<vmem>> -> memref<1x80xi32, #tpu.memory_space<vmem>>
        %dma_start3A_514 = tpu.memref_squeeze %dma_start3A_513 : memref<1x80xi32, #tpu.memory_space<vmem>> -> memref<80xi32, #tpu.memory_space<vmem>>
        %dma_start3A_515 = arith.constant 0 : i32
        %dma_start3A_516 = arith.constant 0 : i32
        %dma_start3A_517 = tpu.memref_slice %arg10[%dma_start3A_515, %dma_start3A_516] : memref<10000x64xf32, #tpu.memory_space<vmem_shared>> -> memref<10000x64xf32, #tpu.memory_space<vmem_shared>>
        %dma_start3A_518 = tpu.memref_slice %arg11[%dma_start3A_507] : memref<4x!tpu.dma_semaphore, #tpu.memory_space<semaphore_mem>> -> memref<1x!tpu.dma_semaphore, #tpu.memory_space<semaphore_mem>>
        %dma_start3A_519 = tpu.memref_squeeze %dma_start3A_518 : memref<1x!tpu.dma_semaphore, #tpu.memory_space<semaphore_mem>> -> memref<!tpu.dma_semaphore, #tpu.memory_space<semaphore_mem>>
        tpu.enqueue_indirect_dma source(%dma_start3A_517 : memref<10000x64xf32, #tpu.memory_space<vmem_shared>>) target(%dma_start3A_511 : memref<80x64xf32, #tpu.memory_space<vmem>>) offsets(%dma_start3A_514 : memref<80xi32, #tpu.memory_space<vmem>>) semaphore(%dma_start3A_519 : memref<!tpu.dma_semaphore, #tpu.memory_space<semaphore_mem>>)
      } else {
      }
      %mul3A_358 = arith.constant 8 : i32
      %mul3A_359 = arith.muli %scan3A_140, %mul3A_358 : i32
      %add3A_360 = arith.constant 5 : i32
      %add3A_361 = arith.addi %mul3A_359, %add3A_360 : i32
      %sub3A_362 = arith.constant 1 : i32
      %sub3A_363 = arith.subi %add3A_361, %sub3A_362 : i32
      %dma_wait3A_364 = arith.constant 1 : i32
      %dma_wait3A_365 = arith.constant 1 : i32
      %dma_wait3A_366 = arith.constant 0 : i32
      %dma_wait3A_367 = arith.constant 0 : i32
      %dma_wait3A_368 = tpu.memref_slice %arg8[%dma_wait3A_364, %dma_wait3A_366, %dma_wait3A_367] : memref<4x80x64xf32, #tpu.memory_space<vmem>> -> memref<1x80x64xf32, #tpu.memory_space<vmem>>
      %dma_wait3A_369 = tpu.memref_squeeze %dma_wait3A_368 : memref<1x80x64xf32, #tpu.memory_space<vmem>> -> memref<80x64xf32, #tpu.memory_space<vmem>>
      %dma_wait3A_370 = arith.constant 0 : i32
      %dma_wait3A_371 = tpu.memref_slice %arg6[%add3A_361, %dma_wait3A_370] : memref<128x80xi32, #tpu.memory_space<vmem>> -> memref<1x80xi32, #tpu.memory_space<vmem>>
      %dma_wait3A_372 = tpu.memref_squeeze %dma_wait3A_371 : memref<1x80xi32, #tpu.memory_space<vmem>> -> memref<80xi32, #tpu.memory_space<vmem>>
      %dma_wait3A_373 = arith.constant 0 : i32
      %dma_wait3A_374 = arith.constant 0 : i32
      %dma_wait3A_375 = tpu.memref_slice %arg10[%dma_wait3A_373, %dma_wait3A_374] : memref<10000x64xf32, #tpu.memory_space<vmem_shared>> -> memref<10000x64xf32, #tpu.memory_space<vmem_shared>>
      %dma_wait3A_376 = tpu.memref_slice %arg11[%dma_wait3A_365] : memref<4x!tpu.dma_semaphore, #tpu.memory_space<semaphore_mem>> -> memref<1x!tpu.dma_semaphore, #tpu.memory_space<semaphore_mem>>
      %dma_wait3A_377 = tpu.memref_squeeze %dma_wait3A_376 : memref<1x!tpu.dma_semaphore, #tpu.memory_space<semaphore_mem>> -> memref<!tpu.dma_semaphore, #tpu.memory_space<semaphore_mem>>
      tpu.wait_indirect_dma semaphore(%dma_wait3A_377 : memref<!tpu.dma_semaphore, #tpu.memory_space<semaphore_mem>>) src(%dma_wait3A_375 : memref<10000x64xf32, #tpu.memory_space<vmem_shared>>) dst(%dma_wait3A_369 : memref<80x64xf32, #tpu.memory_space<vmem>>)
      %dma_start3A_378 = arith.constant 1 : i32
      %dma_start3A_379 = arith.constant 1 : i32
      %dma_start3A_380 = arith.constant 0 : i32
      %dma_start3A_381 = arith.constant 0 : i32
      %dma_start3A_382 = tpu.memref_slice %arg8[%dma_start3A_378, %dma_start3A_380, %dma_start3A_381] : memref<4x80x64xf32, #tpu.memory_space<vmem>> -> memref<1x80x64xf32, #tpu.memory_space<vmem>>
      %dma_start3A_383 = tpu.memref_squeeze %dma_start3A_382 : memref<1x80x64xf32, #tpu.memory_space<vmem>> -> memref<80x64xf32, #tpu.memory_space<vmem>>
      %dma_start3A_384 = arith.constant 0 : i32
      %dma_start3A_385 = tpu.memref_slice %arg7[%add3A_361, %dma_start3A_384] : memref<128x80xi32, #tpu.memory_space<vmem>> -> memref<1x80xi32, #tpu.memory_space<vmem>>
      %dma_start3A_386 = tpu.memref_squeeze %dma_start3A_385 : memref<1x80xi32, #tpu.memory_space<vmem>> -> memref<80xi32, #tpu.memory_space<vmem>>
      %dma_start3A_387 = arith.constant 0 : i32
      %dma_start3A_388 = arith.constant 0 : i32
      %dma_start3A_389 = tpu.memref_slice %arg9[%dma_start3A_387, %dma_start3A_388] : memref<10112x64xf32, #tpu.memory_space<vmem_shared>> -> memref<10112x64xf32, #tpu.memory_space<vmem_shared>>
      %dma_start3A_390 = tpu.memref_slice %arg12[%dma_start3A_379] : memref<4x!tpu.dma_semaphore, #tpu.memory_space<semaphore_mem>> -> memref<1x!tpu.dma_semaphore, #tpu.memory_space<semaphore_mem>>
      %dma_start3A_391 = tpu.memref_squeeze %dma_start3A_390 : memref<1x!tpu.dma_semaphore, #tpu.memory_space<semaphore_mem>> -> memref<!tpu.dma_semaphore, #tpu.memory_space<semaphore_mem>>
      tpu.enqueue_indirect_dma source(%dma_start3A_383 : memref<80x64xf32, #tpu.memory_space<vmem>>) target(%dma_start3A_389 : memref<10112x64xf32, #tpu.memory_space<vmem_shared>>) offsets(%dma_start3A_386 : memref<80xi32, #tpu.memory_space<vmem>>) semaphore(%dma_start3A_391 : memref<!tpu.dma_semaphore, #tpu.memory_space<semaphore_mem>>) {add = true}
      %ge3A_392 = arith.constant 0 : i32
      %ge3A_393 = arith.cmpi sge, %sub3A_363, %ge3A_392 : i32
      %add3A_394 = arith.constant 4 : i32
      %add3A_395 = arith.addi %sub3A_363, %add3A_394 : i32
      %lt3A_396 = arith.constant 128 : i32
      %lt3A_397 = arith.cmpi slt, %add3A_395, %lt3A_396 : i32
      %and3A_398 = arith.andi %ge3A_393, %lt3A_397 : i1
      %convert_element_type3A_399 = arith.extui %and3A_398 : i1 to i32
      %cond3A_400 = arith.constant 0 : i32
      %cond3A_401 = arith.cmpi ne, %convert_element_type3A_399, %cond3A_400 : i32
      scf.if %cond3A_401 {
        %dma_wait3A_490 = arith.constant 0 : i32
        %dma_wait3A_491 = arith.constant 0 : i32
        %dma_wait3A_492 = arith.constant 0 : i32
        %dma_wait3A_493 = arith.constant 0 : i32
        %dma_wait3A_494 = tpu.memref_slice %arg8[%dma_wait3A_490, %dma_wait3A_492, %dma_wait3A_493] : memref<4x80x64xf32, #tpu.memory_space<vmem>> -> memref<1x80x64xf32, #tpu.memory_space<vmem>>
        %dma_wait3A_495 = tpu.memref_squeeze %dma_wait3A_494 : memref<1x80x64xf32, #tpu.memory_space<vmem>> -> memref<80x64xf32, #tpu.memory_space<vmem>>
        %dma_wait3A_496 = arith.constant 0 : i32
        %dma_wait3A_497 = tpu.memref_slice %arg7[%sub3A_363, %dma_wait3A_496] : memref<128x80xi32, #tpu.memory_space<vmem>> -> memref<1x80xi32, #tpu.memory_space<vmem>>
        %dma_wait3A_498 = tpu.memref_squeeze %dma_wait3A_497 : memref<1x80xi32, #tpu.memory_space<vmem>> -> memref<80xi32, #tpu.memory_space<vmem>>
        %dma_wait3A_499 = arith.constant 0 : i32
        %dma_wait3A_500 = arith.constant 0 : i32
        %dma_wait3A_501 = tpu.memref_slice %arg9[%dma_wait3A_499, %dma_wait3A_500] : memref<10112x64xf32, #tpu.memory_space<vmem_shared>> -> memref<10112x64xf32, #tpu.memory_space<vmem_shared>>
        %dma_wait3A_502 = tpu.memref_slice %arg12[%dma_wait3A_491] : memref<4x!tpu.dma_semaphore, #tpu.memory_space<semaphore_mem>> -> memref<1x!tpu.dma_semaphore, #tpu.memory_space<semaphore_mem>>
        %dma_wait3A_503 = tpu.memref_squeeze %dma_wait3A_502 : memref<1x!tpu.dma_semaphore, #tpu.memory_space<semaphore_mem>> -> memref<!tpu.dma_semaphore, #tpu.memory_space<semaphore_mem>>
        tpu.wait_indirect_dma semaphore(%dma_wait3A_503 : memref<!tpu.dma_semaphore, #tpu.memory_space<semaphore_mem>>) src(%dma_wait3A_495 : memref<80x64xf32, #tpu.memory_space<vmem>>) dst(%dma_wait3A_501 : memref<10112x64xf32, #tpu.memory_space<vmem_shared>>)
        %add3A_504 = arith.constant 4 : i32
        %add3A_505 = arith.addi %sub3A_363, %add3A_504 : i32
        %dma_start3A_506 = arith.constant 0 : i32
        %dma_start3A_507 = arith.constant 0 : i32
        %dma_start3A_508 = arith.constant 0 : i32
        %dma_start3A_509 = arith.constant 0 : i32
        %dma_start3A_510 = tpu.memref_slice %arg8[%dma_start3A_506, %dma_start3A_508, %dma_start3A_509] : memref<4x80x64xf32, #tpu.memory_space<vmem>> -> memref<1x80x64xf32, #tpu.memory_space<vmem>>
        %dma_start3A_511 = tpu.memref_squeeze %dma_start3A_510 : memref<1x80x64xf32, #tpu.memory_space<vmem>> -> memref<80x64xf32, #tpu.memory_space<vmem>>
        %dma_start3A_512 = arith.constant 0 : i32
        %dma_start3A_513 = tpu.memref_slice %arg6[%add3A_505, %dma_start3A_512] : memref<128x80xi32, #tpu.memory_space<vmem>> -> memref<1x80xi32, #tpu.memory_space<vmem>>
        %dma_start3A_514 = tpu.memref_squeeze %dma_start3A_513 : memref<1x80xi32, #tpu.memory_space<vmem>> -> memref<80xi32, #tpu.memory_space<vmem>>
        %dma_start3A_515 = arith.constant 0 : i32
        %dma_start3A_516 = arith.constant 0 : i32
        %dma_start3A_517 = tpu.memref_slice %arg2[%dma_start3A_515, %dma_start3A_516] : memref<10000x64xf32, #tpu.memory_space<hbm>> -> memref<10000x64xf32, #tpu.memory_space<hbm>>
        %dma_start3A_518 = tpu.memref_slice %arg11[%dma_start3A_507] : memref<4x!tpu.dma_semaphore, #tpu.memory_space<semaphore_mem>> -> memref<1x!tpu.dma_semaphore, #tpu.memory_space<semaphore_mem>>
        %dma_start3A_519 = tpu.memref_squeeze %dma_start3A_518 : memref<1x!tpu.dma_semaphore, #tpu.memory_space<semaphore_mem>> -> memref<!tpu.dma_semaphore, #tpu.memory_space<semaphore_mem>>
        tpu.enqueue_indirect_dma source(%dma_start3A_517 : memref<10000x64xf32, #tpu.memory_space<hbm>>) target(%dma_start3A_511 : memref<80x64xf32, #tpu.memory_space<vmem>>) offsets(%dma_start3A_514 : memref<80xi32, #tpu.memory_space<vmem>>) semaphore(%dma_start3A_519 : memref<!tpu.dma_semaphore, #tpu.memory_space<semaphore_mem>>)
      } else {
      }
      %mul3A_402 = arith.constant 8 : i32
      %mul3A_403 = arith.muli %scan3A_140, %mul3A_402 : i32
      %add3A_404 = arith.constant 6 : i32
      %add3A_405 = arith.addi %mul3A_403, %add3A_404 : i32
      %sub3A_406 = arith.constant 1 : i32
      %sub3A_407 = arith.subi %add3A_405, %sub3A_406 : i32
      %dma_wait3A_408 = arith.constant 2 : i32
      %dma_wait3A_409 = arith.constant 2 : i32
      %dma_wait3A_410 = arith.constant 0 : i32
      %dma_wait3A_411 = arith.constant 0 : i32
      %dma_wait3A_412 = tpu.memref_slice %arg8[%dma_wait3A_408, %dma_wait3A_410, %dma_wait3A_411] : memref<4x80x64xf32, #tpu.memory_space<vmem>> -> memref<1x80x64xf32, #tpu.memory_space<vmem>>
      %dma_wait3A_413 = tpu.memref_squeeze %dma_wait3A_412 : memref<1x80x64xf32, #tpu.memory_space<vmem>> -> memref<80x64xf32, #tpu.memory_space<vmem>>
      %dma_wait3A_414 = arith.constant 0 : i32
      %dma_wait3A_415 = tpu.memref_slice %arg6[%add3A_405, %dma_wait3A_414] : memref<128x80xi32, #tpu.memory_space<vmem>> -> memref<1x80xi32, #tpu.memory_space<vmem>>
      %dma_wait3A_416 = tpu.memref_squeeze %dma_wait3A_415 : memref<1x80xi32, #tpu.memory_space<vmem>> -> memref<80xi32, #tpu.memory_space<vmem>>
      %dma_wait3A_417 = arith.constant 0 : i32
      %dma_wait3A_418 = arith.constant 0 : i32
      %dma_wait3A_419 = tpu.memref_slice %arg10[%dma_wait3A_417, %dma_wait3A_418] : memref<10000x64xf32, #tpu.memory_space<vmem_shared>> -> memref<10000x64xf32, #tpu.memory_space<vmem_shared>>
      %dma_wait3A_420 = tpu.memref_slice %arg11[%dma_wait3A_409] : memref<4x!tpu.dma_semaphore, #tpu.memory_space<semaphore_mem>> -> memref<1x!tpu.dma_semaphore, #tpu.memory_space<semaphore_mem>>
      %dma_wait3A_421 = tpu.memref_squeeze %dma_wait3A_420 : memref<1x!tpu.dma_semaphore, #tpu.memory_space<semaphore_mem>> -> memref<!tpu.dma_semaphore, #tpu.memory_space<semaphore_mem>>
      tpu.wait_indirect_dma semaphore(%dma_wait3A_421 : memref<!tpu.dma_semaphore, #tpu.memory_space<semaphore_mem>>) src(%dma_wait3A_419 : memref<10000x64xf32, #tpu.memory_space<vmem_shared>>) dst(%dma_wait3A_413 : memref<80x64xf32, #tpu.memory_space<vmem>>)
      %dma_start3A_422 = arith.constant 2 : i32
      %dma_start3A_423 = arith.constant 2 : i32
      %dma_start3A_424 = arith.constant 0 : i32
      %dma_start3A_425 = arith.constant 0 : i32
      %dma_start3A_426 = tpu.memref_slice %arg8[%dma_start3A_422, %dma_start3A_424, %dma_start3A_425] : memref<4x80x64xf32, #tpu.memory_space<vmem>> -> memref<1x80x64xf32, #tpu.memory_space<vmem>>
      %dma_start3A_427 = tpu.memref_squeeze %dma_start3A_426 : memref<1x80x64xf32, #tpu.memory_space<vmem>> -> memref<80x64xf32, #tpu.memory_space<vmem>>
      %dma_start3A_428 = arith.constant 0 : i32
      %dma_start3A_429 = tpu.memref_slice %arg7[%add3A_405, %dma_start3A_428] : memref<128x80xi32, #tpu.memory_space<vmem>> -> memref<1x80xi32, #tpu.memory_space<vmem>>
      %dma_start3A_430 = tpu.memref_squeeze %dma_start3A_429 : memref<1x80xi32, #tpu.memory_space<vmem>> -> memref<80xi32, #tpu.memory_space<vmem>>
      %dma_start3A_431 = arith.constant 0 : i32
      %dma_start3A_432 = arith.constant 0 : i32
      %dma_start3A_433 = tpu.memref_slice %arg9[%dma_start3A_431, %dma_start3A_432] : memref<10112x64xf32, #tpu.memory_space<vmem_shared>> -> memref<10112x64xf32, #tpu.memory_space<vmem_shared>>
      %dma_start3A_434 = tpu.memref_slice %arg12[%dma_start3A_423] : memref<4x!tpu.dma_semaphore, #tpu.memory_space<semaphore_mem>> -> memref<1x!tpu.dma_semaphore, #tpu.memory_space<semaphore_mem>>
      %dma_start3A_435 = tpu.memref_squeeze %dma_start3A_434 : memref<1x!tpu.dma_semaphore, #tpu.memory_space<semaphore_mem>> -> memref<!tpu.dma_semaphore, #tpu.memory_space<semaphore_mem>>
      tpu.enqueue_indirect_dma source(%dma_start3A_427 : memref<80x64xf32, #tpu.memory_space<vmem>>) target(%dma_start3A_433 : memref<10112x64xf32, #tpu.memory_space<vmem_shared>>) offsets(%dma_start3A_430 : memref<80xi32, #tpu.memory_space<vmem>>) semaphore(%dma_start3A_435 : memref<!tpu.dma_semaphore, #tpu.memory_space<semaphore_mem>>) {add = true}
      %ge3A_436 = arith.constant 0 : i32
      %ge3A_437 = arith.cmpi sge, %sub3A_407, %ge3A_436 : i32
      %add3A_438 = arith.constant 4 : i32
      %add3A_439 = arith.addi %sub3A_407, %add3A_438 : i32
      %lt3A_440 = arith.constant 128 : i32
      %lt3A_441 = arith.cmpi slt, %add3A_439, %lt3A_440 : i32
      %and3A_442 = arith.andi %ge3A_437, %lt3A_441 : i1
      %convert_element_type3A_443 = arith.extui %and3A_442 : i1 to i32
      %cond3A_444 = arith.constant 0 : i32
      %cond3A_445 = arith.cmpi ne, %convert_element_type3A_443, %cond3A_444 : i32
      scf.if %cond3A_445 {
        %dma_wait3A_490 = arith.constant 1 : i32
        %dma_wait3A_491 = arith.constant 1 : i32
        %dma_wait3A_492 = arith.constant 0 : i32
        %dma_wait3A_493 = arith.constant 0 : i32
        %dma_wait3A_494 = tpu.memref_slice %arg8[%dma_wait3A_490, %dma_wait3A_492, %dma_wait3A_493] : memref<4x80x64xf32, #tpu.memory_space<vmem>> -> memref<1x80x64xf32, #tpu.memory_space<vmem>>
        %dma_wait3A_495 = tpu.memref_squeeze %dma_wait3A_494 : memref<1x80x64xf32, #tpu.memory_space<vmem>> -> memref<80x64xf32, #tpu.memory_space<vmem>>
        %dma_wait3A_496 = arith.constant 0 : i32
        %dma_wait3A_497 = tpu.memref_slice %arg7[%sub3A_407, %dma_wait3A_496] : memref<128x80xi32, #tpu.memory_space<vmem>> -> memref<1x80xi32, #tpu.memory_space<vmem>>
        %dma_wait3A_498 = tpu.memref_squeeze %dma_wait3A_497 : memref<1x80xi32, #tpu.memory_space<vmem>> -> memref<80xi32, #tpu.memory_space<vmem>>
        %dma_wait3A_499 = arith.constant 0 : i32
        %dma_wait3A_500 = arith.constant 0 : i32
        %dma_wait3A_501 = tpu.memref_slice %arg9[%dma_wait3A_499, %dma_wait3A_500] : memref<10112x64xf32, #tpu.memory_space<vmem_shared>> -> memref<10112x64xf32, #tpu.memory_space<vmem_shared>>
        %dma_wait3A_502 = tpu.memref_slice %arg12[%dma_wait3A_491] : memref<4x!tpu.dma_semaphore, #tpu.memory_space<semaphore_mem>> -> memref<1x!tpu.dma_semaphore, #tpu.memory_space<semaphore_mem>>
        %dma_wait3A_503 = tpu.memref_squeeze %dma_wait3A_502 : memref<1x!tpu.dma_semaphore, #tpu.memory_space<semaphore_mem>> -> memref<!tpu.dma_semaphore, #tpu.memory_space<semaphore_mem>>
        tpu.wait_indirect_dma semaphore(%dma_wait3A_503 : memref<!tpu.dma_semaphore, #tpu.memory_space<semaphore_mem>>) src(%dma_wait3A_495 : memref<80x64xf32, #tpu.memory_space<vmem>>) dst(%dma_wait3A_501 : memref<10112x64xf32, #tpu.memory_space<vmem_shared>>)
        %add3A_504 = arith.constant 4 : i32
        %add3A_505 = arith.addi %sub3A_407, %add3A_504 : i32
        %dma_start3A_506 = arith.constant 1 : i32
        %dma_start3A_507 = arith.constant 1 : i32
        %dma_start3A_508 = arith.constant 0 : i32
        %dma_start3A_509 = arith.constant 0 : i32
        %dma_start3A_510 = tpu.memref_slice %arg8[%dma_start3A_506, %dma_start3A_508, %dma_start3A_509] : memref<4x80x64xf32, #tpu.memory_space<vmem>> -> memref<1x80x64xf32, #tpu.memory_space<vmem>>
        %dma_start3A_511 = tpu.memref_squeeze %dma_start3A_510 : memref<1x80x64xf32, #tpu.memory_space<vmem>> -> memref<80x64xf32, #tpu.memory_space<vmem>>
        %dma_start3A_512 = arith.constant 0 : i32
        %dma_start3A_513 = tpu.memref_slice %arg6[%add3A_505, %dma_start3A_512] : memref<128x80xi32, #tpu.memory_space<vmem>> -> memref<1x80xi32, #tpu.memory_space<vmem>>
        %dma_start3A_514 = tpu.memref_squeeze %dma_start3A_513 : memref<1x80xi32, #tpu.memory_space<vmem>> -> memref<80xi32, #tpu.memory_space<vmem>>
        %dma_start3A_515 = arith.constant 0 : i32
        %dma_start3A_516 = arith.constant 0 : i32
        %dma_start3A_517 = tpu.memref_slice %arg2[%dma_start3A_515, %dma_start3A_516] : memref<10000x64xf32, #tpu.memory_space<hbm>> -> memref<10000x64xf32, #tpu.memory_space<hbm>>
        %dma_start3A_518 = tpu.memref_slice %arg11[%dma_start3A_507] : memref<4x!tpu.dma_semaphore, #tpu.memory_space<semaphore_mem>> -> memref<1x!tpu.dma_semaphore, #tpu.memory_space<semaphore_mem>>
        %dma_start3A_519 = tpu.memref_squeeze %dma_start3A_518 : memref<1x!tpu.dma_semaphore, #tpu.memory_space<semaphore_mem>> -> memref<!tpu.dma_semaphore, #tpu.memory_space<semaphore_mem>>
        tpu.enqueue_indirect_dma source(%dma_start3A_517 : memref<10000x64xf32, #tpu.memory_space<hbm>>) target(%dma_start3A_511 : memref<80x64xf32, #tpu.memory_space<vmem>>) offsets(%dma_start3A_514 : memref<80xi32, #tpu.memory_space<vmem>>) semaphore(%dma_start3A_519 : memref<!tpu.dma_semaphore, #tpu.memory_space<semaphore_mem>>)
      } else {
      }
      %mul3A_446 = arith.constant 8 : i32
      %mul3A_447 = arith.muli %scan3A_140, %mul3A_446 : i32
      %add3A_448 = arith.constant 7 : i32
      %add3A_449 = arith.addi %mul3A_447, %add3A_448 : i32
      %sub3A_450 = arith.constant 1 : i32
      %sub3A_451 = arith.subi %add3A_449, %sub3A_450 : i32
      %dma_wait3A_452 = arith.constant 3 : i32
      %dma_wait3A_453 = arith.constant 3 : i32
      %dma_wait3A_454 = arith.constant 0 : i32
      %dma_wait3A_455 = arith.constant 0 : i32
      %dma_wait3A_456 = tpu.memref_slice %arg8[%dma_wait3A_452, %dma_wait3A_454, %dma_wait3A_455] : memref<4x80x64xf32, #tpu.memory_space<vmem>> -> memref<1x80x64xf32, #tpu.memory_space<vmem>>
      %dma_wait3A_457 = tpu.memref_squeeze %dma_wait3A_456 : memref<1x80x64xf32, #tpu.memory_space<vmem>> -> memref<80x64xf32, #tpu.memory_space<vmem>>
      %dma_wait3A_458 = arith.constant 0 : i32
      %dma_wait3A_459 = tpu.memref_slice %arg6[%add3A_449, %dma_wait3A_458] : memref<128x80xi32, #tpu.memory_space<vmem>> -> memref<1x80xi32, #tpu.memory_space<vmem>>
      %dma_wait3A_460 = tpu.memref_squeeze %dma_wait3A_459 : memref<1x80xi32, #tpu.memory_space<vmem>> -> memref<80xi32, #tpu.memory_space<vmem>>
      %dma_wait3A_461 = arith.constant 0 : i32
      %dma_wait3A_462 = arith.constant 0 : i32
      %dma_wait3A_463 = tpu.memref_slice %arg10[%dma_wait3A_461, %dma_wait3A_462] : memref<10000x64xf32, #tpu.memory_space<vmem_shared>> -> memref<10000x64xf32, #tpu.memory_space<vmem_shared>>
      %dma_wait3A_464 = tpu.memref_slice %arg11[%dma_wait3A_453] : memref<4x!tpu.dma_semaphore, #tpu.memory_space<semaphore_mem>> -> memref<1x!tpu.dma_semaphore, #tpu.memory_space<semaphore_mem>>
      %dma_wait3A_465 = tpu.memref_squeeze %dma_wait3A_464 : memref<1x!tpu.dma_semaphore, #tpu.memory_space<semaphore_mem>> -> memref<!tpu.dma_semaphore, #tpu.memory_space<semaphore_mem>>
      tpu.wait_indirect_dma semaphore(%dma_wait3A_465 : memref<!tpu.dma_semaphore, #tpu.memory_space<semaphore_mem>>) src(%dma_wait3A_463 : memref<10000x64xf32, #tpu.memory_space<vmem_shared>>) dst(%dma_wait3A_457 : memref<80x64xf32, #tpu.memory_space<vmem>>)
      %dma_start3A_466 = arith.constant 3 : i32
      %dma_start3A_467 = arith.constant 3 : i32
      %dma_start3A_468 = arith.constant 0 : i32
      %dma_start3A_469 = arith.constant 0 : i32
      %dma_start3A_470 = tpu.memref_slice %arg8[%dma_start3A_466, %dma_start3A_468, %dma_start3A_469] : memref<4x80x64xf32, #tpu.memory_space<vmem>> -> memref<1x80x64xf32, #tpu.memory_space<vmem>>
      %dma_start3A_471 = tpu.memref_squeeze %dma_start3A_470 : memref<1x80x64xf32, #tpu.memory_space<vmem>> -> memref<80x64xf32, #tpu.memory_space<vmem>>
      %dma_start3A_472 = arith.constant 0 : i32
      %dma_start3A_473 = tpu.memref_slice %arg7[%add3A_449, %dma_start3A_472] : memref<128x80xi32, #tpu.memory_space<vmem>> -> memref<1x80xi32, #tpu.memory_space<vmem>>
      %dma_start3A_474 = tpu.memref_squeeze %dma_start3A_473 : memref<1x80xi32, #tpu.memory_space<vmem>> -> memref<80xi32, #tpu.memory_space<vmem>>
      %dma_start3A_475 = arith.constant 0 : i32
      %dma_start3A_476 = arith.constant 0 : i32
      %dma_start3A_477 = tpu.memref_slice %arg9[%dma_start3A_475, %dma_start3A_476] : memref<10112x64xf32, #tpu.memory_space<vmem_shared>> -> memref<10112x64xf32, #tpu.memory_space<vmem_shared>>
      %dma_start3A_478 = tpu.memref_slice %arg12[%dma_start3A_467] : memref<4x!tpu.dma_semaphore, #tpu.memory_space<semaphore_mem>> -> memref<1x!tpu.dma_semaphore, #tpu.memory_space<semaphore_mem>>
      %dma_start3A_479 = tpu.memref_squeeze %dma_start3A_478 : memref<1x!tpu.dma_semaphore, #tpu.memory_space<semaphore_mem>> -> memref<!tpu.dma_semaphore, #tpu.memory_space<semaphore_mem>>
      tpu.enqueue_indirect_dma source(%dma_start3A_471 : memref<80x64xf32, #tpu.memory_space<vmem>>) target(%dma_start3A_477 : memref<10112x64xf32, #tpu.memory_space<vmem_shared>>) offsets(%dma_start3A_474 : memref<80xi32, #tpu.memory_space<vmem>>) semaphore(%dma_start3A_479 : memref<!tpu.dma_semaphore, #tpu.memory_space<semaphore_mem>>) {add = true}
      %ge3A_480 = arith.constant 0 : i32
      %ge3A_481 = arith.cmpi sge, %sub3A_451, %ge3A_480 : i32
      %add3A_482 = arith.constant 4 : i32
      %add3A_483 = arith.addi %sub3A_451, %add3A_482 : i32
      %lt3A_484 = arith.constant 128 : i32
      %lt3A_485 = arith.cmpi slt, %add3A_483, %lt3A_484 : i32
      %and3A_486 = arith.andi %ge3A_481, %lt3A_485 : i1
      %convert_element_type3A_487 = arith.extui %and3A_486 : i1 to i32
      %cond3A_488 = arith.constant 0 : i32
      %cond3A_489 = arith.cmpi ne, %convert_element_type3A_487, %cond3A_488 : i32
      scf.if %cond3A_489 {
        %dma_wait3A_490 = arith.constant 2 : i32
        %dma_wait3A_491 = arith.constant 2 : i32
        %dma_wait3A_492 = arith.constant 0 : i32
        %dma_wait3A_493 = arith.constant 0 : i32
        %dma_wait3A_494 = tpu.memref_slice %arg8[%dma_wait3A_490, %dma_wait3A_492, %dma_wait3A_493] : memref<4x80x64xf32, #tpu.memory_space<vmem>> -> memref<1x80x64xf32, #tpu.memory_space<vmem>>
        %dma_wait3A_495 = tpu.memref_squeeze %dma_wait3A_494 : memref<1x80x64xf32, #tpu.memory_space<vmem>> -> memref<80x64xf32, #tpu.memory_space<vmem>>
        %dma_wait3A_496 = arith.constant 0 : i32
        %dma_wait3A_497 = tpu.memref_slice %arg7[%sub3A_451, %dma_wait3A_496] : memref<128x80xi32, #tpu.memory_space<vmem>> -> memref<1x80xi32, #tpu.memory_space<vmem>>
        %dma_wait3A_498 = tpu.memref_squeeze %dma_wait3A_497 : memref<1x80xi32, #tpu.memory_space<vmem>> -> memref<80xi32, #tpu.memory_space<vmem>>
        %dma_wait3A_499 = arith.constant 0 : i32
        %dma_wait3A_500 = arith.constant 0 : i32
        %dma_wait3A_501 = tpu.memref_slice %arg9[%dma_wait3A_499, %dma_wait3A_500] : memref<10112x64xf32, #tpu.memory_space<vmem_shared>> -> memref<10112x64xf32, #tpu.memory_space<vmem_shared>>
        %dma_wait3A_502 = tpu.memref_slice %arg12[%dma_wait3A_491] : memref<4x!tpu.dma_semaphore, #tpu.memory_space<semaphore_mem>> -> memref<1x!tpu.dma_semaphore, #tpu.memory_space<semaphore_mem>>
        %dma_wait3A_503 = tpu.memref_squeeze %dma_wait3A_502 : memref<1x!tpu.dma_semaphore, #tpu.memory_space<semaphore_mem>> -> memref<!tpu.dma_semaphore, #tpu.memory_space<semaphore_mem>>
        tpu.wait_indirect_dma semaphore(%dma_wait3A_503 : memref<!tpu.dma_semaphore, #tpu.memory_space<semaphore_mem>>) src(%dma_wait3A_495 : memref<80x64xf32, #tpu.memory_space<vmem>>) dst(%dma_wait3A_501 : memref<10112x64xf32, #tpu.memory_space<vmem_shared>>)
        %add3A_504 = arith.constant 4 : i32
        %add3A_505 = arith.addi %sub3A_451, %add3A_504 : i32
        %dma_start3A_506 = arith.constant 2 : i32
        %dma_start3A_507 = arith.constant 2 : i32
        %dma_start3A_508 = arith.constant 0 : i32
        %dma_start3A_509 = arith.constant 0 : i32
        %dma_start3A_510 = tpu.memref_slice %arg8[%dma_start3A_506, %dma_start3A_508, %dma_start3A_509] : memref<4x80x64xf32, #tpu.memory_space<vmem>> -> memref<1x80x64xf32, #tpu.memory_space<vmem>>
        %dma_start3A_511 = tpu.memref_squeeze %dma_start3A_510 : memref<1x80x64xf32, #tpu.memory_space<vmem>> -> memref<80x64xf32, #tpu.memory_space<vmem>>
        %dma_start3A_512 = arith.constant 0 : i32
        %dma_start3A_513 = tpu.memref_slice %arg6[%add3A_505, %dma_start3A_512] : memref<128x80xi32, #tpu.memory_space<vmem>> -> memref<1x80xi32, #tpu.memory_space<vmem>>
        %dma_start3A_514 = tpu.memref_squeeze %dma_start3A_513 : memref<1x80xi32, #tpu.memory_space<vmem>> -> memref<80xi32, #tpu.memory_space<vmem>>
        %dma_start3A_515 = arith.constant 0 : i32
        %dma_start3A_516 = arith.constant 0 : i32
        %dma_start3A_517 = tpu.memref_slice %arg2[%dma_start3A_515, %dma_start3A_516] : memref<10000x64xf32, #tpu.memory_space<hbm>> -> memref<10000x64xf32, #tpu.memory_space<hbm>>
        %dma_start3A_518 = tpu.memref_slice %arg11[%dma_start3A_507] : memref<4x!tpu.dma_semaphore, #tpu.memory_space<semaphore_mem>> -> memref<1x!tpu.dma_semaphore, #tpu.memory_space<semaphore_mem>>
        %dma_start3A_519 = tpu.memref_squeeze %dma_start3A_518 : memref<1x!tpu.dma_semaphore, #tpu.memory_space<semaphore_mem>> -> memref<!tpu.dma_semaphore, #tpu.memory_space<semaphore_mem>>
        tpu.enqueue_indirect_dma source(%dma_start3A_517 : memref<10000x64xf32, #tpu.memory_space<hbm>>) target(%dma_start3A_511 : memref<80x64xf32, #tpu.memory_space<vmem>>) offsets(%dma_start3A_514 : memref<80xi32, #tpu.memory_space<vmem>>) semaphore(%dma_start3A_519 : memref<!tpu.dma_semaphore, #tpu.memory_space<semaphore_mem>>)
      } else {
      }
    }
    %scan3A_75 = arith.constant 16 : i32
    %dma_wait3A = arith.constant 0 : i32
    %dma_wait3A_76 = arith.constant 124 : i32
    %dma_wait3A_77 = arith.constant 0 : i32
    %dma_wait3A_78 = arith.constant 0 : i32
    %dma_wait3A_79 = arith.constant 0 : i32
    %dma_wait3A_80 = tpu.memref_slice %arg8[%dma_wait3A, %dma_wait3A_78, %dma_wait3A_79] : memref<4x80x64xf32, #tpu.memory_space<vmem>> -> memref<1x80x64xf32, #tpu.memory_space<vmem>>
    %dma_wait3A_81 = tpu.memref_squeeze %dma_wait3A_80 : memref<1x80x64xf32, #tpu.memory_space<vmem>> -> memref<80x64xf32, #tpu.memory_space<vmem>>
    %dma_wait3A_82 = arith.constant 0 : i32
    %dma_wait3A_83 = tpu.memref_slice %arg7[%dma_wait3A_76, %dma_wait3A_82] : memref<128x80xi32, #tpu.memory_space<vmem>> -> memref<1x80xi32, #tpu.memory_space<vmem>>
    %dma_wait3A_84 = tpu.memref_squeeze %dma_wait3A_83 : memref<1x80xi32, #tpu.memory_space<vmem>> -> memref<80xi32, #tpu.memory_space<vmem>>
    %dma_wait3A_85 = arith.constant 0 : i32
    %dma_wait3A_86 = arith.constant 0 : i32
    %dma_wait3A_87 = tpu.memref_slice %arg9[%dma_wait3A_85, %dma_wait3A_86] : memref<10112x64xf32, #tpu.memory_space<vmem_shared>> -> memref<10112x64xf32, #tpu.memory_space<vmem_shared>>
    %dma_wait3A_88 = tpu.memref_slice %arg12[%dma_wait3A_77] : memref<4x!tpu.dma_semaphore, #tpu.memory_space<semaphore_mem>> -> memref<1x!tpu.dma_semaphore, #tpu.memory_space<semaphore_mem>>
    %dma_wait3A_89 = tpu.memref_squeeze %dma_wait3A_88 : memref<1x!tpu.dma_semaphore, #tpu.memory_space<semaphore_mem>> -> memref<!tpu.dma_semaphore, #tpu.memory_space<semaphore_mem>>
    tpu.wait_indirect_dma semaphore(%dma_wait3A_89 : memref<!tpu.dma_semaphore, #tpu.memory_space<semaphore_mem>>) src(%dma_wait3A_81 : memref<80x64xf32, #tpu.memory_space<vmem>>) dst(%dma_wait3A_87 : memref<10112x64xf32, #tpu.memory_space<vmem_shared>>)
    %dma_wait3A_90 = arith.constant 1 : i32
    %dma_wait3A_91 = arith.constant 125 : i32
    %dma_wait3A_92 = arith.constant 1 : i32
    %dma_wait3A_93 = arith.constant 0 : i32
    %dma_wait3A_94 = arith.constant 0 : i32
    %dma_wait3A_95 = tpu.memref_slice %arg8[%dma_wait3A_90, %dma_wait3A_93, %dma_wait3A_94] : memref<4x80x64xf32, #tpu.memory_space<vmem>> -> memref<1x80x64xf32, #tpu.memory_space<vmem>>
    %dma_wait3A_96 = tpu.memref_squeeze %dma_wait3A_95 : memref<1x80x64xf32, #tpu.memory_space<vmem>> -> memref<80x64xf32, #tpu.memory_space<vmem>>
    %dma_wait3A_97 = arith.constant 0 : i32
    %dma_wait3A_98 = tpu.memref_slice %arg7[%dma_wait3A_91, %dma_wait3A_97] : memref<128x80xi32, #tpu.memory_space<vmem>> -> memref<1x80xi32, #tpu.memory_space<vmem>>
    %dma_wait3A_99 = tpu.memref_squeeze %dma_wait3A_98 : memref<1x80xi32, #tpu.memory_space<vmem>> -> memref<80xi32, #tpu.memory_space<vmem>>
    %dma_wait3A_100 = arith.constant 0 : i32
    %dma_wait3A_101 = arith.constant 0 : i32
    %dma_wait3A_102 = tpu.memref_slice %arg9[%dma_wait3A_100, %dma_wait3A_101] : memref<10112x64xf32, #tpu.memory_space<vmem_shared>> -> memref<10112x64xf32, #tpu.memory_space<vmem_shared>>
    %dma_wait3A_103 = tpu.memref_slice %arg12[%dma_wait3A_92] : memref<4x!tpu.dma_semaphore, #tpu.memory_space<semaphore_mem>> -> memref<1x!tpu.dma_semaphore, #tpu.memory_space<semaphore_mem>>
    %dma_wait3A_104 = tpu.memref_squeeze %dma_wait3A_103 : memref<1x!tpu.dma_semaphore, #tpu.memory_space<semaphore_mem>> -> memref<!tpu.dma_semaphore, #tpu.memory_space<semaphore_mem>>
    tpu.wait_indirect_dma semaphore(%dma_wait3A_104 : memref<!tpu.dma_semaphore, #tpu.memory_space<semaphore_mem>>) src(%dma_wait3A_96 : memref<80x64xf32, #tpu.memory_space<vmem>>) dst(%dma_wait3A_102 : memref<10112x64xf32, #tpu.memory_space<vmem_shared>>)
    %dma_wait3A_105 = arith.constant 2 : i32
    %dma_wait3A_106 = arith.constant 126 : i32
    %dma_wait3A_107 = arith.constant 2 : i32
    %dma_wait3A_108 = arith.constant 0 : i32
    %dma_wait3A_109 = arith.constant 0 : i32
    %dma_wait3A_110 = tpu.memref_slice %arg8[%dma_wait3A_105, %dma_wait3A_108, %dma_wait3A_109] : memref<4x80x64xf32, #tpu.memory_space<vmem>> -> memref<1x80x64xf32, #tpu.memory_space<vmem>>
    %dma_wait3A_111 = tpu.memref_squeeze %dma_wait3A_110 : memref<1x80x64xf32, #tpu.memory_space<vmem>> -> memref<80x64xf32, #tpu.memory_space<vmem>>
    %dma_wait3A_112 = arith.constant 0 : i32
    %dma_wait3A_113 = tpu.memref_slice %arg7[%dma_wait3A_106, %dma_wait3A_112] : memref<128x80xi32, #tpu.memory_space<vmem>> -> memref<1x80xi32, #tpu.memory_space<vmem>>
    %dma_wait3A_114 = tpu.memref_squeeze %dma_wait3A_113 : memref<1x80xi32, #tpu.memory_space<vmem>> -> memref<80xi32, #tpu.memory_space<vmem>>
    %dma_wait3A_115 = arith.constant 0 : i32
    %dma_wait3A_116 = arith.constant 0 : i32
    %dma_wait3A_117 = tpu.memref_slice %arg9[%dma_wait3A_115, %dma_wait3A_116] : memref<10112x64xf32, #tpu.memory_space<vmem_shared>> -> memref<10112x64xf32, #tpu.memory_space<vmem_shared>>
    %dma_wait3A_118 = tpu.memref_slice %arg12[%dma_wait3A_107] : memref<4x!tpu.dma_semaphore, #tpu.memory_space<semaphore_mem>> -> memref<1x!tpu.dma_semaphore, #tpu.memory_space<semaphore_mem>>
    %dma_wait3A_119 = tpu.memref_squeeze %dma_wait3A_118 : memref<1x!tpu.dma_semaphore, #tpu.memory_space<semaphore_mem>> -> memref<!tpu.dma_semaphore, #tpu.memory_space<semaphore_mem>>
    tpu.wait_indirect_dma semaphore(%dma_wait3A_119 : memref<!tpu.dma_semaphore, #tpu.memory_space<semaphore_mem>>) src(%dma_wait3A_111 : memref<80x64xf32, #tpu.memory_space<vmem>>) dst(%dma_wait3A_117 : memref<10112x64xf32, #tpu.memory_space<vmem_shared>>)
    %dma_wait3A_120 = arith.constant 3 : i32
    %dma_wait3A_121 = arith.constant 127 : i32
    %dma_wait3A_122 = arith.constant 3 : i32
    %dma_wait3A_123 = arith.constant 0 : i32
    %dma_wait3A_124 = arith.constant 0 : i32
    %dma_wait3A_125 = tpu.memref_slice %arg8[%dma_wait3A_120, %dma_wait3A_123, %dma_wait3A_124] : memref<4x80x64xf32, #tpu.memory_space<vmem>> -> memref<1x80x64xf32, #tpu.memory_space<vmem>>
    %dma_wait3A_126 = tpu.memref_squeeze %dma_wait3A_125 : memref<1x80x64xf32, #tpu.memory_space<vmem>> -> memref<80x64xf32, #tpu.memory_space<vmem>>
    %dma_wait3A_127 = arith.constant 0 : i32
    %dma_wait3A_128 = tpu.memref_slice %arg7[%dma_wait3A_121, %dma_wait3A_127] : memref<128x80xi32, #tpu.memory_space<vmem>> -> memref<1x80xi32, #tpu.memory_space<vmem>>
    %dma_wait3A_129 = tpu.memref_squeeze %dma_wait3A_128 : memref<1x80xi32, #tpu.memory_space<vmem>> -> memref<80xi32, #tpu.memory_space<vmem>>
    %dma_wait3A_130 = arith.constant 0 : i32
    %dma_wait3A_131 = arith.constant 0 : i32
    %dma_wait3A_132 = tpu.memref_slice %arg9[%dma_wait3A_130, %dma_wait3A_131] : memref<10112x64xf32, #tpu.memory_space<vmem_shared>> -> memref<10112x64xf32, #tpu.memory_space<vmem_shared>>
    %dma_wait3A_133 = tpu.memref_slice %arg12[%dma_wait3A_122] : memref<4x!tpu.dma_semaphore, #tpu.memory_space<semaphore_mem>> -> memref<1x!tpu.dma_semaphore, #tpu.memory_space<semaphore_mem>>
    %dma_wait3A_134 = tpu.memref_squeeze %dma_wait3A_133 : memref<1x!tpu.dma_semaphore, #tpu.memory_space<semaphore_mem>> -> memref<!tpu.dma_semaphore, #tpu.memory_space<semaphore_mem>>
    tpu.wait_indirect_dma semaphore(%dma_wait3A_134 : memref<!tpu.dma_semaphore, #tpu.memory_space<semaphore_mem>>) src(%dma_wait3A_126 : memref<80x64xf32, #tpu.memory_space<vmem>>) dst(%dma_wait3A_132 : memref<10112x64xf32, #tpu.memory_space<vmem_shared>>)
    %barrier3A_135 = arith.constant 0 : index
    tpu.barrier barrier_id(%barrier3A_135)
    %mul3A_136 = arith.constant 632 : i32
    %mul3A_137 = arith.muli %arg1, %mul3A_136 : i32
    %mul3A_138 = arith.constant 632 : i32
    %mul3A_139 = arith.muli %arg1, %mul3A_138 : i32
    "tpu.region"() ({
      %run_scoped3A_140 = tpu.sem_alloc : memref<!tpu.dma_semaphore, #tpu.memory_space<semaphore_mem>>
      %dma_start3A_141 = arith.constant 0 : i32
      %dma_start3A_142 = tpu.memref_slice %arg5[%arg0, %mul3A_139, %dma_start3A_141] : memref<2x10112x64xf32, #tpu.memory_space<hbm>> -> memref<1x632x64xf32, #tpu.memory_space<hbm>>
      %dma_start3A_143 = tpu.memref_squeeze %dma_start3A_142 : memref<1x632x64xf32, #tpu.memory_space<hbm>> -> memref<632x64xf32, #tpu.memory_space<hbm>>
      %dma_start3A_144 = arith.constant 0 : i32
      %dma_start3A_145 = tpu.memref_slice %arg9[%mul3A_137, %dma_start3A_144] : memref<10112x64xf32, #tpu.memory_space<vmem_shared>> -> memref<632x64xf32, #tpu.memory_space<vmem_shared>>
      tpu.enqueue_dma source(%dma_start3A_145 : memref<632x64xf32, #tpu.memory_space<vmem_shared>>) target(%dma_start3A_143 : memref<632x64xf32, #tpu.memory_space<hbm>>) target_semaphore(%run_scoped3A_140 : memref<!tpu.dma_semaphore, #tpu.memory_space<semaphore_mem>>)
      %dma_wait3A_146 = arith.constant 0 : i32
      %dma_wait3A_147 = tpu.memref_slice %arg5[%arg0, %mul3A_139, %dma_wait3A_146] : memref<2x10112x64xf32, #tpu.memory_space<hbm>> -> memref<1x632x64xf32, #tpu.memory_space<hbm>>
      %dma_wait3A_148 = tpu.memref_squeeze %dma_wait3A_147 : memref<1x632x64xf32, #tpu.memory_space<hbm>> -> memref<632x64xf32, #tpu.memory_space<hbm>>
      %dma_wait3A_149 = arith.constant 0 : i32
      %dma_wait3A_150 = tpu.memref_slice %arg9[%mul3A_137, %dma_wait3A_149] : memref<10112x64xf32, #tpu.memory_space<vmem_shared>> -> memref<632x64xf32, #tpu.memory_space<vmem_shared>>
      tpu.wait_dma2 semaphore(%run_scoped3A_140 : memref<!tpu.dma_semaphore, #tpu.memory_space<semaphore_mem>>) src(%dma_wait3A_150 : memref<632x64xf32, #tpu.memory_space<vmem_shared>>) dst(%dma_wait3A_148 : memref<632x64xf32, #tpu.memory_space<hbm>>)
      tpu.yield
    }) : () -> ()
    return
  }
}

#map = affine_map<(d0, d1) -> (0, 0)>
#map1 = affine_map<(d0, d1) -> (0, 0, 0, 0)>
#map2 = affine_map<(d0, d1) -> (0, 0, 0)>
module attributes {stable_mosaic.version = 14 : i64} {
  func.func @_sc_aggr_body(%arg0: i32, %arg1: i32, %arg2: memref<10000x64xf32, #tpu.memory_space<hbm>>, %arg3: memref<2x32x128x80xi32, #tpu.memory_space<hbm>>, %arg4: memref<10112x64xf32, #tpu.memory_space<hbm>>, %arg5: memref<2x10112x64xf32, #tpu.memory_space<hbm>>, %arg6: memref<128x80xi32, #tpu.memory_space<vmem>>, %arg7: memref<128x80xi32, #tpu.memory_space<vmem>>, %arg8: memref<4x80x64xf32, #tpu.memory_space<vmem>>, %arg9: memref<10112x64xf32, #tpu.memory_space<vmem_shared>>, %arg10: memref<10000x64xf32, #tpu.memory_space<vmem_shared>>, %arg11: memref<4x!tpu.dma_semaphore, #tpu.memory_space<semaphore_mem>>, %arg12: memref<4x!tpu.dma_semaphore, #tpu.memory_space<semaphore_mem>>) attributes {dimension_semantics = [#tpu.dimension_semantics<core_parallel>, #tpu.dimension_semantics<subcore_parallel>], iteration_bounds = array<i64: 2, 16>, scalar_prefetch = 0 : i64, scratch_operands = 7 : i64, tpu.core_type = #tpu.core_type<sc_vector_subcore>, window_params = [{transform_indices = #map}, {transform_indices = #map1}, {transform_indices = #map}, {transform_indices = #map2}]} {
    %mul3A = arith.constant 16 : i32
    %mul3A_0 = arith.muli %arg0, %mul3A : i32
    %add3A = arith.addi %mul3A_0, %arg1 : i32
    %run_scoped3A = arith.constant 0 : i32
    "tpu.region"() ({
      %run_scoped3A_140 = tpu.sem_alloc : memref<!tpu.dma_semaphore, #tpu.memory_space<semaphore_mem>>
      %dma_start3A_141 = arith.constant 0 : i32
      %dma_start3A_142 = arith.constant 0 : i32
      %dma_start3A_143 = tpu.memref_slice %arg3[%run_scoped3A, %add3A, %dma_start3A_141, %dma_start3A_142] : memref<2x32x128x80xi32, #tpu.memory_space<hbm>> -> memref<1x1x128x80xi32, #tpu.memory_space<hbm>>
      %dma_start3A_144 = tpu.memref_squeeze %dma_start3A_143 : memref<1x1x128x80xi32, #tpu.memory_space<hbm>> -> memref<128x80xi32, #tpu.memory_space<hbm>>
      %dma_start3A_145 = arith.constant 0 : i32
      %dma_start3A_146 = arith.constant 0 : i32
      %dma_start3A_147 = tpu.memref_slice %arg3[%run_scoped3A, %add3A, %dma_start3A_145, %dma_start3A_146] : memref<2x32x128x80xi32, #tpu.memory_space<hbm>> -> memref<1x1x128x80xi32, #tpu.memory_space<hbm>>
      %dma_start3A_148 = tpu.memref_squeeze %dma_start3A_147 : memref<1x1x128x80xi32, #tpu.memory_space<hbm>> -> memref<128x80xi32, #tpu.memory_space<hbm>>
      tpu.enqueue_dma source(%dma_start3A_148 : memref<128x80xi32, #tpu.memory_space<hbm>>) target(%arg6 : memref<128x80xi32, #tpu.memory_space<vmem>>) target_semaphore(%run_scoped3A_140 : memref<!tpu.dma_semaphore, #tpu.memory_space<semaphore_mem>>)
      %dma_wait3A_149 = arith.constant 0 : i32
      %dma_wait3A_150 = arith.constant 0 : i32
      %dma_wait3A_151 = tpu.memref_slice %arg3[%run_scoped3A, %add3A, %dma_wait3A_149, %dma_wait3A_150] : memref<2x32x128x80xi32, #tpu.memory_space<hbm>> -> memref<1x1x128x80xi32, #tpu.memory_space<hbm>>
      %dma_wait3A_152 = tpu.memref_squeeze %dma_wait3A_151 : memref<1x1x128x80xi32, #tpu.memory_space<hbm>> -> memref<128x80xi32, #tpu.memory_space<hbm>>
      %dma_wait3A_153 = arith.constant 0 : i32
      %dma_wait3A_154 = arith.constant 0 : i32
      %dma_wait3A_155 = tpu.memref_slice %arg3[%run_scoped3A, %add3A, %dma_wait3A_153, %dma_wait3A_154] : memref<2x32x128x80xi32, #tpu.memory_space<hbm>> -> memref<1x1x128x80xi32, #tpu.memory_space<hbm>>
      %dma_wait3A_156 = tpu.memref_squeeze %dma_wait3A_155 : memref<1x1x128x80xi32, #tpu.memory_space<hbm>> -> memref<128x80xi32, #tpu.memory_space<hbm>>
      tpu.wait_dma2 semaphore(%run_scoped3A_140 : memref<!tpu.dma_semaphore, #tpu.memory_space<semaphore_mem>>) src(%dma_wait3A_156 : memref<128x80xi32, #tpu.memory_space<hbm>>) dst(%arg6 : memref<128x80xi32, #tpu.memory_space<vmem>>)
      tpu.yield
    }) : () -> ()
    %run_scoped3A_1 = arith.constant 1 : i32
    "tpu.region"() ({
      %run_scoped3A_140 = tpu.sem_alloc : memref<!tpu.dma_semaphore, #tpu.memory_space<semaphore_mem>>
      %dma_start3A_141 = arith.constant 0 : i32
      %dma_start3A_142 = arith.constant 0 : i32
      %dma_start3A_143 = tpu.memref_slice %arg3[%run_scoped3A_1, %add3A, %dma_start3A_141, %dma_start3A_142] : memref<2x32x128x80xi32, #tpu.memory_space<hbm>> -> memref<1x1x128x80xi32, #tpu.memory_space<hbm>>
      %dma_start3A_144 = tpu.memref_squeeze %dma_start3A_143 : memref<1x1x128x80xi32, #tpu.memory_space<hbm>> -> memref<128x80xi32, #tpu.memory_space<hbm>>
      %dma_start3A_145 = arith.constant 0 : i32
      %dma_start3A_146 = arith.constant 0 : i32
      %dma_start3A_147 = tpu.memref_slice %arg3[%run_scoped3A_1, %add3A, %dma_start3A_145, %dma_start3A_146] : memref<2x32x128x80xi32, #tpu.memory_space<hbm>> -> memref<1x1x128x80xi32, #tpu.memory_space<hbm>>
      %dma_start3A_148 = tpu.memref_squeeze %dma_start3A_147 : memref<1x1x128x80xi32, #tpu.memory_space<hbm>> -> memref<128x80xi32, #tpu.memory_space<hbm>>
      tpu.enqueue_dma source(%dma_start3A_148 : memref<128x80xi32, #tpu.memory_space<hbm>>) target(%arg7 : memref<128x80xi32, #tpu.memory_space<vmem>>) target_semaphore(%run_scoped3A_140 : memref<!tpu.dma_semaphore, #tpu.memory_space<semaphore_mem>>)
      %dma_wait3A_149 = arith.constant 0 : i32
      %dma_wait3A_150 = arith.constant 0 : i32
      %dma_wait3A_151 = tpu.memref_slice %arg3[%run_scoped3A_1, %add3A, %dma_wait3A_149, %dma_wait3A_150] : memref<2x32x128x80xi32, #tpu.memory_space<hbm>> -> memref<1x1x128x80xi32, #tpu.memory_space<hbm>>
      %dma_wait3A_152 = tpu.memref_squeeze %dma_wait3A_151 : memref<1x1x128x80xi32, #tpu.memory_space<hbm>> -> memref<128x80xi32, #tpu.memory_space<hbm>>
      %dma_wait3A_153 = arith.constant 0 : i32
      %dma_wait3A_154 = arith.constant 0 : i32
      %dma_wait3A_155 = tpu.memref_slice %arg3[%run_scoped3A_1, %add3A, %dma_wait3A_153, %dma_wait3A_154] : memref<2x32x128x80xi32, #tpu.memory_space<hbm>> -> memref<1x1x128x80xi32, #tpu.memory_space<hbm>>
      %dma_wait3A_156 = tpu.memref_squeeze %dma_wait3A_155 : memref<1x1x128x80xi32, #tpu.memory_space<hbm>> -> memref<128x80xi32, #tpu.memory_space<hbm>>
      tpu.wait_dma2 semaphore(%run_scoped3A_140 : memref<!tpu.dma_semaphore, #tpu.memory_space<semaphore_mem>>) src(%dma_wait3A_156 : memref<128x80xi32, #tpu.memory_space<hbm>>) dst(%arg7 : memref<128x80xi32, #tpu.memory_space<vmem>>)
      tpu.yield
    }) : () -> ()
    %mul3A_2 = arith.constant 632 : i32
    %mul3A_3 = arith.muli %arg1, %mul3A_2 : i32
    %mul3A_4 = arith.constant 632 : i32
    %mul3A_5 = arith.muli %arg1, %mul3A_4 : i32
    "tpu.region"() ({
      %run_scoped3A_140 = tpu.sem_alloc : memref<!tpu.dma_semaphore, #tpu.memory_space<semaphore_mem>>
      %dma_start3A_141 = arith.constant 0 : i32
      %dma_start3A_142 = tpu.memref_slice %arg9[%mul3A_5, %dma_start3A_141] : memref<10112x64xf32, #tpu.memory_space<vmem_shared>> -> memref<632x64xf32, #tpu.memory_space<vmem_shared>>
      %dma_start3A_143 = arith.constant 0 : i32
      %dma_start3A_144 = tpu.memref_slice %arg4[%mul3A_3, %dma_start3A_143] : memref<10112x64xf32, #tpu.memory_space<hbm>> -> memref<632x64xf32, #tpu.memory_space<hbm>>
      tpu.enqueue_dma source(%dma_start3A_144 : memref<632x64xf32, #tpu.memory_space<hbm>>) target(%dma_start3A_142 : memref<632x64xf32, #tpu.memory_space<vmem_shared>>) target_semaphore(%run_scoped3A_140 : memref<!tpu.dma_semaphore, #tpu.memory_space<semaphore_mem>>)
      %dma_wait3A_145 = arith.constant 0 : i32
      %dma_wait3A_146 = tpu.memref_slice %arg9[%mul3A_5, %dma_wait3A_145] : memref<10112x64xf32, #tpu.memory_space<vmem_shared>> -> memref<632x64xf32, #tpu.memory_space<vmem_shared>>
      %dma_wait3A_147 = arith.constant 0 : i32
      %dma_wait3A_148 = tpu.memref_slice %arg4[%mul3A_3, %dma_wait3A_147] : memref<10112x64xf32, #tpu.memory_space<hbm>> -> memref<632x64xf32, #tpu.memory_space<hbm>>
      tpu.wait_dma2 semaphore(%run_scoped3A_140 : memref<!tpu.dma_semaphore, #tpu.memory_space<semaphore_mem>>) src(%dma_wait3A_148 : memref<632x64xf32, #tpu.memory_space<hbm>>) dst(%dma_wait3A_146 : memref<632x64xf32, #tpu.memory_space<vmem_shared>>)
      tpu.yield
    }) : () -> ()
    %lt3A = arith.constant 15 : i32
    %lt3A_6 = arith.cmpi slt, %arg1, %lt3A : i32
    %convert_element_type3A = arith.extui %lt3A_6 : i1 to i32
    %cond3A = arith.constant 0 : i32
    %cond3A_7 = arith.cmpi ne, %convert_element_type3A, %cond3A : i32
    scf.if %cond3A_7 {
      %mul3A_140 = arith.constant 640 : i32
      %mul3A_141 = arith.muli %arg1, %mul3A_140 : i32
      %mul3A_142 = arith.constant 640 : i32
      %mul3A_143 = arith.muli %arg1, %mul3A_142 : i32
      "tpu.region"() ({
        %run_scoped3A_144 = tpu.sem_alloc : memref<!tpu.dma_semaphore, #tpu.memory_space<semaphore_mem>>
        %dma_start3A_145 = arith.constant 0 : i32
        %dma_start3A_146 = tpu.memref_slice %arg10[%mul3A_143, %dma_start3A_145] : memref<10000x64xf32, #tpu.memory_space<vmem_shared>> -> memref<640x64xf32, #tpu.memory_space<vmem_shared>>
        %dma_start3A_147 = arith.constant 0 : i32
        %dma_start3A_148 = tpu.memref_slice %arg2[%mul3A_141, %dma_start3A_147] : memref<10000x64xf32, #tpu.memory_space<hbm>> -> memref<640x64xf32, #tpu.memory_space<hbm>>
        tpu.enqueue_dma source(%dma_start3A_148 : memref<640x64xf32, #tpu.memory_space<hbm>>) target(%dma_start3A_146 : memref<640x64xf32, #tpu.memory_space<vmem_shared>>) target_semaphore(%run_scoped3A_144 : memref<!tpu.dma_semaphore, #tpu.memory_space<semaphore_mem>>)
        %dma_wait3A_149 = arith.constant 0 : i32
        %dma_wait3A_150 = tpu.memref_slice %arg10[%mul3A_143, %dma_wait3A_149] : memref<10000x64xf32, #tpu.memory_space<vmem_shared>> -> memref<640x64xf32, #tpu.memory_space<vmem_shared>>
        %dma_wait3A_151 = arith.constant 0 : i32
        %dma_wait3A_152 = tpu.memref_slice %arg2[%mul3A_141, %dma_wait3A_151] : memref<10000x64xf32, #tpu.memory_space<hbm>> -> memref<640x64xf32, #tpu.memory_space<hbm>>
        tpu.wait_dma2 semaphore(%run_scoped3A_144 : memref<!tpu.dma_semaphore, #tpu.memory_space<semaphore_mem>>) src(%dma_wait3A_152 : memref<640x64xf32, #tpu.memory_space<hbm>>) dst(%dma_wait3A_150 : memref<640x64xf32, #tpu.memory_space<vmem_shared>>)
        tpu.yield
      }) : () -> ()
    } else {
    }
    %eq3A = arith.constant 15 : i32
    %eq3A_8 = arith.cmpi eq, %arg1, %eq3A : i32
    %convert_element_type3A_9 = arith.extui %eq3A_8 : i1 to i32
    %cond3A_10 = arith.constant 0 : i32
    %cond3A_11 = arith.cmpi ne, %convert_element_type3A_9, %cond3A_10 : i32
    scf.if %cond3A_11 {
      "tpu.region"() ({
        %run_scoped3A_140 = tpu.sem_alloc : memref<!tpu.dma_semaphore, #tpu.memory_space<semaphore_mem>>
        %dma_start3A_141 = arith.constant 9600 : i32
        %dma_start3A_142 = arith.constant 0 : i32
        %dma_start3A_143 = tpu.memref_slice %arg10[%dma_start3A_141, %dma_start3A_142] : memref<10000x64xf32, #tpu.memory_space<vmem_shared>> -> memref<400x64xf32, #tpu.memory_space<vmem_shared>>
        %dma_start3A_144 = arith.constant 9600 : i32
        %dma_start3A_145 = arith.constant 0 : i32
        %dma_start3A_146 = tpu.memref_slice %arg2[%dma_start3A_144, %dma_start3A_145] : memref<10000x64xf32, #tpu.memory_space<hbm>> -> memref<400x64xf32, #tpu.memory_space<hbm>>
        tpu.enqueue_dma source(%dma_start3A_146 : memref<400x64xf32, #tpu.memory_space<hbm>>) target(%dma_start3A_143 : memref<400x64xf32, #tpu.memory_space<vmem_shared>>) target_semaphore(%run_scoped3A_140 : memref<!tpu.dma_semaphore, #tpu.memory_space<semaphore_mem>>)
        %dma_wait3A_147 = arith.constant 9600 : i32
        %dma_wait3A_148 = arith.constant 0 : i32
        %dma_wait3A_149 = tpu.memref_slice %arg10[%dma_wait3A_147, %dma_wait3A_148] : memref<10000x64xf32, #tpu.memory_space<vmem_shared>> -> memref<400x64xf32, #tpu.memory_space<vmem_shared>>
        %dma_wait3A_150 = arith.constant 9600 : i32
        %dma_wait3A_151 = arith.constant 0 : i32
        %dma_wait3A_152 = tpu.memref_slice %arg2[%dma_wait3A_150, %dma_wait3A_151] : memref<10000x64xf32, #tpu.memory_space<hbm>> -> memref<400x64xf32, #tpu.memory_space<hbm>>
        tpu.wait_dma2 semaphore(%run_scoped3A_140 : memref<!tpu.dma_semaphore, #tpu.memory_space<semaphore_mem>>) src(%dma_wait3A_152 : memref<400x64xf32, #tpu.memory_space<hbm>>) dst(%dma_wait3A_149 : memref<400x64xf32, #tpu.memory_space<vmem_shared>>)
        tpu.yield
      }) : () -> ()
    } else {
    }
    %barrier3A = arith.constant 0 : index
    tpu.barrier barrier_id(%barrier3A)
    %dma_start3A = arith.constant 0 : i32
    %dma_start3A_12 = arith.constant 0 : i32
    %dma_start3A_13 = arith.constant 0 : i32
    %dma_start3A_14 = arith.constant 0 : i32
    %dma_start3A_15 = arith.constant 0 : i32
    %dma_start3A_16 = tpu.memref_slice %arg8[%dma_start3A_12, %dma_start3A_14, %dma_start3A_15] : memref<4x80x64xf32, #tpu.memory_space<vmem>> -> memref<1x80x64xf32, #tpu.memory_space<vmem>>
    %dma_start3A_17 = tpu.memref_squeeze %dma_start3A_16 : memref<1x80x64xf32, #tpu.memory_space<vmem>> -> memref<80x64xf32, #tpu.memory_space<vmem>>
    %dma_start3A_18 = arith.constant 0 : i32
    %dma_start3A_19 = tpu.memref_slice %arg6[%dma_start3A, %dma_start3A_18] : memref<128x80xi32, #tpu.memory_space<vmem>> -> memref<1x80xi32, #tpu.memory_space<vmem>>
    %dma_start3A_20 = tpu.memref_squeeze %dma_start3A_19 : memref<1x80xi32, #tpu.memory_space<vmem>> -> memref<80xi32, #tpu.memory_space<vmem>>
    %dma_start3A_21 = arith.constant 0 : i32
    %dma_start3A_22 = arith.constant 0 : i32
    %dma_start3A_23 = tpu.memref_slice %arg2[%dma_start3A_21, %dma_start3A_22] : memref<10000x64xf32, #tpu.memory_space<hbm>> -> memref<10000x64xf32, #tpu.memory_space<hbm>>
    %dma_start3A_24 = tpu.memref_slice %arg11[%dma_start3A_13] : memref<4x!tpu.dma_semaphore, #tpu.memory_space<semaphore_mem>> -> memref<1x!tpu.dma_semaphore, #tpu.memory_space<semaphore_mem>>
    %dma_start3A_25 = tpu.memref_squeeze %dma_start3A_24 : memref<1x!tpu.dma_semaphore, #tpu.memory_space<semaphore_mem>> -> memref<!tpu.dma_semaphore, #tpu.memory_space<semaphore_mem>>
    tpu.enqueue_indirect_dma source(%dma_start3A_23 : memref<10000x64xf32, #tpu.memory_space<hbm>>) target(%dma_start3A_17 : memref<80x64xf32, #tpu.memory_space<vmem>>) offsets(%dma_start3A_20 : memref<80xi32, #tpu.memory_space<vmem>>) semaphore(%dma_start3A_25 : memref<!tpu.dma_semaphore, #tpu.memory_space<semaphore_mem>>)
    %dma_start3A_26 = arith.constant 1 : i32
    %dma_start3A_27 = arith.constant 1 : i32
    %dma_start3A_28 = arith.constant 1 : i32
    %dma_start3A_29 = arith.constant 0 : i32
    %dma_start3A_30 = arith.constant 0 : i32
    %dma_start3A_31 = tpu.memref_slice %arg8[%dma_start3A_27, %dma_start3A_29, %dma_start3A_30] : memref<4x80x64xf32, #tpu.memory_space<vmem>> -> memref<1x80x64xf32, #tpu.memory_space<vmem>>
    %dma_start3A_32 = tpu.memref_squeeze %dma_start3A_31 : memref<1x80x64xf32, #tpu.memory_space<vmem>> -> memref<80x64xf32, #tpu.memory_space<vmem>>
    %dma_start3A_33 = arith.constant 0 : i32
    %dma_start3A_34 = tpu.memref_slice %arg6[%dma_start3A_26, %dma_start3A_33] : memref<128x80xi32, #tpu.memory_space<vmem>> -> memref<1x80xi32, #tpu.memory_space<vmem>>
    %dma_start3A_35 = tpu.memref_squeeze %dma_start3A_34 : memref<1x80xi32, #tpu.memory_space<vmem>> -> memref<80xi32, #tpu.memory_space<vmem>>
    %dma_start3A_36 = arith.constant 0 : i32
    %dma_start3A_37 = arith.constant 0 : i32
    %dma_start3A_38 = tpu.memref_slice %arg2[%dma_start3A_36, %dma_start3A_37] : memref<10000x64xf32, #tpu.memory_space<hbm>> -> memref<10000x64xf32, #tpu.memory_space<hbm>>
    %dma_start3A_39 = tpu.memref_slice %arg11[%dma_start3A_28] : memref<4x!tpu.dma_semaphore, #tpu.memory_space<semaphore_mem>> -> memref<1x!tpu.dma_semaphore, #tpu.memory_space<semaphore_mem>>
    %dma_start3A_40 = tpu.memref_squeeze %dma_start3A_39 : memref<1x!tpu.dma_semaphore, #tpu.memory_space<semaphore_mem>> -> memref<!tpu.dma_semaphore, #tpu.memory_space<semaphore_mem>>
    tpu.enqueue_indirect_dma source(%dma_start3A_38 : memref<10000x64xf32, #tpu.memory_space<hbm>>) target(%dma_start3A_32 : memref<80x64xf32, #tpu.memory_space<vmem>>) offsets(%dma_start3A_35 : memref<80xi32, #tpu.memory_space<vmem>>) semaphore(%dma_start3A_40 : memref<!tpu.dma_semaphore, #tpu.memory_space<semaphore_mem>>)
    %dma_start3A_41 = arith.constant 2 : i32
    %dma_start3A_42 = arith.constant 2 : i32
    %dma_start3A_43 = arith.constant 2 : i32
    %dma_start3A_44 = arith.constant 0 : i32
    %dma_start3A_45 = arith.constant 0 : i32
    %dma_start3A_46 = tpu.memref_slice %arg8[%dma_start3A_42, %dma_start3A_44, %dma_start3A_45] : memref<4x80x64xf32, #tpu.memory_space<vmem>> -> memref<1x80x64xf32, #tpu.memory_space<vmem>>
    %dma_start3A_47 = tpu.memref_squeeze %dma_start3A_46 : memref<1x80x64xf32, #tpu.memory_space<vmem>> -> memref<80x64xf32, #tpu.memory_space<vmem>>
    %dma_start3A_48 = arith.constant 0 : i32
    %dma_start3A_49 = tpu.memref_slice %arg6[%dma_start3A_41, %dma_start3A_48] : memref<128x80xi32, #tpu.memory_space<vmem>> -> memref<1x80xi32, #tpu.memory_space<vmem>>
    %dma_start3A_50 = tpu.memref_squeeze %dma_start3A_49 : memref<1x80xi32, #tpu.memory_space<vmem>> -> memref<80xi32, #tpu.memory_space<vmem>>
    %dma_start3A_51 = arith.constant 0 : i32
    %dma_start3A_52 = arith.constant 0 : i32
    %dma_start3A_53 = tpu.memref_slice %arg2[%dma_start3A_51, %dma_start3A_52] : memref<10000x64xf32, #tpu.memory_space<hbm>> -> memref<10000x64xf32, #tpu.memory_space<hbm>>
    %dma_start3A_54 = tpu.memref_slice %arg11[%dma_start3A_43] : memref<4x!tpu.dma_semaphore, #tpu.memory_space<semaphore_mem>> -> memref<1x!tpu.dma_semaphore, #tpu.memory_space<semaphore_mem>>
    %dma_start3A_55 = tpu.memref_squeeze %dma_start3A_54 : memref<1x!tpu.dma_semaphore, #tpu.memory_space<semaphore_mem>> -> memref<!tpu.dma_semaphore, #tpu.memory_space<semaphore_mem>>
    tpu.enqueue_indirect_dma source(%dma_start3A_53 : memref<10000x64xf32, #tpu.memory_space<hbm>>) target(%dma_start3A_47 : memref<80x64xf32, #tpu.memory_space<vmem>>) offsets(%dma_start3A_50 : memref<80xi32, #tpu.memory_space<vmem>>) semaphore(%dma_start3A_55 : memref<!tpu.dma_semaphore, #tpu.memory_space<semaphore_mem>>)
    %dma_start3A_56 = arith.constant 3 : i32
    %dma_start3A_57 = arith.constant 3 : i32
    %dma_start3A_58 = arith.constant 3 : i32
    %dma_start3A_59 = arith.constant 0 : i32
    %dma_start3A_60 = arith.constant 0 : i32
    %dma_start3A_61 = tpu.memref_slice %arg8[%dma_start3A_57, %dma_start3A_59, %dma_start3A_60] : memref<4x80x64xf32, #tpu.memory_space<vmem>> -> memref<1x80x64xf32, #tpu.memory_space<vmem>>
    %dma_start3A_62 = tpu.memref_squeeze %dma_start3A_61 : memref<1x80x64xf32, #tpu.memory_space<vmem>> -> memref<80x64xf32, #tpu.memory_space<vmem>>
    %dma_start3A_63 = arith.constant 0 : i32
    %dma_start3A_64 = tpu.memref_slice %arg6[%dma_start3A_56, %dma_start3A_63] : memref<128x80xi32, #tpu.memory_space<vmem>> -> memref<1x80xi32, #tpu.memory_space<vmem>>
    %dma_start3A_65 = tpu.memref_squeeze %dma_start3A_64 : memref<1x80xi32, #tpu.memory_space<vmem>> -> memref<80xi32, #tpu.memory_space<vmem>>
    %dma_start3A_66 = arith.constant 0 : i32
    %dma_start3A_67 = arith.constant 0 : i32
    %dma_start3A_68 = tpu.memref_slice %arg2[%dma_start3A_66, %dma_start3A_67] : memref<10000x64xf32, #tpu.memory_space<hbm>> -> memref<10000x64xf32, #tpu.memory_space<hbm>>
    %dma_start3A_69 = tpu.memref_slice %arg11[%dma_start3A_58] : memref<4x!tpu.dma_semaphore, #tpu.memory_space<semaphore_mem>> -> memref<1x!tpu.dma_semaphore, #tpu.memory_space<semaphore_mem>>
    %dma_start3A_70 = tpu.memref_squeeze %dma_start3A_69 : memref<1x!tpu.dma_semaphore, #tpu.memory_space<semaphore_mem>> -> memref<!tpu.dma_semaphore, #tpu.memory_space<semaphore_mem>>
    tpu.enqueue_indirect_dma source(%dma_start3A_68 : memref<10000x64xf32, #tpu.memory_space<hbm>>) target(%dma_start3A_62 : memref<80x64xf32, #tpu.memory_space<vmem>>) offsets(%dma_start3A_65 : memref<80xi32, #tpu.memory_space<vmem>>) semaphore(%dma_start3A_70 : memref<!tpu.dma_semaphore, #tpu.memory_space<semaphore_mem>>)
    %scan3A = arith.constant 0 : i32
    %scan3A_71 = arith.constant 0 : i32
    %scan3A_72 = arith.constant 16 : i32
    %scan3A_73 = arith.addi %scan3A_71, %scan3A_72 : i32
    %scan3A_74 = arith.constant 1 : i32
    scf.for %scan3A_140 = %scan3A_71 to %scan3A_73 step %scan3A_74  : i32 {
      %mul3A_141 = arith.constant 8 : i32
      %mul3A_142 = arith.muli %scan3A_140, %mul3A_141 : i32
      %add3A_143 = arith.constant 0 : i32
      %add3A_144 = arith.addi %mul3A_142, %add3A_143 : i32
      %sub3A = arith.constant 1 : i32
      %sub3A_145 = arith.subi %add3A_144, %sub3A : i32
      %dma_wait3A_146 = arith.constant 0 : i32
      %dma_wait3A_147 = arith.constant 0 : i32
      %dma_wait3A_148 = arith.constant 0 : i32
      %dma_wait3A_149 = arith.constant 0 : i32
      %dma_wait3A_150 = tpu.memref_slice %arg8[%dma_wait3A_146, %dma_wait3A_148, %dma_wait3A_149] : memref<4x80x64xf32, #tpu.memory_space<vmem>> -> memref<1x80x64xf32, #tpu.memory_space<vmem>>
      %dma_wait3A_151 = tpu.memref_squeeze %dma_wait3A_150 : memref<1x80x64xf32, #tpu.memory_space<vmem>> -> memref<80x64xf32, #tpu.memory_space<vmem>>
      %dma_wait3A_152 = arith.constant 0 : i32
      %dma_wait3A_153 = tpu.memref_slice %arg6[%add3A_144, %dma_wait3A_152] : memref<128x80xi32, #tpu.memory_space<vmem>> -> memref<1x80xi32, #tpu.memory_space<vmem>>
      %dma_wait3A_154 = tpu.memref_squeeze %dma_wait3A_153 : memref<1x80xi32, #tpu.memory_space<vmem>> -> memref<80xi32, #tpu.memory_space<vmem>>
      %dma_wait3A_155 = arith.constant 0 : i32
      %dma_wait3A_156 = arith.constant 0 : i32
      %dma_wait3A_157 = tpu.memref_slice %arg2[%dma_wait3A_155, %dma_wait3A_156] : memref<10000x64xf32, #tpu.memory_space<hbm>> -> memref<10000x64xf32, #tpu.memory_space<hbm>>
      %dma_wait3A_158 = tpu.memref_slice %arg11[%dma_wait3A_147] : memref<4x!tpu.dma_semaphore, #tpu.memory_space<semaphore_mem>> -> memref<1x!tpu.dma_semaphore, #tpu.memory_space<semaphore_mem>>
      %dma_wait3A_159 = tpu.memref_squeeze %dma_wait3A_158 : memref<1x!tpu.dma_semaphore, #tpu.memory_space<semaphore_mem>> -> memref<!tpu.dma_semaphore, #tpu.memory_space<semaphore_mem>>
      tpu.wait_indirect_dma semaphore(%dma_wait3A_159 : memref<!tpu.dma_semaphore, #tpu.memory_space<semaphore_mem>>) src(%dma_wait3A_157 : memref<10000x64xf32, #tpu.memory_space<hbm>>) dst(%dma_wait3A_151 : memref<80x64xf32, #tpu.memory_space<vmem>>)
      %dma_start3A_160 = arith.constant 0 : i32
      %dma_start3A_161 = arith.constant 0 : i32
      %dma_start3A_162 = arith.constant 0 : i32
      %dma_start3A_163 = arith.constant 0 : i32
      %dma_start3A_164 = tpu.memref_slice %arg8[%dma_start3A_160, %dma_start3A_162, %dma_start3A_163] : memref<4x80x64xf32, #tpu.memory_space<vmem>> -> memref<1x80x64xf32, #tpu.memory_space<vmem>>
      %dma_start3A_165 = tpu.memref_squeeze %dma_start3A_164 : memref<1x80x64xf32, #tpu.memory_space<vmem>> -> memref<80x64xf32, #tpu.memory_space<vmem>>
      %dma_start3A_166 = arith.constant 0 : i32
      %dma_start3A_167 = tpu.memref_slice %arg7[%add3A_144, %dma_start3A_166] : memref<128x80xi32, #tpu.memory_space<vmem>> -> memref<1x80xi32, #tpu.memory_space<vmem>>
      %dma_start3A_168 = tpu.memref_squeeze %dma_start3A_167 : memref<1x80xi32, #tpu.memory_space<vmem>> -> memref<80xi32, #tpu.memory_space<vmem>>
      %dma_start3A_169 = arith.constant 0 : i32
      %dma_start3A_170 = arith.constant 0 : i32
      %dma_start3A_171 = tpu.memref_slice %arg9[%dma_start3A_169, %dma_start3A_170] : memref<10112x64xf32, #tpu.memory_space<vmem_shared>> -> memref<10112x64xf32, #tpu.memory_space<vmem_shared>>
      %dma_start3A_172 = tpu.memref_slice %arg12[%dma_start3A_161] : memref<4x!tpu.dma_semaphore, #tpu.memory_space<semaphore_mem>> -> memref<1x!tpu.dma_semaphore, #tpu.memory_space<semaphore_mem>>
      %dma_start3A_173 = tpu.memref_squeeze %dma_start3A_172 : memref<1x!tpu.dma_semaphore, #tpu.memory_space<semaphore_mem>> -> memref<!tpu.dma_semaphore, #tpu.memory_space<semaphore_mem>>
      tpu.enqueue_indirect_dma source(%dma_start3A_165 : memref<80x64xf32, #tpu.memory_space<vmem>>) target(%dma_start3A_171 : memref<10112x64xf32, #tpu.memory_space<vmem_shared>>) offsets(%dma_start3A_168 : memref<80xi32, #tpu.memory_space<vmem>>) semaphore(%dma_start3A_173 : memref<!tpu.dma_semaphore, #tpu.memory_space<semaphore_mem>>) {add = true}
      %ge3A = arith.constant 0 : i32
      %ge3A_174 = arith.cmpi sge, %sub3A_145, %ge3A : i32
      %add3A_175 = arith.constant 4 : i32
      %add3A_176 = arith.addi %sub3A_145, %add3A_175 : i32
      %lt3A_177 = arith.constant 128 : i32
      %lt3A_178 = arith.cmpi slt, %add3A_176, %lt3A_177 : i32
      %and3A = arith.andi %ge3A_174, %lt3A_178 : i1
      %convert_element_type3A_179 = arith.extui %and3A : i1 to i32
      %cond3A_180 = arith.constant 0 : i32
      %cond3A_181 = arith.cmpi ne, %convert_element_type3A_179, %cond3A_180 : i32
      scf.if %cond3A_181 {
        %dma_wait3A_490 = arith.constant 3 : i32
        %dma_wait3A_491 = arith.constant 3 : i32
        %dma_wait3A_492 = arith.constant 0 : i32
        %dma_wait3A_493 = arith.constant 0 : i32
        %dma_wait3A_494 = tpu.memref_slice %arg8[%dma_wait3A_490, %dma_wait3A_492, %dma_wait3A_493] : memref<4x80x64xf32, #tpu.memory_space<vmem>> -> memref<1x80x64xf32, #tpu.memory_space<vmem>>
        %dma_wait3A_495 = tpu.memref_squeeze %dma_wait3A_494 : memref<1x80x64xf32, #tpu.memory_space<vmem>> -> memref<80x64xf32, #tpu.memory_space<vmem>>
        %dma_wait3A_496 = arith.constant 0 : i32
        %dma_wait3A_497 = tpu.memref_slice %arg7[%sub3A_145, %dma_wait3A_496] : memref<128x80xi32, #tpu.memory_space<vmem>> -> memref<1x80xi32, #tpu.memory_space<vmem>>
        %dma_wait3A_498 = tpu.memref_squeeze %dma_wait3A_497 : memref<1x80xi32, #tpu.memory_space<vmem>> -> memref<80xi32, #tpu.memory_space<vmem>>
        %dma_wait3A_499 = arith.constant 0 : i32
        %dma_wait3A_500 = arith.constant 0 : i32
        %dma_wait3A_501 = tpu.memref_slice %arg9[%dma_wait3A_499, %dma_wait3A_500] : memref<10112x64xf32, #tpu.memory_space<vmem_shared>> -> memref<10112x64xf32, #tpu.memory_space<vmem_shared>>
        %dma_wait3A_502 = tpu.memref_slice %arg12[%dma_wait3A_491] : memref<4x!tpu.dma_semaphore, #tpu.memory_space<semaphore_mem>> -> memref<1x!tpu.dma_semaphore, #tpu.memory_space<semaphore_mem>>
        %dma_wait3A_503 = tpu.memref_squeeze %dma_wait3A_502 : memref<1x!tpu.dma_semaphore, #tpu.memory_space<semaphore_mem>> -> memref<!tpu.dma_semaphore, #tpu.memory_space<semaphore_mem>>
        tpu.wait_indirect_dma semaphore(%dma_wait3A_503 : memref<!tpu.dma_semaphore, #tpu.memory_space<semaphore_mem>>) src(%dma_wait3A_495 : memref<80x64xf32, #tpu.memory_space<vmem>>) dst(%dma_wait3A_501 : memref<10112x64xf32, #tpu.memory_space<vmem_shared>>)
        %add3A_504 = arith.constant 4 : i32
        %add3A_505 = arith.addi %sub3A_145, %add3A_504 : i32
        %dma_start3A_506 = arith.constant 3 : i32
        %dma_start3A_507 = arith.constant 3 : i32
        %dma_start3A_508 = arith.constant 0 : i32
        %dma_start3A_509 = arith.constant 0 : i32
        %dma_start3A_510 = tpu.memref_slice %arg8[%dma_start3A_506, %dma_start3A_508, %dma_start3A_509] : memref<4x80x64xf32, #tpu.memory_space<vmem>> -> memref<1x80x64xf32, #tpu.memory_space<vmem>>
        %dma_start3A_511 = tpu.memref_squeeze %dma_start3A_510 : memref<1x80x64xf32, #tpu.memory_space<vmem>> -> memref<80x64xf32, #tpu.memory_space<vmem>>
        %dma_start3A_512 = arith.constant 0 : i32
        %dma_start3A_513 = tpu.memref_slice %arg6[%add3A_505, %dma_start3A_512] : memref<128x80xi32, #tpu.memory_space<vmem>> -> memref<1x80xi32, #tpu.memory_space<vmem>>
        %dma_start3A_514 = tpu.memref_squeeze %dma_start3A_513 : memref<1x80xi32, #tpu.memory_space<vmem>> -> memref<80xi32, #tpu.memory_space<vmem>>
        %dma_start3A_515 = arith.constant 0 : i32
        %dma_start3A_516 = arith.constant 0 : i32
        %dma_start3A_517 = tpu.memref_slice %arg2[%dma_start3A_515, %dma_start3A_516] : memref<10000x64xf32, #tpu.memory_space<hbm>> -> memref<10000x64xf32, #tpu.memory_space<hbm>>
        %dma_start3A_518 = tpu.memref_slice %arg11[%dma_start3A_507] : memref<4x!tpu.dma_semaphore, #tpu.memory_space<semaphore_mem>> -> memref<1x!tpu.dma_semaphore, #tpu.memory_space<semaphore_mem>>
        %dma_start3A_519 = tpu.memref_squeeze %dma_start3A_518 : memref<1x!tpu.dma_semaphore, #tpu.memory_space<semaphore_mem>> -> memref<!tpu.dma_semaphore, #tpu.memory_space<semaphore_mem>>
        tpu.enqueue_indirect_dma source(%dma_start3A_517 : memref<10000x64xf32, #tpu.memory_space<hbm>>) target(%dma_start3A_511 : memref<80x64xf32, #tpu.memory_space<vmem>>) offsets(%dma_start3A_514 : memref<80xi32, #tpu.memory_space<vmem>>) semaphore(%dma_start3A_519 : memref<!tpu.dma_semaphore, #tpu.memory_space<semaphore_mem>>)
      } else {
      }
      %mul3A_182 = arith.constant 8 : i32
      %mul3A_183 = arith.muli %scan3A_140, %mul3A_182 : i32
      %add3A_184 = arith.constant 1 : i32
      %add3A_185 = arith.addi %mul3A_183, %add3A_184 : i32
      %sub3A_186 = arith.constant 1 : i32
      %sub3A_187 = arith.subi %add3A_185, %sub3A_186 : i32
      %dma_wait3A_188 = arith.constant 1 : i32
      %dma_wait3A_189 = arith.constant 1 : i32
      %dma_wait3A_190 = arith.constant 0 : i32
      %dma_wait3A_191 = arith.constant 0 : i32
      %dma_wait3A_192 = tpu.memref_slice %arg8[%dma_wait3A_188, %dma_wait3A_190, %dma_wait3A_191] : memref<4x80x64xf32, #tpu.memory_space<vmem>> -> memref<1x80x64xf32, #tpu.memory_space<vmem>>
      %dma_wait3A_193 = tpu.memref_squeeze %dma_wait3A_192 : memref<1x80x64xf32, #tpu.memory_space<vmem>> -> memref<80x64xf32, #tpu.memory_space<vmem>>
      %dma_wait3A_194 = arith.constant 0 : i32
      %dma_wait3A_195 = tpu.memref_slice %arg6[%add3A_185, %dma_wait3A_194] : memref<128x80xi32, #tpu.memory_space<vmem>> -> memref<1x80xi32, #tpu.memory_space<vmem>>
      %dma_wait3A_196 = tpu.memref_squeeze %dma_wait3A_195 : memref<1x80xi32, #tpu.memory_space<vmem>> -> memref<80xi32, #tpu.memory_space<vmem>>
      %dma_wait3A_197 = arith.constant 0 : i32
      %dma_wait3A_198 = arith.constant 0 : i32
      %dma_wait3A_199 = tpu.memref_slice %arg2[%dma_wait3A_197, %dma_wait3A_198] : memref<10000x64xf32, #tpu.memory_space<hbm>> -> memref<10000x64xf32, #tpu.memory_space<hbm>>
      %dma_wait3A_200 = tpu.memref_slice %arg11[%dma_wait3A_189] : memref<4x!tpu.dma_semaphore, #tpu.memory_space<semaphore_mem>> -> memref<1x!tpu.dma_semaphore, #tpu.memory_space<semaphore_mem>>
      %dma_wait3A_201 = tpu.memref_squeeze %dma_wait3A_200 : memref<1x!tpu.dma_semaphore, #tpu.memory_space<semaphore_mem>> -> memref<!tpu.dma_semaphore, #tpu.memory_space<semaphore_mem>>
      tpu.wait_indirect_dma semaphore(%dma_wait3A_201 : memref<!tpu.dma_semaphore, #tpu.memory_space<semaphore_mem>>) src(%dma_wait3A_199 : memref<10000x64xf32, #tpu.memory_space<hbm>>) dst(%dma_wait3A_193 : memref<80x64xf32, #tpu.memory_space<vmem>>)
      %dma_start3A_202 = arith.constant 1 : i32
      %dma_start3A_203 = arith.constant 1 : i32
      %dma_start3A_204 = arith.constant 0 : i32
      %dma_start3A_205 = arith.constant 0 : i32
      %dma_start3A_206 = tpu.memref_slice %arg8[%dma_start3A_202, %dma_start3A_204, %dma_start3A_205] : memref<4x80x64xf32, #tpu.memory_space<vmem>> -> memref<1x80x64xf32, #tpu.memory_space<vmem>>
      %dma_start3A_207 = tpu.memref_squeeze %dma_start3A_206 : memref<1x80x64xf32, #tpu.memory_space<vmem>> -> memref<80x64xf32, #tpu.memory_space<vmem>>
      %dma_start3A_208 = arith.constant 0 : i32
      %dma_start3A_209 = tpu.memref_slice %arg7[%add3A_185, %dma_start3A_208] : memref<128x80xi32, #tpu.memory_space<vmem>> -> memref<1x80xi32, #tpu.memory_space<vmem>>
      %dma_start3A_210 = tpu.memref_squeeze %dma_start3A_209 : memref<1x80xi32, #tpu.memory_space<vmem>> -> memref<80xi32, #tpu.memory_space<vmem>>
      %dma_start3A_211 = arith.constant 0 : i32
      %dma_start3A_212 = arith.constant 0 : i32
      %dma_start3A_213 = tpu.memref_slice %arg9[%dma_start3A_211, %dma_start3A_212] : memref<10112x64xf32, #tpu.memory_space<vmem_shared>> -> memref<10112x64xf32, #tpu.memory_space<vmem_shared>>
      %dma_start3A_214 = tpu.memref_slice %arg12[%dma_start3A_203] : memref<4x!tpu.dma_semaphore, #tpu.memory_space<semaphore_mem>> -> memref<1x!tpu.dma_semaphore, #tpu.memory_space<semaphore_mem>>
      %dma_start3A_215 = tpu.memref_squeeze %dma_start3A_214 : memref<1x!tpu.dma_semaphore, #tpu.memory_space<semaphore_mem>> -> memref<!tpu.dma_semaphore, #tpu.memory_space<semaphore_mem>>
      tpu.enqueue_indirect_dma source(%dma_start3A_207 : memref<80x64xf32, #tpu.memory_space<vmem>>) target(%dma_start3A_213 : memref<10112x64xf32, #tpu.memory_space<vmem_shared>>) offsets(%dma_start3A_210 : memref<80xi32, #tpu.memory_space<vmem>>) semaphore(%dma_start3A_215 : memref<!tpu.dma_semaphore, #tpu.memory_space<semaphore_mem>>) {add = true}
      %ge3A_216 = arith.constant 0 : i32
      %ge3A_217 = arith.cmpi sge, %sub3A_187, %ge3A_216 : i32
      %add3A_218 = arith.constant 4 : i32
      %add3A_219 = arith.addi %sub3A_187, %add3A_218 : i32
      %lt3A_220 = arith.constant 128 : i32
      %lt3A_221 = arith.cmpi slt, %add3A_219, %lt3A_220 : i32
      %and3A_222 = arith.andi %ge3A_217, %lt3A_221 : i1
      %convert_element_type3A_223 = arith.extui %and3A_222 : i1 to i32
      %cond3A_224 = arith.constant 0 : i32
      %cond3A_225 = arith.cmpi ne, %convert_element_type3A_223, %cond3A_224 : i32
      scf.if %cond3A_225 {
        %dma_wait3A_490 = arith.constant 0 : i32
        %dma_wait3A_491 = arith.constant 0 : i32
        %dma_wait3A_492 = arith.constant 0 : i32
        %dma_wait3A_493 = arith.constant 0 : i32
        %dma_wait3A_494 = tpu.memref_slice %arg8[%dma_wait3A_490, %dma_wait3A_492, %dma_wait3A_493] : memref<4x80x64xf32, #tpu.memory_space<vmem>> -> memref<1x80x64xf32, #tpu.memory_space<vmem>>
        %dma_wait3A_495 = tpu.memref_squeeze %dma_wait3A_494 : memref<1x80x64xf32, #tpu.memory_space<vmem>> -> memref<80x64xf32, #tpu.memory_space<vmem>>
        %dma_wait3A_496 = arith.constant 0 : i32
        %dma_wait3A_497 = tpu.memref_slice %arg7[%sub3A_187, %dma_wait3A_496] : memref<128x80xi32, #tpu.memory_space<vmem>> -> memref<1x80xi32, #tpu.memory_space<vmem>>
        %dma_wait3A_498 = tpu.memref_squeeze %dma_wait3A_497 : memref<1x80xi32, #tpu.memory_space<vmem>> -> memref<80xi32, #tpu.memory_space<vmem>>
        %dma_wait3A_499 = arith.constant 0 : i32
        %dma_wait3A_500 = arith.constant 0 : i32
        %dma_wait3A_501 = tpu.memref_slice %arg9[%dma_wait3A_499, %dma_wait3A_500] : memref<10112x64xf32, #tpu.memory_space<vmem_shared>> -> memref<10112x64xf32, #tpu.memory_space<vmem_shared>>
        %dma_wait3A_502 = tpu.memref_slice %arg12[%dma_wait3A_491] : memref<4x!tpu.dma_semaphore, #tpu.memory_space<semaphore_mem>> -> memref<1x!tpu.dma_semaphore, #tpu.memory_space<semaphore_mem>>
        %dma_wait3A_503 = tpu.memref_squeeze %dma_wait3A_502 : memref<1x!tpu.dma_semaphore, #tpu.memory_space<semaphore_mem>> -> memref<!tpu.dma_semaphore, #tpu.memory_space<semaphore_mem>>
        tpu.wait_indirect_dma semaphore(%dma_wait3A_503 : memref<!tpu.dma_semaphore, #tpu.memory_space<semaphore_mem>>) src(%dma_wait3A_495 : memref<80x64xf32, #tpu.memory_space<vmem>>) dst(%dma_wait3A_501 : memref<10112x64xf32, #tpu.memory_space<vmem_shared>>)
        %add3A_504 = arith.constant 4 : i32
        %add3A_505 = arith.addi %sub3A_187, %add3A_504 : i32
        %dma_start3A_506 = arith.constant 0 : i32
        %dma_start3A_507 = arith.constant 0 : i32
        %dma_start3A_508 = arith.constant 0 : i32
        %dma_start3A_509 = arith.constant 0 : i32
        %dma_start3A_510 = tpu.memref_slice %arg8[%dma_start3A_506, %dma_start3A_508, %dma_start3A_509] : memref<4x80x64xf32, #tpu.memory_space<vmem>> -> memref<1x80x64xf32, #tpu.memory_space<vmem>>
        %dma_start3A_511 = tpu.memref_squeeze %dma_start3A_510 : memref<1x80x64xf32, #tpu.memory_space<vmem>> -> memref<80x64xf32, #tpu.memory_space<vmem>>
        %dma_start3A_512 = arith.constant 0 : i32
        %dma_start3A_513 = tpu.memref_slice %arg6[%add3A_505, %dma_start3A_512] : memref<128x80xi32, #tpu.memory_space<vmem>> -> memref<1x80xi32, #tpu.memory_space<vmem>>
        %dma_start3A_514 = tpu.memref_squeeze %dma_start3A_513 : memref<1x80xi32, #tpu.memory_space<vmem>> -> memref<80xi32, #tpu.memory_space<vmem>>
        %dma_start3A_515 = arith.constant 0 : i32
        %dma_start3A_516 = arith.constant 0 : i32
        %dma_start3A_517 = tpu.memref_slice %arg2[%dma_start3A_515, %dma_start3A_516] : memref<10000x64xf32, #tpu.memory_space<hbm>> -> memref<10000x64xf32, #tpu.memory_space<hbm>>
        %dma_start3A_518 = tpu.memref_slice %arg11[%dma_start3A_507] : memref<4x!tpu.dma_semaphore, #tpu.memory_space<semaphore_mem>> -> memref<1x!tpu.dma_semaphore, #tpu.memory_space<semaphore_mem>>
        %dma_start3A_519 = tpu.memref_squeeze %dma_start3A_518 : memref<1x!tpu.dma_semaphore, #tpu.memory_space<semaphore_mem>> -> memref<!tpu.dma_semaphore, #tpu.memory_space<semaphore_mem>>
        tpu.enqueue_indirect_dma source(%dma_start3A_517 : memref<10000x64xf32, #tpu.memory_space<hbm>>) target(%dma_start3A_511 : memref<80x64xf32, #tpu.memory_space<vmem>>) offsets(%dma_start3A_514 : memref<80xi32, #tpu.memory_space<vmem>>) semaphore(%dma_start3A_519 : memref<!tpu.dma_semaphore, #tpu.memory_space<semaphore_mem>>)
      } else {
      }
      %mul3A_226 = arith.constant 8 : i32
      %mul3A_227 = arith.muli %scan3A_140, %mul3A_226 : i32
      %add3A_228 = arith.constant 2 : i32
      %add3A_229 = arith.addi %mul3A_227, %add3A_228 : i32
      %sub3A_230 = arith.constant 1 : i32
      %sub3A_231 = arith.subi %add3A_229, %sub3A_230 : i32
      %dma_wait3A_232 = arith.constant 2 : i32
      %dma_wait3A_233 = arith.constant 2 : i32
      %dma_wait3A_234 = arith.constant 0 : i32
      %dma_wait3A_235 = arith.constant 0 : i32
      %dma_wait3A_236 = tpu.memref_slice %arg8[%dma_wait3A_232, %dma_wait3A_234, %dma_wait3A_235] : memref<4x80x64xf32, #tpu.memory_space<vmem>> -> memref<1x80x64xf32, #tpu.memory_space<vmem>>
      %dma_wait3A_237 = tpu.memref_squeeze %dma_wait3A_236 : memref<1x80x64xf32, #tpu.memory_space<vmem>> -> memref<80x64xf32, #tpu.memory_space<vmem>>
      %dma_wait3A_238 = arith.constant 0 : i32
      %dma_wait3A_239 = tpu.memref_slice %arg6[%add3A_229, %dma_wait3A_238] : memref<128x80xi32, #tpu.memory_space<vmem>> -> memref<1x80xi32, #tpu.memory_space<vmem>>
      %dma_wait3A_240 = tpu.memref_squeeze %dma_wait3A_239 : memref<1x80xi32, #tpu.memory_space<vmem>> -> memref<80xi32, #tpu.memory_space<vmem>>
      %dma_wait3A_241 = arith.constant 0 : i32
      %dma_wait3A_242 = arith.constant 0 : i32
      %dma_wait3A_243 = tpu.memref_slice %arg2[%dma_wait3A_241, %dma_wait3A_242] : memref<10000x64xf32, #tpu.memory_space<hbm>> -> memref<10000x64xf32, #tpu.memory_space<hbm>>
      %dma_wait3A_244 = tpu.memref_slice %arg11[%dma_wait3A_233] : memref<4x!tpu.dma_semaphore, #tpu.memory_space<semaphore_mem>> -> memref<1x!tpu.dma_semaphore, #tpu.memory_space<semaphore_mem>>
      %dma_wait3A_245 = tpu.memref_squeeze %dma_wait3A_244 : memref<1x!tpu.dma_semaphore, #tpu.memory_space<semaphore_mem>> -> memref<!tpu.dma_semaphore, #tpu.memory_space<semaphore_mem>>
      tpu.wait_indirect_dma semaphore(%dma_wait3A_245 : memref<!tpu.dma_semaphore, #tpu.memory_space<semaphore_mem>>) src(%dma_wait3A_243 : memref<10000x64xf32, #tpu.memory_space<hbm>>) dst(%dma_wait3A_237 : memref<80x64xf32, #tpu.memory_space<vmem>>)
      %dma_start3A_246 = arith.constant 2 : i32
      %dma_start3A_247 = arith.constant 2 : i32
      %dma_start3A_248 = arith.constant 0 : i32
      %dma_start3A_249 = arith.constant 0 : i32
      %dma_start3A_250 = tpu.memref_slice %arg8[%dma_start3A_246, %dma_start3A_248, %dma_start3A_249] : memref<4x80x64xf32, #tpu.memory_space<vmem>> -> memref<1x80x64xf32, #tpu.memory_space<vmem>>
      %dma_start3A_251 = tpu.memref_squeeze %dma_start3A_250 : memref<1x80x64xf32, #tpu.memory_space<vmem>> -> memref<80x64xf32, #tpu.memory_space<vmem>>
      %dma_start3A_252 = arith.constant 0 : i32
      %dma_start3A_253 = tpu.memref_slice %arg7[%add3A_229, %dma_start3A_252] : memref<128x80xi32, #tpu.memory_space<vmem>> -> memref<1x80xi32, #tpu.memory_space<vmem>>
      %dma_start3A_254 = tpu.memref_squeeze %dma_start3A_253 : memref<1x80xi32, #tpu.memory_space<vmem>> -> memref<80xi32, #tpu.memory_space<vmem>>
      %dma_start3A_255 = arith.constant 0 : i32
      %dma_start3A_256 = arith.constant 0 : i32
      %dma_start3A_257 = tpu.memref_slice %arg9[%dma_start3A_255, %dma_start3A_256] : memref<10112x64xf32, #tpu.memory_space<vmem_shared>> -> memref<10112x64xf32, #tpu.memory_space<vmem_shared>>
      %dma_start3A_258 = tpu.memref_slice %arg12[%dma_start3A_247] : memref<4x!tpu.dma_semaphore, #tpu.memory_space<semaphore_mem>> -> memref<1x!tpu.dma_semaphore, #tpu.memory_space<semaphore_mem>>
      %dma_start3A_259 = tpu.memref_squeeze %dma_start3A_258 : memref<1x!tpu.dma_semaphore, #tpu.memory_space<semaphore_mem>> -> memref<!tpu.dma_semaphore, #tpu.memory_space<semaphore_mem>>
      tpu.enqueue_indirect_dma source(%dma_start3A_251 : memref<80x64xf32, #tpu.memory_space<vmem>>) target(%dma_start3A_257 : memref<10112x64xf32, #tpu.memory_space<vmem_shared>>) offsets(%dma_start3A_254 : memref<80xi32, #tpu.memory_space<vmem>>) semaphore(%dma_start3A_259 : memref<!tpu.dma_semaphore, #tpu.memory_space<semaphore_mem>>) {add = true}
      %ge3A_260 = arith.constant 0 : i32
      %ge3A_261 = arith.cmpi sge, %sub3A_231, %ge3A_260 : i32
      %add3A_262 = arith.constant 4 : i32
      %add3A_263 = arith.addi %sub3A_231, %add3A_262 : i32
      %lt3A_264 = arith.constant 128 : i32
      %lt3A_265 = arith.cmpi slt, %add3A_263, %lt3A_264 : i32
      %and3A_266 = arith.andi %ge3A_261, %lt3A_265 : i1
      %convert_element_type3A_267 = arith.extui %and3A_266 : i1 to i32
      %cond3A_268 = arith.constant 0 : i32
      %cond3A_269 = arith.cmpi ne, %convert_element_type3A_267, %cond3A_268 : i32
      scf.if %cond3A_269 {
        %dma_wait3A_490 = arith.constant 1 : i32
        %dma_wait3A_491 = arith.constant 1 : i32
        %dma_wait3A_492 = arith.constant 0 : i32
        %dma_wait3A_493 = arith.constant 0 : i32
        %dma_wait3A_494 = tpu.memref_slice %arg8[%dma_wait3A_490, %dma_wait3A_492, %dma_wait3A_493] : memref<4x80x64xf32, #tpu.memory_space<vmem>> -> memref<1x80x64xf32, #tpu.memory_space<vmem>>
        %dma_wait3A_495 = tpu.memref_squeeze %dma_wait3A_494 : memref<1x80x64xf32, #tpu.memory_space<vmem>> -> memref<80x64xf32, #tpu.memory_space<vmem>>
        %dma_wait3A_496 = arith.constant 0 : i32
        %dma_wait3A_497 = tpu.memref_slice %arg7[%sub3A_231, %dma_wait3A_496] : memref<128x80xi32, #tpu.memory_space<vmem>> -> memref<1x80xi32, #tpu.memory_space<vmem>>
        %dma_wait3A_498 = tpu.memref_squeeze %dma_wait3A_497 : memref<1x80xi32, #tpu.memory_space<vmem>> -> memref<80xi32, #tpu.memory_space<vmem>>
        %dma_wait3A_499 = arith.constant 0 : i32
        %dma_wait3A_500 = arith.constant 0 : i32
        %dma_wait3A_501 = tpu.memref_slice %arg9[%dma_wait3A_499, %dma_wait3A_500] : memref<10112x64xf32, #tpu.memory_space<vmem_shared>> -> memref<10112x64xf32, #tpu.memory_space<vmem_shared>>
        %dma_wait3A_502 = tpu.memref_slice %arg12[%dma_wait3A_491] : memref<4x!tpu.dma_semaphore, #tpu.memory_space<semaphore_mem>> -> memref<1x!tpu.dma_semaphore, #tpu.memory_space<semaphore_mem>>
        %dma_wait3A_503 = tpu.memref_squeeze %dma_wait3A_502 : memref<1x!tpu.dma_semaphore, #tpu.memory_space<semaphore_mem>> -> memref<!tpu.dma_semaphore, #tpu.memory_space<semaphore_mem>>
        tpu.wait_indirect_dma semaphore(%dma_wait3A_503 : memref<!tpu.dma_semaphore, #tpu.memory_space<semaphore_mem>>) src(%dma_wait3A_495 : memref<80x64xf32, #tpu.memory_space<vmem>>) dst(%dma_wait3A_501 : memref<10112x64xf32, #tpu.memory_space<vmem_shared>>)
        %add3A_504 = arith.constant 4 : i32
        %add3A_505 = arith.addi %sub3A_231, %add3A_504 : i32
        %dma_start3A_506 = arith.constant 1 : i32
        %dma_start3A_507 = arith.constant 1 : i32
        %dma_start3A_508 = arith.constant 0 : i32
        %dma_start3A_509 = arith.constant 0 : i32
        %dma_start3A_510 = tpu.memref_slice %arg8[%dma_start3A_506, %dma_start3A_508, %dma_start3A_509] : memref<4x80x64xf32, #tpu.memory_space<vmem>> -> memref<1x80x64xf32, #tpu.memory_space<vmem>>
        %dma_start3A_511 = tpu.memref_squeeze %dma_start3A_510 : memref<1x80x64xf32, #tpu.memory_space<vmem>> -> memref<80x64xf32, #tpu.memory_space<vmem>>
        %dma_start3A_512 = arith.constant 0 : i32
        %dma_start3A_513 = tpu.memref_slice %arg6[%add3A_505, %dma_start3A_512] : memref<128x80xi32, #tpu.memory_space<vmem>> -> memref<1x80xi32, #tpu.memory_space<vmem>>
        %dma_start3A_514 = tpu.memref_squeeze %dma_start3A_513 : memref<1x80xi32, #tpu.memory_space<vmem>> -> memref<80xi32, #tpu.memory_space<vmem>>
        %dma_start3A_515 = arith.constant 0 : i32
        %dma_start3A_516 = arith.constant 0 : i32
        %dma_start3A_517 = tpu.memref_slice %arg10[%dma_start3A_515, %dma_start3A_516] : memref<10000x64xf32, #tpu.memory_space<vmem_shared>> -> memref<10000x64xf32, #tpu.memory_space<vmem_shared>>
        %dma_start3A_518 = tpu.memref_slice %arg11[%dma_start3A_507] : memref<4x!tpu.dma_semaphore, #tpu.memory_space<semaphore_mem>> -> memref<1x!tpu.dma_semaphore, #tpu.memory_space<semaphore_mem>>
        %dma_start3A_519 = tpu.memref_squeeze %dma_start3A_518 : memref<1x!tpu.dma_semaphore, #tpu.memory_space<semaphore_mem>> -> memref<!tpu.dma_semaphore, #tpu.memory_space<semaphore_mem>>
        tpu.enqueue_indirect_dma source(%dma_start3A_517 : memref<10000x64xf32, #tpu.memory_space<vmem_shared>>) target(%dma_start3A_511 : memref<80x64xf32, #tpu.memory_space<vmem>>) offsets(%dma_start3A_514 : memref<80xi32, #tpu.memory_space<vmem>>) semaphore(%dma_start3A_519 : memref<!tpu.dma_semaphore, #tpu.memory_space<semaphore_mem>>)
      } else {
      }
      %mul3A_270 = arith.constant 8 : i32
      %mul3A_271 = arith.muli %scan3A_140, %mul3A_270 : i32
      %add3A_272 = arith.constant 3 : i32
      %add3A_273 = arith.addi %mul3A_271, %add3A_272 : i32
      %sub3A_274 = arith.constant 1 : i32
      %sub3A_275 = arith.subi %add3A_273, %sub3A_274 : i32
      %dma_wait3A_276 = arith.constant 3 : i32
      %dma_wait3A_277 = arith.constant 3 : i32
      %dma_wait3A_278 = arith.constant 0 : i32
      %dma_wait3A_279 = arith.constant 0 : i32
      %dma_wait3A_280 = tpu.memref_slice %arg8[%dma_wait3A_276, %dma_wait3A_278, %dma_wait3A_279] : memref<4x80x64xf32, #tpu.memory_space<vmem>> -> memref<1x80x64xf32, #tpu.memory_space<vmem>>
      %dma_wait3A_281 = tpu.memref_squeeze %dma_wait3A_280 : memref<1x80x64xf32, #tpu.memory_space<vmem>> -> memref<80x64xf32, #tpu.memory_space<vmem>>
      %dma_wait3A_282 = arith.constant 0 : i32
      %dma_wait3A_283 = tpu.memref_slice %arg6[%add3A_273, %dma_wait3A_282] : memref<128x80xi32, #tpu.memory_space<vmem>> -> memref<1x80xi32, #tpu.memory_space<vmem>>
      %dma_wait3A_284 = tpu.memref_squeeze %dma_wait3A_283 : memref<1x80xi32, #tpu.memory_space<vmem>> -> memref<80xi32, #tpu.memory_space<vmem>>
      %dma_wait3A_285 = arith.constant 0 : i32
      %dma_wait3A_286 = arith.constant 0 : i32
      %dma_wait3A_287 = tpu.memref_slice %arg2[%dma_wait3A_285, %dma_wait3A_286] : memref<10000x64xf32, #tpu.memory_space<hbm>> -> memref<10000x64xf32, #tpu.memory_space<hbm>>
      %dma_wait3A_288 = tpu.memref_slice %arg11[%dma_wait3A_277] : memref<4x!tpu.dma_semaphore, #tpu.memory_space<semaphore_mem>> -> memref<1x!tpu.dma_semaphore, #tpu.memory_space<semaphore_mem>>
      %dma_wait3A_289 = tpu.memref_squeeze %dma_wait3A_288 : memref<1x!tpu.dma_semaphore, #tpu.memory_space<semaphore_mem>> -> memref<!tpu.dma_semaphore, #tpu.memory_space<semaphore_mem>>
      tpu.wait_indirect_dma semaphore(%dma_wait3A_289 : memref<!tpu.dma_semaphore, #tpu.memory_space<semaphore_mem>>) src(%dma_wait3A_287 : memref<10000x64xf32, #tpu.memory_space<hbm>>) dst(%dma_wait3A_281 : memref<80x64xf32, #tpu.memory_space<vmem>>)
      %dma_start3A_290 = arith.constant 3 : i32
      %dma_start3A_291 = arith.constant 3 : i32
      %dma_start3A_292 = arith.constant 0 : i32
      %dma_start3A_293 = arith.constant 0 : i32
      %dma_start3A_294 = tpu.memref_slice %arg8[%dma_start3A_290, %dma_start3A_292, %dma_start3A_293] : memref<4x80x64xf32, #tpu.memory_space<vmem>> -> memref<1x80x64xf32, #tpu.memory_space<vmem>>
      %dma_start3A_295 = tpu.memref_squeeze %dma_start3A_294 : memref<1x80x64xf32, #tpu.memory_space<vmem>> -> memref<80x64xf32, #tpu.memory_space<vmem>>
      %dma_start3A_296 = arith.constant 0 : i32
      %dma_start3A_297 = tpu.memref_slice %arg7[%add3A_273, %dma_start3A_296] : memref<128x80xi32, #tpu.memory_space<vmem>> -> memref<1x80xi32, #tpu.memory_space<vmem>>
      %dma_start3A_298 = tpu.memref_squeeze %dma_start3A_297 : memref<1x80xi32, #tpu.memory_space<vmem>> -> memref<80xi32, #tpu.memory_space<vmem>>
      %dma_start3A_299 = arith.constant 0 : i32
      %dma_start3A_300 = arith.constant 0 : i32
      %dma_start3A_301 = tpu.memref_slice %arg9[%dma_start3A_299, %dma_start3A_300] : memref<10112x64xf32, #tpu.memory_space<vmem_shared>> -> memref<10112x64xf32, #tpu.memory_space<vmem_shared>>
      %dma_start3A_302 = tpu.memref_slice %arg12[%dma_start3A_291] : memref<4x!tpu.dma_semaphore, #tpu.memory_space<semaphore_mem>> -> memref<1x!tpu.dma_semaphore, #tpu.memory_space<semaphore_mem>>
      %dma_start3A_303 = tpu.memref_squeeze %dma_start3A_302 : memref<1x!tpu.dma_semaphore, #tpu.memory_space<semaphore_mem>> -> memref<!tpu.dma_semaphore, #tpu.memory_space<semaphore_mem>>
      tpu.enqueue_indirect_dma source(%dma_start3A_295 : memref<80x64xf32, #tpu.memory_space<vmem>>) target(%dma_start3A_301 : memref<10112x64xf32, #tpu.memory_space<vmem_shared>>) offsets(%dma_start3A_298 : memref<80xi32, #tpu.memory_space<vmem>>) semaphore(%dma_start3A_303 : memref<!tpu.dma_semaphore, #tpu.memory_space<semaphore_mem>>) {add = true}
      %ge3A_304 = arith.constant 0 : i32
      %ge3A_305 = arith.cmpi sge, %sub3A_275, %ge3A_304 : i32
      %add3A_306 = arith.constant 4 : i32
      %add3A_307 = arith.addi %sub3A_275, %add3A_306 : i32
      %lt3A_308 = arith.constant 128 : i32
      %lt3A_309 = arith.cmpi slt, %add3A_307, %lt3A_308 : i32
      %and3A_310 = arith.andi %ge3A_305, %lt3A_309 : i1
      %convert_element_type3A_311 = arith.extui %and3A_310 : i1 to i32
      %cond3A_312 = arith.constant 0 : i32
      %cond3A_313 = arith.cmpi ne, %convert_element_type3A_311, %cond3A_312 : i32
      scf.if %cond3A_313 {
        %dma_wait3A_490 = arith.constant 2 : i32
        %dma_wait3A_491 = arith.constant 2 : i32
        %dma_wait3A_492 = arith.constant 0 : i32
        %dma_wait3A_493 = arith.constant 0 : i32
        %dma_wait3A_494 = tpu.memref_slice %arg8[%dma_wait3A_490, %dma_wait3A_492, %dma_wait3A_493] : memref<4x80x64xf32, #tpu.memory_space<vmem>> -> memref<1x80x64xf32, #tpu.memory_space<vmem>>
        %dma_wait3A_495 = tpu.memref_squeeze %dma_wait3A_494 : memref<1x80x64xf32, #tpu.memory_space<vmem>> -> memref<80x64xf32, #tpu.memory_space<vmem>>
        %dma_wait3A_496 = arith.constant 0 : i32
        %dma_wait3A_497 = tpu.memref_slice %arg7[%sub3A_275, %dma_wait3A_496] : memref<128x80xi32, #tpu.memory_space<vmem>> -> memref<1x80xi32, #tpu.memory_space<vmem>>
        %dma_wait3A_498 = tpu.memref_squeeze %dma_wait3A_497 : memref<1x80xi32, #tpu.memory_space<vmem>> -> memref<80xi32, #tpu.memory_space<vmem>>
        %dma_wait3A_499 = arith.constant 0 : i32
        %dma_wait3A_500 = arith.constant 0 : i32
        %dma_wait3A_501 = tpu.memref_slice %arg9[%dma_wait3A_499, %dma_wait3A_500] : memref<10112x64xf32, #tpu.memory_space<vmem_shared>> -> memref<10112x64xf32, #tpu.memory_space<vmem_shared>>
        %dma_wait3A_502 = tpu.memref_slice %arg12[%dma_wait3A_491] : memref<4x!tpu.dma_semaphore, #tpu.memory_space<semaphore_mem>> -> memref<1x!tpu.dma_semaphore, #tpu.memory_space<semaphore_mem>>
        %dma_wait3A_503 = tpu.memref_squeeze %dma_wait3A_502 : memref<1x!tpu.dma_semaphore, #tpu.memory_space<semaphore_mem>> -> memref<!tpu.dma_semaphore, #tpu.memory_space<semaphore_mem>>
        tpu.wait_indirect_dma semaphore(%dma_wait3A_503 : memref<!tpu.dma_semaphore, #tpu.memory_space<semaphore_mem>>) src(%dma_wait3A_495 : memref<80x64xf32, #tpu.memory_space<vmem>>) dst(%dma_wait3A_501 : memref<10112x64xf32, #tpu.memory_space<vmem_shared>>)
        %add3A_504 = arith.constant 4 : i32
        %add3A_505 = arith.addi %sub3A_275, %add3A_504 : i32
        %dma_start3A_506 = arith.constant 2 : i32
        %dma_start3A_507 = arith.constant 2 : i32
        %dma_start3A_508 = arith.constant 0 : i32
        %dma_start3A_509 = arith.constant 0 : i32
        %dma_start3A_510 = tpu.memref_slice %arg8[%dma_start3A_506, %dma_start3A_508, %dma_start3A_509] : memref<4x80x64xf32, #tpu.memory_space<vmem>> -> memref<1x80x64xf32, #tpu.memory_space<vmem>>
        %dma_start3A_511 = tpu.memref_squeeze %dma_start3A_510 : memref<1x80x64xf32, #tpu.memory_space<vmem>> -> memref<80x64xf32, #tpu.memory_space<vmem>>
        %dma_start3A_512 = arith.constant 0 : i32
        %dma_start3A_513 = tpu.memref_slice %arg6[%add3A_505, %dma_start3A_512] : memref<128x80xi32, #tpu.memory_space<vmem>> -> memref<1x80xi32, #tpu.memory_space<vmem>>
        %dma_start3A_514 = tpu.memref_squeeze %dma_start3A_513 : memref<1x80xi32, #tpu.memory_space<vmem>> -> memref<80xi32, #tpu.memory_space<vmem>>
        %dma_start3A_515 = arith.constant 0 : i32
        %dma_start3A_516 = arith.constant 0 : i32
        %dma_start3A_517 = tpu.memref_slice %arg10[%dma_start3A_515, %dma_start3A_516] : memref<10000x64xf32, #tpu.memory_space<vmem_shared>> -> memref<10000x64xf32, #tpu.memory_space<vmem_shared>>
        %dma_start3A_518 = tpu.memref_slice %arg11[%dma_start3A_507] : memref<4x!tpu.dma_semaphore, #tpu.memory_space<semaphore_mem>> -> memref<1x!tpu.dma_semaphore, #tpu.memory_space<semaphore_mem>>
        %dma_start3A_519 = tpu.memref_squeeze %dma_start3A_518 : memref<1x!tpu.dma_semaphore, #tpu.memory_space<semaphore_mem>> -> memref<!tpu.dma_semaphore, #tpu.memory_space<semaphore_mem>>
        tpu.enqueue_indirect_dma source(%dma_start3A_517 : memref<10000x64xf32, #tpu.memory_space<vmem_shared>>) target(%dma_start3A_511 : memref<80x64xf32, #tpu.memory_space<vmem>>) offsets(%dma_start3A_514 : memref<80xi32, #tpu.memory_space<vmem>>) semaphore(%dma_start3A_519 : memref<!tpu.dma_semaphore, #tpu.memory_space<semaphore_mem>>)
      } else {
      }
      %mul3A_314 = arith.constant 8 : i32
      %mul3A_315 = arith.muli %scan3A_140, %mul3A_314 : i32
      %add3A_316 = arith.constant 4 : i32
      %add3A_317 = arith.addi %mul3A_315, %add3A_316 : i32
      %sub3A_318 = arith.constant 1 : i32
      %sub3A_319 = arith.subi %add3A_317, %sub3A_318 : i32
      %dma_wait3A_320 = arith.constant 0 : i32
      %dma_wait3A_321 = arith.constant 0 : i32
      %dma_wait3A_322 = arith.constant 0 : i32
      %dma_wait3A_323 = arith.constant 0 : i32
      %dma_wait3A_324 = tpu.memref_slice %arg8[%dma_wait3A_320, %dma_wait3A_322, %dma_wait3A_323] : memref<4x80x64xf32, #tpu.memory_space<vmem>> -> memref<1x80x64xf32, #tpu.memory_space<vmem>>
      %dma_wait3A_325 = tpu.memref_squeeze %dma_wait3A_324 : memref<1x80x64xf32, #tpu.memory_space<vmem>> -> memref<80x64xf32, #tpu.memory_space<vmem>>
      %dma_wait3A_326 = arith.constant 0 : i32
      %dma_wait3A_327 = tpu.memref_slice %arg6[%add3A_317, %dma_wait3A_326] : memref<128x80xi32, #tpu.memory_space<vmem>> -> memref<1x80xi32, #tpu.memory_space<vmem>>
      %dma_wait3A_328 = tpu.memref_squeeze %dma_wait3A_327 : memref<1x80xi32, #tpu.memory_space<vmem>> -> memref<80xi32, #tpu.memory_space<vmem>>
      %dma_wait3A_329 = arith.constant 0 : i32
      %dma_wait3A_330 = arith.constant 0 : i32
      %dma_wait3A_331 = tpu.memref_slice %arg2[%dma_wait3A_329, %dma_wait3A_330] : memref<10000x64xf32, #tpu.memory_space<hbm>> -> memref<10000x64xf32, #tpu.memory_space<hbm>>
      %dma_wait3A_332 = tpu.memref_slice %arg11[%dma_wait3A_321] : memref<4x!tpu.dma_semaphore, #tpu.memory_space<semaphore_mem>> -> memref<1x!tpu.dma_semaphore, #tpu.memory_space<semaphore_mem>>
      %dma_wait3A_333 = tpu.memref_squeeze %dma_wait3A_332 : memref<1x!tpu.dma_semaphore, #tpu.memory_space<semaphore_mem>> -> memref<!tpu.dma_semaphore, #tpu.memory_space<semaphore_mem>>
      tpu.wait_indirect_dma semaphore(%dma_wait3A_333 : memref<!tpu.dma_semaphore, #tpu.memory_space<semaphore_mem>>) src(%dma_wait3A_331 : memref<10000x64xf32, #tpu.memory_space<hbm>>) dst(%dma_wait3A_325 : memref<80x64xf32, #tpu.memory_space<vmem>>)
      %dma_start3A_334 = arith.constant 0 : i32
      %dma_start3A_335 = arith.constant 0 : i32
      %dma_start3A_336 = arith.constant 0 : i32
      %dma_start3A_337 = arith.constant 0 : i32
      %dma_start3A_338 = tpu.memref_slice %arg8[%dma_start3A_334, %dma_start3A_336, %dma_start3A_337] : memref<4x80x64xf32, #tpu.memory_space<vmem>> -> memref<1x80x64xf32, #tpu.memory_space<vmem>>
      %dma_start3A_339 = tpu.memref_squeeze %dma_start3A_338 : memref<1x80x64xf32, #tpu.memory_space<vmem>> -> memref<80x64xf32, #tpu.memory_space<vmem>>
      %dma_start3A_340 = arith.constant 0 : i32
      %dma_start3A_341 = tpu.memref_slice %arg7[%add3A_317, %dma_start3A_340] : memref<128x80xi32, #tpu.memory_space<vmem>> -> memref<1x80xi32, #tpu.memory_space<vmem>>
      %dma_start3A_342 = tpu.memref_squeeze %dma_start3A_341 : memref<1x80xi32, #tpu.memory_space<vmem>> -> memref<80xi32, #tpu.memory_space<vmem>>
      %dma_start3A_343 = arith.constant 0 : i32
      %dma_start3A_344 = arith.constant 0 : i32
      %dma_start3A_345 = tpu.memref_slice %arg9[%dma_start3A_343, %dma_start3A_344] : memref<10112x64xf32, #tpu.memory_space<vmem_shared>> -> memref<10112x64xf32, #tpu.memory_space<vmem_shared>>
      %dma_start3A_346 = tpu.memref_slice %arg12[%dma_start3A_335] : memref<4x!tpu.dma_semaphore, #tpu.memory_space<semaphore_mem>> -> memref<1x!tpu.dma_semaphore, #tpu.memory_space<semaphore_mem>>
      %dma_start3A_347 = tpu.memref_squeeze %dma_start3A_346 : memref<1x!tpu.dma_semaphore, #tpu.memory_space<semaphore_mem>> -> memref<!tpu.dma_semaphore, #tpu.memory_space<semaphore_mem>>
      tpu.enqueue_indirect_dma source(%dma_start3A_339 : memref<80x64xf32, #tpu.memory_space<vmem>>) target(%dma_start3A_345 : memref<10112x64xf32, #tpu.memory_space<vmem_shared>>) offsets(%dma_start3A_342 : memref<80xi32, #tpu.memory_space<vmem>>) semaphore(%dma_start3A_347 : memref<!tpu.dma_semaphore, #tpu.memory_space<semaphore_mem>>) {add = true}
      %ge3A_348 = arith.constant 0 : i32
      %ge3A_349 = arith.cmpi sge, %sub3A_319, %ge3A_348 : i32
      %add3A_350 = arith.constant 4 : i32
      %add3A_351 = arith.addi %sub3A_319, %add3A_350 : i32
      %lt3A_352 = arith.constant 128 : i32
      %lt3A_353 = arith.cmpi slt, %add3A_351, %lt3A_352 : i32
      %and3A_354 = arith.andi %ge3A_349, %lt3A_353 : i1
      %convert_element_type3A_355 = arith.extui %and3A_354 : i1 to i32
      %cond3A_356 = arith.constant 0 : i32
      %cond3A_357 = arith.cmpi ne, %convert_element_type3A_355, %cond3A_356 : i32
      scf.if %cond3A_357 {
        %dma_wait3A_490 = arith.constant 3 : i32
        %dma_wait3A_491 = arith.constant 3 : i32
        %dma_wait3A_492 = arith.constant 0 : i32
        %dma_wait3A_493 = arith.constant 0 : i32
        %dma_wait3A_494 = tpu.memref_slice %arg8[%dma_wait3A_490, %dma_wait3A_492, %dma_wait3A_493] : memref<4x80x64xf32, #tpu.memory_space<vmem>> -> memref<1x80x64xf32, #tpu.memory_space<vmem>>
        %dma_wait3A_495 = tpu.memref_squeeze %dma_wait3A_494 : memref<1x80x64xf32, #tpu.memory_space<vmem>> -> memref<80x64xf32, #tpu.memory_space<vmem>>
        %dma_wait3A_496 = arith.constant 0 : i32
        %dma_wait3A_497 = tpu.memref_slice %arg7[%sub3A_319, %dma_wait3A_496] : memref<128x80xi32, #tpu.memory_space<vmem>> -> memref<1x80xi32, #tpu.memory_space<vmem>>
        %dma_wait3A_498 = tpu.memref_squeeze %dma_wait3A_497 : memref<1x80xi32, #tpu.memory_space<vmem>> -> memref<80xi32, #tpu.memory_space<vmem>>
        %dma_wait3A_499 = arith.constant 0 : i32
        %dma_wait3A_500 = arith.constant 0 : i32
        %dma_wait3A_501 = tpu.memref_slice %arg9[%dma_wait3A_499, %dma_wait3A_500] : memref<10112x64xf32, #tpu.memory_space<vmem_shared>> -> memref<10112x64xf32, #tpu.memory_space<vmem_shared>>
        %dma_wait3A_502 = tpu.memref_slice %arg12[%dma_wait3A_491] : memref<4x!tpu.dma_semaphore, #tpu.memory_space<semaphore_mem>> -> memref<1x!tpu.dma_semaphore, #tpu.memory_space<semaphore_mem>>
        %dma_wait3A_503 = tpu.memref_squeeze %dma_wait3A_502 : memref<1x!tpu.dma_semaphore, #tpu.memory_space<semaphore_mem>> -> memref<!tpu.dma_semaphore, #tpu.memory_space<semaphore_mem>>
        tpu.wait_indirect_dma semaphore(%dma_wait3A_503 : memref<!tpu.dma_semaphore, #tpu.memory_space<semaphore_mem>>) src(%dma_wait3A_495 : memref<80x64xf32, #tpu.memory_space<vmem>>) dst(%dma_wait3A_501 : memref<10112x64xf32, #tpu.memory_space<vmem_shared>>)
        %add3A_504 = arith.constant 4 : i32
        %add3A_505 = arith.addi %sub3A_319, %add3A_504 : i32
        %dma_start3A_506 = arith.constant 3 : i32
        %dma_start3A_507 = arith.constant 3 : i32
        %dma_start3A_508 = arith.constant 0 : i32
        %dma_start3A_509 = arith.constant 0 : i32
        %dma_start3A_510 = tpu.memref_slice %arg8[%dma_start3A_506, %dma_start3A_508, %dma_start3A_509] : memref<4x80x64xf32, #tpu.memory_space<vmem>> -> memref<1x80x64xf32, #tpu.memory_space<vmem>>
        %dma_start3A_511 = tpu.memref_squeeze %dma_start3A_510 : memref<1x80x64xf32, #tpu.memory_space<vmem>> -> memref<80x64xf32, #tpu.memory_space<vmem>>
        %dma_start3A_512 = arith.constant 0 : i32
        %dma_start3A_513 = tpu.memref_slice %arg6[%add3A_505, %dma_start3A_512] : memref<128x80xi32, #tpu.memory_space<vmem>> -> memref<1x80xi32, #tpu.memory_space<vmem>>
        %dma_start3A_514 = tpu.memref_squeeze %dma_start3A_513 : memref<1x80xi32, #tpu.memory_space<vmem>> -> memref<80xi32, #tpu.memory_space<vmem>>
        %dma_start3A_515 = arith.constant 0 : i32
        %dma_start3A_516 = arith.constant 0 : i32
        %dma_start3A_517 = tpu.memref_slice %arg10[%dma_start3A_515, %dma_start3A_516] : memref<10000x64xf32, #tpu.memory_space<vmem_shared>> -> memref<10000x64xf32, #tpu.memory_space<vmem_shared>>
        %dma_start3A_518 = tpu.memref_slice %arg11[%dma_start3A_507] : memref<4x!tpu.dma_semaphore, #tpu.memory_space<semaphore_mem>> -> memref<1x!tpu.dma_semaphore, #tpu.memory_space<semaphore_mem>>
        %dma_start3A_519 = tpu.memref_squeeze %dma_start3A_518 : memref<1x!tpu.dma_semaphore, #tpu.memory_space<semaphore_mem>> -> memref<!tpu.dma_semaphore, #tpu.memory_space<semaphore_mem>>
        tpu.enqueue_indirect_dma source(%dma_start3A_517 : memref<10000x64xf32, #tpu.memory_space<vmem_shared>>) target(%dma_start3A_511 : memref<80x64xf32, #tpu.memory_space<vmem>>) offsets(%dma_start3A_514 : memref<80xi32, #tpu.memory_space<vmem>>) semaphore(%dma_start3A_519 : memref<!tpu.dma_semaphore, #tpu.memory_space<semaphore_mem>>)
      } else {
      }
      %mul3A_358 = arith.constant 8 : i32
      %mul3A_359 = arith.muli %scan3A_140, %mul3A_358 : i32
      %add3A_360 = arith.constant 5 : i32
      %add3A_361 = arith.addi %mul3A_359, %add3A_360 : i32
      %sub3A_362 = arith.constant 1 : i32
      %sub3A_363 = arith.subi %add3A_361, %sub3A_362 : i32
      %dma_wait3A_364 = arith.constant 1 : i32
      %dma_wait3A_365 = arith.constant 1 : i32
      %dma_wait3A_366 = arith.constant 0 : i32
      %dma_wait3A_367 = arith.constant 0 : i32
      %dma_wait3A_368 = tpu.memref_slice %arg8[%dma_wait3A_364, %dma_wait3A_366, %dma_wait3A_367] : memref<4x80x64xf32, #tpu.memory_space<vmem>> -> memref<1x80x64xf32, #tpu.memory_space<vmem>>
      %dma_wait3A_369 = tpu.memref_squeeze %dma_wait3A_368 : memref<1x80x64xf32, #tpu.memory_space<vmem>> -> memref<80x64xf32, #tpu.memory_space<vmem>>
      %dma_wait3A_370 = arith.constant 0 : i32
      %dma_wait3A_371 = tpu.memref_slice %arg6[%add3A_361, %dma_wait3A_370] : memref<128x80xi32, #tpu.memory_space<vmem>> -> memref<1x80xi32, #tpu.memory_space<vmem>>
      %dma_wait3A_372 = tpu.memref_squeeze %dma_wait3A_371 : memref<1x80xi32, #tpu.memory_space<vmem>> -> memref<80xi32, #tpu.memory_space<vmem>>
      %dma_wait3A_373 = arith.constant 0 : i32
      %dma_wait3A_374 = arith.constant 0 : i32
      %dma_wait3A_375 = tpu.memref_slice %arg10[%dma_wait3A_373, %dma_wait3A_374] : memref<10000x64xf32, #tpu.memory_space<vmem_shared>> -> memref<10000x64xf32, #tpu.memory_space<vmem_shared>>
      %dma_wait3A_376 = tpu.memref_slice %arg11[%dma_wait3A_365] : memref<4x!tpu.dma_semaphore, #tpu.memory_space<semaphore_mem>> -> memref<1x!tpu.dma_semaphore, #tpu.memory_space<semaphore_mem>>
      %dma_wait3A_377 = tpu.memref_squeeze %dma_wait3A_376 : memref<1x!tpu.dma_semaphore, #tpu.memory_space<semaphore_mem>> -> memref<!tpu.dma_semaphore, #tpu.memory_space<semaphore_mem>>
      tpu.wait_indirect_dma semaphore(%dma_wait3A_377 : memref<!tpu.dma_semaphore, #tpu.memory_space<semaphore_mem>>) src(%dma_wait3A_375 : memref<10000x64xf32, #tpu.memory_space<vmem_shared>>) dst(%dma_wait3A_369 : memref<80x64xf32, #tpu.memory_space<vmem>>)
      %dma_start3A_378 = arith.constant 1 : i32
      %dma_start3A_379 = arith.constant 1 : i32
      %dma_start3A_380 = arith.constant 0 : i32
      %dma_start3A_381 = arith.constant 0 : i32
      %dma_start3A_382 = tpu.memref_slice %arg8[%dma_start3A_378, %dma_start3A_380, %dma_start3A_381] : memref<4x80x64xf32, #tpu.memory_space<vmem>> -> memref<1x80x64xf32, #tpu.memory_space<vmem>>
      %dma_start3A_383 = tpu.memref_squeeze %dma_start3A_382 : memref<1x80x64xf32, #tpu.memory_space<vmem>> -> memref<80x64xf32, #tpu.memory_space<vmem>>
      %dma_start3A_384 = arith.constant 0 : i32
      %dma_start3A_385 = tpu.memref_slice %arg7[%add3A_361, %dma_start3A_384] : memref<128x80xi32, #tpu.memory_space<vmem>> -> memref<1x80xi32, #tpu.memory_space<vmem>>
      %dma_start3A_386 = tpu.memref_squeeze %dma_start3A_385 : memref<1x80xi32, #tpu.memory_space<vmem>> -> memref<80xi32, #tpu.memory_space<vmem>>
      %dma_start3A_387 = arith.constant 0 : i32
      %dma_start3A_388 = arith.constant 0 : i32
      %dma_start3A_389 = tpu.memref_slice %arg9[%dma_start3A_387, %dma_start3A_388] : memref<10112x64xf32, #tpu.memory_space<vmem_shared>> -> memref<10112x64xf32, #tpu.memory_space<vmem_shared>>
      %dma_start3A_390 = tpu.memref_slice %arg12[%dma_start3A_379] : memref<4x!tpu.dma_semaphore, #tpu.memory_space<semaphore_mem>> -> memref<1x!tpu.dma_semaphore, #tpu.memory_space<semaphore_mem>>
      %dma_start3A_391 = tpu.memref_squeeze %dma_start3A_390 : memref<1x!tpu.dma_semaphore, #tpu.memory_space<semaphore_mem>> -> memref<!tpu.dma_semaphore, #tpu.memory_space<semaphore_mem>>
      tpu.enqueue_indirect_dma source(%dma_start3A_383 : memref<80x64xf32, #tpu.memory_space<vmem>>) target(%dma_start3A_389 : memref<10112x64xf32, #tpu.memory_space<vmem_shared>>) offsets(%dma_start3A_386 : memref<80xi32, #tpu.memory_space<vmem>>) semaphore(%dma_start3A_391 : memref<!tpu.dma_semaphore, #tpu.memory_space<semaphore_mem>>) {add = true}
      %ge3A_392 = arith.constant 0 : i32
      %ge3A_393 = arith.cmpi sge, %sub3A_363, %ge3A_392 : i32
      %add3A_394 = arith.constant 4 : i32
      %add3A_395 = arith.addi %sub3A_363, %add3A_394 : i32
      %lt3A_396 = arith.constant 128 : i32
      %lt3A_397 = arith.cmpi slt, %add3A_395, %lt3A_396 : i32
      %and3A_398 = arith.andi %ge3A_393, %lt3A_397 : i1
      %convert_element_type3A_399 = arith.extui %and3A_398 : i1 to i32
      %cond3A_400 = arith.constant 0 : i32
      %cond3A_401 = arith.cmpi ne, %convert_element_type3A_399, %cond3A_400 : i32
      scf.if %cond3A_401 {
        %dma_wait3A_490 = arith.constant 0 : i32
        %dma_wait3A_491 = arith.constant 0 : i32
        %dma_wait3A_492 = arith.constant 0 : i32
        %dma_wait3A_493 = arith.constant 0 : i32
        %dma_wait3A_494 = tpu.memref_slice %arg8[%dma_wait3A_490, %dma_wait3A_492, %dma_wait3A_493] : memref<4x80x64xf32, #tpu.memory_space<vmem>> -> memref<1x80x64xf32, #tpu.memory_space<vmem>>
        %dma_wait3A_495 = tpu.memref_squeeze %dma_wait3A_494 : memref<1x80x64xf32, #tpu.memory_space<vmem>> -> memref<80x64xf32, #tpu.memory_space<vmem>>
        %dma_wait3A_496 = arith.constant 0 : i32
        %dma_wait3A_497 = tpu.memref_slice %arg7[%sub3A_363, %dma_wait3A_496] : memref<128x80xi32, #tpu.memory_space<vmem>> -> memref<1x80xi32, #tpu.memory_space<vmem>>
        %dma_wait3A_498 = tpu.memref_squeeze %dma_wait3A_497 : memref<1x80xi32, #tpu.memory_space<vmem>> -> memref<80xi32, #tpu.memory_space<vmem>>
        %dma_wait3A_499 = arith.constant 0 : i32
        %dma_wait3A_500 = arith.constant 0 : i32
        %dma_wait3A_501 = tpu.memref_slice %arg9[%dma_wait3A_499, %dma_wait3A_500] : memref<10112x64xf32, #tpu.memory_space<vmem_shared>> -> memref<10112x64xf32, #tpu.memory_space<vmem_shared>>
        %dma_wait3A_502 = tpu.memref_slice %arg12[%dma_wait3A_491] : memref<4x!tpu.dma_semaphore, #tpu.memory_space<semaphore_mem>> -> memref<1x!tpu.dma_semaphore, #tpu.memory_space<semaphore_mem>>
        %dma_wait3A_503 = tpu.memref_squeeze %dma_wait3A_502 : memref<1x!tpu.dma_semaphore, #tpu.memory_space<semaphore_mem>> -> memref<!tpu.dma_semaphore, #tpu.memory_space<semaphore_mem>>
        tpu.wait_indirect_dma semaphore(%dma_wait3A_503 : memref<!tpu.dma_semaphore, #tpu.memory_space<semaphore_mem>>) src(%dma_wait3A_495 : memref<80x64xf32, #tpu.memory_space<vmem>>) dst(%dma_wait3A_501 : memref<10112x64xf32, #tpu.memory_space<vmem_shared>>)
        %add3A_504 = arith.constant 4 : i32
        %add3A_505 = arith.addi %sub3A_363, %add3A_504 : i32
        %dma_start3A_506 = arith.constant 0 : i32
        %dma_start3A_507 = arith.constant 0 : i32
        %dma_start3A_508 = arith.constant 0 : i32
        %dma_start3A_509 = arith.constant 0 : i32
        %dma_start3A_510 = tpu.memref_slice %arg8[%dma_start3A_506, %dma_start3A_508, %dma_start3A_509] : memref<4x80x64xf32, #tpu.memory_space<vmem>> -> memref<1x80x64xf32, #tpu.memory_space<vmem>>
        %dma_start3A_511 = tpu.memref_squeeze %dma_start3A_510 : memref<1x80x64xf32, #tpu.memory_space<vmem>> -> memref<80x64xf32, #tpu.memory_space<vmem>>
        %dma_start3A_512 = arith.constant 0 : i32
        %dma_start3A_513 = tpu.memref_slice %arg6[%add3A_505, %dma_start3A_512] : memref<128x80xi32, #tpu.memory_space<vmem>> -> memref<1x80xi32, #tpu.memory_space<vmem>>
        %dma_start3A_514 = tpu.memref_squeeze %dma_start3A_513 : memref<1x80xi32, #tpu.memory_space<vmem>> -> memref<80xi32, #tpu.memory_space<vmem>>
        %dma_start3A_515 = arith.constant 0 : i32
        %dma_start3A_516 = arith.constant 0 : i32
        %dma_start3A_517 = tpu.memref_slice %arg2[%dma_start3A_515, %dma_start3A_516] : memref<10000x64xf32, #tpu.memory_space<hbm>> -> memref<10000x64xf32, #tpu.memory_space<hbm>>
        %dma_start3A_518 = tpu.memref_slice %arg11[%dma_start3A_507] : memref<4x!tpu.dma_semaphore, #tpu.memory_space<semaphore_mem>> -> memref<1x!tpu.dma_semaphore, #tpu.memory_space<semaphore_mem>>
        %dma_start3A_519 = tpu.memref_squeeze %dma_start3A_518 : memref<1x!tpu.dma_semaphore, #tpu.memory_space<semaphore_mem>> -> memref<!tpu.dma_semaphore, #tpu.memory_space<semaphore_mem>>
        tpu.enqueue_indirect_dma source(%dma_start3A_517 : memref<10000x64xf32, #tpu.memory_space<hbm>>) target(%dma_start3A_511 : memref<80x64xf32, #tpu.memory_space<vmem>>) offsets(%dma_start3A_514 : memref<80xi32, #tpu.memory_space<vmem>>) semaphore(%dma_start3A_519 : memref<!tpu.dma_semaphore, #tpu.memory_space<semaphore_mem>>)
      } else {
      }
      %mul3A_402 = arith.constant 8 : i32
      %mul3A_403 = arith.muli %scan3A_140, %mul3A_402 : i32
      %add3A_404 = arith.constant 6 : i32
      %add3A_405 = arith.addi %mul3A_403, %add3A_404 : i32
      %sub3A_406 = arith.constant 1 : i32
      %sub3A_407 = arith.subi %add3A_405, %sub3A_406 : i32
      %dma_wait3A_408 = arith.constant 2 : i32
      %dma_wait3A_409 = arith.constant 2 : i32
      %dma_wait3A_410 = arith.constant 0 : i32
      %dma_wait3A_411 = arith.constant 0 : i32
      %dma_wait3A_412 = tpu.memref_slice %arg8[%dma_wait3A_408, %dma_wait3A_410, %dma_wait3A_411] : memref<4x80x64xf32, #tpu.memory_space<vmem>> -> memref<1x80x64xf32, #tpu.memory_space<vmem>>
      %dma_wait3A_413 = tpu.memref_squeeze %dma_wait3A_412 : memref<1x80x64xf32, #tpu.memory_space<vmem>> -> memref<80x64xf32, #tpu.memory_space<vmem>>
      %dma_wait3A_414 = arith.constant 0 : i32
      %dma_wait3A_415 = tpu.memref_slice %arg6[%add3A_405, %dma_wait3A_414] : memref<128x80xi32, #tpu.memory_space<vmem>> -> memref<1x80xi32, #tpu.memory_space<vmem>>
      %dma_wait3A_416 = tpu.memref_squeeze %dma_wait3A_415 : memref<1x80xi32, #tpu.memory_space<vmem>> -> memref<80xi32, #tpu.memory_space<vmem>>
      %dma_wait3A_417 = arith.constant 0 : i32
      %dma_wait3A_418 = arith.constant 0 : i32
      %dma_wait3A_419 = tpu.memref_slice %arg10[%dma_wait3A_417, %dma_wait3A_418] : memref<10000x64xf32, #tpu.memory_space<vmem_shared>> -> memref<10000x64xf32, #tpu.memory_space<vmem_shared>>
      %dma_wait3A_420 = tpu.memref_slice %arg11[%dma_wait3A_409] : memref<4x!tpu.dma_semaphore, #tpu.memory_space<semaphore_mem>> -> memref<1x!tpu.dma_semaphore, #tpu.memory_space<semaphore_mem>>
      %dma_wait3A_421 = tpu.memref_squeeze %dma_wait3A_420 : memref<1x!tpu.dma_semaphore, #tpu.memory_space<semaphore_mem>> -> memref<!tpu.dma_semaphore, #tpu.memory_space<semaphore_mem>>
      tpu.wait_indirect_dma semaphore(%dma_wait3A_421 : memref<!tpu.dma_semaphore, #tpu.memory_space<semaphore_mem>>) src(%dma_wait3A_419 : memref<10000x64xf32, #tpu.memory_space<vmem_shared>>) dst(%dma_wait3A_413 : memref<80x64xf32, #tpu.memory_space<vmem>>)
      %dma_start3A_422 = arith.constant 2 : i32
      %dma_start3A_423 = arith.constant 2 : i32
      %dma_start3A_424 = arith.constant 0 : i32
      %dma_start3A_425 = arith.constant 0 : i32
      %dma_start3A_426 = tpu.memref_slice %arg8[%dma_start3A_422, %dma_start3A_424, %dma_start3A_425] : memref<4x80x64xf32, #tpu.memory_space<vmem>> -> memref<1x80x64xf32, #tpu.memory_space<vmem>>
      %dma_start3A_427 = tpu.memref_squeeze %dma_start3A_426 : memref<1x80x64xf32, #tpu.memory_space<vmem>> -> memref<80x64xf32, #tpu.memory_space<vmem>>
      %dma_start3A_428 = arith.constant 0 : i32
      %dma_start3A_429 = tpu.memref_slice %arg7[%add3A_405, %dma_start3A_428] : memref<128x80xi32, #tpu.memory_space<vmem>> -> memref<1x80xi32, #tpu.memory_space<vmem>>
      %dma_start3A_430 = tpu.memref_squeeze %dma_start3A_429 : memref<1x80xi32, #tpu.memory_space<vmem>> -> memref<80xi32, #tpu.memory_space<vmem>>
      %dma_start3A_431 = arith.constant 0 : i32
      %dma_start3A_432 = arith.constant 0 : i32
      %dma_start3A_433 = tpu.memref_slice %arg9[%dma_start3A_431, %dma_start3A_432] : memref<10112x64xf32, #tpu.memory_space<vmem_shared>> -> memref<10112x64xf32, #tpu.memory_space<vmem_shared>>
      %dma_start3A_434 = tpu.memref_slice %arg12[%dma_start3A_423] : memref<4x!tpu.dma_semaphore, #tpu.memory_space<semaphore_mem>> -> memref<1x!tpu.dma_semaphore, #tpu.memory_space<semaphore_mem>>
      %dma_start3A_435 = tpu.memref_squeeze %dma_start3A_434 : memref<1x!tpu.dma_semaphore, #tpu.memory_space<semaphore_mem>> -> memref<!tpu.dma_semaphore, #tpu.memory_space<semaphore_mem>>
      tpu.enqueue_indirect_dma source(%dma_start3A_427 : memref<80x64xf32, #tpu.memory_space<vmem>>) target(%dma_start3A_433 : memref<10112x64xf32, #tpu.memory_space<vmem_shared>>) offsets(%dma_start3A_430 : memref<80xi32, #tpu.memory_space<vmem>>) semaphore(%dma_start3A_435 : memref<!tpu.dma_semaphore, #tpu.memory_space<semaphore_mem>>) {add = true}
      %ge3A_436 = arith.constant 0 : i32
      %ge3A_437 = arith.cmpi sge, %sub3A_407, %ge3A_436 : i32
      %add3A_438 = arith.constant 4 : i32
      %add3A_439 = arith.addi %sub3A_407, %add3A_438 : i32
      %lt3A_440 = arith.constant 128 : i32
      %lt3A_441 = arith.cmpi slt, %add3A_439, %lt3A_440 : i32
      %and3A_442 = arith.andi %ge3A_437, %lt3A_441 : i1
      %convert_element_type3A_443 = arith.extui %and3A_442 : i1 to i32
      %cond3A_444 = arith.constant 0 : i32
      %cond3A_445 = arith.cmpi ne, %convert_element_type3A_443, %cond3A_444 : i32
      scf.if %cond3A_445 {
        %dma_wait3A_490 = arith.constant 1 : i32
        %dma_wait3A_491 = arith.constant 1 : i32
        %dma_wait3A_492 = arith.constant 0 : i32
        %dma_wait3A_493 = arith.constant 0 : i32
        %dma_wait3A_494 = tpu.memref_slice %arg8[%dma_wait3A_490, %dma_wait3A_492, %dma_wait3A_493] : memref<4x80x64xf32, #tpu.memory_space<vmem>> -> memref<1x80x64xf32, #tpu.memory_space<vmem>>
        %dma_wait3A_495 = tpu.memref_squeeze %dma_wait3A_494 : memref<1x80x64xf32, #tpu.memory_space<vmem>> -> memref<80x64xf32, #tpu.memory_space<vmem>>
        %dma_wait3A_496 = arith.constant 0 : i32
        %dma_wait3A_497 = tpu.memref_slice %arg7[%sub3A_407, %dma_wait3A_496] : memref<128x80xi32, #tpu.memory_space<vmem>> -> memref<1x80xi32, #tpu.memory_space<vmem>>
        %dma_wait3A_498 = tpu.memref_squeeze %dma_wait3A_497 : memref<1x80xi32, #tpu.memory_space<vmem>> -> memref<80xi32, #tpu.memory_space<vmem>>
        %dma_wait3A_499 = arith.constant 0 : i32
        %dma_wait3A_500 = arith.constant 0 : i32
        %dma_wait3A_501 = tpu.memref_slice %arg9[%dma_wait3A_499, %dma_wait3A_500] : memref<10112x64xf32, #tpu.memory_space<vmem_shared>> -> memref<10112x64xf32, #tpu.memory_space<vmem_shared>>
        %dma_wait3A_502 = tpu.memref_slice %arg12[%dma_wait3A_491] : memref<4x!tpu.dma_semaphore, #tpu.memory_space<semaphore_mem>> -> memref<1x!tpu.dma_semaphore, #tpu.memory_space<semaphore_mem>>
        %dma_wait3A_503 = tpu.memref_squeeze %dma_wait3A_502 : memref<1x!tpu.dma_semaphore, #tpu.memory_space<semaphore_mem>> -> memref<!tpu.dma_semaphore, #tpu.memory_space<semaphore_mem>>
        tpu.wait_indirect_dma semaphore(%dma_wait3A_503 : memref<!tpu.dma_semaphore, #tpu.memory_space<semaphore_mem>>) src(%dma_wait3A_495 : memref<80x64xf32, #tpu.memory_space<vmem>>) dst(%dma_wait3A_501 : memref<10112x64xf32, #tpu.memory_space<vmem_shared>>)
        %add3A_504 = arith.constant 4 : i32
        %add3A_505 = arith.addi %sub3A_407, %add3A_504 : i32
        %dma_start3A_506 = arith.constant 1 : i32
        %dma_start3A_507 = arith.constant 1 : i32
        %dma_start3A_508 = arith.constant 0 : i32
        %dma_start3A_509 = arith.constant 0 : i32
        %dma_start3A_510 = tpu.memref_slice %arg8[%dma_start3A_506, %dma_start3A_508, %dma_start3A_509] : memref<4x80x64xf32, #tpu.memory_space<vmem>> -> memref<1x80x64xf32, #tpu.memory_space<vmem>>
        %dma_start3A_511 = tpu.memref_squeeze %dma_start3A_510 : memref<1x80x64xf32, #tpu.memory_space<vmem>> -> memref<80x64xf32, #tpu.memory_space<vmem>>
        %dma_start3A_512 = arith.constant 0 : i32
        %dma_start3A_513 = tpu.memref_slice %arg6[%add3A_505, %dma_start3A_512] : memref<128x80xi32, #tpu.memory_space<vmem>> -> memref<1x80xi32, #tpu.memory_space<vmem>>
        %dma_start3A_514 = tpu.memref_squeeze %dma_start3A_513 : memref<1x80xi32, #tpu.memory_space<vmem>> -> memref<80xi32, #tpu.memory_space<vmem>>
        %dma_start3A_515 = arith.constant 0 : i32
        %dma_start3A_516 = arith.constant 0 : i32
        %dma_start3A_517 = tpu.memref_slice %arg2[%dma_start3A_515, %dma_start3A_516] : memref<10000x64xf32, #tpu.memory_space<hbm>> -> memref<10000x64xf32, #tpu.memory_space<hbm>>
        %dma_start3A_518 = tpu.memref_slice %arg11[%dma_start3A_507] : memref<4x!tpu.dma_semaphore, #tpu.memory_space<semaphore_mem>> -> memref<1x!tpu.dma_semaphore, #tpu.memory_space<semaphore_mem>>
        %dma_start3A_519 = tpu.memref_squeeze %dma_start3A_518 : memref<1x!tpu.dma_semaphore, #tpu.memory_space<semaphore_mem>> -> memref<!tpu.dma_semaphore, #tpu.memory_space<semaphore_mem>>
        tpu.enqueue_indirect_dma source(%dma_start3A_517 : memref<10000x64xf32, #tpu.memory_space<hbm>>) target(%dma_start3A_511 : memref<80x64xf32, #tpu.memory_space<vmem>>) offsets(%dma_start3A_514 : memref<80xi32, #tpu.memory_space<vmem>>) semaphore(%dma_start3A_519 : memref<!tpu.dma_semaphore, #tpu.memory_space<semaphore_mem>>)
      } else {
      }
      %mul3A_446 = arith.constant 8 : i32
      %mul3A_447 = arith.muli %scan3A_140, %mul3A_446 : i32
      %add3A_448 = arith.constant 7 : i32
      %add3A_449 = arith.addi %mul3A_447, %add3A_448 : i32
      %sub3A_450 = arith.constant 1 : i32
      %sub3A_451 = arith.subi %add3A_449, %sub3A_450 : i32
      %dma_wait3A_452 = arith.constant 3 : i32
      %dma_wait3A_453 = arith.constant 3 : i32
      %dma_wait3A_454 = arith.constant 0 : i32
      %dma_wait3A_455 = arith.constant 0 : i32
      %dma_wait3A_456 = tpu.memref_slice %arg8[%dma_wait3A_452, %dma_wait3A_454, %dma_wait3A_455] : memref<4x80x64xf32, #tpu.memory_space<vmem>> -> memref<1x80x64xf32, #tpu.memory_space<vmem>>
      %dma_wait3A_457 = tpu.memref_squeeze %dma_wait3A_456 : memref<1x80x64xf32, #tpu.memory_space<vmem>> -> memref<80x64xf32, #tpu.memory_space<vmem>>
      %dma_wait3A_458 = arith.constant 0 : i32
      %dma_wait3A_459 = tpu.memref_slice %arg6[%add3A_449, %dma_wait3A_458] : memref<128x80xi32, #tpu.memory_space<vmem>> -> memref<1x80xi32, #tpu.memory_space<vmem>>
      %dma_wait3A_460 = tpu.memref_squeeze %dma_wait3A_459 : memref<1x80xi32, #tpu.memory_space<vmem>> -> memref<80xi32, #tpu.memory_space<vmem>>
      %dma_wait3A_461 = arith.constant 0 : i32
      %dma_wait3A_462 = arith.constant 0 : i32
      %dma_wait3A_463 = tpu.memref_slice %arg10[%dma_wait3A_461, %dma_wait3A_462] : memref<10000x64xf32, #tpu.memory_space<vmem_shared>> -> memref<10000x64xf32, #tpu.memory_space<vmem_shared>>
      %dma_wait3A_464 = tpu.memref_slice %arg11[%dma_wait3A_453] : memref<4x!tpu.dma_semaphore, #tpu.memory_space<semaphore_mem>> -> memref<1x!tpu.dma_semaphore, #tpu.memory_space<semaphore_mem>>
      %dma_wait3A_465 = tpu.memref_squeeze %dma_wait3A_464 : memref<1x!tpu.dma_semaphore, #tpu.memory_space<semaphore_mem>> -> memref<!tpu.dma_semaphore, #tpu.memory_space<semaphore_mem>>
      tpu.wait_indirect_dma semaphore(%dma_wait3A_465 : memref<!tpu.dma_semaphore, #tpu.memory_space<semaphore_mem>>) src(%dma_wait3A_463 : memref<10000x64xf32, #tpu.memory_space<vmem_shared>>) dst(%dma_wait3A_457 : memref<80x64xf32, #tpu.memory_space<vmem>>)
      %dma_start3A_466 = arith.constant 3 : i32
      %dma_start3A_467 = arith.constant 3 : i32
      %dma_start3A_468 = arith.constant 0 : i32
      %dma_start3A_469 = arith.constant 0 : i32
      %dma_start3A_470 = tpu.memref_slice %arg8[%dma_start3A_466, %dma_start3A_468, %dma_start3A_469] : memref<4x80x64xf32, #tpu.memory_space<vmem>> -> memref<1x80x64xf32, #tpu.memory_space<vmem>>
      %dma_start3A_471 = tpu.memref_squeeze %dma_start3A_470 : memref<1x80x64xf32, #tpu.memory_space<vmem>> -> memref<80x64xf32, #tpu.memory_space<vmem>>
      %dma_start3A_472 = arith.constant 0 : i32
      %dma_start3A_473 = tpu.memref_slice %arg7[%add3A_449, %dma_start3A_472] : memref<128x80xi32, #tpu.memory_space<vmem>> -> memref<1x80xi32, #tpu.memory_space<vmem>>
      %dma_start3A_474 = tpu.memref_squeeze %dma_start3A_473 : memref<1x80xi32, #tpu.memory_space<vmem>> -> memref<80xi32, #tpu.memory_space<vmem>>
      %dma_start3A_475 = arith.constant 0 : i32
      %dma_start3A_476 = arith.constant 0 : i32
      %dma_start3A_477 = tpu.memref_slice %arg9[%dma_start3A_475, %dma_start3A_476] : memref<10112x64xf32, #tpu.memory_space<vmem_shared>> -> memref<10112x64xf32, #tpu.memory_space<vmem_shared>>
      %dma_start3A_478 = tpu.memref_slice %arg12[%dma_start3A_467] : memref<4x!tpu.dma_semaphore, #tpu.memory_space<semaphore_mem>> -> memref<1x!tpu.dma_semaphore, #tpu.memory_space<semaphore_mem>>
      %dma_start3A_479 = tpu.memref_squeeze %dma_start3A_478 : memref<1x!tpu.dma_semaphore, #tpu.memory_space<semaphore_mem>> -> memref<!tpu.dma_semaphore, #tpu.memory_space<semaphore_mem>>
      tpu.enqueue_indirect_dma source(%dma_start3A_471 : memref<80x64xf32, #tpu.memory_space<vmem>>) target(%dma_start3A_477 : memref<10112x64xf32, #tpu.memory_space<vmem_shared>>) offsets(%dma_start3A_474 : memref<80xi32, #tpu.memory_space<vmem>>) semaphore(%dma_start3A_479 : memref<!tpu.dma_semaphore, #tpu.memory_space<semaphore_mem>>) {add = true}
      %ge3A_480 = arith.constant 0 : i32
      %ge3A_481 = arith.cmpi sge, %sub3A_451, %ge3A_480 : i32
      %add3A_482 = arith.constant 4 : i32
      %add3A_483 = arith.addi %sub3A_451, %add3A_482 : i32
      %lt3A_484 = arith.constant 128 : i32
      %lt3A_485 = arith.cmpi slt, %add3A_483, %lt3A_484 : i32
      %and3A_486 = arith.andi %ge3A_481, %lt3A_485 : i1
      %convert_element_type3A_487 = arith.extui %and3A_486 : i1 to i32
      %cond3A_488 = arith.constant 0 : i32
      %cond3A_489 = arith.cmpi ne, %convert_element_type3A_487, %cond3A_488 : i32
      scf.if %cond3A_489 {
        %dma_wait3A_490 = arith.constant 2 : i32
        %dma_wait3A_491 = arith.constant 2 : i32
        %dma_wait3A_492 = arith.constant 0 : i32
        %dma_wait3A_493 = arith.constant 0 : i32
        %dma_wait3A_494 = tpu.memref_slice %arg8[%dma_wait3A_490, %dma_wait3A_492, %dma_wait3A_493] : memref<4x80x64xf32, #tpu.memory_space<vmem>> -> memref<1x80x64xf32, #tpu.memory_space<vmem>>
        %dma_wait3A_495 = tpu.memref_squeeze %dma_wait3A_494 : memref<1x80x64xf32, #tpu.memory_space<vmem>> -> memref<80x64xf32, #tpu.memory_space<vmem>>
        %dma_wait3A_496 = arith.constant 0 : i32
        %dma_wait3A_497 = tpu.memref_slice %arg7[%sub3A_451, %dma_wait3A_496] : memref<128x80xi32, #tpu.memory_space<vmem>> -> memref<1x80xi32, #tpu.memory_space<vmem>>
        %dma_wait3A_498 = tpu.memref_squeeze %dma_wait3A_497 : memref<1x80xi32, #tpu.memory_space<vmem>> -> memref<80xi32, #tpu.memory_space<vmem>>
        %dma_wait3A_499 = arith.constant 0 : i32
        %dma_wait3A_500 = arith.constant 0 : i32
        %dma_wait3A_501 = tpu.memref_slice %arg9[%dma_wait3A_499, %dma_wait3A_500] : memref<10112x64xf32, #tpu.memory_space<vmem_shared>> -> memref<10112x64xf32, #tpu.memory_space<vmem_shared>>
        %dma_wait3A_502 = tpu.memref_slice %arg12[%dma_wait3A_491] : memref<4x!tpu.dma_semaphore, #tpu.memory_space<semaphore_mem>> -> memref<1x!tpu.dma_semaphore, #tpu.memory_space<semaphore_mem>>
        %dma_wait3A_503 = tpu.memref_squeeze %dma_wait3A_502 : memref<1x!tpu.dma_semaphore, #tpu.memory_space<semaphore_mem>> -> memref<!tpu.dma_semaphore, #tpu.memory_space<semaphore_mem>>
        tpu.wait_indirect_dma semaphore(%dma_wait3A_503 : memref<!tpu.dma_semaphore, #tpu.memory_space<semaphore_mem>>) src(%dma_wait3A_495 : memref<80x64xf32, #tpu.memory_space<vmem>>) dst(%dma_wait3A_501 : memref<10112x64xf32, #tpu.memory_space<vmem_shared>>)
        %add3A_504 = arith.constant 4 : i32
        %add3A_505 = arith.addi %sub3A_451, %add3A_504 : i32
        %dma_start3A_506 = arith.constant 2 : i32
        %dma_start3A_507 = arith.constant 2 : i32
        %dma_start3A_508 = arith.constant 0 : i32
        %dma_start3A_509 = arith.constant 0 : i32
        %dma_start3A_510 = tpu.memref_slice %arg8[%dma_start3A_506, %dma_start3A_508, %dma_start3A_509] : memref<4x80x64xf32, #tpu.memory_space<vmem>> -> memref<1x80x64xf32, #tpu.memory_space<vmem>>
        %dma_start3A_511 = tpu.memref_squeeze %dma_start3A_510 : memref<1x80x64xf32, #tpu.memory_space<vmem>> -> memref<80x64xf32, #tpu.memory_space<vmem>>
        %dma_start3A_512 = arith.constant 0 : i32
        %dma_start3A_513 = tpu.memref_slice %arg6[%add3A_505, %dma_start3A_512] : memref<128x80xi32, #tpu.memory_space<vmem>> -> memref<1x80xi32, #tpu.memory_space<vmem>>
        %dma_start3A_514 = tpu.memref_squeeze %dma_start3A_513 : memref<1x80xi32, #tpu.memory_space<vmem>> -> memref<80xi32, #tpu.memory_space<vmem>>
        %dma_start3A_515 = arith.constant 0 : i32
        %dma_start3A_516 = arith.constant 0 : i32
        %dma_start3A_517 = tpu.memref_slice %arg2[%dma_start3A_515, %dma_start3A_516] : memref<10000x64xf32, #tpu.memory_space<hbm>> -> memref<10000x64xf32, #tpu.memory_space<hbm>>
        %dma_start3A_518 = tpu.memref_slice %arg11[%dma_start3A_507] : memref<4x!tpu.dma_semaphore, #tpu.memory_space<semaphore_mem>> -> memref<1x!tpu.dma_semaphore, #tpu.memory_space<semaphore_mem>>
        %dma_start3A_519 = tpu.memref_squeeze %dma_start3A_518 : memref<1x!tpu.dma_semaphore, #tpu.memory_space<semaphore_mem>> -> memref<!tpu.dma_semaphore, #tpu.memory_space<semaphore_mem>>
        tpu.enqueue_indirect_dma source(%dma_start3A_517 : memref<10000x64xf32, #tpu.memory_space<hbm>>) target(%dma_start3A_511 : memref<80x64xf32, #tpu.memory_space<vmem>>) offsets(%dma_start3A_514 : memref<80xi32, #tpu.memory_space<vmem>>) semaphore(%dma_start3A_519 : memref<!tpu.dma_semaphore, #tpu.memory_space<semaphore_mem>>)
      } else {
      }
    }
    %scan3A_75 = arith.constant 16 : i32
    %dma_wait3A = arith.constant 0 : i32
    %dma_wait3A_76 = arith.constant 124 : i32
    %dma_wait3A_77 = arith.constant 0 : i32
    %dma_wait3A_78 = arith.constant 0 : i32
    %dma_wait3A_79 = arith.constant 0 : i32
    %dma_wait3A_80 = tpu.memref_slice %arg8[%dma_wait3A, %dma_wait3A_78, %dma_wait3A_79] : memref<4x80x64xf32, #tpu.memory_space<vmem>> -> memref<1x80x64xf32, #tpu.memory_space<vmem>>
    %dma_wait3A_81 = tpu.memref_squeeze %dma_wait3A_80 : memref<1x80x64xf32, #tpu.memory_space<vmem>> -> memref<80x64xf32, #tpu.memory_space<vmem>>
    %dma_wait3A_82 = arith.constant 0 : i32
    %dma_wait3A_83 = tpu.memref_slice %arg7[%dma_wait3A_76, %dma_wait3A_82] : memref<128x80xi32, #tpu.memory_space<vmem>> -> memref<1x80xi32, #tpu.memory_space<vmem>>
    %dma_wait3A_84 = tpu.memref_squeeze %dma_wait3A_83 : memref<1x80xi32, #tpu.memory_space<vmem>> -> memref<80xi32, #tpu.memory_space<vmem>>
    %dma_wait3A_85 = arith.constant 0 : i32
    %dma_wait3A_86 = arith.constant 0 : i32
    %dma_wait3A_87 = tpu.memref_slice %arg9[%dma_wait3A_85, %dma_wait3A_86] : memref<10112x64xf32, #tpu.memory_space<vmem_shared>> -> memref<10112x64xf32, #tpu.memory_space<vmem_shared>>
    %dma_wait3A_88 = tpu.memref_slice %arg12[%dma_wait3A_77] : memref<4x!tpu.dma_semaphore, #tpu.memory_space<semaphore_mem>> -> memref<1x!tpu.dma_semaphore, #tpu.memory_space<semaphore_mem>>
    %dma_wait3A_89 = tpu.memref_squeeze %dma_wait3A_88 : memref<1x!tpu.dma_semaphore, #tpu.memory_space<semaphore_mem>> -> memref<!tpu.dma_semaphore, #tpu.memory_space<semaphore_mem>>
    tpu.wait_indirect_dma semaphore(%dma_wait3A_89 : memref<!tpu.dma_semaphore, #tpu.memory_space<semaphore_mem>>) src(%dma_wait3A_81 : memref<80x64xf32, #tpu.memory_space<vmem>>) dst(%dma_wait3A_87 : memref<10112x64xf32, #tpu.memory_space<vmem_shared>>)
    %dma_wait3A_90 = arith.constant 1 : i32
    %dma_wait3A_91 = arith.constant 125 : i32
    %dma_wait3A_92 = arith.constant 1 : i32
    %dma_wait3A_93 = arith.constant 0 : i32
    %dma_wait3A_94 = arith.constant 0 : i32
    %dma_wait3A_95 = tpu.memref_slice %arg8[%dma_wait3A_90, %dma_wait3A_93, %dma_wait3A_94] : memref<4x80x64xf32, #tpu.memory_space<vmem>> -> memref<1x80x64xf32, #tpu.memory_space<vmem>>
    %dma_wait3A_96 = tpu.memref_squeeze %dma_wait3A_95 : memref<1x80x64xf32, #tpu.memory_space<vmem>> -> memref<80x64xf32, #tpu.memory_space<vmem>>
    %dma_wait3A_97 = arith.constant 0 : i32
    %dma_wait3A_98 = tpu.memref_slice %arg7[%dma_wait3A_91, %dma_wait3A_97] : memref<128x80xi32, #tpu.memory_space<vmem>> -> memref<1x80xi32, #tpu.memory_space<vmem>>
    %dma_wait3A_99 = tpu.memref_squeeze %dma_wait3A_98 : memref<1x80xi32, #tpu.memory_space<vmem>> -> memref<80xi32, #tpu.memory_space<vmem>>
    %dma_wait3A_100 = arith.constant 0 : i32
    %dma_wait3A_101 = arith.constant 0 : i32
    %dma_wait3A_102 = tpu.memref_slice %arg9[%dma_wait3A_100, %dma_wait3A_101] : memref<10112x64xf32, #tpu.memory_space<vmem_shared>> -> memref<10112x64xf32, #tpu.memory_space<vmem_shared>>
    %dma_wait3A_103 = tpu.memref_slice %arg12[%dma_wait3A_92] : memref<4x!tpu.dma_semaphore, #tpu.memory_space<semaphore_mem>> -> memref<1x!tpu.dma_semaphore, #tpu.memory_space<semaphore_mem>>
    %dma_wait3A_104 = tpu.memref_squeeze %dma_wait3A_103 : memref<1x!tpu.dma_semaphore, #tpu.memory_space<semaphore_mem>> -> memref<!tpu.dma_semaphore, #tpu.memory_space<semaphore_mem>>
    tpu.wait_indirect_dma semaphore(%dma_wait3A_104 : memref<!tpu.dma_semaphore, #tpu.memory_space<semaphore_mem>>) src(%dma_wait3A_96 : memref<80x64xf32, #tpu.memory_space<vmem>>) dst(%dma_wait3A_102 : memref<10112x64xf32, #tpu.memory_space<vmem_shared>>)
    %dma_wait3A_105 = arith.constant 2 : i32
    %dma_wait3A_106 = arith.constant 126 : i32
    %dma_wait3A_107 = arith.constant 2 : i32
    %dma_wait3A_108 = arith.constant 0 : i32
    %dma_wait3A_109 = arith.constant 0 : i32
    %dma_wait3A_110 = tpu.memref_slice %arg8[%dma_wait3A_105, %dma_wait3A_108, %dma_wait3A_109] : memref<4x80x64xf32, #tpu.memory_space<vmem>> -> memref<1x80x64xf32, #tpu.memory_space<vmem>>
    %dma_wait3A_111 = tpu.memref_squeeze %dma_wait3A_110 : memref<1x80x64xf32, #tpu.memory_space<vmem>> -> memref<80x64xf32, #tpu.memory_space<vmem>>
    %dma_wait3A_112 = arith.constant 0 : i32
    %dma_wait3A_113 = tpu.memref_slice %arg7[%dma_wait3A_106, %dma_wait3A_112] : memref<128x80xi32, #tpu.memory_space<vmem>> -> memref<1x80xi32, #tpu.memory_space<vmem>>
    %dma_wait3A_114 = tpu.memref_squeeze %dma_wait3A_113 : memref<1x80xi32, #tpu.memory_space<vmem>> -> memref<80xi32, #tpu.memory_space<vmem>>
    %dma_wait3A_115 = arith.constant 0 : i32
    %dma_wait3A_116 = arith.constant 0 : i32
    %dma_wait3A_117 = tpu.memref_slice %arg9[%dma_wait3A_115, %dma_wait3A_116] : memref<10112x64xf32, #tpu.memory_space<vmem_shared>> -> memref<10112x64xf32, #tpu.memory_space<vmem_shared>>
    %dma_wait3A_118 = tpu.memref_slice %arg12[%dma_wait3A_107] : memref<4x!tpu.dma_semaphore, #tpu.memory_space<semaphore_mem>> -> memref<1x!tpu.dma_semaphore, #tpu.memory_space<semaphore_mem>>
    %dma_wait3A_119 = tpu.memref_squeeze %dma_wait3A_118 : memref<1x!tpu.dma_semaphore, #tpu.memory_space<semaphore_mem>> -> memref<!tpu.dma_semaphore, #tpu.memory_space<semaphore_mem>>
    tpu.wait_indirect_dma semaphore(%dma_wait3A_119 : memref<!tpu.dma_semaphore, #tpu.memory_space<semaphore_mem>>) src(%dma_wait3A_111 : memref<80x64xf32, #tpu.memory_space<vmem>>) dst(%dma_wait3A_117 : memref<10112x64xf32, #tpu.memory_space<vmem_shared>>)
    %dma_wait3A_120 = arith.constant 3 : i32
    %dma_wait3A_121 = arith.constant 127 : i32
    %dma_wait3A_122 = arith.constant 3 : i32
    %dma_wait3A_123 = arith.constant 0 : i32
    %dma_wait3A_124 = arith.constant 0 : i32
    %dma_wait3A_125 = tpu.memref_slice %arg8[%dma_wait3A_120, %dma_wait3A_123, %dma_wait3A_124] : memref<4x80x64xf32, #tpu.memory_space<vmem>> -> memref<1x80x64xf32, #tpu.memory_space<vmem>>
    %dma_wait3A_126 = tpu.memref_squeeze %dma_wait3A_125 : memref<1x80x64xf32, #tpu.memory_space<vmem>> -> memref<80x64xf32, #tpu.memory_space<vmem>>
    %dma_wait3A_127 = arith.constant 0 : i32
    %dma_wait3A_128 = tpu.memref_slice %arg7[%dma_wait3A_121, %dma_wait3A_127] : memref<128x80xi32, #tpu.memory_space<vmem>> -> memref<1x80xi32, #tpu.memory_space<vmem>>
    %dma_wait3A_129 = tpu.memref_squeeze %dma_wait3A_128 : memref<1x80xi32, #tpu.memory_space<vmem>> -> memref<80xi32, #tpu.memory_space<vmem>>
    %dma_wait3A_130 = arith.constant 0 : i32
    %dma_wait3A_131 = arith.constant 0 : i32
    %dma_wait3A_132 = tpu.memref_slice %arg9[%dma_wait3A_130, %dma_wait3A_131] : memref<10112x64xf32, #tpu.memory_space<vmem_shared>> -> memref<10112x64xf32, #tpu.memory_space<vmem_shared>>
    %dma_wait3A_133 = tpu.memref_slice %arg12[%dma_wait3A_122] : memref<4x!tpu.dma_semaphore, #tpu.memory_space<semaphore_mem>> -> memref<1x!tpu.dma_semaphore, #tpu.memory_space<semaphore_mem>>
    %dma_wait3A_134 = tpu.memref_squeeze %dma_wait3A_133 : memref<1x!tpu.dma_semaphore, #tpu.memory_space<semaphore_mem>> -> memref<!tpu.dma_semaphore, #tpu.memory_space<semaphore_mem>>
    tpu.wait_indirect_dma semaphore(%dma_wait3A_134 : memref<!tpu.dma_semaphore, #tpu.memory_space<semaphore_mem>>) src(%dma_wait3A_126 : memref<80x64xf32, #tpu.memory_space<vmem>>) dst(%dma_wait3A_132 : memref<10112x64xf32, #tpu.memory_space<vmem_shared>>)
    %barrier3A_135 = arith.constant 0 : index
    tpu.barrier barrier_id(%barrier3A_135)
    %mul3A_136 = arith.constant 632 : i32
    %mul3A_137 = arith.muli %arg1, %mul3A_136 : i32
    %mul3A_138 = arith.constant 632 : i32
    %mul3A_139 = arith.muli %arg1, %mul3A_138 : i32
    "tpu.region"() ({
      %run_scoped3A_140 = tpu.sem_alloc : memref<!tpu.dma_semaphore, #tpu.memory_space<semaphore_mem>>
      %dma_start3A_141 = arith.constant 0 : i32
      %dma_start3A_142 = tpu.memref_slice %arg5[%arg0, %mul3A_139, %dma_start3A_141] : memref<2x10112x64xf32, #tpu.memory_space<hbm>> -> memref<1x632x64xf32, #tpu.memory_space<hbm>>
      %dma_start3A_143 = tpu.memref_squeeze %dma_start3A_142 : memref<1x632x64xf32, #tpu.memory_space<hbm>> -> memref<632x64xf32, #tpu.memory_space<hbm>>
      %dma_start3A_144 = arith.constant 0 : i32
      %dma_start3A_145 = tpu.memref_slice %arg9[%mul3A_137, %dma_start3A_144] : memref<10112x64xf32, #tpu.memory_space<vmem_shared>> -> memref<632x64xf32, #tpu.memory_space<vmem_shared>>
      tpu.enqueue_dma source(%dma_start3A_145 : memref<632x64xf32, #tpu.memory_space<vmem_shared>>) target(%dma_start3A_143 : memref<632x64xf32, #tpu.memory_space<hbm>>) target_semaphore(%run_scoped3A_140 : memref<!tpu.dma_semaphore, #tpu.memory_space<semaphore_mem>>)
      %dma_wait3A_146 = arith.constant 0 : i32
      %dma_wait3A_147 = tpu.memref_slice %arg5[%arg0, %mul3A_139, %dma_wait3A_146] : memref<2x10112x64xf32, #tpu.memory_space<hbm>> -> memref<1x632x64xf32, #tpu.memory_space<hbm>>
      %dma_wait3A_148 = tpu.memref_squeeze %dma_wait3A_147 : memref<1x632x64xf32, #tpu.memory_space<hbm>> -> memref<632x64xf32, #tpu.memory_space<hbm>>
      %dma_wait3A_149 = arith.constant 0 : i32
      %dma_wait3A_150 = tpu.memref_slice %arg9[%mul3A_137, %dma_wait3A_149] : memref<10112x64xf32, #tpu.memory_space<vmem_shared>> -> memref<632x64xf32, #tpu.memory_space<vmem_shared>>
      tpu.wait_dma2 semaphore(%run_scoped3A_140 : memref<!tpu.dma_semaphore, #tpu.memory_space<semaphore_mem>>) src(%dma_wait3A_150 : memref<632x64xf32, #tpu.memory_space<vmem_shared>>) dst(%dma_wait3A_148 : memref<632x64xf32, #tpu.memory_space<hbm>>)
      tpu.yield
    }) : () -> ()
    return
  }
}

#map = affine_map<(d0, d1) -> (0, 0)>
#map1 = affine_map<(d0, d1) -> (0, 0, 0, 0)>
#map2 = affine_map<(d0, d1) -> (0, 0, 0)>
module attributes {stable_mosaic.version = 14 : i64} {
  func.func @_sc_aggr_body(%arg0: i32, %arg1: i32, %arg2: memref<10000x64xf32, #tpu.memory_space<hbm>>, %arg3: memref<2x32x128x80xi32, #tpu.memory_space<hbm>>, %arg4: memref<10112x64xf32, #tpu.memory_space<hbm>>, %arg5: memref<2x10112x64xf32, #tpu.memory_space<hbm>>, %arg6: memref<128x80xi32, #tpu.memory_space<vmem>>, %arg7: memref<128x80xi32, #tpu.memory_space<vmem>>, %arg8: memref<4x80x64xf32, #tpu.memory_space<vmem>>, %arg9: memref<10112x64xf32, #tpu.memory_space<vmem_shared>>, %arg10: memref<10000x64xf32, #tpu.memory_space<vmem_shared>>, %arg11: memref<4x!tpu.dma_semaphore, #tpu.memory_space<semaphore_mem>>, %arg12: memref<4x!tpu.dma_semaphore, #tpu.memory_space<semaphore_mem>>) attributes {dimension_semantics = [#tpu.dimension_semantics<core_parallel>, #tpu.dimension_semantics<subcore_parallel>], iteration_bounds = array<i64: 2, 16>, scalar_prefetch = 0 : i64, scratch_operands = 7 : i64, tpu.core_type = #tpu.core_type<sc_vector_subcore>, window_params = [{transform_indices = #map}, {transform_indices = #map1}, {transform_indices = #map}, {transform_indices = #map2}]} {
    %mul3A = arith.constant 16 : i32
    %mul3A_0 = arith.muli %arg0, %mul3A : i32
    %add3A = arith.addi %mul3A_0, %arg1 : i32
    %run_scoped3A = arith.constant 0 : i32
    "tpu.region"() ({
      %run_scoped3A_140 = tpu.sem_alloc : memref<!tpu.dma_semaphore, #tpu.memory_space<semaphore_mem>>
      %dma_start3A_141 = arith.constant 0 : i32
      %dma_start3A_142 = arith.constant 0 : i32
      %dma_start3A_143 = tpu.memref_slice %arg3[%run_scoped3A, %add3A, %dma_start3A_141, %dma_start3A_142] : memref<2x32x128x80xi32, #tpu.memory_space<hbm>> -> memref<1x1x128x80xi32, #tpu.memory_space<hbm>>
      %dma_start3A_144 = tpu.memref_squeeze %dma_start3A_143 : memref<1x1x128x80xi32, #tpu.memory_space<hbm>> -> memref<128x80xi32, #tpu.memory_space<hbm>>
      %dma_start3A_145 = arith.constant 0 : i32
      %dma_start3A_146 = arith.constant 0 : i32
      %dma_start3A_147 = tpu.memref_slice %arg3[%run_scoped3A, %add3A, %dma_start3A_145, %dma_start3A_146] : memref<2x32x128x80xi32, #tpu.memory_space<hbm>> -> memref<1x1x128x80xi32, #tpu.memory_space<hbm>>
      %dma_start3A_148 = tpu.memref_squeeze %dma_start3A_147 : memref<1x1x128x80xi32, #tpu.memory_space<hbm>> -> memref<128x80xi32, #tpu.memory_space<hbm>>
      tpu.enqueue_dma source(%dma_start3A_148 : memref<128x80xi32, #tpu.memory_space<hbm>>) target(%arg6 : memref<128x80xi32, #tpu.memory_space<vmem>>) target_semaphore(%run_scoped3A_140 : memref<!tpu.dma_semaphore, #tpu.memory_space<semaphore_mem>>)
      %dma_wait3A_149 = arith.constant 0 : i32
      %dma_wait3A_150 = arith.constant 0 : i32
      %dma_wait3A_151 = tpu.memref_slice %arg3[%run_scoped3A, %add3A, %dma_wait3A_149, %dma_wait3A_150] : memref<2x32x128x80xi32, #tpu.memory_space<hbm>> -> memref<1x1x128x80xi32, #tpu.memory_space<hbm>>
      %dma_wait3A_152 = tpu.memref_squeeze %dma_wait3A_151 : memref<1x1x128x80xi32, #tpu.memory_space<hbm>> -> memref<128x80xi32, #tpu.memory_space<hbm>>
      %dma_wait3A_153 = arith.constant 0 : i32
      %dma_wait3A_154 = arith.constant 0 : i32
      %dma_wait3A_155 = tpu.memref_slice %arg3[%run_scoped3A, %add3A, %dma_wait3A_153, %dma_wait3A_154] : memref<2x32x128x80xi32, #tpu.memory_space<hbm>> -> memref<1x1x128x80xi32, #tpu.memory_space<hbm>>
      %dma_wait3A_156 = tpu.memref_squeeze %dma_wait3A_155 : memref<1x1x128x80xi32, #tpu.memory_space<hbm>> -> memref<128x80xi32, #tpu.memory_space<hbm>>
      tpu.wait_dma2 semaphore(%run_scoped3A_140 : memref<!tpu.dma_semaphore, #tpu.memory_space<semaphore_mem>>) src(%dma_wait3A_156 : memref<128x80xi32, #tpu.memory_space<hbm>>) dst(%arg6 : memref<128x80xi32, #tpu.memory_space<vmem>>)
      tpu.yield
    }) : () -> ()
    %run_scoped3A_1 = arith.constant 1 : i32
    "tpu.region"() ({
      %run_scoped3A_140 = tpu.sem_alloc : memref<!tpu.dma_semaphore, #tpu.memory_space<semaphore_mem>>
      %dma_start3A_141 = arith.constant 0 : i32
      %dma_start3A_142 = arith.constant 0 : i32
      %dma_start3A_143 = tpu.memref_slice %arg3[%run_scoped3A_1, %add3A, %dma_start3A_141, %dma_start3A_142] : memref<2x32x128x80xi32, #tpu.memory_space<hbm>> -> memref<1x1x128x80xi32, #tpu.memory_space<hbm>>
      %dma_start3A_144 = tpu.memref_squeeze %dma_start3A_143 : memref<1x1x128x80xi32, #tpu.memory_space<hbm>> -> memref<128x80xi32, #tpu.memory_space<hbm>>
      %dma_start3A_145 = arith.constant 0 : i32
      %dma_start3A_146 = arith.constant 0 : i32
      %dma_start3A_147 = tpu.memref_slice %arg3[%run_scoped3A_1, %add3A, %dma_start3A_145, %dma_start3A_146] : memref<2x32x128x80xi32, #tpu.memory_space<hbm>> -> memref<1x1x128x80xi32, #tpu.memory_space<hbm>>
      %dma_start3A_148 = tpu.memref_squeeze %dma_start3A_147 : memref<1x1x128x80xi32, #tpu.memory_space<hbm>> -> memref<128x80xi32, #tpu.memory_space<hbm>>
      tpu.enqueue_dma source(%dma_start3A_148 : memref<128x80xi32, #tpu.memory_space<hbm>>) target(%arg7 : memref<128x80xi32, #tpu.memory_space<vmem>>) target_semaphore(%run_scoped3A_140 : memref<!tpu.dma_semaphore, #tpu.memory_space<semaphore_mem>>)
      %dma_wait3A_149 = arith.constant 0 : i32
      %dma_wait3A_150 = arith.constant 0 : i32
      %dma_wait3A_151 = tpu.memref_slice %arg3[%run_scoped3A_1, %add3A, %dma_wait3A_149, %dma_wait3A_150] : memref<2x32x128x80xi32, #tpu.memory_space<hbm>> -> memref<1x1x128x80xi32, #tpu.memory_space<hbm>>
      %dma_wait3A_152 = tpu.memref_squeeze %dma_wait3A_151 : memref<1x1x128x80xi32, #tpu.memory_space<hbm>> -> memref<128x80xi32, #tpu.memory_space<hbm>>
      %dma_wait3A_153 = arith.constant 0 : i32
      %dma_wait3A_154 = arith.constant 0 : i32
      %dma_wait3A_155 = tpu.memref_slice %arg3[%run_scoped3A_1, %add3A, %dma_wait3A_153, %dma_wait3A_154] : memref<2x32x128x80xi32, #tpu.memory_space<hbm>> -> memref<1x1x128x80xi32, #tpu.memory_space<hbm>>
      %dma_wait3A_156 = tpu.memref_squeeze %dma_wait3A_155 : memref<1x1x128x80xi32, #tpu.memory_space<hbm>> -> memref<128x80xi32, #tpu.memory_space<hbm>>
      tpu.wait_dma2 semaphore(%run_scoped3A_140 : memref<!tpu.dma_semaphore, #tpu.memory_space<semaphore_mem>>) src(%dma_wait3A_156 : memref<128x80xi32, #tpu.memory_space<hbm>>) dst(%arg7 : memref<128x80xi32, #tpu.memory_space<vmem>>)
      tpu.yield
    }) : () -> ()
    %mul3A_2 = arith.constant 632 : i32
    %mul3A_3 = arith.muli %arg1, %mul3A_2 : i32
    %mul3A_4 = arith.constant 632 : i32
    %mul3A_5 = arith.muli %arg1, %mul3A_4 : i32
    "tpu.region"() ({
      %run_scoped3A_140 = tpu.sem_alloc : memref<!tpu.dma_semaphore, #tpu.memory_space<semaphore_mem>>
      %dma_start3A_141 = arith.constant 0 : i32
      %dma_start3A_142 = tpu.memref_slice %arg9[%mul3A_5, %dma_start3A_141] : memref<10112x64xf32, #tpu.memory_space<vmem_shared>> -> memref<632x64xf32, #tpu.memory_space<vmem_shared>>
      %dma_start3A_143 = arith.constant 0 : i32
      %dma_start3A_144 = tpu.memref_slice %arg4[%mul3A_3, %dma_start3A_143] : memref<10112x64xf32, #tpu.memory_space<hbm>> -> memref<632x64xf32, #tpu.memory_space<hbm>>
      tpu.enqueue_dma source(%dma_start3A_144 : memref<632x64xf32, #tpu.memory_space<hbm>>) target(%dma_start3A_142 : memref<632x64xf32, #tpu.memory_space<vmem_shared>>) target_semaphore(%run_scoped3A_140 : memref<!tpu.dma_semaphore, #tpu.memory_space<semaphore_mem>>)
      %dma_wait3A_145 = arith.constant 0 : i32
      %dma_wait3A_146 = tpu.memref_slice %arg9[%mul3A_5, %dma_wait3A_145] : memref<10112x64xf32, #tpu.memory_space<vmem_shared>> -> memref<632x64xf32, #tpu.memory_space<vmem_shared>>
      %dma_wait3A_147 = arith.constant 0 : i32
      %dma_wait3A_148 = tpu.memref_slice %arg4[%mul3A_3, %dma_wait3A_147] : memref<10112x64xf32, #tpu.memory_space<hbm>> -> memref<632x64xf32, #tpu.memory_space<hbm>>
      tpu.wait_dma2 semaphore(%run_scoped3A_140 : memref<!tpu.dma_semaphore, #tpu.memory_space<semaphore_mem>>) src(%dma_wait3A_148 : memref<632x64xf32, #tpu.memory_space<hbm>>) dst(%dma_wait3A_146 : memref<632x64xf32, #tpu.memory_space<vmem_shared>>)
      tpu.yield
    }) : () -> ()
    %lt3A = arith.constant 15 : i32
    %lt3A_6 = arith.cmpi slt, %arg1, %lt3A : i32
    %convert_element_type3A = arith.extui %lt3A_6 : i1 to i32
    %cond3A = arith.constant 0 : i32
    %cond3A_7 = arith.cmpi ne, %convert_element_type3A, %cond3A : i32
    scf.if %cond3A_7 {
      %mul3A_140 = arith.constant 640 : i32
      %mul3A_141 = arith.muli %arg1, %mul3A_140 : i32
      %mul3A_142 = arith.constant 640 : i32
      %mul3A_143 = arith.muli %arg1, %mul3A_142 : i32
      "tpu.region"() ({
        %run_scoped3A_144 = tpu.sem_alloc : memref<!tpu.dma_semaphore, #tpu.memory_space<semaphore_mem>>
        %dma_start3A_145 = arith.constant 0 : i32
        %dma_start3A_146 = tpu.memref_slice %arg10[%mul3A_143, %dma_start3A_145] : memref<10000x64xf32, #tpu.memory_space<vmem_shared>> -> memref<640x64xf32, #tpu.memory_space<vmem_shared>>
        %dma_start3A_147 = arith.constant 0 : i32
        %dma_start3A_148 = tpu.memref_slice %arg2[%mul3A_141, %dma_start3A_147] : memref<10000x64xf32, #tpu.memory_space<hbm>> -> memref<640x64xf32, #tpu.memory_space<hbm>>
        tpu.enqueue_dma source(%dma_start3A_148 : memref<640x64xf32, #tpu.memory_space<hbm>>) target(%dma_start3A_146 : memref<640x64xf32, #tpu.memory_space<vmem_shared>>) target_semaphore(%run_scoped3A_144 : memref<!tpu.dma_semaphore, #tpu.memory_space<semaphore_mem>>)
        %dma_wait3A_149 = arith.constant 0 : i32
        %dma_wait3A_150 = tpu.memref_slice %arg10[%mul3A_143, %dma_wait3A_149] : memref<10000x64xf32, #tpu.memory_space<vmem_shared>> -> memref<640x64xf32, #tpu.memory_space<vmem_shared>>
        %dma_wait3A_151 = arith.constant 0 : i32
        %dma_wait3A_152 = tpu.memref_slice %arg2[%mul3A_141, %dma_wait3A_151] : memref<10000x64xf32, #tpu.memory_space<hbm>> -> memref<640x64xf32, #tpu.memory_space<hbm>>
        tpu.wait_dma2 semaphore(%run_scoped3A_144 : memref<!tpu.dma_semaphore, #tpu.memory_space<semaphore_mem>>) src(%dma_wait3A_152 : memref<640x64xf32, #tpu.memory_space<hbm>>) dst(%dma_wait3A_150 : memref<640x64xf32, #tpu.memory_space<vmem_shared>>)
        tpu.yield
      }) : () -> ()
    } else {
    }
    %eq3A = arith.constant 15 : i32
    %eq3A_8 = arith.cmpi eq, %arg1, %eq3A : i32
    %convert_element_type3A_9 = arith.extui %eq3A_8 : i1 to i32
    %cond3A_10 = arith.constant 0 : i32
    %cond3A_11 = arith.cmpi ne, %convert_element_type3A_9, %cond3A_10 : i32
    scf.if %cond3A_11 {
      "tpu.region"() ({
        %run_scoped3A_140 = tpu.sem_alloc : memref<!tpu.dma_semaphore, #tpu.memory_space<semaphore_mem>>
        %dma_start3A_141 = arith.constant 9600 : i32
        %dma_start3A_142 = arith.constant 0 : i32
        %dma_start3A_143 = tpu.memref_slice %arg10[%dma_start3A_141, %dma_start3A_142] : memref<10000x64xf32, #tpu.memory_space<vmem_shared>> -> memref<400x64xf32, #tpu.memory_space<vmem_shared>>
        %dma_start3A_144 = arith.constant 9600 : i32
        %dma_start3A_145 = arith.constant 0 : i32
        %dma_start3A_146 = tpu.memref_slice %arg2[%dma_start3A_144, %dma_start3A_145] : memref<10000x64xf32, #tpu.memory_space<hbm>> -> memref<400x64xf32, #tpu.memory_space<hbm>>
        tpu.enqueue_dma source(%dma_start3A_146 : memref<400x64xf32, #tpu.memory_space<hbm>>) target(%dma_start3A_143 : memref<400x64xf32, #tpu.memory_space<vmem_shared>>) target_semaphore(%run_scoped3A_140 : memref<!tpu.dma_semaphore, #tpu.memory_space<semaphore_mem>>)
        %dma_wait3A_147 = arith.constant 9600 : i32
        %dma_wait3A_148 = arith.constant 0 : i32
        %dma_wait3A_149 = tpu.memref_slice %arg10[%dma_wait3A_147, %dma_wait3A_148] : memref<10000x64xf32, #tpu.memory_space<vmem_shared>> -> memref<400x64xf32, #tpu.memory_space<vmem_shared>>
        %dma_wait3A_150 = arith.constant 9600 : i32
        %dma_wait3A_151 = arith.constant 0 : i32
        %dma_wait3A_152 = tpu.memref_slice %arg2[%dma_wait3A_150, %dma_wait3A_151] : memref<10000x64xf32, #tpu.memory_space<hbm>> -> memref<400x64xf32, #tpu.memory_space<hbm>>
        tpu.wait_dma2 semaphore(%run_scoped3A_140 : memref<!tpu.dma_semaphore, #tpu.memory_space<semaphore_mem>>) src(%dma_wait3A_152 : memref<400x64xf32, #tpu.memory_space<hbm>>) dst(%dma_wait3A_149 : memref<400x64xf32, #tpu.memory_space<vmem_shared>>)
        tpu.yield
      }) : () -> ()
    } else {
    }
    %barrier3A = arith.constant 0 : index
    tpu.barrier barrier_id(%barrier3A)
    %dma_start3A = arith.constant 0 : i32
    %dma_start3A_12 = arith.constant 0 : i32
    %dma_start3A_13 = arith.constant 0 : i32
    %dma_start3A_14 = arith.constant 0 : i32
    %dma_start3A_15 = arith.constant 0 : i32
    %dma_start3A_16 = tpu.memref_slice %arg8[%dma_start3A_12, %dma_start3A_14, %dma_start3A_15] : memref<4x80x64xf32, #tpu.memory_space<vmem>> -> memref<1x80x64xf32, #tpu.memory_space<vmem>>
    %dma_start3A_17 = tpu.memref_squeeze %dma_start3A_16 : memref<1x80x64xf32, #tpu.memory_space<vmem>> -> memref<80x64xf32, #tpu.memory_space<vmem>>
    %dma_start3A_18 = arith.constant 0 : i32
    %dma_start3A_19 = tpu.memref_slice %arg6[%dma_start3A, %dma_start3A_18] : memref<128x80xi32, #tpu.memory_space<vmem>> -> memref<1x80xi32, #tpu.memory_space<vmem>>
    %dma_start3A_20 = tpu.memref_squeeze %dma_start3A_19 : memref<1x80xi32, #tpu.memory_space<vmem>> -> memref<80xi32, #tpu.memory_space<vmem>>
    %dma_start3A_21 = arith.constant 0 : i32
    %dma_start3A_22 = arith.constant 0 : i32
    %dma_start3A_23 = tpu.memref_slice %arg2[%dma_start3A_21, %dma_start3A_22] : memref<10000x64xf32, #tpu.memory_space<hbm>> -> memref<10000x64xf32, #tpu.memory_space<hbm>>
    %dma_start3A_24 = tpu.memref_slice %arg11[%dma_start3A_13] : memref<4x!tpu.dma_semaphore, #tpu.memory_space<semaphore_mem>> -> memref<1x!tpu.dma_semaphore, #tpu.memory_space<semaphore_mem>>
    %dma_start3A_25 = tpu.memref_squeeze %dma_start3A_24 : memref<1x!tpu.dma_semaphore, #tpu.memory_space<semaphore_mem>> -> memref<!tpu.dma_semaphore, #tpu.memory_space<semaphore_mem>>
    tpu.enqueue_indirect_dma source(%dma_start3A_23 : memref<10000x64xf32, #tpu.memory_space<hbm>>) target(%dma_start3A_17 : memref<80x64xf32, #tpu.memory_space<vmem>>) offsets(%dma_start3A_20 : memref<80xi32, #tpu.memory_space<vmem>>) semaphore(%dma_start3A_25 : memref<!tpu.dma_semaphore, #tpu.memory_space<semaphore_mem>>)
    %dma_start3A_26 = arith.constant 1 : i32
    %dma_start3A_27 = arith.constant 1 : i32
    %dma_start3A_28 = arith.constant 1 : i32
    %dma_start3A_29 = arith.constant 0 : i32
    %dma_start3A_30 = arith.constant 0 : i32
    %dma_start3A_31 = tpu.memref_slice %arg8[%dma_start3A_27, %dma_start3A_29, %dma_start3A_30] : memref<4x80x64xf32, #tpu.memory_space<vmem>> -> memref<1x80x64xf32, #tpu.memory_space<vmem>>
    %dma_start3A_32 = tpu.memref_squeeze %dma_start3A_31 : memref<1x80x64xf32, #tpu.memory_space<vmem>> -> memref<80x64xf32, #tpu.memory_space<vmem>>
    %dma_start3A_33 = arith.constant 0 : i32
    %dma_start3A_34 = tpu.memref_slice %arg6[%dma_start3A_26, %dma_start3A_33] : memref<128x80xi32, #tpu.memory_space<vmem>> -> memref<1x80xi32, #tpu.memory_space<vmem>>
    %dma_start3A_35 = tpu.memref_squeeze %dma_start3A_34 : memref<1x80xi32, #tpu.memory_space<vmem>> -> memref<80xi32, #tpu.memory_space<vmem>>
    %dma_start3A_36 = arith.constant 0 : i32
    %dma_start3A_37 = arith.constant 0 : i32
    %dma_start3A_38 = tpu.memref_slice %arg2[%dma_start3A_36, %dma_start3A_37] : memref<10000x64xf32, #tpu.memory_space<hbm>> -> memref<10000x64xf32, #tpu.memory_space<hbm>>
    %dma_start3A_39 = tpu.memref_slice %arg11[%dma_start3A_28] : memref<4x!tpu.dma_semaphore, #tpu.memory_space<semaphore_mem>> -> memref<1x!tpu.dma_semaphore, #tpu.memory_space<semaphore_mem>>
    %dma_start3A_40 = tpu.memref_squeeze %dma_start3A_39 : memref<1x!tpu.dma_semaphore, #tpu.memory_space<semaphore_mem>> -> memref<!tpu.dma_semaphore, #tpu.memory_space<semaphore_mem>>
    tpu.enqueue_indirect_dma source(%dma_start3A_38 : memref<10000x64xf32, #tpu.memory_space<hbm>>) target(%dma_start3A_32 : memref<80x64xf32, #tpu.memory_space<vmem>>) offsets(%dma_start3A_35 : memref<80xi32, #tpu.memory_space<vmem>>) semaphore(%dma_start3A_40 : memref<!tpu.dma_semaphore, #tpu.memory_space<semaphore_mem>>)
    %dma_start3A_41 = arith.constant 2 : i32
    %dma_start3A_42 = arith.constant 2 : i32
    %dma_start3A_43 = arith.constant 2 : i32
    %dma_start3A_44 = arith.constant 0 : i32
    %dma_start3A_45 = arith.constant 0 : i32
    %dma_start3A_46 = tpu.memref_slice %arg8[%dma_start3A_42, %dma_start3A_44, %dma_start3A_45] : memref<4x80x64xf32, #tpu.memory_space<vmem>> -> memref<1x80x64xf32, #tpu.memory_space<vmem>>
    %dma_start3A_47 = tpu.memref_squeeze %dma_start3A_46 : memref<1x80x64xf32, #tpu.memory_space<vmem>> -> memref<80x64xf32, #tpu.memory_space<vmem>>
    %dma_start3A_48 = arith.constant 0 : i32
    %dma_start3A_49 = tpu.memref_slice %arg6[%dma_start3A_41, %dma_start3A_48] : memref<128x80xi32, #tpu.memory_space<vmem>> -> memref<1x80xi32, #tpu.memory_space<vmem>>
    %dma_start3A_50 = tpu.memref_squeeze %dma_start3A_49 : memref<1x80xi32, #tpu.memory_space<vmem>> -> memref<80xi32, #tpu.memory_space<vmem>>
    %dma_start3A_51 = arith.constant 0 : i32
    %dma_start3A_52 = arith.constant 0 : i32
    %dma_start3A_53 = tpu.memref_slice %arg2[%dma_start3A_51, %dma_start3A_52] : memref<10000x64xf32, #tpu.memory_space<hbm>> -> memref<10000x64xf32, #tpu.memory_space<hbm>>
    %dma_start3A_54 = tpu.memref_slice %arg11[%dma_start3A_43] : memref<4x!tpu.dma_semaphore, #tpu.memory_space<semaphore_mem>> -> memref<1x!tpu.dma_semaphore, #tpu.memory_space<semaphore_mem>>
    %dma_start3A_55 = tpu.memref_squeeze %dma_start3A_54 : memref<1x!tpu.dma_semaphore, #tpu.memory_space<semaphore_mem>> -> memref<!tpu.dma_semaphore, #tpu.memory_space<semaphore_mem>>
    tpu.enqueue_indirect_dma source(%dma_start3A_53 : memref<10000x64xf32, #tpu.memory_space<hbm>>) target(%dma_start3A_47 : memref<80x64xf32, #tpu.memory_space<vmem>>) offsets(%dma_start3A_50 : memref<80xi32, #tpu.memory_space<vmem>>) semaphore(%dma_start3A_55 : memref<!tpu.dma_semaphore, #tpu.memory_space<semaphore_mem>>)
    %dma_start3A_56 = arith.constant 3 : i32
    %dma_start3A_57 = arith.constant 3 : i32
    %dma_start3A_58 = arith.constant 3 : i32
    %dma_start3A_59 = arith.constant 0 : i32
    %dma_start3A_60 = arith.constant 0 : i32
    %dma_start3A_61 = tpu.memref_slice %arg8[%dma_start3A_57, %dma_start3A_59, %dma_start3A_60] : memref<4x80x64xf32, #tpu.memory_space<vmem>> -> memref<1x80x64xf32, #tpu.memory_space<vmem>>
    %dma_start3A_62 = tpu.memref_squeeze %dma_start3A_61 : memref<1x80x64xf32, #tpu.memory_space<vmem>> -> memref<80x64xf32, #tpu.memory_space<vmem>>
    %dma_start3A_63 = arith.constant 0 : i32
    %dma_start3A_64 = tpu.memref_slice %arg6[%dma_start3A_56, %dma_start3A_63] : memref<128x80xi32, #tpu.memory_space<vmem>> -> memref<1x80xi32, #tpu.memory_space<vmem>>
    %dma_start3A_65 = tpu.memref_squeeze %dma_start3A_64 : memref<1x80xi32, #tpu.memory_space<vmem>> -> memref<80xi32, #tpu.memory_space<vmem>>
    %dma_start3A_66 = arith.constant 0 : i32
    %dma_start3A_67 = arith.constant 0 : i32
    %dma_start3A_68 = tpu.memref_slice %arg2[%dma_start3A_66, %dma_start3A_67] : memref<10000x64xf32, #tpu.memory_space<hbm>> -> memref<10000x64xf32, #tpu.memory_space<hbm>>
    %dma_start3A_69 = tpu.memref_slice %arg11[%dma_start3A_58] : memref<4x!tpu.dma_semaphore, #tpu.memory_space<semaphore_mem>> -> memref<1x!tpu.dma_semaphore, #tpu.memory_space<semaphore_mem>>
    %dma_start3A_70 = tpu.memref_squeeze %dma_start3A_69 : memref<1x!tpu.dma_semaphore, #tpu.memory_space<semaphore_mem>> -> memref<!tpu.dma_semaphore, #tpu.memory_space<semaphore_mem>>
    tpu.enqueue_indirect_dma source(%dma_start3A_68 : memref<10000x64xf32, #tpu.memory_space<hbm>>) target(%dma_start3A_62 : memref<80x64xf32, #tpu.memory_space<vmem>>) offsets(%dma_start3A_65 : memref<80xi32, #tpu.memory_space<vmem>>) semaphore(%dma_start3A_70 : memref<!tpu.dma_semaphore, #tpu.memory_space<semaphore_mem>>)
    %scan3A = arith.constant 0 : i32
    %scan3A_71 = arith.constant 0 : i32
    %scan3A_72 = arith.constant 16 : i32
    %scan3A_73 = arith.addi %scan3A_71, %scan3A_72 : i32
    %scan3A_74 = arith.constant 1 : i32
    scf.for %scan3A_140 = %scan3A_71 to %scan3A_73 step %scan3A_74  : i32 {
      %mul3A_141 = arith.constant 8 : i32
      %mul3A_142 = arith.muli %scan3A_140, %mul3A_141 : i32
      %add3A_143 = arith.constant 0 : i32
      %add3A_144 = arith.addi %mul3A_142, %add3A_143 : i32
      %sub3A = arith.constant 1 : i32
      %sub3A_145 = arith.subi %add3A_144, %sub3A : i32
      %dma_wait3A_146 = arith.constant 0 : i32
      %dma_wait3A_147 = arith.constant 0 : i32
      %dma_wait3A_148 = arith.constant 0 : i32
      %dma_wait3A_149 = arith.constant 0 : i32
      %dma_wait3A_150 = tpu.memref_slice %arg8[%dma_wait3A_146, %dma_wait3A_148, %dma_wait3A_149] : memref<4x80x64xf32, #tpu.memory_space<vmem>> -> memref<1x80x64xf32, #tpu.memory_space<vmem>>
      %dma_wait3A_151 = tpu.memref_squeeze %dma_wait3A_150 : memref<1x80x64xf32, #tpu.memory_space<vmem>> -> memref<80x64xf32, #tpu.memory_space<vmem>>
      %dma_wait3A_152 = arith.constant 0 : i32
      %dma_wait3A_153 = tpu.memref_slice %arg6[%add3A_144, %dma_wait3A_152] : memref<128x80xi32, #tpu.memory_space<vmem>> -> memref<1x80xi32, #tpu.memory_space<vmem>>
      %dma_wait3A_154 = tpu.memref_squeeze %dma_wait3A_153 : memref<1x80xi32, #tpu.memory_space<vmem>> -> memref<80xi32, #tpu.memory_space<vmem>>
      %dma_wait3A_155 = arith.constant 0 : i32
      %dma_wait3A_156 = arith.constant 0 : i32
      %dma_wait3A_157 = tpu.memref_slice %arg2[%dma_wait3A_155, %dma_wait3A_156] : memref<10000x64xf32, #tpu.memory_space<hbm>> -> memref<10000x64xf32, #tpu.memory_space<hbm>>
      %dma_wait3A_158 = tpu.memref_slice %arg11[%dma_wait3A_147] : memref<4x!tpu.dma_semaphore, #tpu.memory_space<semaphore_mem>> -> memref<1x!tpu.dma_semaphore, #tpu.memory_space<semaphore_mem>>
      %dma_wait3A_159 = tpu.memref_squeeze %dma_wait3A_158 : memref<1x!tpu.dma_semaphore, #tpu.memory_space<semaphore_mem>> -> memref<!tpu.dma_semaphore, #tpu.memory_space<semaphore_mem>>
      tpu.wait_indirect_dma semaphore(%dma_wait3A_159 : memref<!tpu.dma_semaphore, #tpu.memory_space<semaphore_mem>>) src(%dma_wait3A_157 : memref<10000x64xf32, #tpu.memory_space<hbm>>) dst(%dma_wait3A_151 : memref<80x64xf32, #tpu.memory_space<vmem>>)
      %dma_start3A_160 = arith.constant 0 : i32
      %dma_start3A_161 = arith.constant 0 : i32
      %dma_start3A_162 = arith.constant 0 : i32
      %dma_start3A_163 = arith.constant 0 : i32
      %dma_start3A_164 = tpu.memref_slice %arg8[%dma_start3A_160, %dma_start3A_162, %dma_start3A_163] : memref<4x80x64xf32, #tpu.memory_space<vmem>> -> memref<1x80x64xf32, #tpu.memory_space<vmem>>
      %dma_start3A_165 = tpu.memref_squeeze %dma_start3A_164 : memref<1x80x64xf32, #tpu.memory_space<vmem>> -> memref<80x64xf32, #tpu.memory_space<vmem>>
      %dma_start3A_166 = arith.constant 0 : i32
      %dma_start3A_167 = tpu.memref_slice %arg7[%add3A_144, %dma_start3A_166] : memref<128x80xi32, #tpu.memory_space<vmem>> -> memref<1x80xi32, #tpu.memory_space<vmem>>
      %dma_start3A_168 = tpu.memref_squeeze %dma_start3A_167 : memref<1x80xi32, #tpu.memory_space<vmem>> -> memref<80xi32, #tpu.memory_space<vmem>>
      %dma_start3A_169 = arith.constant 0 : i32
      %dma_start3A_170 = arith.constant 0 : i32
      %dma_start3A_171 = tpu.memref_slice %arg9[%dma_start3A_169, %dma_start3A_170] : memref<10112x64xf32, #tpu.memory_space<vmem_shared>> -> memref<10112x64xf32, #tpu.memory_space<vmem_shared>>
      %dma_start3A_172 = tpu.memref_slice %arg12[%dma_start3A_161] : memref<4x!tpu.dma_semaphore, #tpu.memory_space<semaphore_mem>> -> memref<1x!tpu.dma_semaphore, #tpu.memory_space<semaphore_mem>>
      %dma_start3A_173 = tpu.memref_squeeze %dma_start3A_172 : memref<1x!tpu.dma_semaphore, #tpu.memory_space<semaphore_mem>> -> memref<!tpu.dma_semaphore, #tpu.memory_space<semaphore_mem>>
      tpu.enqueue_indirect_dma source(%dma_start3A_165 : memref<80x64xf32, #tpu.memory_space<vmem>>) target(%dma_start3A_171 : memref<10112x64xf32, #tpu.memory_space<vmem_shared>>) offsets(%dma_start3A_168 : memref<80xi32, #tpu.memory_space<vmem>>) semaphore(%dma_start3A_173 : memref<!tpu.dma_semaphore, #tpu.memory_space<semaphore_mem>>) {add = true}
      %ge3A = arith.constant 0 : i32
      %ge3A_174 = arith.cmpi sge, %sub3A_145, %ge3A : i32
      %add3A_175 = arith.constant 4 : i32
      %add3A_176 = arith.addi %sub3A_145, %add3A_175 : i32
      %lt3A_177 = arith.constant 128 : i32
      %lt3A_178 = arith.cmpi slt, %add3A_176, %lt3A_177 : i32
      %and3A = arith.andi %ge3A_174, %lt3A_178 : i1
      %convert_element_type3A_179 = arith.extui %and3A : i1 to i32
      %cond3A_180 = arith.constant 0 : i32
      %cond3A_181 = arith.cmpi ne, %convert_element_type3A_179, %cond3A_180 : i32
      scf.if %cond3A_181 {
        %dma_wait3A_490 = arith.constant 3 : i32
        %dma_wait3A_491 = arith.constant 3 : i32
        %dma_wait3A_492 = arith.constant 0 : i32
        %dma_wait3A_493 = arith.constant 0 : i32
        %dma_wait3A_494 = tpu.memref_slice %arg8[%dma_wait3A_490, %dma_wait3A_492, %dma_wait3A_493] : memref<4x80x64xf32, #tpu.memory_space<vmem>> -> memref<1x80x64xf32, #tpu.memory_space<vmem>>
        %dma_wait3A_495 = tpu.memref_squeeze %dma_wait3A_494 : memref<1x80x64xf32, #tpu.memory_space<vmem>> -> memref<80x64xf32, #tpu.memory_space<vmem>>
        %dma_wait3A_496 = arith.constant 0 : i32
        %dma_wait3A_497 = tpu.memref_slice %arg7[%sub3A_145, %dma_wait3A_496] : memref<128x80xi32, #tpu.memory_space<vmem>> -> memref<1x80xi32, #tpu.memory_space<vmem>>
        %dma_wait3A_498 = tpu.memref_squeeze %dma_wait3A_497 : memref<1x80xi32, #tpu.memory_space<vmem>> -> memref<80xi32, #tpu.memory_space<vmem>>
        %dma_wait3A_499 = arith.constant 0 : i32
        %dma_wait3A_500 = arith.constant 0 : i32
        %dma_wait3A_501 = tpu.memref_slice %arg9[%dma_wait3A_499, %dma_wait3A_500] : memref<10112x64xf32, #tpu.memory_space<vmem_shared>> -> memref<10112x64xf32, #tpu.memory_space<vmem_shared>>
        %dma_wait3A_502 = tpu.memref_slice %arg12[%dma_wait3A_491] : memref<4x!tpu.dma_semaphore, #tpu.memory_space<semaphore_mem>> -> memref<1x!tpu.dma_semaphore, #tpu.memory_space<semaphore_mem>>
        %dma_wait3A_503 = tpu.memref_squeeze %dma_wait3A_502 : memref<1x!tpu.dma_semaphore, #tpu.memory_space<semaphore_mem>> -> memref<!tpu.dma_semaphore, #tpu.memory_space<semaphore_mem>>
        tpu.wait_indirect_dma semaphore(%dma_wait3A_503 : memref<!tpu.dma_semaphore, #tpu.memory_space<semaphore_mem>>) src(%dma_wait3A_495 : memref<80x64xf32, #tpu.memory_space<vmem>>) dst(%dma_wait3A_501 : memref<10112x64xf32, #tpu.memory_space<vmem_shared>>)
        %add3A_504 = arith.constant 4 : i32
        %add3A_505 = arith.addi %sub3A_145, %add3A_504 : i32
        %dma_start3A_506 = arith.constant 3 : i32
        %dma_start3A_507 = arith.constant 3 : i32
        %dma_start3A_508 = arith.constant 0 : i32
        %dma_start3A_509 = arith.constant 0 : i32
        %dma_start3A_510 = tpu.memref_slice %arg8[%dma_start3A_506, %dma_start3A_508, %dma_start3A_509] : memref<4x80x64xf32, #tpu.memory_space<vmem>> -> memref<1x80x64xf32, #tpu.memory_space<vmem>>
        %dma_start3A_511 = tpu.memref_squeeze %dma_start3A_510 : memref<1x80x64xf32, #tpu.memory_space<vmem>> -> memref<80x64xf32, #tpu.memory_space<vmem>>
        %dma_start3A_512 = arith.constant 0 : i32
        %dma_start3A_513 = tpu.memref_slice %arg6[%add3A_505, %dma_start3A_512] : memref<128x80xi32, #tpu.memory_space<vmem>> -> memref<1x80xi32, #tpu.memory_space<vmem>>
        %dma_start3A_514 = tpu.memref_squeeze %dma_start3A_513 : memref<1x80xi32, #tpu.memory_space<vmem>> -> memref<80xi32, #tpu.memory_space<vmem>>
        %dma_start3A_515 = arith.constant 0 : i32
        %dma_start3A_516 = arith.constant 0 : i32
        %dma_start3A_517 = tpu.memref_slice %arg2[%dma_start3A_515, %dma_start3A_516] : memref<10000x64xf32, #tpu.memory_space<hbm>> -> memref<10000x64xf32, #tpu.memory_space<hbm>>
        %dma_start3A_518 = tpu.memref_slice %arg11[%dma_start3A_507] : memref<4x!tpu.dma_semaphore, #tpu.memory_space<semaphore_mem>> -> memref<1x!tpu.dma_semaphore, #tpu.memory_space<semaphore_mem>>
        %dma_start3A_519 = tpu.memref_squeeze %dma_start3A_518 : memref<1x!tpu.dma_semaphore, #tpu.memory_space<semaphore_mem>> -> memref<!tpu.dma_semaphore, #tpu.memory_space<semaphore_mem>>
        tpu.enqueue_indirect_dma source(%dma_start3A_517 : memref<10000x64xf32, #tpu.memory_space<hbm>>) target(%dma_start3A_511 : memref<80x64xf32, #tpu.memory_space<vmem>>) offsets(%dma_start3A_514 : memref<80xi32, #tpu.memory_space<vmem>>) semaphore(%dma_start3A_519 : memref<!tpu.dma_semaphore, #tpu.memory_space<semaphore_mem>>)
      } else {
      }
      %mul3A_182 = arith.constant 8 : i32
      %mul3A_183 = arith.muli %scan3A_140, %mul3A_182 : i32
      %add3A_184 = arith.constant 1 : i32
      %add3A_185 = arith.addi %mul3A_183, %add3A_184 : i32
      %sub3A_186 = arith.constant 1 : i32
      %sub3A_187 = arith.subi %add3A_185, %sub3A_186 : i32
      %dma_wait3A_188 = arith.constant 1 : i32
      %dma_wait3A_189 = arith.constant 1 : i32
      %dma_wait3A_190 = arith.constant 0 : i32
      %dma_wait3A_191 = arith.constant 0 : i32
      %dma_wait3A_192 = tpu.memref_slice %arg8[%dma_wait3A_188, %dma_wait3A_190, %dma_wait3A_191] : memref<4x80x64xf32, #tpu.memory_space<vmem>> -> memref<1x80x64xf32, #tpu.memory_space<vmem>>
      %dma_wait3A_193 = tpu.memref_squeeze %dma_wait3A_192 : memref<1x80x64xf32, #tpu.memory_space<vmem>> -> memref<80x64xf32, #tpu.memory_space<vmem>>
      %dma_wait3A_194 = arith.constant 0 : i32
      %dma_wait3A_195 = tpu.memref_slice %arg6[%add3A_185, %dma_wait3A_194] : memref<128x80xi32, #tpu.memory_space<vmem>> -> memref<1x80xi32, #tpu.memory_space<vmem>>
      %dma_wait3A_196 = tpu.memref_squeeze %dma_wait3A_195 : memref<1x80xi32, #tpu.memory_space<vmem>> -> memref<80xi32, #tpu.memory_space<vmem>>
      %dma_wait3A_197 = arith.constant 0 : i32
      %dma_wait3A_198 = arith.constant 0 : i32
      %dma_wait3A_199 = tpu.memref_slice %arg2[%dma_wait3A_197, %dma_wait3A_198] : memref<10000x64xf32, #tpu.memory_space<hbm>> -> memref<10000x64xf32, #tpu.memory_space<hbm>>
      %dma_wait3A_200 = tpu.memref_slice %arg11[%dma_wait3A_189] : memref<4x!tpu.dma_semaphore, #tpu.memory_space<semaphore_mem>> -> memref<1x!tpu.dma_semaphore, #tpu.memory_space<semaphore_mem>>
      %dma_wait3A_201 = tpu.memref_squeeze %dma_wait3A_200 : memref<1x!tpu.dma_semaphore, #tpu.memory_space<semaphore_mem>> -> memref<!tpu.dma_semaphore, #tpu.memory_space<semaphore_mem>>
      tpu.wait_indirect_dma semaphore(%dma_wait3A_201 : memref<!tpu.dma_semaphore, #tpu.memory_space<semaphore_mem>>) src(%dma_wait3A_199 : memref<10000x64xf32, #tpu.memory_space<hbm>>) dst(%dma_wait3A_193 : memref<80x64xf32, #tpu.memory_space<vmem>>)
      %dma_start3A_202 = arith.constant 1 : i32
      %dma_start3A_203 = arith.constant 1 : i32
      %dma_start3A_204 = arith.constant 0 : i32
      %dma_start3A_205 = arith.constant 0 : i32
      %dma_start3A_206 = tpu.memref_slice %arg8[%dma_start3A_202, %dma_start3A_204, %dma_start3A_205] : memref<4x80x64xf32, #tpu.memory_space<vmem>> -> memref<1x80x64xf32, #tpu.memory_space<vmem>>
      %dma_start3A_207 = tpu.memref_squeeze %dma_start3A_206 : memref<1x80x64xf32, #tpu.memory_space<vmem>> -> memref<80x64xf32, #tpu.memory_space<vmem>>
      %dma_start3A_208 = arith.constant 0 : i32
      %dma_start3A_209 = tpu.memref_slice %arg7[%add3A_185, %dma_start3A_208] : memref<128x80xi32, #tpu.memory_space<vmem>> -> memref<1x80xi32, #tpu.memory_space<vmem>>
      %dma_start3A_210 = tpu.memref_squeeze %dma_start3A_209 : memref<1x80xi32, #tpu.memory_space<vmem>> -> memref<80xi32, #tpu.memory_space<vmem>>
      %dma_start3A_211 = arith.constant 0 : i32
      %dma_start3A_212 = arith.constant 0 : i32
      %dma_start3A_213 = tpu.memref_slice %arg9[%dma_start3A_211, %dma_start3A_212] : memref<10112x64xf32, #tpu.memory_space<vmem_shared>> -> memref<10112x64xf32, #tpu.memory_space<vmem_shared>>
      %dma_start3A_214 = tpu.memref_slice %arg12[%dma_start3A_203] : memref<4x!tpu.dma_semaphore, #tpu.memory_space<semaphore_mem>> -> memref<1x!tpu.dma_semaphore, #tpu.memory_space<semaphore_mem>>
      %dma_start3A_215 = tpu.memref_squeeze %dma_start3A_214 : memref<1x!tpu.dma_semaphore, #tpu.memory_space<semaphore_mem>> -> memref<!tpu.dma_semaphore, #tpu.memory_space<semaphore_mem>>
      tpu.enqueue_indirect_dma source(%dma_start3A_207 : memref<80x64xf32, #tpu.memory_space<vmem>>) target(%dma_start3A_213 : memref<10112x64xf32, #tpu.memory_space<vmem_shared>>) offsets(%dma_start3A_210 : memref<80xi32, #tpu.memory_space<vmem>>) semaphore(%dma_start3A_215 : memref<!tpu.dma_semaphore, #tpu.memory_space<semaphore_mem>>) {add = true}
      %ge3A_216 = arith.constant 0 : i32
      %ge3A_217 = arith.cmpi sge, %sub3A_187, %ge3A_216 : i32
      %add3A_218 = arith.constant 4 : i32
      %add3A_219 = arith.addi %sub3A_187, %add3A_218 : i32
      %lt3A_220 = arith.constant 128 : i32
      %lt3A_221 = arith.cmpi slt, %add3A_219, %lt3A_220 : i32
      %and3A_222 = arith.andi %ge3A_217, %lt3A_221 : i1
      %convert_element_type3A_223 = arith.extui %and3A_222 : i1 to i32
      %cond3A_224 = arith.constant 0 : i32
      %cond3A_225 = arith.cmpi ne, %convert_element_type3A_223, %cond3A_224 : i32
      scf.if %cond3A_225 {
        %dma_wait3A_490 = arith.constant 0 : i32
        %dma_wait3A_491 = arith.constant 0 : i32
        %dma_wait3A_492 = arith.constant 0 : i32
        %dma_wait3A_493 = arith.constant 0 : i32
        %dma_wait3A_494 = tpu.memref_slice %arg8[%dma_wait3A_490, %dma_wait3A_492, %dma_wait3A_493] : memref<4x80x64xf32, #tpu.memory_space<vmem>> -> memref<1x80x64xf32, #tpu.memory_space<vmem>>
        %dma_wait3A_495 = tpu.memref_squeeze %dma_wait3A_494 : memref<1x80x64xf32, #tpu.memory_space<vmem>> -> memref<80x64xf32, #tpu.memory_space<vmem>>
        %dma_wait3A_496 = arith.constant 0 : i32
        %dma_wait3A_497 = tpu.memref_slice %arg7[%sub3A_187, %dma_wait3A_496] : memref<128x80xi32, #tpu.memory_space<vmem>> -> memref<1x80xi32, #tpu.memory_space<vmem>>
        %dma_wait3A_498 = tpu.memref_squeeze %dma_wait3A_497 : memref<1x80xi32, #tpu.memory_space<vmem>> -> memref<80xi32, #tpu.memory_space<vmem>>
        %dma_wait3A_499 = arith.constant 0 : i32
        %dma_wait3A_500 = arith.constant 0 : i32
        %dma_wait3A_501 = tpu.memref_slice %arg9[%dma_wait3A_499, %dma_wait3A_500] : memref<10112x64xf32, #tpu.memory_space<vmem_shared>> -> memref<10112x64xf32, #tpu.memory_space<vmem_shared>>
        %dma_wait3A_502 = tpu.memref_slice %arg12[%dma_wait3A_491] : memref<4x!tpu.dma_semaphore, #tpu.memory_space<semaphore_mem>> -> memref<1x!tpu.dma_semaphore, #tpu.memory_space<semaphore_mem>>
        %dma_wait3A_503 = tpu.memref_squeeze %dma_wait3A_502 : memref<1x!tpu.dma_semaphore, #tpu.memory_space<semaphore_mem>> -> memref<!tpu.dma_semaphore, #tpu.memory_space<semaphore_mem>>
        tpu.wait_indirect_dma semaphore(%dma_wait3A_503 : memref<!tpu.dma_semaphore, #tpu.memory_space<semaphore_mem>>) src(%dma_wait3A_495 : memref<80x64xf32, #tpu.memory_space<vmem>>) dst(%dma_wait3A_501 : memref<10112x64xf32, #tpu.memory_space<vmem_shared>>)
        %add3A_504 = arith.constant 4 : i32
        %add3A_505 = arith.addi %sub3A_187, %add3A_504 : i32
        %dma_start3A_506 = arith.constant 0 : i32
        %dma_start3A_507 = arith.constant 0 : i32
        %dma_start3A_508 = arith.constant 0 : i32
        %dma_start3A_509 = arith.constant 0 : i32
        %dma_start3A_510 = tpu.memref_slice %arg8[%dma_start3A_506, %dma_start3A_508, %dma_start3A_509] : memref<4x80x64xf32, #tpu.memory_space<vmem>> -> memref<1x80x64xf32, #tpu.memory_space<vmem>>
        %dma_start3A_511 = tpu.memref_squeeze %dma_start3A_510 : memref<1x80x64xf32, #tpu.memory_space<vmem>> -> memref<80x64xf32, #tpu.memory_space<vmem>>
        %dma_start3A_512 = arith.constant 0 : i32
        %dma_start3A_513 = tpu.memref_slice %arg6[%add3A_505, %dma_start3A_512] : memref<128x80xi32, #tpu.memory_space<vmem>> -> memref<1x80xi32, #tpu.memory_space<vmem>>
        %dma_start3A_514 = tpu.memref_squeeze %dma_start3A_513 : memref<1x80xi32, #tpu.memory_space<vmem>> -> memref<80xi32, #tpu.memory_space<vmem>>
        %dma_start3A_515 = arith.constant 0 : i32
        %dma_start3A_516 = arith.constant 0 : i32
        %dma_start3A_517 = tpu.memref_slice %arg2[%dma_start3A_515, %dma_start3A_516] : memref<10000x64xf32, #tpu.memory_space<hbm>> -> memref<10000x64xf32, #tpu.memory_space<hbm>>
        %dma_start3A_518 = tpu.memref_slice %arg11[%dma_start3A_507] : memref<4x!tpu.dma_semaphore, #tpu.memory_space<semaphore_mem>> -> memref<1x!tpu.dma_semaphore, #tpu.memory_space<semaphore_mem>>
        %dma_start3A_519 = tpu.memref_squeeze %dma_start3A_518 : memref<1x!tpu.dma_semaphore, #tpu.memory_space<semaphore_mem>> -> memref<!tpu.dma_semaphore, #tpu.memory_space<semaphore_mem>>
        tpu.enqueue_indirect_dma source(%dma_start3A_517 : memref<10000x64xf32, #tpu.memory_space<hbm>>) target(%dma_start3A_511 : memref<80x64xf32, #tpu.memory_space<vmem>>) offsets(%dma_start3A_514 : memref<80xi32, #tpu.memory_space<vmem>>) semaphore(%dma_start3A_519 : memref<!tpu.dma_semaphore, #tpu.memory_space<semaphore_mem>>)
      } else {
      }
      %mul3A_226 = arith.constant 8 : i32
      %mul3A_227 = arith.muli %scan3A_140, %mul3A_226 : i32
      %add3A_228 = arith.constant 2 : i32
      %add3A_229 = arith.addi %mul3A_227, %add3A_228 : i32
      %sub3A_230 = arith.constant 1 : i32
      %sub3A_231 = arith.subi %add3A_229, %sub3A_230 : i32
      %dma_wait3A_232 = arith.constant 2 : i32
      %dma_wait3A_233 = arith.constant 2 : i32
      %dma_wait3A_234 = arith.constant 0 : i32
      %dma_wait3A_235 = arith.constant 0 : i32
      %dma_wait3A_236 = tpu.memref_slice %arg8[%dma_wait3A_232, %dma_wait3A_234, %dma_wait3A_235] : memref<4x80x64xf32, #tpu.memory_space<vmem>> -> memref<1x80x64xf32, #tpu.memory_space<vmem>>
      %dma_wait3A_237 = tpu.memref_squeeze %dma_wait3A_236 : memref<1x80x64xf32, #tpu.memory_space<vmem>> -> memref<80x64xf32, #tpu.memory_space<vmem>>
      %dma_wait3A_238 = arith.constant 0 : i32
      %dma_wait3A_239 = tpu.memref_slice %arg6[%add3A_229, %dma_wait3A_238] : memref<128x80xi32, #tpu.memory_space<vmem>> -> memref<1x80xi32, #tpu.memory_space<vmem>>
      %dma_wait3A_240 = tpu.memref_squeeze %dma_wait3A_239 : memref<1x80xi32, #tpu.memory_space<vmem>> -> memref<80xi32, #tpu.memory_space<vmem>>
      %dma_wait3A_241 = arith.constant 0 : i32
      %dma_wait3A_242 = arith.constant 0 : i32
      %dma_wait3A_243 = tpu.memref_slice %arg2[%dma_wait3A_241, %dma_wait3A_242] : memref<10000x64xf32, #tpu.memory_space<hbm>> -> memref<10000x64xf32, #tpu.memory_space<hbm>>
      %dma_wait3A_244 = tpu.memref_slice %arg11[%dma_wait3A_233] : memref<4x!tpu.dma_semaphore, #tpu.memory_space<semaphore_mem>> -> memref<1x!tpu.dma_semaphore, #tpu.memory_space<semaphore_mem>>
      %dma_wait3A_245 = tpu.memref_squeeze %dma_wait3A_244 : memref<1x!tpu.dma_semaphore, #tpu.memory_space<semaphore_mem>> -> memref<!tpu.dma_semaphore, #tpu.memory_space<semaphore_mem>>
      tpu.wait_indirect_dma semaphore(%dma_wait3A_245 : memref<!tpu.dma_semaphore, #tpu.memory_space<semaphore_mem>>) src(%dma_wait3A_243 : memref<10000x64xf32, #tpu.memory_space<hbm>>) dst(%dma_wait3A_237 : memref<80x64xf32, #tpu.memory_space<vmem>>)
      %dma_start3A_246 = arith.constant 2 : i32
      %dma_start3A_247 = arith.constant 2 : i32
      %dma_start3A_248 = arith.constant 0 : i32
      %dma_start3A_249 = arith.constant 0 : i32
      %dma_start3A_250 = tpu.memref_slice %arg8[%dma_start3A_246, %dma_start3A_248, %dma_start3A_249] : memref<4x80x64xf32, #tpu.memory_space<vmem>> -> memref<1x80x64xf32, #tpu.memory_space<vmem>>
      %dma_start3A_251 = tpu.memref_squeeze %dma_start3A_250 : memref<1x80x64xf32, #tpu.memory_space<vmem>> -> memref<80x64xf32, #tpu.memory_space<vmem>>
      %dma_start3A_252 = arith.constant 0 : i32
      %dma_start3A_253 = tpu.memref_slice %arg7[%add3A_229, %dma_start3A_252] : memref<128x80xi32, #tpu.memory_space<vmem>> -> memref<1x80xi32, #tpu.memory_space<vmem>>
      %dma_start3A_254 = tpu.memref_squeeze %dma_start3A_253 : memref<1x80xi32, #tpu.memory_space<vmem>> -> memref<80xi32, #tpu.memory_space<vmem>>
      %dma_start3A_255 = arith.constant 0 : i32
      %dma_start3A_256 = arith.constant 0 : i32
      %dma_start3A_257 = tpu.memref_slice %arg9[%dma_start3A_255, %dma_start3A_256] : memref<10112x64xf32, #tpu.memory_space<vmem_shared>> -> memref<10112x64xf32, #tpu.memory_space<vmem_shared>>
      %dma_start3A_258 = tpu.memref_slice %arg12[%dma_start3A_247] : memref<4x!tpu.dma_semaphore, #tpu.memory_space<semaphore_mem>> -> memref<1x!tpu.dma_semaphore, #tpu.memory_space<semaphore_mem>>
      %dma_start3A_259 = tpu.memref_squeeze %dma_start3A_258 : memref<1x!tpu.dma_semaphore, #tpu.memory_space<semaphore_mem>> -> memref<!tpu.dma_semaphore, #tpu.memory_space<semaphore_mem>>
      tpu.enqueue_indirect_dma source(%dma_start3A_251 : memref<80x64xf32, #tpu.memory_space<vmem>>) target(%dma_start3A_257 : memref<10112x64xf32, #tpu.memory_space<vmem_shared>>) offsets(%dma_start3A_254 : memref<80xi32, #tpu.memory_space<vmem>>) semaphore(%dma_start3A_259 : memref<!tpu.dma_semaphore, #tpu.memory_space<semaphore_mem>>) {add = true}
      %ge3A_260 = arith.constant 0 : i32
      %ge3A_261 = arith.cmpi sge, %sub3A_231, %ge3A_260 : i32
      %add3A_262 = arith.constant 4 : i32
      %add3A_263 = arith.addi %sub3A_231, %add3A_262 : i32
      %lt3A_264 = arith.constant 128 : i32
      %lt3A_265 = arith.cmpi slt, %add3A_263, %lt3A_264 : i32
      %and3A_266 = arith.andi %ge3A_261, %lt3A_265 : i1
      %convert_element_type3A_267 = arith.extui %and3A_266 : i1 to i32
      %cond3A_268 = arith.constant 0 : i32
      %cond3A_269 = arith.cmpi ne, %convert_element_type3A_267, %cond3A_268 : i32
      scf.if %cond3A_269 {
        %dma_wait3A_490 = arith.constant 1 : i32
        %dma_wait3A_491 = arith.constant 1 : i32
        %dma_wait3A_492 = arith.constant 0 : i32
        %dma_wait3A_493 = arith.constant 0 : i32
        %dma_wait3A_494 = tpu.memref_slice %arg8[%dma_wait3A_490, %dma_wait3A_492, %dma_wait3A_493] : memref<4x80x64xf32, #tpu.memory_space<vmem>> -> memref<1x80x64xf32, #tpu.memory_space<vmem>>
        %dma_wait3A_495 = tpu.memref_squeeze %dma_wait3A_494 : memref<1x80x64xf32, #tpu.memory_space<vmem>> -> memref<80x64xf32, #tpu.memory_space<vmem>>
        %dma_wait3A_496 = arith.constant 0 : i32
        %dma_wait3A_497 = tpu.memref_slice %arg7[%sub3A_231, %dma_wait3A_496] : memref<128x80xi32, #tpu.memory_space<vmem>> -> memref<1x80xi32, #tpu.memory_space<vmem>>
        %dma_wait3A_498 = tpu.memref_squeeze %dma_wait3A_497 : memref<1x80xi32, #tpu.memory_space<vmem>> -> memref<80xi32, #tpu.memory_space<vmem>>
        %dma_wait3A_499 = arith.constant 0 : i32
        %dma_wait3A_500 = arith.constant 0 : i32
        %dma_wait3A_501 = tpu.memref_slice %arg9[%dma_wait3A_499, %dma_wait3A_500] : memref<10112x64xf32, #tpu.memory_space<vmem_shared>> -> memref<10112x64xf32, #tpu.memory_space<vmem_shared>>
        %dma_wait3A_502 = tpu.memref_slice %arg12[%dma_wait3A_491] : memref<4x!tpu.dma_semaphore, #tpu.memory_space<semaphore_mem>> -> memref<1x!tpu.dma_semaphore, #tpu.memory_space<semaphore_mem>>
        %dma_wait3A_503 = tpu.memref_squeeze %dma_wait3A_502 : memref<1x!tpu.dma_semaphore, #tpu.memory_space<semaphore_mem>> -> memref<!tpu.dma_semaphore, #tpu.memory_space<semaphore_mem>>
        tpu.wait_indirect_dma semaphore(%dma_wait3A_503 : memref<!tpu.dma_semaphore, #tpu.memory_space<semaphore_mem>>) src(%dma_wait3A_495 : memref<80x64xf32, #tpu.memory_space<vmem>>) dst(%dma_wait3A_501 : memref<10112x64xf32, #tpu.memory_space<vmem_shared>>)
        %add3A_504 = arith.constant 4 : i32
        %add3A_505 = arith.addi %sub3A_231, %add3A_504 : i32
        %dma_start3A_506 = arith.constant 1 : i32
        %dma_start3A_507 = arith.constant 1 : i32
        %dma_start3A_508 = arith.constant 0 : i32
        %dma_start3A_509 = arith.constant 0 : i32
        %dma_start3A_510 = tpu.memref_slice %arg8[%dma_start3A_506, %dma_start3A_508, %dma_start3A_509] : memref<4x80x64xf32, #tpu.memory_space<vmem>> -> memref<1x80x64xf32, #tpu.memory_space<vmem>>
        %dma_start3A_511 = tpu.memref_squeeze %dma_start3A_510 : memref<1x80x64xf32, #tpu.memory_space<vmem>> -> memref<80x64xf32, #tpu.memory_space<vmem>>
        %dma_start3A_512 = arith.constant 0 : i32
        %dma_start3A_513 = tpu.memref_slice %arg6[%add3A_505, %dma_start3A_512] : memref<128x80xi32, #tpu.memory_space<vmem>> -> memref<1x80xi32, #tpu.memory_space<vmem>>
        %dma_start3A_514 = tpu.memref_squeeze %dma_start3A_513 : memref<1x80xi32, #tpu.memory_space<vmem>> -> memref<80xi32, #tpu.memory_space<vmem>>
        %dma_start3A_515 = arith.constant 0 : i32
        %dma_start3A_516 = arith.constant 0 : i32
        %dma_start3A_517 = tpu.memref_slice %arg10[%dma_start3A_515, %dma_start3A_516] : memref<10000x64xf32, #tpu.memory_space<vmem_shared>> -> memref<10000x64xf32, #tpu.memory_space<vmem_shared>>
        %dma_start3A_518 = tpu.memref_slice %arg11[%dma_start3A_507] : memref<4x!tpu.dma_semaphore, #tpu.memory_space<semaphore_mem>> -> memref<1x!tpu.dma_semaphore, #tpu.memory_space<semaphore_mem>>
        %dma_start3A_519 = tpu.memref_squeeze %dma_start3A_518 : memref<1x!tpu.dma_semaphore, #tpu.memory_space<semaphore_mem>> -> memref<!tpu.dma_semaphore, #tpu.memory_space<semaphore_mem>>
        tpu.enqueue_indirect_dma source(%dma_start3A_517 : memref<10000x64xf32, #tpu.memory_space<vmem_shared>>) target(%dma_start3A_511 : memref<80x64xf32, #tpu.memory_space<vmem>>) offsets(%dma_start3A_514 : memref<80xi32, #tpu.memory_space<vmem>>) semaphore(%dma_start3A_519 : memref<!tpu.dma_semaphore, #tpu.memory_space<semaphore_mem>>)
      } else {
      }
      %mul3A_270 = arith.constant 8 : i32
      %mul3A_271 = arith.muli %scan3A_140, %mul3A_270 : i32
      %add3A_272 = arith.constant 3 : i32
      %add3A_273 = arith.addi %mul3A_271, %add3A_272 : i32
      %sub3A_274 = arith.constant 1 : i32
      %sub3A_275 = arith.subi %add3A_273, %sub3A_274 : i32
      %dma_wait3A_276 = arith.constant 3 : i32
      %dma_wait3A_277 = arith.constant 3 : i32
      %dma_wait3A_278 = arith.constant 0 : i32
      %dma_wait3A_279 = arith.constant 0 : i32
      %dma_wait3A_280 = tpu.memref_slice %arg8[%dma_wait3A_276, %dma_wait3A_278, %dma_wait3A_279] : memref<4x80x64xf32, #tpu.memory_space<vmem>> -> memref<1x80x64xf32, #tpu.memory_space<vmem>>
      %dma_wait3A_281 = tpu.memref_squeeze %dma_wait3A_280 : memref<1x80x64xf32, #tpu.memory_space<vmem>> -> memref<80x64xf32, #tpu.memory_space<vmem>>
      %dma_wait3A_282 = arith.constant 0 : i32
      %dma_wait3A_283 = tpu.memref_slice %arg6[%add3A_273, %dma_wait3A_282] : memref<128x80xi32, #tpu.memory_space<vmem>> -> memref<1x80xi32, #tpu.memory_space<vmem>>
      %dma_wait3A_284 = tpu.memref_squeeze %dma_wait3A_283 : memref<1x80xi32, #tpu.memory_space<vmem>> -> memref<80xi32, #tpu.memory_space<vmem>>
      %dma_wait3A_285 = arith.constant 0 : i32
      %dma_wait3A_286 = arith.constant 0 : i32
      %dma_wait3A_287 = tpu.memref_slice %arg2[%dma_wait3A_285, %dma_wait3A_286] : memref<10000x64xf32, #tpu.memory_space<hbm>> -> memref<10000x64xf32, #tpu.memory_space<hbm>>
      %dma_wait3A_288 = tpu.memref_slice %arg11[%dma_wait3A_277] : memref<4x!tpu.dma_semaphore, #tpu.memory_space<semaphore_mem>> -> memref<1x!tpu.dma_semaphore, #tpu.memory_space<semaphore_mem>>
      %dma_wait3A_289 = tpu.memref_squeeze %dma_wait3A_288 : memref<1x!tpu.dma_semaphore, #tpu.memory_space<semaphore_mem>> -> memref<!tpu.dma_semaphore, #tpu.memory_space<semaphore_mem>>
      tpu.wait_indirect_dma semaphore(%dma_wait3A_289 : memref<!tpu.dma_semaphore, #tpu.memory_space<semaphore_mem>>) src(%dma_wait3A_287 : memref<10000x64xf32, #tpu.memory_space<hbm>>) dst(%dma_wait3A_281 : memref<80x64xf32, #tpu.memory_space<vmem>>)
      %dma_start3A_290 = arith.constant 3 : i32
      %dma_start3A_291 = arith.constant 3 : i32
      %dma_start3A_292 = arith.constant 0 : i32
      %dma_start3A_293 = arith.constant 0 : i32
      %dma_start3A_294 = tpu.memref_slice %arg8[%dma_start3A_290, %dma_start3A_292, %dma_start3A_293] : memref<4x80x64xf32, #tpu.memory_space<vmem>> -> memref<1x80x64xf32, #tpu.memory_space<vmem>>
      %dma_start3A_295 = tpu.memref_squeeze %dma_start3A_294 : memref<1x80x64xf32, #tpu.memory_space<vmem>> -> memref<80x64xf32, #tpu.memory_space<vmem>>
      %dma_start3A_296 = arith.constant 0 : i32
      %dma_start3A_297 = tpu.memref_slice %arg7[%add3A_273, %dma_start3A_296] : memref<128x80xi32, #tpu.memory_space<vmem>> -> memref<1x80xi32, #tpu.memory_space<vmem>>
      %dma_start3A_298 = tpu.memref_squeeze %dma_start3A_297 : memref<1x80xi32, #tpu.memory_space<vmem>> -> memref<80xi32, #tpu.memory_space<vmem>>
      %dma_start3A_299 = arith.constant 0 : i32
      %dma_start3A_300 = arith.constant 0 : i32
      %dma_start3A_301 = tpu.memref_slice %arg9[%dma_start3A_299, %dma_start3A_300] : memref<10112x64xf32, #tpu.memory_space<vmem_shared>> -> memref<10112x64xf32, #tpu.memory_space<vmem_shared>>
      %dma_start3A_302 = tpu.memref_slice %arg12[%dma_start3A_291] : memref<4x!tpu.dma_semaphore, #tpu.memory_space<semaphore_mem>> -> memref<1x!tpu.dma_semaphore, #tpu.memory_space<semaphore_mem>>
      %dma_start3A_303 = tpu.memref_squeeze %dma_start3A_302 : memref<1x!tpu.dma_semaphore, #tpu.memory_space<semaphore_mem>> -> memref<!tpu.dma_semaphore, #tpu.memory_space<semaphore_mem>>
      tpu.enqueue_indirect_dma source(%dma_start3A_295 : memref<80x64xf32, #tpu.memory_space<vmem>>) target(%dma_start3A_301 : memref<10112x64xf32, #tpu.memory_space<vmem_shared>>) offsets(%dma_start3A_298 : memref<80xi32, #tpu.memory_space<vmem>>) semaphore(%dma_start3A_303 : memref<!tpu.dma_semaphore, #tpu.memory_space<semaphore_mem>>) {add = true}
      %ge3A_304 = arith.constant 0 : i32
      %ge3A_305 = arith.cmpi sge, %sub3A_275, %ge3A_304 : i32
      %add3A_306 = arith.constant 4 : i32
      %add3A_307 = arith.addi %sub3A_275, %add3A_306 : i32
      %lt3A_308 = arith.constant 128 : i32
      %lt3A_309 = arith.cmpi slt, %add3A_307, %lt3A_308 : i32
      %and3A_310 = arith.andi %ge3A_305, %lt3A_309 : i1
      %convert_element_type3A_311 = arith.extui %and3A_310 : i1 to i32
      %cond3A_312 = arith.constant 0 : i32
      %cond3A_313 = arith.cmpi ne, %convert_element_type3A_311, %cond3A_312 : i32
      scf.if %cond3A_313 {
        %dma_wait3A_490 = arith.constant 2 : i32
        %dma_wait3A_491 = arith.constant 2 : i32
        %dma_wait3A_492 = arith.constant 0 : i32
        %dma_wait3A_493 = arith.constant 0 : i32
        %dma_wait3A_494 = tpu.memref_slice %arg8[%dma_wait3A_490, %dma_wait3A_492, %dma_wait3A_493] : memref<4x80x64xf32, #tpu.memory_space<vmem>> -> memref<1x80x64xf32, #tpu.memory_space<vmem>>
        %dma_wait3A_495 = tpu.memref_squeeze %dma_wait3A_494 : memref<1x80x64xf32, #tpu.memory_space<vmem>> -> memref<80x64xf32, #tpu.memory_space<vmem>>
        %dma_wait3A_496 = arith.constant 0 : i32
        %dma_wait3A_497 = tpu.memref_slice %arg7[%sub3A_275, %dma_wait3A_496] : memref<128x80xi32, #tpu.memory_space<vmem>> -> memref<1x80xi32, #tpu.memory_space<vmem>>
        %dma_wait3A_498 = tpu.memref_squeeze %dma_wait3A_497 : memref<1x80xi32, #tpu.memory_space<vmem>> -> memref<80xi32, #tpu.memory_space<vmem>>
        %dma_wait3A_499 = arith.constant 0 : i32
        %dma_wait3A_500 = arith.constant 0 : i32
        %dma_wait3A_501 = tpu.memref_slice %arg9[%dma_wait3A_499, %dma_wait3A_500] : memref<10112x64xf32, #tpu.memory_space<vmem_shared>> -> memref<10112x64xf32, #tpu.memory_space<vmem_shared>>
        %dma_wait3A_502 = tpu.memref_slice %arg12[%dma_wait3A_491] : memref<4x!tpu.dma_semaphore, #tpu.memory_space<semaphore_mem>> -> memref<1x!tpu.dma_semaphore, #tpu.memory_space<semaphore_mem>>
        %dma_wait3A_503 = tpu.memref_squeeze %dma_wait3A_502 : memref<1x!tpu.dma_semaphore, #tpu.memory_space<semaphore_mem>> -> memref<!tpu.dma_semaphore, #tpu.memory_space<semaphore_mem>>
        tpu.wait_indirect_dma semaphore(%dma_wait3A_503 : memref<!tpu.dma_semaphore, #tpu.memory_space<semaphore_mem>>) src(%dma_wait3A_495 : memref<80x64xf32, #tpu.memory_space<vmem>>) dst(%dma_wait3A_501 : memref<10112x64xf32, #tpu.memory_space<vmem_shared>>)
        %add3A_504 = arith.constant 4 : i32
        %add3A_505 = arith.addi %sub3A_275, %add3A_504 : i32
        %dma_start3A_506 = arith.constant 2 : i32
        %dma_start3A_507 = arith.constant 2 : i32
        %dma_start3A_508 = arith.constant 0 : i32
        %dma_start3A_509 = arith.constant 0 : i32
        %dma_start3A_510 = tpu.memref_slice %arg8[%dma_start3A_506, %dma_start3A_508, %dma_start3A_509] : memref<4x80x64xf32, #tpu.memory_space<vmem>> -> memref<1x80x64xf32, #tpu.memory_space<vmem>>
        %dma_start3A_511 = tpu.memref_squeeze %dma_start3A_510 : memref<1x80x64xf32, #tpu.memory_space<vmem>> -> memref<80x64xf32, #tpu.memory_space<vmem>>
        %dma_start3A_512 = arith.constant 0 : i32
        %dma_start3A_513 = tpu.memref_slice %arg6[%add3A_505, %dma_start3A_512] : memref<128x80xi32, #tpu.memory_space<vmem>> -> memref<1x80xi32, #tpu.memory_space<vmem>>
        %dma_start3A_514 = tpu.memref_squeeze %dma_start3A_513 : memref<1x80xi32, #tpu.memory_space<vmem>> -> memref<80xi32, #tpu.memory_space<vmem>>
        %dma_start3A_515 = arith.constant 0 : i32
        %dma_start3A_516 = arith.constant 0 : i32
        %dma_start3A_517 = tpu.memref_slice %arg10[%dma_start3A_515, %dma_start3A_516] : memref<10000x64xf32, #tpu.memory_space<vmem_shared>> -> memref<10000x64xf32, #tpu.memory_space<vmem_shared>>
        %dma_start3A_518 = tpu.memref_slice %arg11[%dma_start3A_507] : memref<4x!tpu.dma_semaphore, #tpu.memory_space<semaphore_mem>> -> memref<1x!tpu.dma_semaphore, #tpu.memory_space<semaphore_mem>>
        %dma_start3A_519 = tpu.memref_squeeze %dma_start3A_518 : memref<1x!tpu.dma_semaphore, #tpu.memory_space<semaphore_mem>> -> memref<!tpu.dma_semaphore, #tpu.memory_space<semaphore_mem>>
        tpu.enqueue_indirect_dma source(%dma_start3A_517 : memref<10000x64xf32, #tpu.memory_space<vmem_shared>>) target(%dma_start3A_511 : memref<80x64xf32, #tpu.memory_space<vmem>>) offsets(%dma_start3A_514 : memref<80xi32, #tpu.memory_space<vmem>>) semaphore(%dma_start3A_519 : memref<!tpu.dma_semaphore, #tpu.memory_space<semaphore_mem>>)
      } else {
      }
      %mul3A_314 = arith.constant 8 : i32
      %mul3A_315 = arith.muli %scan3A_140, %mul3A_314 : i32
      %add3A_316 = arith.constant 4 : i32
      %add3A_317 = arith.addi %mul3A_315, %add3A_316 : i32
      %sub3A_318 = arith.constant 1 : i32
      %sub3A_319 = arith.subi %add3A_317, %sub3A_318 : i32
      %dma_wait3A_320 = arith.constant 0 : i32
      %dma_wait3A_321 = arith.constant 0 : i32
      %dma_wait3A_322 = arith.constant 0 : i32
      %dma_wait3A_323 = arith.constant 0 : i32
      %dma_wait3A_324 = tpu.memref_slice %arg8[%dma_wait3A_320, %dma_wait3A_322, %dma_wait3A_323] : memref<4x80x64xf32, #tpu.memory_space<vmem>> -> memref<1x80x64xf32, #tpu.memory_space<vmem>>
      %dma_wait3A_325 = tpu.memref_squeeze %dma_wait3A_324 : memref<1x80x64xf32, #tpu.memory_space<vmem>> -> memref<80x64xf32, #tpu.memory_space<vmem>>
      %dma_wait3A_326 = arith.constant 0 : i32
      %dma_wait3A_327 = tpu.memref_slice %arg6[%add3A_317, %dma_wait3A_326] : memref<128x80xi32, #tpu.memory_space<vmem>> -> memref<1x80xi32, #tpu.memory_space<vmem>>
      %dma_wait3A_328 = tpu.memref_squeeze %dma_wait3A_327 : memref<1x80xi32, #tpu.memory_space<vmem>> -> memref<80xi32, #tpu.memory_space<vmem>>
      %dma_wait3A_329 = arith.constant 0 : i32
      %dma_wait3A_330 = arith.constant 0 : i32
      %dma_wait3A_331 = tpu.memref_slice %arg2[%dma_wait3A_329, %dma_wait3A_330] : memref<10000x64xf32, #tpu.memory_space<hbm>> -> memref<10000x64xf32, #tpu.memory_space<hbm>>
      %dma_wait3A_332 = tpu.memref_slice %arg11[%dma_wait3A_321] : memref<4x!tpu.dma_semaphore, #tpu.memory_space<semaphore_mem>> -> memref<1x!tpu.dma_semaphore, #tpu.memory_space<semaphore_mem>>
      %dma_wait3A_333 = tpu.memref_squeeze %dma_wait3A_332 : memref<1x!tpu.dma_semaphore, #tpu.memory_space<semaphore_mem>> -> memref<!tpu.dma_semaphore, #tpu.memory_space<semaphore_mem>>
      tpu.wait_indirect_dma semaphore(%dma_wait3A_333 : memref<!tpu.dma_semaphore, #tpu.memory_space<semaphore_mem>>) src(%dma_wait3A_331 : memref<10000x64xf32, #tpu.memory_space<hbm>>) dst(%dma_wait3A_325 : memref<80x64xf32, #tpu.memory_space<vmem>>)
      %dma_start3A_334 = arith.constant 0 : i32
      %dma_start3A_335 = arith.constant 0 : i32
      %dma_start3A_336 = arith.constant 0 : i32
      %dma_start3A_337 = arith.constant 0 : i32
      %dma_start3A_338 = tpu.memref_slice %arg8[%dma_start3A_334, %dma_start3A_336, %dma_start3A_337] : memref<4x80x64xf32, #tpu.memory_space<vmem>> -> memref<1x80x64xf32, #tpu.memory_space<vmem>>
      %dma_start3A_339 = tpu.memref_squeeze %dma_start3A_338 : memref<1x80x64xf32, #tpu.memory_space<vmem>> -> memref<80x64xf32, #tpu.memory_space<vmem>>
      %dma_start3A_340 = arith.constant 0 : i32
      %dma_start3A_341 = tpu.memref_slice %arg7[%add3A_317, %dma_start3A_340] : memref<128x80xi32, #tpu.memory_space<vmem>> -> memref<1x80xi32, #tpu.memory_space<vmem>>
      %dma_start3A_342 = tpu.memref_squeeze %dma_start3A_341 : memref<1x80xi32, #tpu.memory_space<vmem>> -> memref<80xi32, #tpu.memory_space<vmem>>
      %dma_start3A_343 = arith.constant 0 : i32
      %dma_start3A_344 = arith.constant 0 : i32
      %dma_start3A_345 = tpu.memref_slice %arg9[%dma_start3A_343, %dma_start3A_344] : memref<10112x64xf32, #tpu.memory_space<vmem_shared>> -> memref<10112x64xf32, #tpu.memory_space<vmem_shared>>
      %dma_start3A_346 = tpu.memref_slice %arg12[%dma_start3A_335] : memref<4x!tpu.dma_semaphore, #tpu.memory_space<semaphore_mem>> -> memref<1x!tpu.dma_semaphore, #tpu.memory_space<semaphore_mem>>
      %dma_start3A_347 = tpu.memref_squeeze %dma_start3A_346 : memref<1x!tpu.dma_semaphore, #tpu.memory_space<semaphore_mem>> -> memref<!tpu.dma_semaphore, #tpu.memory_space<semaphore_mem>>
      tpu.enqueue_indirect_dma source(%dma_start3A_339 : memref<80x64xf32, #tpu.memory_space<vmem>>) target(%dma_start3A_345 : memref<10112x64xf32, #tpu.memory_space<vmem_shared>>) offsets(%dma_start3A_342 : memref<80xi32, #tpu.memory_space<vmem>>) semaphore(%dma_start3A_347 : memref<!tpu.dma_semaphore, #tpu.memory_space<semaphore_mem>>) {add = true}
      %ge3A_348 = arith.constant 0 : i32
      %ge3A_349 = arith.cmpi sge, %sub3A_319, %ge3A_348 : i32
      %add3A_350 = arith.constant 4 : i32
      %add3A_351 = arith.addi %sub3A_319, %add3A_350 : i32
      %lt3A_352 = arith.constant 128 : i32
      %lt3A_353 = arith.cmpi slt, %add3A_351, %lt3A_352 : i32
      %and3A_354 = arith.andi %ge3A_349, %lt3A_353 : i1
      %convert_element_type3A_355 = arith.extui %and3A_354 : i1 to i32
      %cond3A_356 = arith.constant 0 : i32
      %cond3A_357 = arith.cmpi ne, %convert_element_type3A_355, %cond3A_356 : i32
      scf.if %cond3A_357 {
        %dma_wait3A_490 = arith.constant 3 : i32
        %dma_wait3A_491 = arith.constant 3 : i32
        %dma_wait3A_492 = arith.constant 0 : i32
        %dma_wait3A_493 = arith.constant 0 : i32
        %dma_wait3A_494 = tpu.memref_slice %arg8[%dma_wait3A_490, %dma_wait3A_492, %dma_wait3A_493] : memref<4x80x64xf32, #tpu.memory_space<vmem>> -> memref<1x80x64xf32, #tpu.memory_space<vmem>>
        %dma_wait3A_495 = tpu.memref_squeeze %dma_wait3A_494 : memref<1x80x64xf32, #tpu.memory_space<vmem>> -> memref<80x64xf32, #tpu.memory_space<vmem>>
        %dma_wait3A_496 = arith.constant 0 : i32
        %dma_wait3A_497 = tpu.memref_slice %arg7[%sub3A_319, %dma_wait3A_496] : memref<128x80xi32, #tpu.memory_space<vmem>> -> memref<1x80xi32, #tpu.memory_space<vmem>>
        %dma_wait3A_498 = tpu.memref_squeeze %dma_wait3A_497 : memref<1x80xi32, #tpu.memory_space<vmem>> -> memref<80xi32, #tpu.memory_space<vmem>>
        %dma_wait3A_499 = arith.constant 0 : i32
        %dma_wait3A_500 = arith.constant 0 : i32
        %dma_wait3A_501 = tpu.memref_slice %arg9[%dma_wait3A_499, %dma_wait3A_500] : memref<10112x64xf32, #tpu.memory_space<vmem_shared>> -> memref<10112x64xf32, #tpu.memory_space<vmem_shared>>
        %dma_wait3A_502 = tpu.memref_slice %arg12[%dma_wait3A_491] : memref<4x!tpu.dma_semaphore, #tpu.memory_space<semaphore_mem>> -> memref<1x!tpu.dma_semaphore, #tpu.memory_space<semaphore_mem>>
        %dma_wait3A_503 = tpu.memref_squeeze %dma_wait3A_502 : memref<1x!tpu.dma_semaphore, #tpu.memory_space<semaphore_mem>> -> memref<!tpu.dma_semaphore, #tpu.memory_space<semaphore_mem>>
        tpu.wait_indirect_dma semaphore(%dma_wait3A_503 : memref<!tpu.dma_semaphore, #tpu.memory_space<semaphore_mem>>) src(%dma_wait3A_495 : memref<80x64xf32, #tpu.memory_space<vmem>>) dst(%dma_wait3A_501 : memref<10112x64xf32, #tpu.memory_space<vmem_shared>>)
        %add3A_504 = arith.constant 4 : i32
        %add3A_505 = arith.addi %sub3A_319, %add3A_504 : i32
        %dma_start3A_506 = arith.constant 3 : i32
        %dma_start3A_507 = arith.constant 3 : i32
        %dma_start3A_508 = arith.constant 0 : i32
        %dma_start3A_509 = arith.constant 0 : i32
        %dma_start3A_510 = tpu.memref_slice %arg8[%dma_start3A_506, %dma_start3A_508, %dma_start3A_509] : memref<4x80x64xf32, #tpu.memory_space<vmem>> -> memref<1x80x64xf32, #tpu.memory_space<vmem>>
        %dma_start3A_511 = tpu.memref_squeeze %dma_start3A_510 : memref<1x80x64xf32, #tpu.memory_space<vmem>> -> memref<80x64xf32, #tpu.memory_space<vmem>>
        %dma_start3A_512 = arith.constant 0 : i32
        %dma_start3A_513 = tpu.memref_slice %arg6[%add3A_505, %dma_start3A_512] : memref<128x80xi32, #tpu.memory_space<vmem>> -> memref<1x80xi32, #tpu.memory_space<vmem>>
        %dma_start3A_514 = tpu.memref_squeeze %dma_start3A_513 : memref<1x80xi32, #tpu.memory_space<vmem>> -> memref<80xi32, #tpu.memory_space<vmem>>
        %dma_start3A_515 = arith.constant 0 : i32
        %dma_start3A_516 = arith.constant 0 : i32
        %dma_start3A_517 = tpu.memref_slice %arg10[%dma_start3A_515, %dma_start3A_516] : memref<10000x64xf32, #tpu.memory_space<vmem_shared>> -> memref<10000x64xf32, #tpu.memory_space<vmem_shared>>
        %dma_start3A_518 = tpu.memref_slice %arg11[%dma_start3A_507] : memref<4x!tpu.dma_semaphore, #tpu.memory_space<semaphore_mem>> -> memref<1x!tpu.dma_semaphore, #tpu.memory_space<semaphore_mem>>
        %dma_start3A_519 = tpu.memref_squeeze %dma_start3A_518 : memref<1x!tpu.dma_semaphore, #tpu.memory_space<semaphore_mem>> -> memref<!tpu.dma_semaphore, #tpu.memory_space<semaphore_mem>>
        tpu.enqueue_indirect_dma source(%dma_start3A_517 : memref<10000x64xf32, #tpu.memory_space<vmem_shared>>) target(%dma_start3A_511 : memref<80x64xf32, #tpu.memory_space<vmem>>) offsets(%dma_start3A_514 : memref<80xi32, #tpu.memory_space<vmem>>) semaphore(%dma_start3A_519 : memref<!tpu.dma_semaphore, #tpu.memory_space<semaphore_mem>>)
      } else {
      }
      %mul3A_358 = arith.constant 8 : i32
      %mul3A_359 = arith.muli %scan3A_140, %mul3A_358 : i32
      %add3A_360 = arith.constant 5 : i32
      %add3A_361 = arith.addi %mul3A_359, %add3A_360 : i32
      %sub3A_362 = arith.constant 1 : i32
      %sub3A_363 = arith.subi %add3A_361, %sub3A_362 : i32
      %dma_wait3A_364 = arith.constant 1 : i32
      %dma_wait3A_365 = arith.constant 1 : i32
      %dma_wait3A_366 = arith.constant 0 : i32
      %dma_wait3A_367 = arith.constant 0 : i32
      %dma_wait3A_368 = tpu.memref_slice %arg8[%dma_wait3A_364, %dma_wait3A_366, %dma_wait3A_367] : memref<4x80x64xf32, #tpu.memory_space<vmem>> -> memref<1x80x64xf32, #tpu.memory_space<vmem>>
      %dma_wait3A_369 = tpu.memref_squeeze %dma_wait3A_368 : memref<1x80x64xf32, #tpu.memory_space<vmem>> -> memref<80x64xf32, #tpu.memory_space<vmem>>
      %dma_wait3A_370 = arith.constant 0 : i32
      %dma_wait3A_371 = tpu.memref_slice %arg6[%add3A_361, %dma_wait3A_370] : memref<128x80xi32, #tpu.memory_space<vmem>> -> memref<1x80xi32, #tpu.memory_space<vmem>>
      %dma_wait3A_372 = tpu.memref_squeeze %dma_wait3A_371 : memref<1x80xi32, #tpu.memory_space<vmem>> -> memref<80xi32, #tpu.memory_space<vmem>>
      %dma_wait3A_373 = arith.constant 0 : i32
      %dma_wait3A_374 = arith.constant 0 : i32
      %dma_wait3A_375 = tpu.memref_slice %arg10[%dma_wait3A_373, %dma_wait3A_374] : memref<10000x64xf32, #tpu.memory_space<vmem_shared>> -> memref<10000x64xf32, #tpu.memory_space<vmem_shared>>
      %dma_wait3A_376 = tpu.memref_slice %arg11[%dma_wait3A_365] : memref<4x!tpu.dma_semaphore, #tpu.memory_space<semaphore_mem>> -> memref<1x!tpu.dma_semaphore, #tpu.memory_space<semaphore_mem>>
      %dma_wait3A_377 = tpu.memref_squeeze %dma_wait3A_376 : memref<1x!tpu.dma_semaphore, #tpu.memory_space<semaphore_mem>> -> memref<!tpu.dma_semaphore, #tpu.memory_space<semaphore_mem>>
      tpu.wait_indirect_dma semaphore(%dma_wait3A_377 : memref<!tpu.dma_semaphore, #tpu.memory_space<semaphore_mem>>) src(%dma_wait3A_375 : memref<10000x64xf32, #tpu.memory_space<vmem_shared>>) dst(%dma_wait3A_369 : memref<80x64xf32, #tpu.memory_space<vmem>>)
      %dma_start3A_378 = arith.constant 1 : i32
      %dma_start3A_379 = arith.constant 1 : i32
      %dma_start3A_380 = arith.constant 0 : i32
      %dma_start3A_381 = arith.constant 0 : i32
      %dma_start3A_382 = tpu.memref_slice %arg8[%dma_start3A_378, %dma_start3A_380, %dma_start3A_381] : memref<4x80x64xf32, #tpu.memory_space<vmem>> -> memref<1x80x64xf32, #tpu.memory_space<vmem>>
      %dma_start3A_383 = tpu.memref_squeeze %dma_start3A_382 : memref<1x80x64xf32, #tpu.memory_space<vmem>> -> memref<80x64xf32, #tpu.memory_space<vmem>>
      %dma_start3A_384 = arith.constant 0 : i32
      %dma_start3A_385 = tpu.memref_slice %arg7[%add3A_361, %dma_start3A_384] : memref<128x80xi32, #tpu.memory_space<vmem>> -> memref<1x80xi32, #tpu.memory_space<vmem>>
      %dma_start3A_386 = tpu.memref_squeeze %dma_start3A_385 : memref<1x80xi32, #tpu.memory_space<vmem>> -> memref<80xi32, #tpu.memory_space<vmem>>
      %dma_start3A_387 = arith.constant 0 : i32
      %dma_start3A_388 = arith.constant 0 : i32
      %dma_start3A_389 = tpu.memref_slice %arg9[%dma_start3A_387, %dma_start3A_388] : memref<10112x64xf32, #tpu.memory_space<vmem_shared>> -> memref<10112x64xf32, #tpu.memory_space<vmem_shared>>
      %dma_start3A_390 = tpu.memref_slice %arg12[%dma_start3A_379] : memref<4x!tpu.dma_semaphore, #tpu.memory_space<semaphore_mem>> -> memref<1x!tpu.dma_semaphore, #tpu.memory_space<semaphore_mem>>
      %dma_start3A_391 = tpu.memref_squeeze %dma_start3A_390 : memref<1x!tpu.dma_semaphore, #tpu.memory_space<semaphore_mem>> -> memref<!tpu.dma_semaphore, #tpu.memory_space<semaphore_mem>>
      tpu.enqueue_indirect_dma source(%dma_start3A_383 : memref<80x64xf32, #tpu.memory_space<vmem>>) target(%dma_start3A_389 : memref<10112x64xf32, #tpu.memory_space<vmem_shared>>) offsets(%dma_start3A_386 : memref<80xi32, #tpu.memory_space<vmem>>) semaphore(%dma_start3A_391 : memref<!tpu.dma_semaphore, #tpu.memory_space<semaphore_mem>>) {add = true}
      %ge3A_392 = arith.constant 0 : i32
      %ge3A_393 = arith.cmpi sge, %sub3A_363, %ge3A_392 : i32
      %add3A_394 = arith.constant 4 : i32
      %add3A_395 = arith.addi %sub3A_363, %add3A_394 : i32
      %lt3A_396 = arith.constant 128 : i32
      %lt3A_397 = arith.cmpi slt, %add3A_395, %lt3A_396 : i32
      %and3A_398 = arith.andi %ge3A_393, %lt3A_397 : i1
      %convert_element_type3A_399 = arith.extui %and3A_398 : i1 to i32
      %cond3A_400 = arith.constant 0 : i32
      %cond3A_401 = arith.cmpi ne, %convert_element_type3A_399, %cond3A_400 : i32
      scf.if %cond3A_401 {
        %dma_wait3A_490 = arith.constant 0 : i32
        %dma_wait3A_491 = arith.constant 0 : i32
        %dma_wait3A_492 = arith.constant 0 : i32
        %dma_wait3A_493 = arith.constant 0 : i32
        %dma_wait3A_494 = tpu.memref_slice %arg8[%dma_wait3A_490, %dma_wait3A_492, %dma_wait3A_493] : memref<4x80x64xf32, #tpu.memory_space<vmem>> -> memref<1x80x64xf32, #tpu.memory_space<vmem>>
        %dma_wait3A_495 = tpu.memref_squeeze %dma_wait3A_494 : memref<1x80x64xf32, #tpu.memory_space<vmem>> -> memref<80x64xf32, #tpu.memory_space<vmem>>
        %dma_wait3A_496 = arith.constant 0 : i32
        %dma_wait3A_497 = tpu.memref_slice %arg7[%sub3A_363, %dma_wait3A_496] : memref<128x80xi32, #tpu.memory_space<vmem>> -> memref<1x80xi32, #tpu.memory_space<vmem>>
        %dma_wait3A_498 = tpu.memref_squeeze %dma_wait3A_497 : memref<1x80xi32, #tpu.memory_space<vmem>> -> memref<80xi32, #tpu.memory_space<vmem>>
        %dma_wait3A_499 = arith.constant 0 : i32
        %dma_wait3A_500 = arith.constant 0 : i32
        %dma_wait3A_501 = tpu.memref_slice %arg9[%dma_wait3A_499, %dma_wait3A_500] : memref<10112x64xf32, #tpu.memory_space<vmem_shared>> -> memref<10112x64xf32, #tpu.memory_space<vmem_shared>>
        %dma_wait3A_502 = tpu.memref_slice %arg12[%dma_wait3A_491] : memref<4x!tpu.dma_semaphore, #tpu.memory_space<semaphore_mem>> -> memref<1x!tpu.dma_semaphore, #tpu.memory_space<semaphore_mem>>
        %dma_wait3A_503 = tpu.memref_squeeze %dma_wait3A_502 : memref<1x!tpu.dma_semaphore, #tpu.memory_space<semaphore_mem>> -> memref<!tpu.dma_semaphore, #tpu.memory_space<semaphore_mem>>
        tpu.wait_indirect_dma semaphore(%dma_wait3A_503 : memref<!tpu.dma_semaphore, #tpu.memory_space<semaphore_mem>>) src(%dma_wait3A_495 : memref<80x64xf32, #tpu.memory_space<vmem>>) dst(%dma_wait3A_501 : memref<10112x64xf32, #tpu.memory_space<vmem_shared>>)
        %add3A_504 = arith.constant 4 : i32
        %add3A_505 = arith.addi %sub3A_363, %add3A_504 : i32
        %dma_start3A_506 = arith.constant 0 : i32
        %dma_start3A_507 = arith.constant 0 : i32
        %dma_start3A_508 = arith.constant 0 : i32
        %dma_start3A_509 = arith.constant 0 : i32
        %dma_start3A_510 = tpu.memref_slice %arg8[%dma_start3A_506, %dma_start3A_508, %dma_start3A_509] : memref<4x80x64xf32, #tpu.memory_space<vmem>> -> memref<1x80x64xf32, #tpu.memory_space<vmem>>
        %dma_start3A_511 = tpu.memref_squeeze %dma_start3A_510 : memref<1x80x64xf32, #tpu.memory_space<vmem>> -> memref<80x64xf32, #tpu.memory_space<vmem>>
        %dma_start3A_512 = arith.constant 0 : i32
        %dma_start3A_513 = tpu.memref_slice %arg6[%add3A_505, %dma_start3A_512] : memref<128x80xi32, #tpu.memory_space<vmem>> -> memref<1x80xi32, #tpu.memory_space<vmem>>
        %dma_start3A_514 = tpu.memref_squeeze %dma_start3A_513 : memref<1x80xi32, #tpu.memory_space<vmem>> -> memref<80xi32, #tpu.memory_space<vmem>>
        %dma_start3A_515 = arith.constant 0 : i32
        %dma_start3A_516 = arith.constant 0 : i32
        %dma_start3A_517 = tpu.memref_slice %arg2[%dma_start3A_515, %dma_start3A_516] : memref<10000x64xf32, #tpu.memory_space<hbm>> -> memref<10000x64xf32, #tpu.memory_space<hbm>>
        %dma_start3A_518 = tpu.memref_slice %arg11[%dma_start3A_507] : memref<4x!tpu.dma_semaphore, #tpu.memory_space<semaphore_mem>> -> memref<1x!tpu.dma_semaphore, #tpu.memory_space<semaphore_mem>>
        %dma_start3A_519 = tpu.memref_squeeze %dma_start3A_518 : memref<1x!tpu.dma_semaphore, #tpu.memory_space<semaphore_mem>> -> memref<!tpu.dma_semaphore, #tpu.memory_space<semaphore_mem>>
        tpu.enqueue_indirect_dma source(%dma_start3A_517 : memref<10000x64xf32, #tpu.memory_space<hbm>>) target(%dma_start3A_511 : memref<80x64xf32, #tpu.memory_space<vmem>>) offsets(%dma_start3A_514 : memref<80xi32, #tpu.memory_space<vmem>>) semaphore(%dma_start3A_519 : memref<!tpu.dma_semaphore, #tpu.memory_space<semaphore_mem>>)
      } else {
      }
      %mul3A_402 = arith.constant 8 : i32
      %mul3A_403 = arith.muli %scan3A_140, %mul3A_402 : i32
      %add3A_404 = arith.constant 6 : i32
      %add3A_405 = arith.addi %mul3A_403, %add3A_404 : i32
      %sub3A_406 = arith.constant 1 : i32
      %sub3A_407 = arith.subi %add3A_405, %sub3A_406 : i32
      %dma_wait3A_408 = arith.constant 2 : i32
      %dma_wait3A_409 = arith.constant 2 : i32
      %dma_wait3A_410 = arith.constant 0 : i32
      %dma_wait3A_411 = arith.constant 0 : i32
      %dma_wait3A_412 = tpu.memref_slice %arg8[%dma_wait3A_408, %dma_wait3A_410, %dma_wait3A_411] : memref<4x80x64xf32, #tpu.memory_space<vmem>> -> memref<1x80x64xf32, #tpu.memory_space<vmem>>
      %dma_wait3A_413 = tpu.memref_squeeze %dma_wait3A_412 : memref<1x80x64xf32, #tpu.memory_space<vmem>> -> memref<80x64xf32, #tpu.memory_space<vmem>>
      %dma_wait3A_414 = arith.constant 0 : i32
      %dma_wait3A_415 = tpu.memref_slice %arg6[%add3A_405, %dma_wait3A_414] : memref<128x80xi32, #tpu.memory_space<vmem>> -> memref<1x80xi32, #tpu.memory_space<vmem>>
      %dma_wait3A_416 = tpu.memref_squeeze %dma_wait3A_415 : memref<1x80xi32, #tpu.memory_space<vmem>> -> memref<80xi32, #tpu.memory_space<vmem>>
      %dma_wait3A_417 = arith.constant 0 : i32
      %dma_wait3A_418 = arith.constant 0 : i32
      %dma_wait3A_419 = tpu.memref_slice %arg10[%dma_wait3A_417, %dma_wait3A_418] : memref<10000x64xf32, #tpu.memory_space<vmem_shared>> -> memref<10000x64xf32, #tpu.memory_space<vmem_shared>>
      %dma_wait3A_420 = tpu.memref_slice %arg11[%dma_wait3A_409] : memref<4x!tpu.dma_semaphore, #tpu.memory_space<semaphore_mem>> -> memref<1x!tpu.dma_semaphore, #tpu.memory_space<semaphore_mem>>
      %dma_wait3A_421 = tpu.memref_squeeze %dma_wait3A_420 : memref<1x!tpu.dma_semaphore, #tpu.memory_space<semaphore_mem>> -> memref<!tpu.dma_semaphore, #tpu.memory_space<semaphore_mem>>
      tpu.wait_indirect_dma semaphore(%dma_wait3A_421 : memref<!tpu.dma_semaphore, #tpu.memory_space<semaphore_mem>>) src(%dma_wait3A_419 : memref<10000x64xf32, #tpu.memory_space<vmem_shared>>) dst(%dma_wait3A_413 : memref<80x64xf32, #tpu.memory_space<vmem>>)
      %dma_start3A_422 = arith.constant 2 : i32
      %dma_start3A_423 = arith.constant 2 : i32
      %dma_start3A_424 = arith.constant 0 : i32
      %dma_start3A_425 = arith.constant 0 : i32
      %dma_start3A_426 = tpu.memref_slice %arg8[%dma_start3A_422, %dma_start3A_424, %dma_start3A_425] : memref<4x80x64xf32, #tpu.memory_space<vmem>> -> memref<1x80x64xf32, #tpu.memory_space<vmem>>
      %dma_start3A_427 = tpu.memref_squeeze %dma_start3A_426 : memref<1x80x64xf32, #tpu.memory_space<vmem>> -> memref<80x64xf32, #tpu.memory_space<vmem>>
      %dma_start3A_428 = arith.constant 0 : i32
      %dma_start3A_429 = tpu.memref_slice %arg7[%add3A_405, %dma_start3A_428] : memref<128x80xi32, #tpu.memory_space<vmem>> -> memref<1x80xi32, #tpu.memory_space<vmem>>
      %dma_start3A_430 = tpu.memref_squeeze %dma_start3A_429 : memref<1x80xi32, #tpu.memory_space<vmem>> -> memref<80xi32, #tpu.memory_space<vmem>>
      %dma_start3A_431 = arith.constant 0 : i32
      %dma_start3A_432 = arith.constant 0 : i32
      %dma_start3A_433 = tpu.memref_slice %arg9[%dma_start3A_431, %dma_start3A_432] : memref<10112x64xf32, #tpu.memory_space<vmem_shared>> -> memref<10112x64xf32, #tpu.memory_space<vmem_shared>>
      %dma_start3A_434 = tpu.memref_slice %arg12[%dma_start3A_423] : memref<4x!tpu.dma_semaphore, #tpu.memory_space<semaphore_mem>> -> memref<1x!tpu.dma_semaphore, #tpu.memory_space<semaphore_mem>>
      %dma_start3A_435 = tpu.memref_squeeze %dma_start3A_434 : memref<1x!tpu.dma_semaphore, #tpu.memory_space<semaphore_mem>> -> memref<!tpu.dma_semaphore, #tpu.memory_space<semaphore_mem>>
      tpu.enqueue_indirect_dma source(%dma_start3A_427 : memref<80x64xf32, #tpu.memory_space<vmem>>) target(%dma_start3A_433 : memref<10112x64xf32, #tpu.memory_space<vmem_shared>>) offsets(%dma_start3A_430 : memref<80xi32, #tpu.memory_space<vmem>>) semaphore(%dma_start3A_435 : memref<!tpu.dma_semaphore, #tpu.memory_space<semaphore_mem>>) {add = true}
      %ge3A_436 = arith.constant 0 : i32
      %ge3A_437 = arith.cmpi sge, %sub3A_407, %ge3A_436 : i32
      %add3A_438 = arith.constant 4 : i32
      %add3A_439 = arith.addi %sub3A_407, %add3A_438 : i32
      %lt3A_440 = arith.constant 128 : i32
      %lt3A_441 = arith.cmpi slt, %add3A_439, %lt3A_440 : i32
      %and3A_442 = arith.andi %ge3A_437, %lt3A_441 : i1
      %convert_element_type3A_443 = arith.extui %and3A_442 : i1 to i32
      %cond3A_444 = arith.constant 0 : i32
      %cond3A_445 = arith.cmpi ne, %convert_element_type3A_443, %cond3A_444 : i32
      scf.if %cond3A_445 {
        %dma_wait3A_490 = arith.constant 1 : i32
        %dma_wait3A_491 = arith.constant 1 : i32
        %dma_wait3A_492 = arith.constant 0 : i32
        %dma_wait3A_493 = arith.constant 0 : i32
        %dma_wait3A_494 = tpu.memref_slice %arg8[%dma_wait3A_490, %dma_wait3A_492, %dma_wait3A_493] : memref<4x80x64xf32, #tpu.memory_space<vmem>> -> memref<1x80x64xf32, #tpu.memory_space<vmem>>
        %dma_wait3A_495 = tpu.memref_squeeze %dma_wait3A_494 : memref<1x80x64xf32, #tpu.memory_space<vmem>> -> memref<80x64xf32, #tpu.memory_space<vmem>>
        %dma_wait3A_496 = arith.constant 0 : i32
        %dma_wait3A_497 = tpu.memref_slice %arg7[%sub3A_407, %dma_wait3A_496] : memref<128x80xi32, #tpu.memory_space<vmem>> -> memref<1x80xi32, #tpu.memory_space<vmem>>
        %dma_wait3A_498 = tpu.memref_squeeze %dma_wait3A_497 : memref<1x80xi32, #tpu.memory_space<vmem>> -> memref<80xi32, #tpu.memory_space<vmem>>
        %dma_wait3A_499 = arith.constant 0 : i32
        %dma_wait3A_500 = arith.constant 0 : i32
        %dma_wait3A_501 = tpu.memref_slice %arg9[%dma_wait3A_499, %dma_wait3A_500] : memref<10112x64xf32, #tpu.memory_space<vmem_shared>> -> memref<10112x64xf32, #tpu.memory_space<vmem_shared>>
        %dma_wait3A_502 = tpu.memref_slice %arg12[%dma_wait3A_491] : memref<4x!tpu.dma_semaphore, #tpu.memory_space<semaphore_mem>> -> memref<1x!tpu.dma_semaphore, #tpu.memory_space<semaphore_mem>>
        %dma_wait3A_503 = tpu.memref_squeeze %dma_wait3A_502 : memref<1x!tpu.dma_semaphore, #tpu.memory_space<semaphore_mem>> -> memref<!tpu.dma_semaphore, #tpu.memory_space<semaphore_mem>>
        tpu.wait_indirect_dma semaphore(%dma_wait3A_503 : memref<!tpu.dma_semaphore, #tpu.memory_space<semaphore_mem>>) src(%dma_wait3A_495 : memref<80x64xf32, #tpu.memory_space<vmem>>) dst(%dma_wait3A_501 : memref<10112x64xf32, #tpu.memory_space<vmem_shared>>)
        %add3A_504 = arith.constant 4 : i32
        %add3A_505 = arith.addi %sub3A_407, %add3A_504 : i32
        %dma_start3A_506 = arith.constant 1 : i32
        %dma_start3A_507 = arith.constant 1 : i32
        %dma_start3A_508 = arith.constant 0 : i32
        %dma_start3A_509 = arith.constant 0 : i32
        %dma_start3A_510 = tpu.memref_slice %arg8[%dma_start3A_506, %dma_start3A_508, %dma_start3A_509] : memref<4x80x64xf32, #tpu.memory_space<vmem>> -> memref<1x80x64xf32, #tpu.memory_space<vmem>>
        %dma_start3A_511 = tpu.memref_squeeze %dma_start3A_510 : memref<1x80x64xf32, #tpu.memory_space<vmem>> -> memref<80x64xf32, #tpu.memory_space<vmem>>
        %dma_start3A_512 = arith.constant 0 : i32
        %dma_start3A_513 = tpu.memref_slice %arg6[%add3A_505, %dma_start3A_512] : memref<128x80xi32, #tpu.memory_space<vmem>> -> memref<1x80xi32, #tpu.memory_space<vmem>>
        %dma_start3A_514 = tpu.memref_squeeze %dma_start3A_513 : memref<1x80xi32, #tpu.memory_space<vmem>> -> memref<80xi32, #tpu.memory_space<vmem>>
        %dma_start3A_515 = arith.constant 0 : i32
        %dma_start3A_516 = arith.constant 0 : i32
        %dma_start3A_517 = tpu.memref_slice %arg2[%dma_start3A_515, %dma_start3A_516] : memref<10000x64xf32, #tpu.memory_space<hbm>> -> memref<10000x64xf32, #tpu.memory_space<hbm>>
        %dma_start3A_518 = tpu.memref_slice %arg11[%dma_start3A_507] : memref<4x!tpu.dma_semaphore, #tpu.memory_space<semaphore_mem>> -> memref<1x!tpu.dma_semaphore, #tpu.memory_space<semaphore_mem>>
        %dma_start3A_519 = tpu.memref_squeeze %dma_start3A_518 : memref<1x!tpu.dma_semaphore, #tpu.memory_space<semaphore_mem>> -> memref<!tpu.dma_semaphore, #tpu.memory_space<semaphore_mem>>
        tpu.enqueue_indirect_dma source(%dma_start3A_517 : memref<10000x64xf32, #tpu.memory_space<hbm>>) target(%dma_start3A_511 : memref<80x64xf32, #tpu.memory_space<vmem>>) offsets(%dma_start3A_514 : memref<80xi32, #tpu.memory_space<vmem>>) semaphore(%dma_start3A_519 : memref<!tpu.dma_semaphore, #tpu.memory_space<semaphore_mem>>)
      } else {
      }
      %mul3A_446 = arith.constant 8 : i32
      %mul3A_447 = arith.muli %scan3A_140, %mul3A_446 : i32
      %add3A_448 = arith.constant 7 : i32
      %add3A_449 = arith.addi %mul3A_447, %add3A_448 : i32
      %sub3A_450 = arith.constant 1 : i32
      %sub3A_451 = arith.subi %add3A_449, %sub3A_450 : i32
      %dma_wait3A_452 = arith.constant 3 : i32
      %dma_wait3A_453 = arith.constant 3 : i32
      %dma_wait3A_454 = arith.constant 0 : i32
      %dma_wait3A_455 = arith.constant 0 : i32
      %dma_wait3A_456 = tpu.memref_slice %arg8[%dma_wait3A_452, %dma_wait3A_454, %dma_wait3A_455] : memref<4x80x64xf32, #tpu.memory_space<vmem>> -> memref<1x80x64xf32, #tpu.memory_space<vmem>>
      %dma_wait3A_457 = tpu.memref_squeeze %dma_wait3A_456 : memref<1x80x64xf32, #tpu.memory_space<vmem>> -> memref<80x64xf32, #tpu.memory_space<vmem>>
      %dma_wait3A_458 = arith.constant 0 : i32
      %dma_wait3A_459 = tpu.memref_slice %arg6[%add3A_449, %dma_wait3A_458] : memref<128x80xi32, #tpu.memory_space<vmem>> -> memref<1x80xi32, #tpu.memory_space<vmem>>
      %dma_wait3A_460 = tpu.memref_squeeze %dma_wait3A_459 : memref<1x80xi32, #tpu.memory_space<vmem>> -> memref<80xi32, #tpu.memory_space<vmem>>
      %dma_wait3A_461 = arith.constant 0 : i32
      %dma_wait3A_462 = arith.constant 0 : i32
      %dma_wait3A_463 = tpu.memref_slice %arg10[%dma_wait3A_461, %dma_wait3A_462] : memref<10000x64xf32, #tpu.memory_space<vmem_shared>> -> memref<10000x64xf32, #tpu.memory_space<vmem_shared>>
      %dma_wait3A_464 = tpu.memref_slice %arg11[%dma_wait3A_453] : memref<4x!tpu.dma_semaphore, #tpu.memory_space<semaphore_mem>> -> memref<1x!tpu.dma_semaphore, #tpu.memory_space<semaphore_mem>>
      %dma_wait3A_465 = tpu.memref_squeeze %dma_wait3A_464 : memref<1x!tpu.dma_semaphore, #tpu.memory_space<semaphore_mem>> -> memref<!tpu.dma_semaphore, #tpu.memory_space<semaphore_mem>>
      tpu.wait_indirect_dma semaphore(%dma_wait3A_465 : memref<!tpu.dma_semaphore, #tpu.memory_space<semaphore_mem>>) src(%dma_wait3A_463 : memref<10000x64xf32, #tpu.memory_space<vmem_shared>>) dst(%dma_wait3A_457 : memref<80x64xf32, #tpu.memory_space<vmem>>)
      %dma_start3A_466 = arith.constant 3 : i32
      %dma_start3A_467 = arith.constant 3 : i32
      %dma_start3A_468 = arith.constant 0 : i32
      %dma_start3A_469 = arith.constant 0 : i32
      %dma_start3A_470 = tpu.memref_slice %arg8[%dma_start3A_466, %dma_start3A_468, %dma_start3A_469] : memref<4x80x64xf32, #tpu.memory_space<vmem>> -> memref<1x80x64xf32, #tpu.memory_space<vmem>>
      %dma_start3A_471 = tpu.memref_squeeze %dma_start3A_470 : memref<1x80x64xf32, #tpu.memory_space<vmem>> -> memref<80x64xf32, #tpu.memory_space<vmem>>
      %dma_start3A_472 = arith.constant 0 : i32
      %dma_start3A_473 = tpu.memref_slice %arg7[%add3A_449, %dma_start3A_472] : memref<128x80xi32, #tpu.memory_space<vmem>> -> memref<1x80xi32, #tpu.memory_space<vmem>>
      %dma_start3A_474 = tpu.memref_squeeze %dma_start3A_473 : memref<1x80xi32, #tpu.memory_space<vmem>> -> memref<80xi32, #tpu.memory_space<vmem>>
      %dma_start3A_475 = arith.constant 0 : i32
      %dma_start3A_476 = arith.constant 0 : i32
      %dma_start3A_477 = tpu.memref_slice %arg9[%dma_start3A_475, %dma_start3A_476] : memref<10112x64xf32, #tpu.memory_space<vmem_shared>> -> memref<10112x64xf32, #tpu.memory_space<vmem_shared>>
      %dma_start3A_478 = tpu.memref_slice %arg12[%dma_start3A_467] : memref<4x!tpu.dma_semaphore, #tpu.memory_space<semaphore_mem>> -> memref<1x!tpu.dma_semaphore, #tpu.memory_space<semaphore_mem>>
      %dma_start3A_479 = tpu.memref_squeeze %dma_start3A_478 : memref<1x!tpu.dma_semaphore, #tpu.memory_space<semaphore_mem>> -> memref<!tpu.dma_semaphore, #tpu.memory_space<semaphore_mem>>
      tpu.enqueue_indirect_dma source(%dma_start3A_471 : memref<80x64xf32, #tpu.memory_space<vmem>>) target(%dma_start3A_477 : memref<10112x64xf32, #tpu.memory_space<vmem_shared>>) offsets(%dma_start3A_474 : memref<80xi32, #tpu.memory_space<vmem>>) semaphore(%dma_start3A_479 : memref<!tpu.dma_semaphore, #tpu.memory_space<semaphore_mem>>) {add = true}
      %ge3A_480 = arith.constant 0 : i32
      %ge3A_481 = arith.cmpi sge, %sub3A_451, %ge3A_480 : i32
      %add3A_482 = arith.constant 4 : i32
      %add3A_483 = arith.addi %sub3A_451, %add3A_482 : i32
      %lt3A_484 = arith.constant 128 : i32
      %lt3A_485 = arith.cmpi slt, %add3A_483, %lt3A_484 : i32
      %and3A_486 = arith.andi %ge3A_481, %lt3A_485 : i1
      %convert_element_type3A_487 = arith.extui %and3A_486 : i1 to i32
      %cond3A_488 = arith.constant 0 : i32
      %cond3A_489 = arith.cmpi ne, %convert_element_type3A_487, %cond3A_488 : i32
      scf.if %cond3A_489 {
        %dma_wait3A_490 = arith.constant 2 : i32
        %dma_wait3A_491 = arith.constant 2 : i32
        %dma_wait3A_492 = arith.constant 0 : i32
        %dma_wait3A_493 = arith.constant 0 : i32
        %dma_wait3A_494 = tpu.memref_slice %arg8[%dma_wait3A_490, %dma_wait3A_492, %dma_wait3A_493] : memref<4x80x64xf32, #tpu.memory_space<vmem>> -> memref<1x80x64xf32, #tpu.memory_space<vmem>>
        %dma_wait3A_495 = tpu.memref_squeeze %dma_wait3A_494 : memref<1x80x64xf32, #tpu.memory_space<vmem>> -> memref<80x64xf32, #tpu.memory_space<vmem>>
        %dma_wait3A_496 = arith.constant 0 : i32
        %dma_wait3A_497 = tpu.memref_slice %arg7[%sub3A_451, %dma_wait3A_496] : memref<128x80xi32, #tpu.memory_space<vmem>> -> memref<1x80xi32, #tpu.memory_space<vmem>>
        %dma_wait3A_498 = tpu.memref_squeeze %dma_wait3A_497 : memref<1x80xi32, #tpu.memory_space<vmem>> -> memref<80xi32, #tpu.memory_space<vmem>>
        %dma_wait3A_499 = arith.constant 0 : i32
        %dma_wait3A_500 = arith.constant 0 : i32
        %dma_wait3A_501 = tpu.memref_slice %arg9[%dma_wait3A_499, %dma_wait3A_500] : memref<10112x64xf32, #tpu.memory_space<vmem_shared>> -> memref<10112x64xf32, #tpu.memory_space<vmem_shared>>
        %dma_wait3A_502 = tpu.memref_slice %arg12[%dma_wait3A_491] : memref<4x!tpu.dma_semaphore, #tpu.memory_space<semaphore_mem>> -> memref<1x!tpu.dma_semaphore, #tpu.memory_space<semaphore_mem>>
        %dma_wait3A_503 = tpu.memref_squeeze %dma_wait3A_502 : memref<1x!tpu.dma_semaphore, #tpu.memory_space<semaphore_mem>> -> memref<!tpu.dma_semaphore, #tpu.memory_space<semaphore_mem>>
        tpu.wait_indirect_dma semaphore(%dma_wait3A_503 : memref<!tpu.dma_semaphore, #tpu.memory_space<semaphore_mem>>) src(%dma_wait3A_495 : memref<80x64xf32, #tpu.memory_space<vmem>>) dst(%dma_wait3A_501 : memref<10112x64xf32, #tpu.memory_space<vmem_shared>>)
        %add3A_504 = arith.constant 4 : i32
        %add3A_505 = arith.addi %sub3A_451, %add3A_504 : i32
        %dma_start3A_506 = arith.constant 2 : i32
        %dma_start3A_507 = arith.constant 2 : i32
        %dma_start3A_508 = arith.constant 0 : i32
        %dma_start3A_509 = arith.constant 0 : i32
        %dma_start3A_510 = tpu.memref_slice %arg8[%dma_start3A_506, %dma_start3A_508, %dma_start3A_509] : memref<4x80x64xf32, #tpu.memory_space<vmem>> -> memref<1x80x64xf32, #tpu.memory_space<vmem>>
        %dma_start3A_511 = tpu.memref_squeeze %dma_start3A_510 : memref<1x80x64xf32, #tpu.memory_space<vmem>> -> memref<80x64xf32, #tpu.memory_space<vmem>>
        %dma_start3A_512 = arith.constant 0 : i32
        %dma_start3A_513 = tpu.memref_slice %arg6[%add3A_505, %dma_start3A_512] : memref<128x80xi32, #tpu.memory_space<vmem>> -> memref<1x80xi32, #tpu.memory_space<vmem>>
        %dma_start3A_514 = tpu.memref_squeeze %dma_start3A_513 : memref<1x80xi32, #tpu.memory_space<vmem>> -> memref<80xi32, #tpu.memory_space<vmem>>
        %dma_start3A_515 = arith.constant 0 : i32
        %dma_start3A_516 = arith.constant 0 : i32
        %dma_start3A_517 = tpu.memref_slice %arg2[%dma_start3A_515, %dma_start3A_516] : memref<10000x64xf32, #tpu.memory_space<hbm>> -> memref<10000x64xf32, #tpu.memory_space<hbm>>
        %dma_start3A_518 = tpu.memref_slice %arg11[%dma_start3A_507] : memref<4x!tpu.dma_semaphore, #tpu.memory_space<semaphore_mem>> -> memref<1x!tpu.dma_semaphore, #tpu.memory_space<semaphore_mem>>
        %dma_start3A_519 = tpu.memref_squeeze %dma_start3A_518 : memref<1x!tpu.dma_semaphore, #tpu.memory_space<semaphore_mem>> -> memref<!tpu.dma_semaphore, #tpu.memory_space<semaphore_mem>>
        tpu.enqueue_indirect_dma source(%dma_start3A_517 : memref<10000x64xf32, #tpu.memory_space<hbm>>) target(%dma_start3A_511 : memref<80x64xf32, #tpu.memory_space<vmem>>) offsets(%dma_start3A_514 : memref<80xi32, #tpu.memory_space<vmem>>) semaphore(%dma_start3A_519 : memref<!tpu.dma_semaphore, #tpu.memory_space<semaphore_mem>>)
      } else {
      }
    }
    %scan3A_75 = arith.constant 16 : i32
    %dma_wait3A = arith.constant 0 : i32
    %dma_wait3A_76 = arith.constant 124 : i32
    %dma_wait3A_77 = arith.constant 0 : i32
    %dma_wait3A_78 = arith.constant 0 : i32
    %dma_wait3A_79 = arith.constant 0 : i32
    %dma_wait3A_80 = tpu.memref_slice %arg8[%dma_wait3A, %dma_wait3A_78, %dma_wait3A_79] : memref<4x80x64xf32, #tpu.memory_space<vmem>> -> memref<1x80x64xf32, #tpu.memory_space<vmem>>
    %dma_wait3A_81 = tpu.memref_squeeze %dma_wait3A_80 : memref<1x80x64xf32, #tpu.memory_space<vmem>> -> memref<80x64xf32, #tpu.memory_space<vmem>>
    %dma_wait3A_82 = arith.constant 0 : i32
    %dma_wait3A_83 = tpu.memref_slice %arg7[%dma_wait3A_76, %dma_wait3A_82] : memref<128x80xi32, #tpu.memory_space<vmem>> -> memref<1x80xi32, #tpu.memory_space<vmem>>
    %dma_wait3A_84 = tpu.memref_squeeze %dma_wait3A_83 : memref<1x80xi32, #tpu.memory_space<vmem>> -> memref<80xi32, #tpu.memory_space<vmem>>
    %dma_wait3A_85 = arith.constant 0 : i32
    %dma_wait3A_86 = arith.constant 0 : i32
    %dma_wait3A_87 = tpu.memref_slice %arg9[%dma_wait3A_85, %dma_wait3A_86] : memref<10112x64xf32, #tpu.memory_space<vmem_shared>> -> memref<10112x64xf32, #tpu.memory_space<vmem_shared>>
    %dma_wait3A_88 = tpu.memref_slice %arg12[%dma_wait3A_77] : memref<4x!tpu.dma_semaphore, #tpu.memory_space<semaphore_mem>> -> memref<1x!tpu.dma_semaphore, #tpu.memory_space<semaphore_mem>>
    %dma_wait3A_89 = tpu.memref_squeeze %dma_wait3A_88 : memref<1x!tpu.dma_semaphore, #tpu.memory_space<semaphore_mem>> -> memref<!tpu.dma_semaphore, #tpu.memory_space<semaphore_mem>>
    tpu.wait_indirect_dma semaphore(%dma_wait3A_89 : memref<!tpu.dma_semaphore, #tpu.memory_space<semaphore_mem>>) src(%dma_wait3A_81 : memref<80x64xf32, #tpu.memory_space<vmem>>) dst(%dma_wait3A_87 : memref<10112x64xf32, #tpu.memory_space<vmem_shared>>)
    %dma_wait3A_90 = arith.constant 1 : i32
    %dma_wait3A_91 = arith.constant 125 : i32
    %dma_wait3A_92 = arith.constant 1 : i32
    %dma_wait3A_93 = arith.constant 0 : i32
    %dma_wait3A_94 = arith.constant 0 : i32
    %dma_wait3A_95 = tpu.memref_slice %arg8[%dma_wait3A_90, %dma_wait3A_93, %dma_wait3A_94] : memref<4x80x64xf32, #tpu.memory_space<vmem>> -> memref<1x80x64xf32, #tpu.memory_space<vmem>>
    %dma_wait3A_96 = tpu.memref_squeeze %dma_wait3A_95 : memref<1x80x64xf32, #tpu.memory_space<vmem>> -> memref<80x64xf32, #tpu.memory_space<vmem>>
    %dma_wait3A_97 = arith.constant 0 : i32
    %dma_wait3A_98 = tpu.memref_slice %arg7[%dma_wait3A_91, %dma_wait3A_97] : memref<128x80xi32, #tpu.memory_space<vmem>> -> memref<1x80xi32, #tpu.memory_space<vmem>>
    %dma_wait3A_99 = tpu.memref_squeeze %dma_wait3A_98 : memref<1x80xi32, #tpu.memory_space<vmem>> -> memref<80xi32, #tpu.memory_space<vmem>>
    %dma_wait3A_100 = arith.constant 0 : i32
    %dma_wait3A_101 = arith.constant 0 : i32
    %dma_wait3A_102 = tpu.memref_slice %arg9[%dma_wait3A_100, %dma_wait3A_101] : memref<10112x64xf32, #tpu.memory_space<vmem_shared>> -> memref<10112x64xf32, #tpu.memory_space<vmem_shared>>
    %dma_wait3A_103 = tpu.memref_slice %arg12[%dma_wait3A_92] : memref<4x!tpu.dma_semaphore, #tpu.memory_space<semaphore_mem>> -> memref<1x!tpu.dma_semaphore, #tpu.memory_space<semaphore_mem>>
    %dma_wait3A_104 = tpu.memref_squeeze %dma_wait3A_103 : memref<1x!tpu.dma_semaphore, #tpu.memory_space<semaphore_mem>> -> memref<!tpu.dma_semaphore, #tpu.memory_space<semaphore_mem>>
    tpu.wait_indirect_dma semaphore(%dma_wait3A_104 : memref<!tpu.dma_semaphore, #tpu.memory_space<semaphore_mem>>) src(%dma_wait3A_96 : memref<80x64xf32, #tpu.memory_space<vmem>>) dst(%dma_wait3A_102 : memref<10112x64xf32, #tpu.memory_space<vmem_shared>>)
    %dma_wait3A_105 = arith.constant 2 : i32
    %dma_wait3A_106 = arith.constant 126 : i32
    %dma_wait3A_107 = arith.constant 2 : i32
    %dma_wait3A_108 = arith.constant 0 : i32
    %dma_wait3A_109 = arith.constant 0 : i32
    %dma_wait3A_110 = tpu.memref_slice %arg8[%dma_wait3A_105, %dma_wait3A_108, %dma_wait3A_109] : memref<4x80x64xf32, #tpu.memory_space<vmem>> -> memref<1x80x64xf32, #tpu.memory_space<vmem>>
    %dma_wait3A_111 = tpu.memref_squeeze %dma_wait3A_110 : memref<1x80x64xf32, #tpu.memory_space<vmem>> -> memref<80x64xf32, #tpu.memory_space<vmem>>
    %dma_wait3A_112 = arith.constant 0 : i32
    %dma_wait3A_113 = tpu.memref_slice %arg7[%dma_wait3A_106, %dma_wait3A_112] : memref<128x80xi32, #tpu.memory_space<vmem>> -> memref<1x80xi32, #tpu.memory_space<vmem>>
    %dma_wait3A_114 = tpu.memref_squeeze %dma_wait3A_113 : memref<1x80xi32, #tpu.memory_space<vmem>> -> memref<80xi32, #tpu.memory_space<vmem>>
    %dma_wait3A_115 = arith.constant 0 : i32
    %dma_wait3A_116 = arith.constant 0 : i32
    %dma_wait3A_117 = tpu.memref_slice %arg9[%dma_wait3A_115, %dma_wait3A_116] : memref<10112x64xf32, #tpu.memory_space<vmem_shared>> -> memref<10112x64xf32, #tpu.memory_space<vmem_shared>>
    %dma_wait3A_118 = tpu.memref_slice %arg12[%dma_wait3A_107] : memref<4x!tpu.dma_semaphore, #tpu.memory_space<semaphore_mem>> -> memref<1x!tpu.dma_semaphore, #tpu.memory_space<semaphore_mem>>
    %dma_wait3A_119 = tpu.memref_squeeze %dma_wait3A_118 : memref<1x!tpu.dma_semaphore, #tpu.memory_space<semaphore_mem>> -> memref<!tpu.dma_semaphore, #tpu.memory_space<semaphore_mem>>
    tpu.wait_indirect_dma semaphore(%dma_wait3A_119 : memref<!tpu.dma_semaphore, #tpu.memory_space<semaphore_mem>>) src(%dma_wait3A_111 : memref<80x64xf32, #tpu.memory_space<vmem>>) dst(%dma_wait3A_117 : memref<10112x64xf32, #tpu.memory_space<vmem_shared>>)
    %dma_wait3A_120 = arith.constant 3 : i32
    %dma_wait3A_121 = arith.constant 127 : i32
    %dma_wait3A_122 = arith.constant 3 : i32
    %dma_wait3A_123 = arith.constant 0 : i32
    %dma_wait3A_124 = arith.constant 0 : i32
    %dma_wait3A_125 = tpu.memref_slice %arg8[%dma_wait3A_120, %dma_wait3A_123, %dma_wait3A_124] : memref<4x80x64xf32, #tpu.memory_space<vmem>> -> memref<1x80x64xf32, #tpu.memory_space<vmem>>
    %dma_wait3A_126 = tpu.memref_squeeze %dma_wait3A_125 : memref<1x80x64xf32, #tpu.memory_space<vmem>> -> memref<80x64xf32, #tpu.memory_space<vmem>>
    %dma_wait3A_127 = arith.constant 0 : i32
    %dma_wait3A_128 = tpu.memref_slice %arg7[%dma_wait3A_121, %dma_wait3A_127] : memref<128x80xi32, #tpu.memory_space<vmem>> -> memref<1x80xi32, #tpu.memory_space<vmem>>
    %dma_wait3A_129 = tpu.memref_squeeze %dma_wait3A_128 : memref<1x80xi32, #tpu.memory_space<vmem>> -> memref<80xi32, #tpu.memory_space<vmem>>
    %dma_wait3A_130 = arith.constant 0 : i32
    %dma_wait3A_131 = arith.constant 0 : i32
    %dma_wait3A_132 = tpu.memref_slice %arg9[%dma_wait3A_130, %dma_wait3A_131] : memref<10112x64xf32, #tpu.memory_space<vmem_shared>> -> memref<10112x64xf32, #tpu.memory_space<vmem_shared>>
    %dma_wait3A_133 = tpu.memref_slice %arg12[%dma_wait3A_122] : memref<4x!tpu.dma_semaphore, #tpu.memory_space<semaphore_mem>> -> memref<1x!tpu.dma_semaphore, #tpu.memory_space<semaphore_mem>>
    %dma_wait3A_134 = tpu.memref_squeeze %dma_wait3A_133 : memref<1x!tpu.dma_semaphore, #tpu.memory_space<semaphore_mem>> -> memref<!tpu.dma_semaphore, #tpu.memory_space<semaphore_mem>>
    tpu.wait_indirect_dma semaphore(%dma_wait3A_134 : memref<!tpu.dma_semaphore, #tpu.memory_space<semaphore_mem>>) src(%dma_wait3A_126 : memref<80x64xf32, #tpu.memory_space<vmem>>) dst(%dma_wait3A_132 : memref<10112x64xf32, #tpu.memory_space<vmem_shared>>)
    %barrier3A_135 = arith.constant 0 : index
    tpu.barrier barrier_id(%barrier3A_135)
    %mul3A_136 = arith.constant 632 : i32
    %mul3A_137 = arith.muli %arg1, %mul3A_136 : i32
    %mul3A_138 = arith.constant 632 : i32
    %mul3A_139 = arith.muli %arg1, %mul3A_138 : i32
    "tpu.region"() ({
      %run_scoped3A_140 = tpu.sem_alloc : memref<!tpu.dma_semaphore, #tpu.memory_space<semaphore_mem>>
      %dma_start3A_141 = arith.constant 0 : i32
      %dma_start3A_142 = tpu.memref_slice %arg5[%arg0, %mul3A_139, %dma_start3A_141] : memref<2x10112x64xf32, #tpu.memory_space<hbm>> -> memref<1x632x64xf32, #tpu.memory_space<hbm>>
      %dma_start3A_143 = tpu.memref_squeeze %dma_start3A_142 : memref<1x632x64xf32, #tpu.memory_space<hbm>> -> memref<632x64xf32, #tpu.memory_space<hbm>>
      %dma_start3A_144 = arith.constant 0 : i32
      %dma_start3A_145 = tpu.memref_slice %arg9[%mul3A_137, %dma_start3A_144] : memref<10112x64xf32, #tpu.memory_space<vmem_shared>> -> memref<632x64xf32, #tpu.memory_space<vmem_shared>>
      tpu.enqueue_dma source(%dma_start3A_145 : memref<632x64xf32, #tpu.memory_space<vmem_shared>>) target(%dma_start3A_143 : memref<632x64xf32, #tpu.memory_space<hbm>>) target_semaphore(%run_scoped3A_140 : memref<!tpu.dma_semaphore, #tpu.memory_space<semaphore_mem>>)
      %dma_wait3A_146 = arith.constant 0 : i32
      %dma_wait3A_147 = tpu.memref_slice %arg5[%arg0, %mul3A_139, %dma_wait3A_146] : memref<2x10112x64xf32, #tpu.memory_space<hbm>> -> memref<1x632x64xf32, #tpu.memory_space<hbm>>
      %dma_wait3A_148 = tpu.memref_squeeze %dma_wait3A_147 : memref<1x632x64xf32, #tpu.memory_space<hbm>> -> memref<632x64xf32, #tpu.memory_space<hbm>>
      %dma_wait3A_149 = arith.constant 0 : i32
      %dma_wait3A_150 = tpu.memref_slice %arg9[%mul3A_137, %dma_wait3A_149] : memref<10112x64xf32, #tpu.memory_space<vmem_shared>> -> memref<632x64xf32, #tpu.memory_space<vmem_shared>>
      tpu.wait_dma2 semaphore(%run_scoped3A_140 : memref<!tpu.dma_semaphore, #tpu.memory_space<semaphore_mem>>) src(%dma_wait3A_150 : memref<632x64xf32, #tpu.memory_space<vmem_shared>>) dst(%dma_wait3A_148 : memref<632x64xf32, #tpu.memory_space<hbm>>)
      tpu.yield
    }) : () -> ()
    return
  }
}

module attributes {stable_mosaic.version = 14 : i64} {
  func.func @_tc_in_body(%arg0: memref<10000x128xf32, #tpu.memory_space<vmem>>, %arg1: memref<128x64xf32, #tpu.memory_space<vmem>>, %arg2: memref<1x64xf32, #tpu.memory_space<vmem>>, %arg3: memref<64x64xf32, #tpu.memory_space<vmem>>, %arg4: memref<1x64xf32, #tpu.memory_space<vmem>>, %arg5: memref<64x64xf32, #tpu.memory_space<vmem>>, %arg6: memref<1x64xf32, #tpu.memory_space<vmem>>, %arg7: memref<10000x64xf32, #tpu.memory_space<vmem>>, %arg8: memref<10000x64xf32, #tpu.memory_space<vmem>>) attributes {dimension_semantics = [], scalar_prefetch = 0 : i64, scratch_operands = 0 : i64, tpu.core_type = #tpu.core_type<tc>} {
    %get3A = arith.constant 0 : index
    %get3A_0 = arith.constant 0 : index
    %get3A_1 = vector.load %arg0[%get3A, %get3A_0] : memref<10000x128xf32, #tpu.memory_space<vmem>>, vector<10000x128xf32>
    %get3A_2 = arith.constant 0 : index
    %get3A_3 = arith.constant 0 : index
    %get3A_4 = vector.load %arg1[%get3A_2, %get3A_3] : memref<128x64xf32, #tpu.memory_space<vmem>>, vector<128x64xf32>
    %dot_general3A = arith.constant dense<0.000000e+00> : vector<10000x64xf32>
    %dot_general3A_5 = tpu.matmul %get3A_1, %get3A_4, %dot_general3A {dimension_numbers = #tpu.dot_dimension_numbers<[1], [0], [0], [1], [0, 0, 1, 1], [], []>, transpose_lhs_hint = false} : vector<10000x128xf32>, vector<128x64xf32>, vector<10000x64xf32> -> vector<10000x64xf32>
    %get3A_6 = arith.constant 0 : index
    %get3A_7 = arith.constant 0 : index
    %get3A_8 = vector.load %arg2[%get3A_6, %get3A_7] : memref<1x64xf32, #tpu.memory_space<vmem>>, vector<1x64xf32>
    %add3A = vector.broadcast %get3A_8 : vector<1x64xf32> to vector<10000x64xf32>
    %add3A_9 = arith.addf %dot_general3A_5, %add3A : vector<10000x64xf32>
    %max3A = arith.constant 0.000000e+00 : f32
    %max3A_10 = vector.broadcast %max3A : f32 to vector<10000x64xf32>
    %max3A_11 = arith.maximumf %add3A_9, %max3A_10 : vector<10000x64xf32>
    %swap3A = arith.constant 0 : index
    %swap3A_12 = arith.constant 0 : index
    %swap3A_13 = vector.load %arg7[%swap3A, %swap3A_12] : memref<10000x64xf32, #tpu.memory_space<vmem>>, vector<10000x64xf32>
    tpu.vector_store %arg7[%swap3A, %swap3A_12], %max3A_11 {strides = array<i32>} : memref<10000x64xf32, #tpu.memory_space<vmem>>, vector<10000x64xf32>,
    %get3A_14 = arith.constant 0 : index
    %get3A_15 = arith.constant 0 : index
    %get3A_16 = vector.load %arg3[%get3A_14, %get3A_15] : memref<64x64xf32, #tpu.memory_space<vmem>>, vector<64x64xf32>
    %dot_general3A_17 = arith.constant dense<0.000000e+00> : vector<10000x64xf32>
    %dot_general3A_18 = tpu.matmul %max3A_11, %get3A_16, %dot_general3A_17 {dimension_numbers = #tpu.dot_dimension_numbers<[1], [0], [0], [1], [0, 0, 1, 1], [], []>, transpose_lhs_hint = false} : vector<10000x64xf32>, vector<64x64xf32>, vector<10000x64xf32> -> vector<10000x64xf32>
    %get3A_19 = arith.constant 0 : index
    %get3A_20 = arith.constant 0 : index
    %get3A_21 = vector.load %arg4[%get3A_19, %get3A_20] : memref<1x64xf32, #tpu.memory_space<vmem>>, vector<1x64xf32>
    %add3A_22 = vector.broadcast %get3A_21 : vector<1x64xf32> to vector<10000x64xf32>
    %add3A_23 = arith.addf %dot_general3A_18, %add3A_22 : vector<10000x64xf32>
    %max3A_24 = arith.constant 0.000000e+00 : f32
    %max3A_25 = vector.broadcast %max3A_24 : f32 to vector<10000x64xf32>
    %max3A_26 = arith.maximumf %add3A_23, %max3A_25 : vector<10000x64xf32>
    %get3A_27 = arith.constant 0 : index
    %get3A_28 = arith.constant 0 : index
    %get3A_29 = vector.load %arg5[%get3A_27, %get3A_28] : memref<64x64xf32, #tpu.memory_space<vmem>>, vector<64x64xf32>
    %dot_general3A_30 = arith.constant dense<0.000000e+00> : vector<10000x64xf32>
    %dot_general3A_31 = tpu.matmul %max3A_26, %get3A_29, %dot_general3A_30 {dimension_numbers = #tpu.dot_dimension_numbers<[1], [0], [0], [1], [0, 0, 1, 1], [], []>, transpose_lhs_hint = false} : vector<10000x64xf32>, vector<64x64xf32>, vector<10000x64xf32> -> vector<10000x64xf32>
    %get3A_32 = arith.constant 0 : index
    %get3A_33 = arith.constant 0 : index
    %get3A_34 = vector.load %arg6[%get3A_32, %get3A_33] : memref<1x64xf32, #tpu.memory_space<vmem>>, vector<1x64xf32>
    %add3A_35 = vector.broadcast %get3A_34 : vector<1x64xf32> to vector<10000x64xf32>
    %add3A_36 = arith.addf %dot_general3A_31, %add3A_35 : vector<10000x64xf32>
    %swap3A_37 = arith.constant 0 : index
    %swap3A_38 = arith.constant 0 : index
    %swap3A_39 = vector.load %arg8[%swap3A_37, %swap3A_38] : memref<10000x64xf32, #tpu.memory_space<vmem>>, vector<10000x64xf32>
    tpu.vector_store %arg8[%swap3A_37, %swap3A_38], %add3A_36 {strides = array<i32>} : memref<10000x64xf32, #tpu.memory_space<vmem>>, vector<10000x64xf32>,
    return
  }
}

module attributes {stable_mosaic.version = 14 : i64} {
  func.func @_tc_up_body(%arg0: memref<10000x64xf32, #tpu.memory_space<vmem>>, %arg1: memref<2x10112x64xf32, #tpu.memory_space<vmem>>, %arg2: memref<64x64xf32, #tpu.memory_space<vmem>>, %arg3: memref<64x64xf32, #tpu.memory_space<vmem>>, %arg4: memref<64x64xf32, #tpu.memory_space<vmem>>, %arg5: memref<1x64xf32, #tpu.memory_space<vmem>>, %arg6: memref<1x64xf32, #tpu.memory_space<vmem>>, %arg7: memref<1x64xf32, #tpu.memory_space<vmem>>, %arg8: memref<64x64xf32, #tpu.memory_space<vmem>>, %arg9: memref<64x64xf32, #tpu.memory_space<vmem>>, %arg10: memref<64x64xf32, #tpu.memory_space<vmem>>, %arg11: memref<1x64xf32, #tpu.memory_space<vmem>>, %arg12: memref<1x64xf32, #tpu.memory_space<vmem>>, %arg13: memref<1x64xf32, #tpu.memory_space<vmem>>, %arg14: memref<1x64xf32, #tpu.memory_space<vmem>>, %arg15: memref<1x64xf32, #tpu.memory_space<vmem>>, %arg16: memref<64x64xf32, #tpu.memory_space<vmem>>, %arg17: memref<1x64xf32, #tpu.memory_space<vmem>>, %arg18: memref<64x64xf32, #tpu.memory_space<vmem>>, %arg19: memref<1x64xf32, #tpu.memory_space<vmem>>, %arg20: memref<10000x64xf32, #tpu.memory_space<vmem>>, %arg21: memref<10000x64xf32, #tpu.memory_space<vmem>>) attributes {dimension_semantics = [], scalar_prefetch = 0 : i64, scratch_operands = 0 : i64, tpu.core_type = #tpu.core_type<tc>} {
    %get3A = arith.constant 0 : index
    %get3A_0 = arith.constant 0 : index
    %get3A_1 = vector.load %arg0[%get3A, %get3A_0] : memref<10000x64xf32, #tpu.memory_space<vmem>>, vector<10000x64xf32>
    %get3A_2 = arith.constant 0 : index
    %get3A_3 = arith.constant 0 : index
    %get3A_4 = arith.constant 0 : index
    %get3A_5 = vector.load %arg1[%get3A_2, %get3A_3, %get3A_4] : memref<2x10112x64xf32, #tpu.memory_space<vmem>>, vector<2x10112x64xf32>
    %get3A_6 = arith.constant 0 : index
    %get3A_7 = arith.constant 0 : index
    %get3A_8 = vector.load %arg2[%get3A_6, %get3A_7] : memref<64x64xf32, #tpu.memory_space<vmem>>, vector<64x64xf32>
    %get3A_9 = arith.constant 0 : index
    %get3A_10 = arith.constant 0 : index
    %get3A_11 = vector.load %arg3[%get3A_9, %get3A_10] : memref<64x64xf32, #tpu.memory_space<vmem>>, vector<64x64xf32>
    %get3A_12 = arith.constant 0 : index
    %get3A_13 = arith.constant 0 : index
    %get3A_14 = vector.load %arg4[%get3A_12, %get3A_13] : memref<64x64xf32, #tpu.memory_space<vmem>>, vector<64x64xf32>
    %get3A_15 = arith.constant 0 : index
    %get3A_16 = arith.constant 0 : index
    %get3A_17 = vector.load %arg5[%get3A_15, %get3A_16] : memref<1x64xf32, #tpu.memory_space<vmem>>, vector<1x64xf32>
    %get3A_18 = arith.constant 0 : index
    %get3A_19 = arith.constant 0 : index
    %get3A_20 = vector.load %arg6[%get3A_18, %get3A_19] : memref<1x64xf32, #tpu.memory_space<vmem>>, vector<1x64xf32>
    %get3A_21 = arith.constant 0 : index
    %get3A_22 = arith.constant 0 : index
    %get3A_23 = vector.load %arg7[%get3A_21, %get3A_22] : memref<1x64xf32, #tpu.memory_space<vmem>>, vector<1x64xf32>
    %get3A_24 = arith.constant 0 : index
    %get3A_25 = arith.constant 0 : index
    %get3A_26 = vector.load %arg8[%get3A_24, %get3A_25] : memref<64x64xf32, #tpu.memory_space<vmem>>, vector<64x64xf32>
    %get3A_27 = arith.constant 0 : index
    %get3A_28 = arith.constant 0 : index
    %get3A_29 = vector.load %arg9[%get3A_27, %get3A_28] : memref<64x64xf32, #tpu.memory_space<vmem>>, vector<64x64xf32>
    %get3A_30 = arith.constant 0 : index
    %get3A_31 = arith.constant 0 : index
    %get3A_32 = vector.load %arg10[%get3A_30, %get3A_31] : memref<64x64xf32, #tpu.memory_space<vmem>>, vector<64x64xf32>
    %get3A_33 = arith.constant 0 : index
    %get3A_34 = arith.constant 0 : index
    %get3A_35 = vector.load %arg11[%get3A_33, %get3A_34] : memref<1x64xf32, #tpu.memory_space<vmem>>, vector<1x64xf32>
    %get3A_36 = arith.constant 0 : index
    %get3A_37 = arith.constant 0 : index
    %get3A_38 = vector.load %arg12[%get3A_36, %get3A_37] : memref<1x64xf32, #tpu.memory_space<vmem>>, vector<1x64xf32>
    %get3A_39 = arith.constant 0 : index
    %get3A_40 = arith.constant 0 : index
    %get3A_41 = vector.load %arg13[%get3A_39, %get3A_40] : memref<1x64xf32, #tpu.memory_space<vmem>>, vector<1x64xf32>
    %get3A_42 = arith.constant 0 : index
    %get3A_43 = arith.constant 0 : index
    %get3A_44 = vector.load %arg14[%get3A_42, %get3A_43] : memref<1x64xf32, #tpu.memory_space<vmem>>, vector<1x64xf32>
    %get3A_45 = arith.constant 0 : index
    %get3A_46 = arith.constant 0 : index
    %get3A_47 = vector.load %arg15[%get3A_45, %get3A_46] : memref<1x64xf32, #tpu.memory_space<vmem>>, vector<1x64xf32>
    %slice3A = vector.extract_strided_slice %get3A_5 {offsets = [0, 0, 0], sizes = [1, 10000, 64], strides = [1, 1, 1]} : vector<2x10112x64xf32> to vector<1x10000x64xf32>
    %squeeze3A = vector.shape_cast %slice3A : vector<1x10000x64xf32> to vector<10000x64xf32>
    %slice3A_48 = vector.extract_strided_slice %get3A_5 {offsets = [1, 0, 0], sizes = [1, 10000, 64], strides = [1, 1, 1]} : vector<2x10112x64xf32> to vector<1x10000x64xf32>
    %squeeze3A_49 = vector.shape_cast %slice3A_48 : vector<1x10000x64xf32> to vector<10000x64xf32>
    %add3A = arith.addf %squeeze3A, %squeeze3A_49 : vector<10000x64xf32>
    %dot_general3A = arith.constant dense<0.000000e+00> : vector<10000x64xf32>
    %dot_general3A_50 = tpu.matmul %add3A, %get3A_8, %dot_general3A {dimension_numbers = #tpu.dot_dimension_numbers<[1], [0], [0], [1], [0, 0, 1, 1], [], []>, transpose_lhs_hint = false} : vector<10000x64xf32>, vector<64x64xf32>, vector<10000x64xf32> -> vector<10000x64xf32>
    %add3A_51 = vector.broadcast %get3A_17 : vector<1x64xf32> to vector<10000x64xf32>
    %add3A_52 = arith.addf %dot_general3A_50, %add3A_51 : vector<10000x64xf32>
    %dot_general3A_53 = arith.constant dense<0.000000e+00> : vector<10000x64xf32>
    %dot_general3A_54 = tpu.matmul %get3A_1, %get3A_26, %dot_general3A_53 {dimension_numbers = #tpu.dot_dimension_numbers<[1], [0], [0], [1], [0, 0, 1, 1], [], []>, transpose_lhs_hint = false} : vector<10000x64xf32>, vector<64x64xf32>, vector<10000x64xf32> -> vector<10000x64xf32>
    %add3A_55 = arith.addf %add3A_52, %dot_general3A_54 : vector<10000x64xf32>
    %add3A_56 = vector.broadcast %get3A_35 : vector<1x64xf32> to vector<10000x64xf32>
    %add3A_57 = arith.addf %add3A_55, %add3A_56 : vector<10000x64xf32>
    %logistic3A = arith.negf %add3A_57 : vector<10000x64xf32>
    %logistic3A_58 = math.exp %logistic3A : vector<10000x64xf32>
    %logistic3A_59 = arith.constant 1.000000e+00 : f32
    %logistic3A_60 = vector.broadcast %logistic3A_59 : f32 to vector<10000x64xf32>
    %logistic3A_61 = arith.addf %logistic3A_60, %logistic3A_58 : vector<10000x64xf32>
    %logistic3A_62 = arith.divf %logistic3A_60, %logistic3A_61 : vector<10000x64xf32>
    %dot_general3A_63 = arith.constant dense<0.000000e+00> : vector<10000x64xf32>
    %dot_general3A_64 = tpu.matmul %add3A, %get3A_11, %dot_general3A_63 {dimension_numbers = #tpu.dot_dimension_numbers<[1], [0], [0], [1], [0, 0, 1, 1], [], []>, transpose_lhs_hint = false} : vector<10000x64xf32>, vector<64x64xf32>, vector<10000x64xf32> -> vector<10000x64xf32>
    %add3A_65 = vector.broadcast %get3A_20 : vector<1x64xf32> to vector<10000x64xf32>
    %add3A_66 = arith.addf %dot_general3A_64, %add3A_65 : vector<10000x64xf32>
    %dot_general3A_67 = arith.constant dense<0.000000e+00> : vector<10000x64xf32>
    %dot_general3A_68 = tpu.matmul %get3A_1, %get3A_29, %dot_general3A_67 {dimension_numbers = #tpu.dot_dimension_numbers<[1], [0], [0], [1], [0, 0, 1, 1], [], []>, transpose_lhs_hint = false} : vector<10000x64xf32>, vector<64x64xf32>, vector<10000x64xf32> -> vector<10000x64xf32>
    %add3A_69 = arith.addf %add3A_66, %dot_general3A_68 : vector<10000x64xf32>
    %add3A_70 = vector.broadcast %get3A_38 : vector<1x64xf32> to vector<10000x64xf32>
    %add3A_71 = arith.addf %add3A_69, %add3A_70 : vector<10000x64xf32>
    %logistic3A_72 = arith.negf %add3A_71 : vector<10000x64xf32>
    %logistic3A_73 = math.exp %logistic3A_72 : vector<10000x64xf32>
    %logistic3A_74 = arith.constant 1.000000e+00 : f32
    %logistic3A_75 = vector.broadcast %logistic3A_74 : f32 to vector<10000x64xf32>
    %logistic3A_76 = arith.addf %logistic3A_75, %logistic3A_73 : vector<10000x64xf32>
    %logistic3A_77 = arith.divf %logistic3A_75, %logistic3A_76 : vector<10000x64xf32>
    %dot_general3A_78 = arith.constant dense<0.000000e+00> : vector<10000x64xf32>
    %dot_general3A_79 = tpu.matmul %add3A, %get3A_14, %dot_general3A_78 {dimension_numbers = #tpu.dot_dimension_numbers<[1], [0], [0], [1], [0, 0, 1, 1], [], []>, transpose_lhs_hint = false} : vector<10000x64xf32>, vector<64x64xf32>, vector<10000x64xf32> -> vector<10000x64xf32>
    %add3A_80 = vector.broadcast %get3A_23 : vector<1x64xf32> to vector<10000x64xf32>
    %add3A_81 = arith.addf %dot_general3A_79, %add3A_80 : vector<10000x64xf32>
    %dot_general3A_82 = arith.constant dense<0.000000e+00> : vector<10000x64xf32>
    %dot_general3A_83 = tpu.matmul %get3A_1, %get3A_32, %dot_general3A_82 {dimension_numbers = #tpu.dot_dimension_numbers<[1], [0], [0], [1], [0, 0, 1, 1], [], []>, transpose_lhs_hint = false} : vector<10000x64xf32>, vector<64x64xf32>, vector<10000x64xf32> -> vector<10000x64xf32>
    %add3A_84 = vector.broadcast %get3A_41 : vector<1x64xf32> to vector<10000x64xf32>
    %add3A_85 = arith.addf %dot_general3A_83, %add3A_84 : vector<10000x64xf32>
    %mul3A = arith.mulf %logistic3A_62, %add3A_85 : vector<10000x64xf32>
    %add3A_86 = arith.addf %add3A_81, %mul3A : vector<10000x64xf32>
    %tanh3A = math.tanh %add3A_86 : vector<10000x64xf32>
    %sub3A = arith.constant 1.000000e+00 : f32
    %sub3A_87 = vector.broadcast %sub3A : f32 to vector<10000x64xf32>
    %sub3A_88 = arith.subf %sub3A_87, %logistic3A_77 : vector<10000x64xf32>
    %mul3A_89 = arith.mulf %sub3A_88, %tanh3A : vector<10000x64xf32>
    %mul3A_90 = arith.mulf %logistic3A_77, %get3A_1 : vector<10000x64xf32>
    %add3A_91 = arith.addf %mul3A_89, %mul3A_90 : vector<10000x64xf32>
    %reduce_sum3A = arith.constant dense<0.000000e+00> : vector<64xf32>
    %reduce_sum3A_92 = vector.multi_reduction <add>, %add3A_91, %reduce_sum3A [0] : vector<10000x64xf32> to vector<64xf32>
    %broadcast_in_dim3A = vector.shape_cast %reduce_sum3A_92 : vector<64xf32> to vector<1x64xf32>
    %div3A = arith.constant 1.000000e+04 : f32
    %div3A_93 = vector.broadcast %div3A : f32 to vector<1x64xf32>
    %div3A_94 = arith.divf %broadcast_in_dim3A, %div3A_93 : vector<1x64xf32>
    %sub3A_95 = vector.broadcast %div3A_94 : vector<1x64xf32> to vector<10000x64xf32>
    %sub3A_96 = arith.subf %add3A_91, %sub3A_95 : vector<10000x64xf32>
    %integer_pow3A = arith.mulf %sub3A_96, %sub3A_96 : vector<10000x64xf32>
    %reduce_sum3A_97 = arith.constant dense<0.000000e+00> : vector<64xf32>
    %reduce_sum3A_98 = vector.multi_reduction <add>, %integer_pow3A, %reduce_sum3A_97 [0] : vector<10000x64xf32> to vector<64xf32>
    %broadcast_in_dim3A_99 = vector.shape_cast %reduce_sum3A_98 : vector<64xf32> to vector<1x64xf32>
    %div3A_100 = arith.constant 1.000000e+04 : f32
    %div3A_101 = vector.broadcast %div3A_100 : f32 to vector<1x64xf32>
    %div3A_102 = arith.divf %broadcast_in_dim3A_99, %div3A_101 : vector<1x64xf32>
    %sub3A_103 = vector.broadcast %div3A_94 : vector<1x64xf32> to vector<10000x64xf32>
    %sub3A_104 = arith.subf %add3A_91, %sub3A_103 : vector<10000x64xf32>
    %add3A_105 = arith.constant 9.99999974E-6 : f32
    %add3A_106 = vector.broadcast %add3A_105 : f32 to vector<1x64xf32>
    %add3A_107 = arith.addf %div3A_102, %add3A_106 : vector<1x64xf32>
    %sqrt3A = math.sqrt %add3A_107 : vector<1x64xf32>
    %div3A_108 = vector.broadcast %sqrt3A : vector<1x64xf32> to vector<10000x64xf32>
    %div3A_109 = arith.divf %sub3A_104, %div3A_108 : vector<10000x64xf32>
    %mul3A_110 = vector.broadcast %get3A_44 : vector<1x64xf32> to vector<10000x64xf32>
    %mul3A_111 = arith.mulf %div3A_109, %mul3A_110 : vector<10000x64xf32>
    %add3A_112 = vector.broadcast %get3A_47 : vector<1x64xf32> to vector<10000x64xf32>
    %add3A_113 = arith.addf %mul3A_111, %add3A_112 : vector<10000x64xf32>
    %add3A_114 = arith.addf %add3A_113, %get3A_1 : vector<10000x64xf32>
    %swap3A = arith.constant 0 : index
    %swap3A_115 = arith.constant 0 : index
    %swap3A_116 = vector.load %arg20[%swap3A, %swap3A_115] : memref<10000x64xf32, #tpu.memory_space<vmem>>, vector<10000x64xf32>
    tpu.vector_store %arg20[%swap3A, %swap3A_115], %add3A_114 {strides = array<i32>} : memref<10000x64xf32, #tpu.memory_space<vmem>>, vector<10000x64xf32>,
    %get3A_117 = arith.constant 0 : index
    %get3A_118 = arith.constant 0 : index
    %get3A_119 = vector.load %arg16[%get3A_117, %get3A_118] : memref<64x64xf32, #tpu.memory_space<vmem>>, vector<64x64xf32>
    %dot_general3A_120 = arith.constant dense<0.000000e+00> : vector<10000x64xf32>
    %dot_general3A_121 = tpu.matmul %add3A_114, %get3A_119, %dot_general3A_120 {dimension_numbers = #tpu.dot_dimension_numbers<[1], [0], [0], [1], [0, 0, 1, 1], [], []>, transpose_lhs_hint = false} : vector<10000x64xf32>, vector<64x64xf32>, vector<10000x64xf32> -> vector<10000x64xf32>
    %get3A_122 = arith.constant 0 : index
    %get3A_123 = arith.constant 0 : index
    %get3A_124 = vector.load %arg17[%get3A_122, %get3A_123] : memref<1x64xf32, #tpu.memory_space<vmem>>, vector<1x64xf32>
    %add3A_125 = vector.broadcast %get3A_124 : vector<1x64xf32> to vector<10000x64xf32>
    %add3A_126 = arith.addf %dot_general3A_121, %add3A_125 : vector<10000x64xf32>
    %max3A = arith.constant 0.000000e+00 : f32
    %max3A_127 = vector.broadcast %max3A : f32 to vector<10000x64xf32>
    %max3A_128 = arith.maximumf %add3A_126, %max3A_127 : vector<10000x64xf32>
    %get3A_129 = arith.constant 0 : index
    %get3A_130 = arith.constant 0 : index
    %get3A_131 = vector.load %arg18[%get3A_129, %get3A_130] : memref<64x64xf32, #tpu.memory_space<vmem>>, vector<64x64xf32>
    %dot_general3A_132 = arith.constant dense<0.000000e+00> : vector<10000x64xf32>
    %dot_general3A_133 = tpu.matmul %max3A_128, %get3A_131, %dot_general3A_132 {dimension_numbers = #tpu.dot_dimension_numbers<[1], [0], [0], [1], [0, 0, 1, 1], [], []>, transpose_lhs_hint = false} : vector<10000x64xf32>, vector<64x64xf32>, vector<10000x64xf32> -> vector<10000x64xf32>
    %get3A_134 = arith.constant 0 : index
    %get3A_135 = arith.constant 0 : index
    %get3A_136 = vector.load %arg19[%get3A_134, %get3A_135] : memref<1x64xf32, #tpu.memory_space<vmem>>, vector<1x64xf32>
    %add3A_137 = vector.broadcast %get3A_136 : vector<1x64xf32> to vector<10000x64xf32>
    %add3A_138 = arith.addf %dot_general3A_133, %add3A_137 : vector<10000x64xf32>
    %swap3A_139 = arith.constant 0 : index
    %swap3A_140 = arith.constant 0 : index
    %swap3A_141 = vector.load %arg21[%swap3A_139, %swap3A_140] : memref<10000x64xf32, #tpu.memory_space<vmem>>, vector<10000x64xf32>
    tpu.vector_store %arg21[%swap3A_139, %swap3A_140], %add3A_138 {strides = array<i32>} : memref<10000x64xf32, #tpu.memory_space<vmem>>, vector<10000x64xf32>,
    return
  }
}

module attributes {stable_mosaic.version = 14 : i64} {
  func.func @_tc_last_body(%arg0: memref<10000x64xf32, #tpu.memory_space<vmem>>, %arg1: memref<2x10112x64xf32, #tpu.memory_space<vmem>>, %arg2: memref<64x64xf32, #tpu.memory_space<vmem>>, %arg3: memref<64x64xf32, #tpu.memory_space<vmem>>, %arg4: memref<64x64xf32, #tpu.memory_space<vmem>>, %arg5: memref<1x64xf32, #tpu.memory_space<vmem>>, %arg6: memref<1x64xf32, #tpu.memory_space<vmem>>, %arg7: memref<1x64xf32, #tpu.memory_space<vmem>>, %arg8: memref<64x64xf32, #tpu.memory_space<vmem>>, %arg9: memref<64x64xf32, #tpu.memory_space<vmem>>, %arg10: memref<64x64xf32, #tpu.memory_space<vmem>>, %arg11: memref<1x64xf32, #tpu.memory_space<vmem>>, %arg12: memref<1x64xf32, #tpu.memory_space<vmem>>, %arg13: memref<1x64xf32, #tpu.memory_space<vmem>>, %arg14: memref<1x64xf32, #tpu.memory_space<vmem>>, %arg15: memref<1x64xf32, #tpu.memory_space<vmem>>, %arg16: memref<64x1xf32, #tpu.memory_space<vmem>>, %arg17: memref<1x1xf32, #tpu.memory_space<vmem>>, %arg18: memref<10000x1xf32, #tpu.memory_space<vmem>>) attributes {dimension_semantics = [], scalar_prefetch = 0 : i64, scratch_operands = 0 : i64, tpu.core_type = #tpu.core_type<tc>} {
    %get3A = arith.constant 0 : index
    %get3A_0 = arith.constant 0 : index
    %get3A_1 = vector.load %arg0[%get3A, %get3A_0] : memref<10000x64xf32, #tpu.memory_space<vmem>>, vector<10000x64xf32>
    %get3A_2 = arith.constant 0 : index
    %get3A_3 = arith.constant 0 : index
    %get3A_4 = arith.constant 0 : index
    %get3A_5 = vector.load %arg1[%get3A_2, %get3A_3, %get3A_4] : memref<2x10112x64xf32, #tpu.memory_space<vmem>>, vector<2x10112x64xf32>
    %get3A_6 = arith.constant 0 : index
    %get3A_7 = arith.constant 0 : index
    %get3A_8 = vector.load %arg2[%get3A_6, %get3A_7] : memref<64x64xf32, #tpu.memory_space<vmem>>, vector<64x64xf32>
    %get3A_9 = arith.constant 0 : index
    %get3A_10 = arith.constant 0 : index
    %get3A_11 = vector.load %arg3[%get3A_9, %get3A_10] : memref<64x64xf32, #tpu.memory_space<vmem>>, vector<64x64xf32>
    %get3A_12 = arith.constant 0 : index
    %get3A_13 = arith.constant 0 : index
    %get3A_14 = vector.load %arg4[%get3A_12, %get3A_13] : memref<64x64xf32, #tpu.memory_space<vmem>>, vector<64x64xf32>
    %get3A_15 = arith.constant 0 : index
    %get3A_16 = arith.constant 0 : index
    %get3A_17 = vector.load %arg5[%get3A_15, %get3A_16] : memref<1x64xf32, #tpu.memory_space<vmem>>, vector<1x64xf32>
    %get3A_18 = arith.constant 0 : index
    %get3A_19 = arith.constant 0 : index
    %get3A_20 = vector.load %arg6[%get3A_18, %get3A_19] : memref<1x64xf32, #tpu.memory_space<vmem>>, vector<1x64xf32>
    %get3A_21 = arith.constant 0 : index
    %get3A_22 = arith.constant 0 : index
    %get3A_23 = vector.load %arg7[%get3A_21, %get3A_22] : memref<1x64xf32, #tpu.memory_space<vmem>>, vector<1x64xf32>
    %get3A_24 = arith.constant 0 : index
    %get3A_25 = arith.constant 0 : index
    %get3A_26 = vector.load %arg8[%get3A_24, %get3A_25] : memref<64x64xf32, #tpu.memory_space<vmem>>, vector<64x64xf32>
    %get3A_27 = arith.constant 0 : index
    %get3A_28 = arith.constant 0 : index
    %get3A_29 = vector.load %arg9[%get3A_27, %get3A_28] : memref<64x64xf32, #tpu.memory_space<vmem>>, vector<64x64xf32>
    %get3A_30 = arith.constant 0 : index
    %get3A_31 = arith.constant 0 : index
    %get3A_32 = vector.load %arg10[%get3A_30, %get3A_31] : memref<64x64xf32, #tpu.memory_space<vmem>>, vector<64x64xf32>
    %get3A_33 = arith.constant 0 : index
    %get3A_34 = arith.constant 0 : index
    %get3A_35 = vector.load %arg11[%get3A_33, %get3A_34] : memref<1x64xf32, #tpu.memory_space<vmem>>, vector<1x64xf32>
    %get3A_36 = arith.constant 0 : index
    %get3A_37 = arith.constant 0 : index
    %get3A_38 = vector.load %arg12[%get3A_36, %get3A_37] : memref<1x64xf32, #tpu.memory_space<vmem>>, vector<1x64xf32>
    %get3A_39 = arith.constant 0 : index
    %get3A_40 = arith.constant 0 : index
    %get3A_41 = vector.load %arg13[%get3A_39, %get3A_40] : memref<1x64xf32, #tpu.memory_space<vmem>>, vector<1x64xf32>
    %get3A_42 = arith.constant 0 : index
    %get3A_43 = arith.constant 0 : index
    %get3A_44 = vector.load %arg14[%get3A_42, %get3A_43] : memref<1x64xf32, #tpu.memory_space<vmem>>, vector<1x64xf32>
    %get3A_45 = arith.constant 0 : index
    %get3A_46 = arith.constant 0 : index
    %get3A_47 = vector.load %arg15[%get3A_45, %get3A_46] : memref<1x64xf32, #tpu.memory_space<vmem>>, vector<1x64xf32>
    %slice3A = vector.extract_strided_slice %get3A_5 {offsets = [0, 0, 0], sizes = [1, 10000, 64], strides = [1, 1, 1]} : vector<2x10112x64xf32> to vector<1x10000x64xf32>
    %squeeze3A = vector.shape_cast %slice3A : vector<1x10000x64xf32> to vector<10000x64xf32>
    %slice3A_48 = vector.extract_strided_slice %get3A_5 {offsets = [1, 0, 0], sizes = [1, 10000, 64], strides = [1, 1, 1]} : vector<2x10112x64xf32> to vector<1x10000x64xf32>
    %squeeze3A_49 = vector.shape_cast %slice3A_48 : vector<1x10000x64xf32> to vector<10000x64xf32>
    %add3A = arith.addf %squeeze3A, %squeeze3A_49 : vector<10000x64xf32>
    %dot_general3A = arith.constant dense<0.000000e+00> : vector<10000x64xf32>
    %dot_general3A_50 = tpu.matmul %add3A, %get3A_8, %dot_general3A {dimension_numbers = #tpu.dot_dimension_numbers<[1], [0], [0], [1], [0, 0, 1, 1], [], []>, transpose_lhs_hint = false} : vector<10000x64xf32>, vector<64x64xf32>, vector<10000x64xf32> -> vector<10000x64xf32>
    %add3A_51 = vector.broadcast %get3A_17 : vector<1x64xf32> to vector<10000x64xf32>
    %add3A_52 = arith.addf %dot_general3A_50, %add3A_51 : vector<10000x64xf32>
    %dot_general3A_53 = arith.constant dense<0.000000e+00> : vector<10000x64xf32>
    %dot_general3A_54 = tpu.matmul %get3A_1, %get3A_26, %dot_general3A_53 {dimension_numbers = #tpu.dot_dimension_numbers<[1], [0], [0], [1], [0, 0, 1, 1], [], []>, transpose_lhs_hint = false} : vector<10000x64xf32>, vector<64x64xf32>, vector<10000x64xf32> -> vector<10000x64xf32>
    %add3A_55 = arith.addf %add3A_52, %dot_general3A_54 : vector<10000x64xf32>
    %add3A_56 = vector.broadcast %get3A_35 : vector<1x64xf32> to vector<10000x64xf32>
    %add3A_57 = arith.addf %add3A_55, %add3A_56 : vector<10000x64xf32>
    %logistic3A = arith.negf %add3A_57 : vector<10000x64xf32>
    %logistic3A_58 = math.exp %logistic3A : vector<10000x64xf32>
    %logistic3A_59 = arith.constant 1.000000e+00 : f32
    %logistic3A_60 = vector.broadcast %logistic3A_59 : f32 to vector<10000x64xf32>
    %logistic3A_61 = arith.addf %logistic3A_60, %logistic3A_58 : vector<10000x64xf32>
    %logistic3A_62 = arith.divf %logistic3A_60, %logistic3A_61 : vector<10000x64xf32>
    %dot_general3A_63 = arith.constant dense<0.000000e+00> : vector<10000x64xf32>
    %dot_general3A_64 = tpu.matmul %add3A, %get3A_11, %dot_general3A_63 {dimension_numbers = #tpu.dot_dimension_numbers<[1], [0], [0], [1], [0, 0, 1, 1], [], []>, transpose_lhs_hint = false} : vector<10000x64xf32>, vector<64x64xf32>, vector<10000x64xf32> -> vector<10000x64xf32>
    %add3A_65 = vector.broadcast %get3A_20 : vector<1x64xf32> to vector<10000x64xf32>
    %add3A_66 = arith.addf %dot_general3A_64, %add3A_65 : vector<10000x64xf32>
    %dot_general3A_67 = arith.constant dense<0.000000e+00> : vector<10000x64xf32>
    %dot_general3A_68 = tpu.matmul %get3A_1, %get3A_29, %dot_general3A_67 {dimension_numbers = #tpu.dot_dimension_numbers<[1], [0], [0], [1], [0, 0, 1, 1], [], []>, transpose_lhs_hint = false} : vector<10000x64xf32>, vector<64x64xf32>, vector<10000x64xf32> -> vector<10000x64xf32>
    %add3A_69 = arith.addf %add3A_66, %dot_general3A_68 : vector<10000x64xf32>
    %add3A_70 = vector.broadcast %get3A_38 : vector<1x64xf32> to vector<10000x64xf32>
    %add3A_71 = arith.addf %add3A_69, %add3A_70 : vector<10000x64xf32>
    %logistic3A_72 = arith.negf %add3A_71 : vector<10000x64xf32>
    %logistic3A_73 = math.exp %logistic3A_72 : vector<10000x64xf32>
    %logistic3A_74 = arith.constant 1.000000e+00 : f32
    %logistic3A_75 = vector.broadcast %logistic3A_74 : f32 to vector<10000x64xf32>
    %logistic3A_76 = arith.addf %logistic3A_75, %logistic3A_73 : vector<10000x64xf32>
    %logistic3A_77 = arith.divf %logistic3A_75, %logistic3A_76 : vector<10000x64xf32>
    %dot_general3A_78 = arith.constant dense<0.000000e+00> : vector<10000x64xf32>
    %dot_general3A_79 = tpu.matmul %add3A, %get3A_14, %dot_general3A_78 {dimension_numbers = #tpu.dot_dimension_numbers<[1], [0], [0], [1], [0, 0, 1, 1], [], []>, transpose_lhs_hint = false} : vector<10000x64xf32>, vector<64x64xf32>, vector<10000x64xf32> -> vector<10000x64xf32>
    %add3A_80 = vector.broadcast %get3A_23 : vector<1x64xf32> to vector<10000x64xf32>
    %add3A_81 = arith.addf %dot_general3A_79, %add3A_80 : vector<10000x64xf32>
    %dot_general3A_82 = arith.constant dense<0.000000e+00> : vector<10000x64xf32>
    %dot_general3A_83 = tpu.matmul %get3A_1, %get3A_32, %dot_general3A_82 {dimension_numbers = #tpu.dot_dimension_numbers<[1], [0], [0], [1], [0, 0, 1, 1], [], []>, transpose_lhs_hint = false} : vector<10000x64xf32>, vector<64x64xf32>, vector<10000x64xf32> -> vector<10000x64xf32>
    %add3A_84 = vector.broadcast %get3A_41 : vector<1x64xf32> to vector<10000x64xf32>
    %add3A_85 = arith.addf %dot_general3A_83, %add3A_84 : vector<10000x64xf32>
    %mul3A = arith.mulf %logistic3A_62, %add3A_85 : vector<10000x64xf32>
    %add3A_86 = arith.addf %add3A_81, %mul3A : vector<10000x64xf32>
    %tanh3A = math.tanh %add3A_86 : vector<10000x64xf32>
    %sub3A = arith.constant 1.000000e+00 : f32
    %sub3A_87 = vector.broadcast %sub3A : f32 to vector<10000x64xf32>
    %sub3A_88 = arith.subf %sub3A_87, %logistic3A_77 : vector<10000x64xf32>
    %mul3A_89 = arith.mulf %sub3A_88, %tanh3A : vector<10000x64xf32>
    %mul3A_90 = arith.mulf %logistic3A_77, %get3A_1 : vector<10000x64xf32>
    %add3A_91 = arith.addf %mul3A_89, %mul3A_90 : vector<10000x64xf32>
    %reduce_sum3A = arith.constant dense<0.000000e+00> : vector<64xf32>
    %reduce_sum3A_92 = vector.multi_reduction <add>, %add3A_91, %reduce_sum3A [0] : vector<10000x64xf32> to vector<64xf32>
    %broadcast_in_dim3A = vector.shape_cast %reduce_sum3A_92 : vector<64xf32> to vector<1x64xf32>
    %div3A = arith.constant 1.000000e+04 : f32
    %div3A_93 = vector.broadcast %div3A : f32 to vector<1x64xf32>
    %div3A_94 = arith.divf %broadcast_in_dim3A, %div3A_93 : vector<1x64xf32>
    %sub3A_95 = vector.broadcast %div3A_94 : vector<1x64xf32> to vector<10000x64xf32>
    %sub3A_96 = arith.subf %add3A_91, %sub3A_95 : vector<10000x64xf32>
    %integer_pow3A = arith.mulf %sub3A_96, %sub3A_96 : vector<10000x64xf32>
    %reduce_sum3A_97 = arith.constant dense<0.000000e+00> : vector<64xf32>
    %reduce_sum3A_98 = vector.multi_reduction <add>, %integer_pow3A, %reduce_sum3A_97 [0] : vector<10000x64xf32> to vector<64xf32>
    %broadcast_in_dim3A_99 = vector.shape_cast %reduce_sum3A_98 : vector<64xf32> to vector<1x64xf32>
    %div3A_100 = arith.constant 1.000000e+04 : f32
    %div3A_101 = vector.broadcast %div3A_100 : f32 to vector<1x64xf32>
    %div3A_102 = arith.divf %broadcast_in_dim3A_99, %div3A_101 : vector<1x64xf32>
    %sub3A_103 = vector.broadcast %div3A_94 : vector<1x64xf32> to vector<10000x64xf32>
    %sub3A_104 = arith.subf %add3A_91, %sub3A_103 : vector<10000x64xf32>
    %add3A_105 = arith.constant 9.99999974E-6 : f32
    %add3A_106 = vector.broadcast %add3A_105 : f32 to vector<1x64xf32>
    %add3A_107 = arith.addf %div3A_102, %add3A_106 : vector<1x64xf32>
    %sqrt3A = math.sqrt %add3A_107 : vector<1x64xf32>
    %div3A_108 = vector.broadcast %sqrt3A : vector<1x64xf32> to vector<10000x64xf32>
    %div3A_109 = arith.divf %sub3A_104, %div3A_108 : vector<10000x64xf32>
    %mul3A_110 = vector.broadcast %get3A_44 : vector<1x64xf32> to vector<10000x64xf32>
    %mul3A_111 = arith.mulf %div3A_109, %mul3A_110 : vector<10000x64xf32>
    %add3A_112 = vector.broadcast %get3A_47 : vector<1x64xf32> to vector<10000x64xf32>
    %add3A_113 = arith.addf %mul3A_111, %add3A_112 : vector<10000x64xf32>
    %add3A_114 = arith.addf %add3A_113, %get3A_1 : vector<10000x64xf32>
    %get3A_115 = arith.constant 0 : index
    %get3A_116 = arith.constant 0 : index
    %get3A_117 = vector.load %arg16[%get3A_115, %get3A_116] : memref<64x1xf32, #tpu.memory_space<vmem>>, vector<64x1xf32>
    %dot_general3A_118 = arith.constant dense<0.000000e+00> : vector<10000x1xf32>
    %dot_general3A_119 = tpu.matmul %add3A_114, %get3A_117, %dot_general3A_118 {dimension_numbers = #tpu.dot_dimension_numbers<[1], [0], [0], [1], [0, 0, 1, 1], [], []>, transpose_lhs_hint = false} : vector<10000x64xf32>, vector<64x1xf32>, vector<10000x1xf32> -> vector<10000x1xf32>
    %get3A_120 = arith.constant 0 : index
    %get3A_121 = arith.constant 0 : index
    %get3A_122 = vector.load %arg17[%get3A_120, %get3A_121] : memref<1x1xf32, #tpu.memory_space<vmem>>, vector<1x1xf32>
    %add3A_123 = vector.broadcast %get3A_122 : vector<1x1xf32> to vector<10000x1xf32>
    %add3A_124 = arith.addf %dot_general3A_119, %add3A_123 : vector<10000x1xf32>
    %swap3A = arith.constant 0 : index
    %swap3A_125 = arith.constant 0 : index
    %swap3A_126 = vector.load %arg18[%swap3A, %swap3A_125] : memref<10000x1xf32, #tpu.memory_space<vmem>>, vector<10000x1xf32>
    tpu.vector_store %arg18[%swap3A, %swap3A_125], %add3A_124 {strides = array<i32>} : memref<10000x1xf32, #tpu.memory_space<vmem>>, vector<10000x1xf32>,
    return
  }
}

</mosaic_0001>

<sc_bundles>
// kernel: kernel.11.cloned.1.call-start
scs
__scs_entry_jumppad:
0x0: {  	(pc) =	sbr.rel $0x88, $3  }
0x1: {  	(tag) =	ssettag $0x0;
	lr =	simm.s32 $0x1  }
0x2: {  	[smem:$0x3F73] =	sst lr;
	_ =	strace $0xD0000000  }
0x3: {  	_ = 	snop  }
0x4: {  	_ = 	snop  }
0x5: {  	_ = 	snop  }
0x6: {  	_ = 	snop  }
0x7: {  	_ = 	snop  }
__scs_overlays_trampoline_lowered:
0x8: {  	[smem:$0x3F82] =	sst s0  }
0x9: {  	[smem:$0x3F83] =	sst s1  }
0xa: {  	[smem:$0x3F84] =	sst s2  }
0xb: {  	[smem:$0x3F85] =	sst s3  }
0xc: {  	[smem:$0x3F86] =	sst s4  }
0xd: {  	[smem:$0x3F87] =	sst s5  }
0xe: {  	[smem:$0x3F88] =	sst s6  }
0xf: {  	[smem:$0x3F89] =	sst s7  }
0x10: {  	[smem:$0x3F8A] =	sst s8  }
0x11: {  	[smem:$0x3F8B] =	sst s9;
	s0 =	simm.s32 @!p0 $0x0  }
0x12: {  	s1 =	sld [smem:$0x3F71];
	s0 =	simm.s32 @p0 $0x1  }
0x13: {  	[smem:$0x3F8C] =	sst s0;
	s0 =	simm.s32 @!p1 $0x0  }
0x14: {  	s2 =	sld [smem:$0x3F70];
	s0 =	simm.s32 @p1 $0x1  }
0x15: {  	[smem:$0x3F8D] =	sst s0;
	s0 =	simm.s32 @!p2 $0x0  }
0x16: {  	s3 =	sld [smem:$0x3FDB];
	s0 =	simm.s32 @p2 $0x1  }
0x17: {  	s4 =	simm.s32 $0x1BF5;
	[smem:$0x3F8F] =	sst s0  }
0x18: {  	s0 =	sld [smem:$0x3F72];
	_ =	swait.ge [sflag:s4], $0x0  }
0x19: {  	s7 =	sld [smem:$0x3F73]  }
0x1a: {  	s8 =	sadd.s32 $0xFFFFE003, lr  }
0x1b: {  	s9 =	sadd.s32 $0xFFFFFEF7, lr;
	s5 =	simm.s32 $0xFFFFFFFF;
	p2 =	slt.u32 s8, $0xFFFFF086  }
0x1c: {  	p1 =	slt.u32 s9, $0xF7A;
	s5 =	simm.s32 @!p2 $0x0  }
0x1d: {  	s5 =	simm.s32 @p1 $0x1;
	p0 =	seq.s32 s7, s2  }
0x1e: {  	s7 =	smul.u32 @!p0 $0xF7A, s2;
	p2 =	seq.s32 @!p0 s5, $0x0  }
0x1f: {  	s9 =	smul.u32 $0xF7A, s1;
	s8 =	simm.s32 @!p0 $0x1BF5;
	p2 =	por !p2, p0  }
0x20: {  	[sflag:s8] =	ssyncset.s32 @!p0 $0xFFFFF086;
	s6 =	sadd.s32 @!p0 s3, s7;
	s7 =	simm.s32 @!p0 $0x108  }
0x21: {  	s3 =	sadd.s32 s3, s9;
	s6 =	sadd.s32 @!p0 $0x88, s6;
	s7 =	simm.s32 @p2 $0x1082  }
0x22: {  	[simem:s7], [sflag:s8] =	dma.local @!p0 [hbm:s6], $0xF7A  }
0x23: {  	s9 =	sor.u32 $0xD0000000, s2;
	s6 =	simm.s32 $0x108;
	_ =	swait.ge @!p0 [sflag:s8], $0x0  }
0x24: {  	s3 =	sadd.s32 $0x88, s3;
	s6 =	simm.s32 @!p1 $0x1082;
	[sflag:s4] =	ssyncset.s32 $0xFFFFF086  }
0x25: {  	[simem:s6], [sflag:s4] =	dma.local [hbm:s3], $0xF7A  }
0x26: {  	[smem:$0x3F73] =	sst s1;
	(tag) =	ssettag s2;
	_ =	strace s9  }
0x27: {  	s1 =	sld [smem:$0x3F83]  }
0x28: {  	s2 =	sld [smem:$0x3F84]  }
0x29: {  	s4 =	sld [smem:$0x3F86]  }
0x2a: {  	p0 =	seq.s32 s5, $0x0;
	s5 =	sld [smem:$0x3F87]  }
0x2b: {  	s6 =	sld [smem:$0x3F88]  }
0x2c: {  	s7 =	sld [smem:$0x3F89]  }
0x2d: {  	s3 =	simm.s32 $0x108;
	s8 =	sld [smem:$0x3F8A]  }
0x2e: {  	s3 =	simm.s32 @!p0 $0x1082;
	s9 =	sld [smem:$0x3F8B]  }
0x2f: {  	lr =	sadd.s32 s0, s3;
	s0 =	sld [smem:$0x3F82]  }
0x30: {  	s3 =	sld [smem:$0x3F85]  }
0x31: {  	[smem:$0x3F8E] =	sst s10  }
0x32: {  	s10 =	sld [smem:$0x3F8C];
	_ =	sdelay $0x3  }
0x33: {  	p0 =	seq.s32 s10, $0x1;
	s10 =	sld [smem:$0x3F8E];
	_ =	sdelay $0x3  }
0x34: {  	[smem:$0x3F8E] =	sst s10  }
0x35: {  	s10 =	sld [smem:$0x3F8D];
	_ =	sdelay $0x3  }
0x36: {  	p1 =	seq.s32 s10, $0x1;
	s10 =	sld [smem:$0x3F8E];
	_ =	sdelay $0x3  }
0x37: {  	[smem:$0x3F8E] =	sst s10  }
0x38: {  	s10 =	sld [smem:$0x3F8F]  }
0x39: {  	_ = 	snop;
	(pc) =	sbr.ind lr, $3  }
0x3a: {  	_ = 	snop  }
0x3b: {  	_ = 	snop  }
0x3c: {  	p2 =	seq.s32 s10, $0x1;
	s10 =	sld [smem:$0x3F8E]  }
0x3d: {  	_ =	shalt  }
0x3e: {  	_ =	shalt  }
0x3f: {  	_ =	shalt  }
0x40: {  	_ =	shalt  }
0x41: {  	_ =	shalt  }
0x42: {  	_ =	shalt  }
0x43: {  	_ =	shalt  }
0x44: {  	_ =	shalt  }
0x45: {  	_ =	shalt  }
0x46: {  	_ =	shalt  }
0x47: {  	_ =	shalt  }
0x48: {  	_ =	shalt  }
0x49: {  	_ =	shalt  }
0x4a: {  	_ =	shalt  }
0x4b: {  	_ =	shalt  }
0x4c: {  	_ =	shalt  }
0x4d: {  	_ =	shalt  }
0x4e: {  	_ =	shalt  }
0x4f: {  	_ =	shalt  }
0x50: {  	_ =	shalt  }
0x51: {  	_ =	shalt  }
0x52: {  	_ =	shalt  }
0x53: {  	_ =	shalt  }
0x54: {  	_ =	shalt  }
0x55: {  	_ =	shalt  }
0x56: {  	_ =	shalt  }
0x57: {  	_ =	shalt  }
0x58: {  	_ =	shalt  }
0x59: {  	_ =	shalt  }
0x5a: {  	_ =	shalt  }
0x5b: {  	_ =	shalt  }
0x5c: {  	_ =	shalt  }
0x5d: {  	_ =	shalt  }
0x5e: {  	_ =	shalt  }
0x5f: {  	_ =	shalt  }
0x60: {  	_ =	shalt  }
0x61: {  	_ =	shalt  }
0x62: {  	_ =	shalt  }
0x63: {  	_ =	shalt  }
0x64: {  	_ =	shalt  }
0x65: {  	_ =	shalt  }
0x66: {  	_ =	shalt  }
0x67: {  	_ =	shalt  }
0x68: {  	_ =	shalt  }
0x69: {  	_ =	shalt  }
0x6a: {  	_ =	shalt  }
0x6b: {  	_ =	shalt  }
0x6c: {  	_ =	shalt  }
0x6d: {  	_ =	shalt  }
0x6e: {  	_ =	shalt  }
0x6f: {  	_ =	shalt  }
0x70: {  	_ =	shalt  }
0x71: {  	_ =	shalt  }
0x72: {  	_ =	shalt  }
0x73: {  	_ =	shalt  }
0x74: {  	_ =	shalt  }
0x75: {  	_ =	shalt  }
0x76: {  	_ =	shalt  }
0x77: {  	_ =	shalt  }
0x78: {  	_ =	shalt  }
0x79: {  	_ =	shalt  }
0x7a: {  	_ =	shalt  }
0x7b: {  	_ =	shalt  }
0x7c: {  	_ =	shalt  }
0x7d: {  	_ =	shalt  }
0x7e: {  	_ =	shalt  }
0x7f: {  	_ =	shalt  }
0x80: {  	_ =	shalt  }
0x81: {  	_ =	shalt  }
0x82: {  	_ =	shalt  }
0x83: {  	_ =	shalt  }
0x84: {  	_ =	shalt  }
0x85: {  	_ =	shalt  }
0x86: {  	_ =	shalt  }
0x87: {  	_ =	shalt  }
.Lfunc_end0:
.L_simem_size_0:
called_computation_lowered:
.L_overlay_start_0:
0x88: {  	s2 =	sld [smem:$0x3FD9]  }
0x89: {  	s3 =	sld [smem:$0x3FFE];
	_ =	sdelay $0x1  }
0x8a: {  	s1 =	srdreg.scid  }
0x8b: {  	s0 =	sand.u32 $0x1, s1  }
0x8c: {  	s16 =	sshll.u32 s0, $0xA;
	s2 =	sadd.s32 s3, s2  }
0x8d: {  	s2 =	sadd.s32 s2, s16  }
0x8e: {  	[smem:$0x3F9A] =	sst s2  }
0x8f: {  	_ = 	snop  }
0x90: {  	(tm) =	ssettm $0x1  }
0x91: {  	s17 =	sld [smem:$0x3FFB];
	_ =	sdelay $0x3  }
0x92: {  	_ =	strace s17  }
0x93: {  	s2 =	sld [smem:$0x3FFC];
	_ =	sdelay $0x3  }
0x94: {  	_ =	strace s2  }
0x95: {  	s2 =	sld [smem:$0x3FFD];
	_ =	sdelay $0x3  }
0x96: {  	_ =	strace s2  }
0x97: {  	_ =	strace $0x8FFFFFFF  }
0x98: {  	s18 =	sld [smem:$0x3FDB];
	_ =	sdelay $0x1  }
0x99: {  	s19 =	simm.s32 $_scs_section_size  }
0x9a: {  	s4 =	simm.s32 $_size__tile_overlayer_lowered;
	s5 =	simm.s32 $_tile_overlayer_lowered  }
0x9b: {  	s22 =	simm.s32 $0x1BFF;
	s21 =	sshll.u32 s5, $0x1;
	s2 =	sadd.s32 s19, s18  }
0x9c: {  	s6 =	simm.s32 $0x0;
	s20 =	sshll.u32 s4, $0x1;
	s4 =	sadd.s32 s21, s2  }
0x9d: {  	[timem:s6], [sflag:s22] =	dma.local [hbm:s4], s20  }
0x9e: {  	_ =	swait.ge [sflag:s22], s20  }
0x9f: {  	s3 =	ssub.s32 $0x0, s20;
	[sflag:s22] =	ssyncset.done $0x0  }
0xa0: {  	[sflag:s22] =	ssyncadd.s32 s3;
	_ =	sdelay $0x1  }
0xa1: {  	s23 =	simm.s32 $0x1B8B  }
0xa2: {  	_ =	swait.ge [sflag:s23], $0x1  }
0xa3: {  	[sflag:s23] =	ssyncset.done $0x0  }
0xa4: {  	s25 =	simm.s32 $0x1B8E;
	s24 =	sld [smem:$0x3FFE];
	[sflag:s23] =	ssyncadd.s32 $0xFFFFFFFF  }
0xa5: {  	s26 =	simm.s32 $execute0_lowered;
	[smem:$0x3FD2] =	sst s25  }
0xa6: {  	s4 =	sshll.u32 s26, $0x1;
	_ =	strace $0x80000046;
	[dreg:$0x1] =	wrdreg $0xFFFFFFFF  }
0xa7: {  	s28 =	simm.s32 $_size_execute0_lowered;
	s2 =	sadd.s32 s2, s4;
	[dreg:$0x0] =	wrdreg $0x0  }
0xa8: {  	s4 =	sshll.u32 s28, $0x1;
	[dreg:$0x2] =	wrdreg s2  }
0xa9: {  	[dreg:$0x3] =	wrdreg s4  }
0xaa: {  	[dreg:$0x4] =	wrdreg $0xC0  }
0xab: {  	_ =	task [dreg:s6], $0x5FFFF  }
0xac: {  	[dreg:$0x1] =	wrdreg $0xFFFFFFFF  }
0xad: {  	[dreg:$0x0] =	wrdreg $0x60  }
0xae: {  	[dreg:$0x2] =	wrdreg s24  }
0xaf: {  	[dreg:$0x3] =	wrdreg $0xA0000  }
0xb0: {  	[dreg:$0x4] =	wrdreg $0x13E000  }
0xb1: {  	[dreg:$0x5] =	wrdreg $0x9  }
0xb2: {  	_ =	task.clear_ibuf [dreg:s6], $0x6FFFF;
	_ =	strace $0x90000046  }
0xb3: {  	s29 =	simm.s32 $0x9;
	_ =	strace $0x80000048  }
0xb4: {  	_ =	swait.ge [sflag:s29], $0x1  }
0xb5: {  	[sflag:s29] =	ssyncadd.s32 $0xFFFFFFFF  }
0xb6: {  	_ =	strace $0x90000048  }
0xb7: {  	_ =	sfence  }
0xb8: {  	s30 =	sld [smem:$0x0];
	_ =	sdelay $0x2  }
0xb9: {  	s31 =	sshll.u32 s1, $0xD;
	s1 =	sshrl.u32 s1, $0x2  }
0xba: {  	s3 =	sand.u32 $0x4000, s31;
	s1 =	sadd.s32 s1, s30  }
0xbb: {  	s0 =	sor.u32 s3, s0;
	s1 =	sshll.u32 s1, $0x11  }
0xbc: {  	s0 =	sor.u32 s1, s0  }
0xbd: {  	s0 =	sadd.s32 $0x8F2B, s0  }
0xbe: {  	[sflag:s0] =	ssyncadd.remote.s32 $0x1  }
0xbf: {  	_ =	sfence.sel $0xFFFF  }
0xc0: {  	[dreg:$0x0] =	wrdreg $0xFFFFFFFF;
	(pc) =	sbr.abs _section_cstart, $3  }
0xc1: {  	[dreg:$0x1] =	wrdreg $0xFFFFFFFF  }
0xc2: {  	_ =	task.clear_ibuf [dreg:s6], $0x2FFFF;
	_ =	strace $0x9FFFFFFF  }
0xc3: {  	(tm) =	ssettm $0x7FFFFFFF  }
tec
execute0_lowered:
.L_overlay_start_1:
0x0: {  	(tag) =	ssettag $0x1  }
0x1: {  	s0 =	srdreg.scid;
	s1 =	rddreg [dreg:$0x0]  }
0x2: {  	s15 =	stileid.u32;
	s2 =	rddreg [dreg:$0x1]  }
0x3: {  	s13 =	simm.s32 $0x9;
	s19 =	simm.s32 $0x50;
	s28 =	simm.s32 $0x2  }
0x4: {  	s29 =	simm.s32 $0x5;
	s30 =	simm.s32 $0x3;
	s31 =	simm.s32 $0x6  }
0x5: {  	s0 =	sand.u32 $0x1, s0;
	s8 =	smul.u32 $0x9E00, s15;
	s5 =	sadd.s32 $0x1BC00, s1  }
0x6: {  	s10 =	smul.u32 $0xA000, s15;
	p0 =	seq.s32 s15, $0xF;
	s26 =	sshll.u32 s15, $0x6  }
0x7: {  	s3 =	sshll.u32 s0, $0x4;
	s7 =	smul.u32 $0x9E000, s0;
	s0 =	ssub.s32 $0x2, s0  }
0x8: {  	s4 =	sor.u32 s15, s3;
	s3 =	rddreg [dreg:$0x2];
	s9 =	sshrl.u32 s8, $0x3  }
0x9: {  	s20 =	sshrl.u32 s0, $0x1;
	s22 =	sadd.s32 s8, s2;
	s24 =	sshrl.u32 s10, $0x3  }
0xa: {  	s15 =	sor.u32 $0x1C09, s26;
	s26 =	simm.s32 $0x1;
	s6 =	smul.u32 $0x2800, s4  }
0xb: {  	s4 =	simm.s32 $0x0;
	s7 =	sadd.s32 s8, s7;
	s9 =	sadd.s32 s9, s1  }
0xc: {  	s0 =	ssub.s32 s0, s20;
	s14 =	sadd.s32 s10, s3;
	s25 =	sadd.s32 s5, s24  }
0xd: {  	s17 =	sadd.s32 $0x96000, s3;
	s16 =	sshrl.u32 s22, $0x3;
	s20 =	simm.s32 $0x5000  }
0xe: {  	s22 =	simm.s32 $0x0;
	[smem:$0x7FF] =	sst s4;
	s7 =	sshrl.u32 s7, $0x3  }
0xf: {  	s23 =	sadd.s32 $0x2F600, s9;
	s12 =	smax.u32 s0, $0x1;
	s17 =	sshrl.u32 @p0 s17, $0x3  }
0x10: {  	s18 =	sshrl.u32 @!p0 s14, $0x3;
	s0 =	simm.s32 $0x7;
	s14 =	simm.s32 $0x8  }
0x11: {  	_ =	strace $0x80000047;
	s6 =	sshrl.u32 s6, $0x3;
	[dreg:$0x6] =	wrdreg s23  }
.Ltmp0:
0x12: {  	s11 =	sadd.s32 s7, s1;
	[dreg:$0x7] =	wrdreg s25;
	(pc) =	sbr.rel .LBB2_1-.Ltmp0, $4  }
0x13: {  	s23 =	simm.s32 $0x7800;
	s6 =	sadd.s32 s6, s1;
	s1 =	sadd.s32 $0x2E800, s1  }
0x14: {  	s25 =	simm.s32 $0x8C00;
	s21 =	sadd.s32 $0x7C00, s6;
	[dreg:$0x8] =	wrdreg s1  }
0x15: {  	s11 =	sadd.s32 $0x43200, s11;
	s6 =	sadd.s32 $0x11C00, s6;
	[dreg:$0x4] =	wrdreg s21  }
0x16: {  	s1 =	simm.s32 $0x4;
	[dreg:$0x5] =	wrdreg s6;
	s21 =	simm.s32 $0x6400  }
.LBB2_4:
0x17: {  	_ =	swait.ge [sflag:s29], $0x1400  }
0x18: {  	[sflag:s29] =	ssyncset.done $0x0  }
0x19: {  	[sflag:s29] =	ssyncadd.s32 $0xFFFFEC00  }
0x1a: {  	_ =	swait.ge [sflag:s31], $0x1400  }
0x1b: {  	[sflag:s31] =	ssyncset.done $0x0  }
0x1c: {  	[sflag:s31] =	ssyncadd.s32 $0xFFFFEC00  }
0x1d: {  	_ =	swait.ge [sflag:s0], $0x1400  }
0x1e: {  	[sflag:s0] =	ssyncset.done $0x0  }
0x1f: {  	[sflag:s0] =	ssyncadd.s32 $0xFFFFEC00  }
0x20: {  	_ =	swait.ge [sflag:s14], $0x1400  }
0x21: {  	s22 =	sadd.s32 $0x1, s22;
	[sflag:s14] =	ssyncset.done $0x0  }
0x22: {  	p1 =	sne.s32 s22, s12;
	[sflag:s14] =	ssyncadd.s32 $0xFFFFEC00  }
.Ltmp1:
0x23: {  	[bflag:$0x0] =	sbarrier.arrive $0xFFFF;
	(pc) =	sbr.rel @!p1 .LBB2_5-.Ltmp1, $4  }
0x24: {  	[hbm:s11], [sflag:s15] =	dma.local [spmem:s16], $0x13C0  }
0x25: {  	_ =	swait.ge [sflag:s13], $0x13C0  }
0x26: {  	[sflag:s13] =	ssyncset.done $0x0  }
0x27: {  	[sflag:s13] =	ssyncadd.s32 $0xFFFFEC40  }
.LBB2_1:
0x28: {  	s6 =	rddreg [dreg:$0x4]  }
0x29: {  	[tilespmem:s4], [sflag:$0x9] =	stream.linear.gather [hbm4b:s6+s4], $0x2800, $0x38;
	[tilespmem:$0x1DA40] =	vst v63  }
0x2a: {  	_ =	swait.ge [sflag:s13], $0x2800  }
0x2b: {  	[sflag:s13] =	ssyncset.done $0x0  }
0x2c: {  	s7 =	simm.s32 $0x2800;
	s8 =	rddreg [dreg:$0x5];
	[sflag:s13] =	ssyncadd.s32 $0xFFFFD800  }
0x2d: {  	[tilespmem:s7], [sflag:$0x9] =	stream.linear.gather [hbm4b:s8+s4], $0x2800, $0x38;
	[tilespmem:$0x1DA40] =	vst v63  }
0x2e: {  	_ =	swait.ge [sflag:s13], $0x2800  }
0x2f: {  	[sflag:s13] =	ssyncset.done $0x0  }
0x30: {  	s9 =	rddreg [dreg:$0x6];
	[sflag:s13] =	ssyncadd.s32 $0xFFFFD800  }
0x31: {  	[spmem:s16], [sflag:s15] =	dma.local [hbm:s9], $0x13C0  }
0x32: {  	_ =	swait.ge [sflag:s13], $0x13C0  }
0x33: {  	[sflag:s13] =	ssyncset.done $0x0  }
0x34: {  	s6 =	rddreg [dreg:$0x8];
	[sflag:s13] =	ssyncadd.s32 $0xFFFFEC40  }
0x35: {  	[spmem:s17], [sflag:s15] =	dma.local @p0 [hbm:s6], $0xC80  }
0x36: {  	s6 =	simm.s32 @p0 $0x9  }
0x37: {  	_ =	swait.ge @p0 [sflag:s6], $0xC80  }
0x38: {  	[sflag:s6] =	ssyncset.done @p0 $0x0  }
0x39: {  	[sflag:s6] =	ssyncadd.s32 @p0 $0xFFFFF380;
	s6 =	rddreg [dreg:$0x7]  }
0x3a: {  	[spmem:s18], [sflag:s15] =	dma.local @!p0 [hbm:s6], $0x1400  }
0x3b: {  	s6 =	simm.s32 @!p0 $0x9  }
0x3c: {  	_ =	swait.ge @!p0 [sflag:s6], $0x1400  }
0x3d: {  	[sflag:s6] =	ssyncset.done @!p0 $0x0  }
0x3e: {  	[sflag:s6] =	ssyncadd.s32 @!p0 $0xFFFFEC00  }
0x3f: {  	[bflag:$0x0] =	sbarrier.arrive $0xFFFF  }
0x40: {  	[tilespmem:s20], [sflag:$0x1] =	stream.indirect.gather [hbm4b:s5+s19], $0x40, s4, s19, $0xb8;
	[tilespmem:$0x1DA40] =	vst v63  }
0x41: {  	_ = 	snop  }
0x42: {  	[tilespmem:s21], [sflag:$0x2] =	stream.indirect.gather [hbm4b:s5+s19], $0x40, s19, s19, $0xb8;
	[tilespmem:$0x1DA40] =	vst v63  }
0x43: {  	s10 =	simm.s32 $0xA0  }
0x44: {  	[tilespmem:s23], [sflag:$0x3] =	stream.indirect.gather [hbm4b:s5+s19], $0x40, s10, s19, $0xb8;
	[tilespmem:$0x1DA40] =	vst v63  }
0x45: {  	s24 =	simm.s32 $0xF0  }
0x46: {  	[tilespmem:s25], [sflag:$0x4] =	stream.indirect.gather [hbm4b:s5+s19], $0x40, s24, s19, $0xb8;
	[tilespmem:$0x1DA40] =	vst v63  }
0x47: {  	s24 =	simm.s32 $0x0  }
.LBB2_2:
0x48: {  	_ =	swait.ge [sflag:s26], $0x1400  }
0x49: {  	s6 =	sshra.s32 s24, $0x2;
	[sflag:s26] =	ssyncset.done $0x0  }
0x4a: {  	p1 =	seq.s32 s24, $0x0;
	s7 =	sadd.s32 $0x2800, s6;
	[sflag:s26] =	ssyncadd.s32 $0xFFFFEC00  }
0x4b: {  	[spmem:s2] =	stream.indirect.scatter.add.f32 [tilespmem:s20], [sflag:$0x5], $0x40, s7, s19, $0xb8;
	[tilespmem:$0x1DA40] =	vst v63  }
0x4c: {  	s7 =	simm.s32 @!p1 $0x8  }
0x4d: {  	_ =	swait.ge @!p1 [sflag:s7], $0x1400  }
0x4e: {  	[sflag:s7] =	ssyncset.done @!p1 $0x0  }
0x4f: {  	[sflag:s7] =	ssyncadd.s32 @!p1 $0xFFFFEC00;
	s7 =	sshra.s32 @!p1 s24, $0x2  }
0x50: {  	s8 =	simm.s32 @!p1 $0x50;
	s9 =	simm.s32 @!p1 $0x8C00;
	s7 =	sadd.s32 @!p1 $0xF0, s7  }
0x51: {  	[tilespmem:s9], [sflag:$0x4] =	stream.indirect.gather @!p1 [hbm4b:s5+s8], $0x40, s7, s8, $0xb8;
	[tilespmem:$0x1DA40] =	vst v63  }
0x52: {  	_ =	swait.ge [sflag:s28], $0x1400  }
0x53: {  	[sflag:s28] =	ssyncset.done $0x0  }
0x54: {  	s10 =	sadd.s32 $0x2850, s6;
	[sflag:s28] =	ssyncadd.s32 $0xFFFFEC00  }
0x55: {  	[spmem:s2] =	stream.indirect.scatter.add.f32 [tilespmem:s21], [sflag:$0x6], $0x40, s10, s19, $0xb8;
	[tilespmem:$0x1DA40] =	vst v63  }
0x56: {  	_ =	swait.ge [sflag:s29], $0x1400  }
0x57: {  	[sflag:s29] =	ssyncset.done $0x0  }
0x58: {  	s8 =	sadd.s32 $0x140, s6;
	[sflag:s29] =	ssyncadd.s32 $0xFFFFEC00  }
0x59: {  	[tilespmem:s20], [sflag:$0x1] =	stream.indirect.gather [hbm4b:s5+s19], $0x40, s8, s19, $0xb8;
	[tilespmem:$0x1DA40] =	vst v63  }
0x5a: {  	_ =	swait.ge [sflag:s30], $0x1400  }
0x5b: {  	[sflag:s30] =	ssyncset.done $0x0  }
0x5c: {  	s9 =	sadd.s32 $0x28A0, s6;
	[sflag:s30] =	ssyncadd.s32 $0xFFFFEC00  }
0x5d: {  	[spmem:s2] =	stream.indirect.scatter.add.f32 [tilespmem:s23], [sflag:$0x7], $0x40, s9, s19, $0xb8;
	[tilespmem:$0x1DA40] =	vst v63  }
0x5e: {  	_ =	swait.ge [sflag:s31], $0x1400  }
0x5f: {  	[sflag:s31] =	ssyncset.done $0x0  }
0x60: {  	s10 =	sadd.s32 $0x190, s6;
	[sflag:s31] =	ssyncadd.s32 $0xFFFFEC00  }
0x61: {  	[tilespmem:s21], [sflag:$0x2] =	stream.indirect.gather [spmem:s3], $0x40, s10, s19, $0xb8;
	[tilespmem:$0x1DA40] =	vst v63  }
0x62: {  	_ =	swait.ge [sflag:s1], $0x1400  }
0x63: {  	[sflag:s1] =	ssyncset.done $0x0  }
0x64: {  	s8 =	sadd.s32 $0x28F0, s6;
	[sflag:s1] =	ssyncadd.s32 $0xFFFFEC00  }
0x65: {  	[spmem:s2] =	stream.indirect.scatter.add.f32 [tilespmem:s25], [sflag:$0x8], $0x40, s8, s19, $0xb8;
	[tilespmem:$0x1DA40] =	vst v63  }
0x66: {  	_ =	swait.ge [sflag:s0], $0x1400  }
0x67: {  	[sflag:s0] =	ssyncset.done $0x0  }
0x68: {  	s9 =	sadd.s32 $0x1E0, s6;
	[sflag:s0] =	ssyncadd.s32 $0xFFFFEC00  }
0x69: {  	[tilespmem:s23], [sflag:$0x3] =	stream.indirect.gather [spmem:s3], $0x40, s9, s19, $0xb8;
	[tilespmem:$0x1DA40] =	vst v63  }
0x6a: {  	_ =	swait.ge [sflag:s26], $0x1400  }
0x6b: {  	[sflag:s26] =	ssyncset.done $0x0  }
0x6c: {  	s10 =	sadd.s32 $0x2940, s6;
	[sflag:s26] =	ssyncadd.s32 $0xFFFFEC00  }
0x6d: {  	[spmem:s2] =	stream.indirect.scatter.add.f32 [tilespmem:s20], [sflag:$0x5], $0x40, s10, s19, $0xb8;
	[tilespmem:$0x1DA40] =	vst v63  }
0x6e: {  	_ =	swait.ge [sflag:s14], $0x1400  }
0x6f: {  	[sflag:s14] =	ssyncset.done $0x0  }
0x70: {  	s8 =	sadd.s32 $0x230, s6;
	[sflag:s14] =	ssyncadd.s32 $0xFFFFEC00  }
0x71: {  	[tilespmem:s25], [sflag:$0x4] =	stream.indirect.gather [spmem:s3], $0x40, s8, s19, $0xb8;
	[tilespmem:$0x1DA40] =	vst v63  }
0x72: {  	_ =	swait.ge [sflag:s28], $0x1400  }
0x73: {  	p1 =	seq.s32 s24, $0x9600;
	[sflag:s28] =	ssyncset.done $0x0  }
0x74: {  	s7 =	simm.s32 @p1 $0x3;
	s9 =	sadd.s32 $0x2990, s6;
	[sflag:s28] =	ssyncadd.s32 $0xFFFFEC00  }
0x75: {  	[spmem:s2] =	stream.indirect.scatter.add.f32 [tilespmem:s21], [sflag:$0x6], $0x40, s9, s19, $0xb8;
	[tilespmem:$0x1DA40] =	vst v63  }
0x76: {  	_ =	swait.ge @p1 [sflag:s7], $0x1400  }
0x77: {  	[sflag:s7] =	ssyncset.done @p1 $0x0  }
0x78: {  	[sflag:s7] =	ssyncadd.s32 @p1 $0xFFFFEC00;
	s7 =	sshra.s32 @p1 s24, $0x2  }
0x79: {  	s8 =	simm.s32 @p1 $0x50;
	s9 =	simm.s32 @p1 $0x7800;
	s7 =	sadd.s32 @p1 $0x29E0, s7  }
0x7a: {  	[spmem:s2] =	stream.indirect.scatter.add.f32 @p1 [tilespmem:s9], [sflag:$0x7], $0x40, s7, s8, $0xb8;
	[tilespmem:$0x1DA40] =	vst v63  }
0x7b: {  	s7 =	simm.s32 @!p1 $0x5  }
0x7c: {  	_ =	swait.ge @!p1 [sflag:s7], $0x1400  }
0x7d: {  	[sflag:s7] =	ssyncset.done @!p1 $0x0  }
0x7e: {  	[sflag:s7] =	ssyncadd.s32 @!p1 $0xFFFFEC00;
	s7 =	sshra.s32 @!p1 s24, $0x2  }
0x7f: {  	s10 =	simm.s32 @!p1 $0x5000;
	s9 =	simm.s32 @!p1 $0x50;
	s8 =	sadd.s32 @!p1 $0x280, s7  }
0x80: {  	[tilespmem:s10], [sflag:$0x1] =	stream.indirect.gather @!p1 [hbm4b:s5+s9], $0x40, s8, s9, $0xb8;
	[tilespmem:$0x1DA40] =	vst v63  }
0x81: {  	s8 =	simm.s32 @!p1 $0x3  }
0x82: {  	_ =	swait.ge @!p1 [sflag:s8], $0x1400  }
0x83: {  	[sflag:s8] =	ssyncset.done @!p1 $0x0  }
0x84: {  	s10 =	simm.s32 @!p1 $0x7800;
	[sflag:s8] =	ssyncadd.s32 @!p1 $0xFFFFEC00;
	s8 =	sadd.s32 @!p1 $0x29E0, s7  }
0x85: {  	[spmem:s2] =	stream.indirect.scatter.add.f32 @!p1 [tilespmem:s10], [sflag:$0x7], $0x40, s8, s9, $0xb8;
	[tilespmem:$0x1DA40] =	vst v63  }
0x86: {  	s8 =	simm.s32 @!p1 $0x6  }
0x87: {  	_ =	swait.ge @!p1 [sflag:s8], $0x1400  }
0x88: {  	[sflag:s8] =	ssyncset.done @!p1 $0x0  }
0x89: {  	s7 =	sadd.s32 @!p1 $0x2D0, s7;
	[sflag:s8] =	ssyncadd.s32 @!p1 $0xFFFFEC00;
	s8 =	simm.s32 @!p1 $0x6400  }
0x8a: {  	[tilespmem:s8], [sflag:$0x2] =	stream.indirect.gather @!p1 [hbm4b:s5+s9], $0x40, s7, s9, $0xb8;
	[tilespmem:$0x1DA40] =	vst v63  }
.Ltmp2:
0x8b: {  	_ = 	snop;
	(pc) =	sbr.rel @p1 .LBB2_4-.Ltmp2, $4  }
0x8c: {  	_ =	swait.ge [sflag:s1], $0x1400  }
0x8d: {  	[sflag:s1] =	ssyncset.done $0x0  }
0x8e: {  	s10 =	sadd.s32 $0x2A30, s6;
	[sflag:s1] =	ssyncadd.s32 $0xFFFFEC00  }
0x8f: {  	[spmem:s2] =	stream.indirect.scatter.add.f32 [tilespmem:s25], [sflag:$0x8], $0x40, s10, s19, $0xb8;
	[tilespmem:$0x1DA40] =	vst v63  }
.Ltmp3:
0x90: {  	(pc) =	sbr.rel .LBB2_2-.Ltmp3, $4  }
0x91: {  	_ =	swait.ge [sflag:s0], $0x1400  }
0x92: {  	[sflag:s0] =	ssyncset.done $0x0  }
0x93: {  	s6 =	sadd.s32 $0x320, s6;
	s24 =	sadd.s32 $0xA00, s24;
	[sflag:s0] =	ssyncadd.s32 $0xFFFFEC00  }
0x94: {  	[tilespmem:s23], [sflag:$0x3] =	stream.indirect.gather [hbm4b:s5+s19], $0x40, s6, s19, $0xb8;
	[tilespmem:$0x1DA40] =	vst v63  }
.LBB2_5:
0x95: {  	_ =	sfence.sel $0x180000  }
0x96: {  	[bflag:$0x0] =	sbarrier.arrive $0xFFFF  }
0x97: {  	_ =	strace $0x90000047  }
0x98: {  	s0 =	stileid.u32;
	[bflag:$0x2] =	sbarrier.arrive $0xFFFF  }
0x99: {  	p0 =	sne.s32 s0, $0x0;
	s0 =	rddreg [dreg:$0x3]  }
0x9a: {  	s0 =	sadd.s32 @!p0 $0x100000, s0  }
0x9b: {  	[sflag:s0] =	ssyncadd.tile.s32 @!p0 $0x1;
	_ =	shalt  }
.Lfunc_end2:
_tile_overlayer_lowered:
.L_overlay_start_2:
0x9c: {  	(tag) =	ssettag $0x2  }
0x9d: {  	s0 =	rddreg [dreg:$0x0];
	s2 =	stileid.u32  }
0x9e: {  	s1 =	rddreg [dreg:$0x1];
	p0 =	sne.s32 s2, $0x0  }
0x9f: {  	s3 =	rddreg [dreg:$0x2];
	[bflag:$0x3] =	sbarrier.arrive $0xFFFF;
	s2 =	simm.s32 @!p0 $0x1C09  }
0xa0: {  	[timem:s3], [sflag:s2] =	dma.local @!p0 [hbm:s0], s1  }
0xa1: {  	s0 =	simm.s32 @!p0 $0x9  }
0xa2: {  	_ =	swait.ge @!p0 [sflag:s0], s1  }
0xa3: {  	s1 =	ssub.s32 @!p0 $0x0, s1;
	[sflag:s0] =	ssyncset.done @!p0 $0x0  }
0xa4: {  	[sflag:s0] =	ssyncadd.s32 @!p0 s1  }
0xa5: {  	[bflag:$0x3] =	sbarrier.arrive $0xFFFF  }
0xa6: {  	_ =	shalt  }

// kernel: kernel.14.cloned.1.call-start
scs
__scs_entry_jumppad:
0x0: {  	(pc) =	sbr.rel $0x88, $3  }
0x1: {  	(tag) =	ssettag $0x0;
	lr =	simm.s32 $0x1  }
0x2: {  	[smem:$0x3F73] =	sst lr;
	_ =	strace $0xD0000000  }
0x3: {  	_ = 	snop  }
0x4: {  	_ = 	snop  }
0x5: {  	_ = 	snop  }
0x6: {  	_ = 	snop  }
0x7: {  	_ = 	snop  }
__scs_overlays_trampoline_lowered:
0x8: {  	[smem:$0x3F82] =	sst s0  }
0x9: {  	[smem:$0x3F83] =	sst s1  }
0xa: {  	[smem:$0x3F84] =	sst s2  }
0xb: {  	[smem:$0x3F85] =	sst s3  }
0xc: {  	[smem:$0x3F86] =	sst s4  }
0xd: {  	[smem:$0x3F87] =	sst s5  }
0xe: {  	[smem:$0x3F88] =	sst s6  }
0xf: {  	[smem:$0x3F89] =	sst s7  }
0x10: {  	[smem:$0x3F8A] =	sst s8  }
0x11: {  	[smem:$0x3F8B] =	sst s9;
	s0 =	simm.s32 @!p0 $0x0  }
0x12: {  	s1 =	sld [smem:$0x3F71];
	s0 =	simm.s32 @p0 $0x1  }
0x13: {  	[smem:$0x3F8C] =	sst s0;
	s0 =	simm.s32 @!p1 $0x0  }
0x14: {  	s2 =	sld [smem:$0x3F70];
	s0 =	simm.s32 @p1 $0x1  }
0x15: {  	[smem:$0x3F8D] =	sst s0;
	s0 =	simm.s32 @!p2 $0x0  }
0x16: {  	s3 =	sld [smem:$0x3FDB];
	s0 =	simm.s32 @p2 $0x1  }
0x17: {  	s4 =	simm.s32 $0x1BF5;
	[smem:$0x3F8F] =	sst s0  }
0x18: {  	s0 =	sld [smem:$0x3F72];
	_ =	swait.ge [sflag:s4], $0x0  }
0x19: {  	s7 =	sld [smem:$0x3F73]  }
0x1a: {  	s8 =	sadd.s32 $0xFFFFE003, lr  }
0x1b: {  	s9 =	sadd.s32 $0xFFFFFEF7, lr;
	s5 =	simm.s32 $0xFFFFFFFF;
	p2 =	slt.u32 s8, $0xFFFFF086  }
0x1c: {  	p1 =	slt.u32 s9, $0xF7A;
	s5 =	simm.s32 @!p2 $0x0  }
0x1d: {  	s5 =	simm.s32 @p1 $0x1;
	p0 =	seq.s32 s7, s2  }
0x1e: {  	s7 =	smul.u32 @!p0 $0xF7A, s2;
	p2 =	seq.s32 @!p0 s5, $0x0  }
0x1f: {  	s9 =	smul.u32 $0xF7A, s1;
	s8 =	simm.s32 @!p0 $0x1BF5;
	p2 =	por !p2, p0  }
0x20: {  	[sflag:s8] =	ssyncset.s32 @!p0 $0xFFFFF086;
	s6 =	sadd.s32 @!p0 s3, s7;
	s7 =	simm.s32 @!p0 $0x108  }
0x21: {  	s3 =	sadd.s32 s3, s9;
	s6 =	sadd.s32 @!p0 $0x88, s6;
	s7 =	simm.s32 @p2 $0x1082  }
0x22: {  	[simem:s7], [sflag:s8] =	dma.local @!p0 [hbm:s6], $0xF7A  }
0x23: {  	s9 =	sor.u32 $0xD0000000, s2;
	s6 =	simm.s32 $0x108;
	_ =	swait.ge @!p0 [sflag:s8], $0x0  }
0x24: {  	s3 =	sadd.s32 $0x88, s3;
	s6 =	simm.s32 @!p1 $0x1082;
	[sflag:s4] =	ssyncset.s32 $0xFFFFF086  }
0x25: {  	[simem:s6], [sflag:s4] =	dma.local [hbm:s3], $0xF7A  }
0x26: {  	[smem:$0x3F73] =	sst s1;
	(tag) =	ssettag s2;
	_ =	strace s9  }
0x27: {  	s1 =	sld [smem:$0x3F83]  }
0x28: {  	s2 =	sld [smem:$0x3F84]  }
0x29: {  	s4 =	sld [smem:$0x3F86]  }
0x2a: {  	p0 =	seq.s32 s5, $0x0;
	s5 =	sld [smem:$0x3F87]  }
0x2b: {  	s6 =	sld [smem:$0x3F88]  }
0x2c: {  	s7 =	sld [smem:$0x3F89]  }
0x2d: {  	s3 =	simm.s32 $0x108;
	s8 =	sld [smem:$0x3F8A]  }
0x2e: {  	s3 =	simm.s32 @!p0 $0x1082;
	s9 =	sld [smem:$0x3F8B]  }
0x2f: {  	lr =	sadd.s32 s0, s3;
	s0 =	sld [smem:$0x3F82]  }
0x30: {  	s3 =	sld [smem:$0x3F85]  }
0x31: {  	[smem:$0x3F8E] =	sst s10  }
0x32: {  	s10 =	sld [smem:$0x3F8C];
	_ =	sdelay $0x3  }
0x33: {  	p0 =	seq.s32 s10, $0x1;
	s10 =	sld [smem:$0x3F8E];
	_ =	sdelay $0x3  }
0x34: {  	[smem:$0x3F8E] =	sst s10  }
0x35: {  	s10 =	sld [smem:$0x3F8D];
	_ =	sdelay $0x3  }
0x36: {  	p1 =	seq.s32 s10, $0x1;
	s10 =	sld [smem:$0x3F8E];
	_ =	sdelay $0x3  }
0x37: {  	[smem:$0x3F8E] =	sst s10  }
0x38: {  	s10 =	sld [smem:$0x3F8F]  }
0x39: {  	_ = 	snop;
	(pc) =	sbr.ind lr, $3  }
0x3a: {  	_ = 	snop  }
0x3b: {  	_ = 	snop  }
0x3c: {  	p2 =	seq.s32 s10, $0x1;
	s10 =	sld [smem:$0x3F8E]  }
0x3d: {  	_ =	shalt  }
0x3e: {  	_ =	shalt  }
0x3f: {  	_ =	shalt  }
0x40: {  	_ =	shalt  }
0x41: {  	_ =	shalt  }
0x42: {  	_ =	shalt  }
0x43: {  	_ =	shalt  }
0x44: {  	_ =	shalt  }
0x45: {  	_ =	shalt  }
0x46: {  	_ =	shalt  }
0x47: {  	_ =	shalt  }
0x48: {  	_ =	shalt  }
0x49: {  	_ =	shalt  }
0x4a: {  	_ =	shalt  }
0x4b: {  	_ =	shalt  }
0x4c: {  	_ =	shalt  }
0x4d: {  	_ =	shalt  }
0x4e: {  	_ =	shalt  }
0x4f: {  	_ =	shalt  }
0x50: {  	_ =	shalt  }
0x51: {  	_ =	shalt  }
0x52: {  	_ =	shalt  }
0x53: {  	_ =	shalt  }
0x54: {  	_ =	shalt  }
0x55: {  	_ =	shalt  }
0x56: {  	_ =	shalt  }
0x57: {  	_ =	shalt  }
0x58: {  	_ =	shalt  }
0x59: {  	_ =	shalt  }
0x5a: {  	_ =	shalt  }
0x5b: {  	_ =	shalt  }
0x5c: {  	_ =	shalt  }
0x5d: {  	_ =	shalt  }
0x5e: {  	_ =	shalt  }
0x5f: {  	_ =	shalt  }
0x60: {  	_ =	shalt  }
0x61: {  	_ =	shalt  }
0x62: {  	_ =	shalt  }
0x63: {  	_ =	shalt  }
0x64: {  	_ =	shalt  }
0x65: {  	_ =	shalt  }
0x66: {  	_ =	shalt  }
0x67: {  	_ =	shalt  }
0x68: {  	_ =	shalt  }
0x69: {  	_ =	shalt  }
0x6a: {  	_ =	shalt  }
0x6b: {  	_ =	shalt  }
0x6c: {  	_ =	shalt  }
0x6d: {  	_ =	shalt  }
0x6e: {  	_ =	shalt  }
0x6f: {  	_ =	shalt  }
0x70: {  	_ =	shalt  }
0x71: {  	_ =	shalt  }
0x72: {  	_ =	shalt  }
0x73: {  	_ =	shalt  }
0x74: {  	_ =	shalt  }
0x75: {  	_ =	shalt  }
0x76: {  	_ =	shalt  }
0x77: {  	_ =	shalt  }
0x78: {  	_ =	shalt  }
0x79: {  	_ =	shalt  }
0x7a: {  	_ =	shalt  }
0x7b: {  	_ =	shalt  }
0x7c: {  	_ =	shalt  }
0x7d: {  	_ =	shalt  }
0x7e: {  	_ =	shalt  }
0x7f: {  	_ =	shalt  }
0x80: {  	_ =	shalt  }
0x81: {  	_ =	shalt  }
0x82: {  	_ =	shalt  }
0x83: {  	_ =	shalt  }
0x84: {  	_ =	shalt  }
0x85: {  	_ =	shalt  }
0x86: {  	_ =	shalt  }
0x87: {  	_ =	shalt  }
.Lfunc_end0:
.L_simem_size_0:
called_computation.1_lowered:
.L_overlay_start_0:
0x88: {  	s2 =	sld [smem:$0x3FD9]  }
0x89: {  	s3 =	sld [smem:$0x3FFE];
	_ =	sdelay $0x1  }
0x8a: {  	s1 =	srdreg.scid  }
0x8b: {  	s0 =	sand.u32 $0x1, s1  }
0x8c: {  	s16 =	sshll.u32 s0, $0xA;
	s2 =	sadd.s32 s3, s2  }
0x8d: {  	s2 =	sadd.s32 s2, s16  }
0x8e: {  	[smem:$0x3F9A] =	sst s2  }
0x8f: {  	_ = 	snop  }
0x90: {  	(tm) =	ssettm $0x1  }
0x91: {  	s17 =	sld [smem:$0x3FFB];
	_ =	sdelay $0x3  }
0x92: {  	_ =	strace s17  }
0x93: {  	s2 =	sld [smem:$0x3FFC];
	_ =	sdelay $0x3  }
0x94: {  	_ =	strace s2  }
0x95: {  	s2 =	sld [smem:$0x3FFD];
	_ =	sdelay $0x3  }
0x96: {  	_ =	strace s2  }
0x97: {  	_ =	strace $0x8FFFFFFF  }
0x98: {  	s18 =	sld [smem:$0x3FDB];
	_ =	sdelay $0x1  }
0x99: {  	s19 =	simm.s32 $_scs_section_size  }
0x9a: {  	s4 =	simm.s32 $_size__tile_overlayer_lowered;
	s5 =	simm.s32 $_tile_overlayer_lowered  }
0x9b: {  	s22 =	simm.s32 $0x1BFF;
	s21 =	sshll.u32 s5, $0x1;
	s2 =	sadd.s32 s19, s18  }
0x9c: {  	s6 =	simm.s32 $0x0;
	s20 =	sshll.u32 s4, $0x1;
	s4 =	sadd.s32 s21, s2  }
0x9d: {  	[timem:s6], [sflag:s22] =	dma.local [hbm:s4], s20  }
0x9e: {  	_ =	swait.ge [sflag:s22], s20  }
0x9f: {  	s3 =	ssub.s32 $0x0, s20;
	[sflag:s22] =	ssyncset.done $0x0  }
0xa0: {  	[sflag:s22] =	ssyncadd.s32 s3;
	_ =	sdelay $0x1  }
0xa1: {  	s23 =	simm.s32 $0x1B8B  }
0xa2: {  	_ =	swait.ge [sflag:s23], $0x1  }
0xa3: {  	[sflag:s23] =	ssyncset.done $0x0  }
0xa4: {  	s25 =	simm.s32 $0x1B8E;
	s24 =	sld [smem:$0x3FFE];
	[sflag:s23] =	ssyncadd.s32 $0xFFFFFFFF  }
0xa5: {  	s26 =	simm.s32 $execute0_lowered;
	[smem:$0x3FD2] =	sst s25  }
0xa6: {  	s4 =	sshll.u32 s26, $0x1;
	_ =	strace $0x80000049;
	[dreg:$0x1] =	wrdreg $0xFFFFFFFF  }
0xa7: {  	s28 =	simm.s32 $_size_execute0_lowered;
	s2 =	sadd.s32 s2, s4;
	[dreg:$0x0] =	wrdreg $0x0  }
0xa8: {  	s4 =	sshll.u32 s28, $0x1;
	[dreg:$0x2] =	wrdreg s2  }
0xa9: {  	[dreg:$0x3] =	wrdreg s4  }
0xaa: {  	[dreg:$0x4] =	wrdreg $0xC0  }
0xab: {  	_ =	task [dreg:s6], $0x5FFFF  }
0xac: {  	[dreg:$0x1] =	wrdreg $0xFFFFFFFF  }
0xad: {  	[dreg:$0x0] =	wrdreg $0x60  }
0xae: {  	[dreg:$0x2] =	wrdreg s24  }
0xaf: {  	[dreg:$0x3] =	wrdreg $0xA0000  }
0xb0: {  	[dreg:$0x4] =	wrdreg $0x13E000  }
0xb1: {  	[dreg:$0x5] =	wrdreg $0x9  }
0xb2: {  	_ =	task.clear_ibuf [dreg:s6], $0x6FFFF;
	_ =	strace $0x90000049  }
0xb3: {  	s29 =	simm.s32 $0x9;
	_ =	strace $0x8000004B  }
0xb4: {  	_ =	swait.ge [sflag:s29], $0x1  }
0xb5: {  	[sflag:s29] =	ssyncadd.s32 $0xFFFFFFFF  }
0xb6: {  	_ =	strace $0x9000004B  }
0xb7: {  	_ =	sfence  }
0xb8: {  	s30 =	sld [smem:$0x0];
	_ =	sdelay $0x2  }
0xb9: {  	s31 =	sshll.u32 s1, $0xD;
	s1 =	sshrl.u32 s1, $0x2  }
0xba: {  	s3 =	sand.u32 $0x4000, s31;
	s1 =	sadd.s32 s1, s30  }
0xbb: {  	s0 =	sor.u32 s3, s0;
	s1 =	sshll.u32 s1, $0x11  }
0xbc: {  	s0 =	sor.u32 s1, s0  }
0xbd: {  	s0 =	sadd.s32 $0x8F2B, s0  }
0xbe: {  	[sflag:s0] =	ssyncadd.remote.s32 $0x1  }
0xbf: {  	_ =	sfence.sel $0xFFFF  }
0xc0: {  	[dreg:$0x0] =	wrdreg $0xFFFFFFFF;
	(pc) =	sbr.abs _section_cstart, $3  }
0xc1: {  	[dreg:$0x1] =	wrdreg $0xFFFFFFFF  }
0xc2: {  	_ =	task.clear_ibuf [dreg:s6], $0x2FFFF;
	_ =	strace $0x9FFFFFFF  }
0xc3: {  	(tm) =	ssettm $0x7FFFFFFF  }
tec
execute0_lowered:
.L_overlay_start_1:
0x0: {  	(tag) =	ssettag $0x1  }
0x1: {  	s0 =	srdreg.scid;
	s1 =	rddreg [dreg:$0x0]  }
0x2: {  	s15 =	stileid.u32;
	s2 =	rddreg [dreg:$0x1]  }
0x3: {  	s13 =	simm.s32 $0x9;
	s19 =	simm.s32 $0x50;
	s28 =	simm.s32 $0x2  }
0x4: {  	s29 =	simm.s32 $0x5;
	s30 =	simm.s32 $0x3;
	s31 =	simm.s32 $0x6  }
0x5: {  	s0 =	sand.u32 $0x1, s0;
	s8 =	smul.u32 $0x9E00, s15;
	s5 =	sadd.s32 $0x1BC00, s1  }
0x6: {  	s10 =	smul.u32 $0xA000, s15;
	p0 =	seq.s32 s15, $0xF;
	s26 =	sshll.u32 s15, $0x6  }
0x7: {  	s3 =	sshll.u32 s0, $0x4;
	s7 =	smul.u32 $0x9E000, s0;
	s0 =	ssub.s32 $0x2, s0  }
0x8: {  	s4 =	sor.u32 s15, s3;
	s3 =	rddreg [dreg:$0x2];
	s9 =	sshrl.u32 s8, $0x3  }
0x9: {  	s20 =	sshrl.u32 s0, $0x1;
	s22 =	sadd.s32 s8, s2;
	s24 =	sshrl.u32 s10, $0x3  }
0xa: {  	s15 =	sor.u32 $0x1C09, s26;
	s26 =	simm.s32 $0x1;
	s6 =	smul.u32 $0x2800, s4  }
0xb: {  	s4 =	simm.s32 $0x0;
	s7 =	sadd.s32 s8, s7;
	s9 =	sadd.s32 s9, s1  }
0xc: {  	s0 =	ssub.s32 s0, s20;
	s14 =	sadd.s32 s10, s3;
	s25 =	sadd.s32 s5, s24  }
0xd: {  	s17 =	sadd.s32 $0x96000, s3;
	s16 =	sshrl.u32 s22, $0x3;
	s20 =	simm.s32 $0x5000  }
0xe: {  	s22 =	simm.s32 $0x0;
	[smem:$0x7FF] =	sst s4;
	s7 =	sshrl.u32 s7, $0x3  }
0xf: {  	s23 =	sadd.s32 $0x2F600, s9;
	s12 =	smax.u32 s0, $0x1;
	s17 =	sshrl.u32 @p0 s17, $0x3  }
0x10: {  	s18 =	sshrl.u32 @!p0 s14, $0x3;
	s0 =	simm.s32 $0x7;
	s14 =	simm.s32 $0x8  }
0x11: {  	_ =	strace $0x8000004A;
	s6 =	sshrl.u32 s6, $0x3;
	[dreg:$0x6] =	wrdreg s23  }
.Ltmp0:
0x12: {  	s11 =	sadd.s32 s7, s1;
	[dreg:$0x7] =	wrdreg s25;
	(pc) =	sbr.rel .LBB2_1-.Ltmp0, $4  }
0x13: {  	s23 =	simm.s32 $0x7800;
	s6 =	sadd.s32 s6, s1;
	s1 =	sadd.s32 $0x2E800, s1  }
0x14: {  	s25 =	simm.s32 $0x8C00;
	s21 =	sadd.s32 $0x7C00, s6;
	[dreg:$0x8] =	wrdreg s1  }
0x15: {  	s11 =	sadd.s32 $0x43200, s11;
	s6 =	sadd.s32 $0x11C00, s6;
	[dreg:$0x4] =	wrdreg s21  }
0x16: {  	s1 =	simm.s32 $0x4;
	[dreg:$0x5] =	wrdreg s6;
	s21 =	simm.s32 $0x6400  }
.LBB2_4:
0x17: {  	_ =	swait.ge [sflag:s29], $0x1400  }
0x18: {  	[sflag:s29] =	ssyncset.done $0x0  }
0x19: {  	[sflag:s29] =	ssyncadd.s32 $0xFFFFEC00  }
0x1a: {  	_ =	swait.ge [sflag:s31], $0x1400  }
0x1b: {  	[sflag:s31] =	ssyncset.done $0x0  }
0x1c: {  	[sflag:s31] =	ssyncadd.s32 $0xFFFFEC00  }
0x1d: {  	_ =	swait.ge [sflag:s0], $0x1400  }
0x1e: {  	[sflag:s0] =	ssyncset.done $0x0  }
0x1f: {  	[sflag:s0] =	ssyncadd.s32 $0xFFFFEC00  }
0x20: {  	_ =	swait.ge [sflag:s14], $0x1400  }
0x21: {  	s22 =	sadd.s32 $0x1, s22;
	[sflag:s14] =	ssyncset.done $0x0  }
0x22: {  	p1 =	sne.s32 s22, s12;
	[sflag:s14] =	ssyncadd.s32 $0xFFFFEC00  }
.Ltmp1:
0x23: {  	[bflag:$0x0] =	sbarrier.arrive $0xFFFF;
	(pc) =	sbr.rel @!p1 .LBB2_5-.Ltmp1, $4  }
0x24: {  	[hbm:s11], [sflag:s15] =	dma.local [spmem:s16], $0x13C0  }
0x25: {  	_ =	swait.ge [sflag:s13], $0x13C0  }
0x26: {  	[sflag:s13] =	ssyncset.done $0x0  }
0x27: {  	[sflag:s13] =	ssyncadd.s32 $0xFFFFEC40  }
.LBB2_1:
0x28: {  	s6 =	rddreg [dreg:$0x4]  }
0x29: {  	[tilespmem:s4], [sflag:$0x9] =	stream.linear.gather [hbm4b:s6+s4], $0x2800, $0x38;
	[tilespmem:$0x1DA40] =	vst v63  }
0x2a: {  	_ =	swait.ge [sflag:s13], $0x2800  }
0x2b: {  	[sflag:s13] =	ssyncset.done $0x0  }
0x2c: {  	s7 =	simm.s32 $0x2800;
	s8 =	rddreg [dreg:$0x5];
	[sflag:s13] =	ssyncadd.s32 $0xFFFFD800  }
0x2d: {  	[tilespmem:s7], [sflag:$0x9] =	stream.linear.gather [hbm4b:s8+s4], $0x2800, $0x38;
	[tilespmem:$0x1DA40] =	vst v63  }
0x2e: {  	_ =	swait.ge [sflag:s13], $0x2800  }
0x2f: {  	[sflag:s13] =	ssyncset.done $0x0  }
0x30: {  	s9 =	rddreg [dreg:$0x6];
	[sflag:s13] =	ssyncadd.s32 $0xFFFFD800  }
0x31: {  	[spmem:s16], [sflag:s15] =	dma.local [hbm:s9], $0x13C0  }
0x32: {  	_ =	swait.ge [sflag:s13], $0x13C0  }
0x33: {  	[sflag:s13] =	ssyncset.done $0x0  }
0x34: {  	s6 =	rddreg [dreg:$0x8];
	[sflag:s13] =	ssyncadd.s32 $0xFFFFEC40  }
0x35: {  	[spmem:s17], [sflag:s15] =	dma.local @p0 [hbm:s6], $0xC80  }
0x36: {  	s6 =	simm.s32 @p0 $0x9  }
0x37: {  	_ =	swait.ge @p0 [sflag:s6], $0xC80  }
0x38: {  	[sflag:s6] =	ssyncset.done @p0 $0x0  }
0x39: {  	[sflag:s6] =	ssyncadd.s32 @p0 $0xFFFFF380;
	s6 =	rddreg [dreg:$0x7]  }
0x3a: {  	[spmem:s18], [sflag:s15] =	dma.local @!p0 [hbm:s6], $0x1400  }
0x3b: {  	s6 =	simm.s32 @!p0 $0x9  }
0x3c: {  	_ =	swait.ge @!p0 [sflag:s6], $0x1400  }
0x3d: {  	[sflag:s6] =	ssyncset.done @!p0 $0x0  }
0x3e: {  	[sflag:s6] =	ssyncadd.s32 @!p0 $0xFFFFEC00  }
0x3f: {  	[bflag:$0x0] =	sbarrier.arrive $0xFFFF  }
0x40: {  	[tilespmem:s20], [sflag:$0x1] =	stream.indirect.gather [hbm4b:s5+s19], $0x40, s4, s19, $0xb8;
	[tilespmem:$0x1DA40] =	vst v63  }
0x41: {  	_ = 	snop  }
0x42: {  	[tilespmem:s21], [sflag:$0x2] =	stream.indirect.gather [hbm4b:s5+s19], $0x40, s19, s19, $0xb8;
	[tilespmem:$0x1DA40] =	vst v63  }
0x43: {  	s10 =	simm.s32 $0xA0  }
0x44: {  	[tilespmem:s23], [sflag:$0x3] =	stream.indirect.gather [hbm4b:s5+s19], $0x40, s10, s19, $0xb8;
	[tilespmem:$0x1DA40] =	vst v63  }
0x45: {  	s24 =	simm.s32 $0xF0  }
0x46: {  	[tilespmem:s25], [sflag:$0x4] =	stream.indirect.gather [hbm4b:s5+s19], $0x40, s24, s19, $0xb8;
	[tilespmem:$0x1DA40] =	vst v63  }
0x47: {  	s24 =	simm.s32 $0x0  }
.LBB2_2:
0x48: {  	_ =	swait.ge [sflag:s26], $0x1400  }
0x49: {  	s6 =	sshra.s32 s24, $0x2;
	[sflag:s26] =	ssyncset.done $0x0  }
0x4a: {  	p1 =	seq.s32 s24, $0x0;
	s7 =	sadd.s32 $0x2800, s6;
	[sflag:s26] =	ssyncadd.s32 $0xFFFFEC00  }
0x4b: {  	[spmem:s2] =	stream.indirect.scatter.add.f32 [tilespmem:s20], [sflag:$0x5], $0x40, s7, s19, $0xb8;
	[tilespmem:$0x1DA40] =	vst v63  }
0x4c: {  	s7 =	simm.s32 @!p1 $0x8  }
0x4d: {  	_ =	swait.ge @!p1 [sflag:s7], $0x1400  }
0x4e: {  	[sflag:s7] =	ssyncset.done @!p1 $0x0  }
0x4f: {  	[sflag:s7] =	ssyncadd.s32 @!p1 $0xFFFFEC00;
	s7 =	sshra.s32 @!p1 s24, $0x2  }
0x50: {  	s8 =	simm.s32 @!p1 $0x50;
	s9 =	simm.s32 @!p1 $0x8C00;
	s7 =	sadd.s32 @!p1 $0xF0, s7  }
0x51: {  	[tilespmem:s9], [sflag:$0x4] =	stream.indirect.gather @!p1 [hbm4b:s5+s8], $0x40, s7, s8, $0xb8;
	[tilespmem:$0x1DA40] =	vst v63  }
0x52: {  	_ =	swait.ge [sflag:s28], $0x1400  }
0x53: {  	[sflag:s28] =	ssyncset.done $0x0  }
0x54: {  	s10 =	sadd.s32 $0x2850, s6;
	[sflag:s28] =	ssyncadd.s32 $0xFFFFEC00  }
0x55: {  	[spmem:s2] =	stream.indirect.scatter.add.f32 [tilespmem:s21], [sflag:$0x6], $0x40, s10, s19, $0xb8;
	[tilespmem:$0x1DA40] =	vst v63  }
0x56: {  	_ =	swait.ge [sflag:s29], $0x1400  }
0x57: {  	[sflag:s29] =	ssyncset.done $0x0  }
0x58: {  	s8 =	sadd.s32 $0x140, s6;
	[sflag:s29] =	ssyncadd.s32 $0xFFFFEC00  }
0x59: {  	[tilespmem:s20], [sflag:$0x1] =	stream.indirect.gather [hbm4b:s5+s19], $0x40, s8, s19, $0xb8;
	[tilespmem:$0x1DA40] =	vst v63  }
0x5a: {  	_ =	swait.ge [sflag:s30], $0x1400  }
0x5b: {  	[sflag:s30] =	ssyncset.done $0x0  }
0x5c: {  	s9 =	sadd.s32 $0x28A0, s6;
	[sflag:s30] =	ssyncadd.s32 $0xFFFFEC00  }
0x5d: {  	[spmem:s2] =	stream.indirect.scatter.add.f32 [tilespmem:s23], [sflag:$0x7], $0x40, s9, s19, $0xb8;
	[tilespmem:$0x1DA40] =	vst v63  }
0x5e: {  	_ =	swait.ge [sflag:s31], $0x1400  }
0x5f: {  	[sflag:s31] =	ssyncset.done $0x0  }
0x60: {  	s10 =	sadd.s32 $0x190, s6;
	[sflag:s31] =	ssyncadd.s32 $0xFFFFEC00  }
0x61: {  	[tilespmem:s21], [sflag:$0x2] =	stream.indirect.gather [spmem:s3], $0x40, s10, s19, $0xb8;
	[tilespmem:$0x1DA40] =	vst v63  }
0x62: {  	_ =	swait.ge [sflag:s1], $0x1400  }
0x63: {  	[sflag:s1] =	ssyncset.done $0x0  }
0x64: {  	s8 =	sadd.s32 $0x28F0, s6;
	[sflag:s1] =	ssyncadd.s32 $0xFFFFEC00  }
0x65: {  	[spmem:s2] =	stream.indirect.scatter.add.f32 [tilespmem:s25], [sflag:$0x8], $0x40, s8, s19, $0xb8;
	[tilespmem:$0x1DA40] =	vst v63  }
0x66: {  	_ =	swait.ge [sflag:s0], $0x1400  }
0x67: {  	[sflag:s0] =	ssyncset.done $0x0  }
0x68: {  	s9 =	sadd.s32 $0x1E0, s6;
	[sflag:s0] =	ssyncadd.s32 $0xFFFFEC00  }
0x69: {  	[tilespmem:s23], [sflag:$0x3] =	stream.indirect.gather [spmem:s3], $0x40, s9, s19, $0xb8;
	[tilespmem:$0x1DA40] =	vst v63  }
0x6a: {  	_ =	swait.ge [sflag:s26], $0x1400  }
0x6b: {  	[sflag:s26] =	ssyncset.done $0x0  }
0x6c: {  	s10 =	sadd.s32 $0x2940, s6;
	[sflag:s26] =	ssyncadd.s32 $0xFFFFEC00  }
0x6d: {  	[spmem:s2] =	stream.indirect.scatter.add.f32 [tilespmem:s20], [sflag:$0x5], $0x40, s10, s19, $0xb8;
	[tilespmem:$0x1DA40] =	vst v63  }
0x6e: {  	_ =	swait.ge [sflag:s14], $0x1400  }
0x6f: {  	[sflag:s14] =	ssyncset.done $0x0  }
0x70: {  	s8 =	sadd.s32 $0x230, s6;
	[sflag:s14] =	ssyncadd.s32 $0xFFFFEC00  }
0x71: {  	[tilespmem:s25], [sflag:$0x4] =	stream.indirect.gather [spmem:s3], $0x40, s8, s19, $0xb8;
	[tilespmem:$0x1DA40] =	vst v63  }
0x72: {  	_ =	swait.ge [sflag:s28], $0x1400  }
0x73: {  	p1 =	seq.s32 s24, $0x9600;
	[sflag:s28] =	ssyncset.done $0x0  }
0x74: {  	s7 =	simm.s32 @p1 $0x3;
	s9 =	sadd.s32 $0x2990, s6;
	[sflag:s28] =	ssyncadd.s32 $0xFFFFEC00  }
0x75: {  	[spmem:s2] =	stream.indirect.scatter.add.f32 [tilespmem:s21], [sflag:$0x6], $0x40, s9, s19, $0xb8;
	[tilespmem:$0x1DA40] =	vst v63  }
0x76: {  	_ =	swait.ge @p1 [sflag:s7], $0x1400  }
0x77: {  	[sflag:s7] =	ssyncset.done @p1 $0x0  }
0x78: {  	[sflag:s7] =	ssyncadd.s32 @p1 $0xFFFFEC00;
	s7 =	sshra.s32 @p1 s24, $0x2  }
0x79: {  	s8 =	simm.s32 @p1 $0x50;
	s9 =	simm.s32 @p1 $0x7800;
	s7 =	sadd.s32 @p1 $0x29E0, s7  }
0x7a: {  	[spmem:s2] =	stream.indirect.scatter.add.f32 @p1 [tilespmem:s9], [sflag:$0x7], $0x40, s7, s8, $0xb8;
	[tilespmem:$0x1DA40] =	vst v63  }
0x7b: {  	s7 =	simm.s32 @!p1 $0x5  }
0x7c: {  	_ =	swait.ge @!p1 [sflag:s7], $0x1400  }
0x7d: {  	[sflag:s7] =	ssyncset.done @!p1 $0x0  }
0x7e: {  	[sflag:s7] =	ssyncadd.s32 @!p1 $0xFFFFEC00;
	s7 =	sshra.s32 @!p1 s24, $0x2  }
0x7f: {  	s10 =	simm.s32 @!p1 $0x5000;
	s9 =	simm.s32 @!p1 $0x50;
	s8 =	sadd.s32 @!p1 $0x280, s7  }
0x80: {  	[tilespmem:s10], [sflag:$0x1] =	stream.indirect.gather @!p1 [hbm4b:s5+s9], $0x40, s8, s9, $0xb8;
	[tilespmem:$0x1DA40] =	vst v63  }
0x81: {  	s8 =	simm.s32 @!p1 $0x3  }
0x82: {  	_ =	swait.ge @!p1 [sflag:s8], $0x1400  }
0x83: {  	[sflag:s8] =	ssyncset.done @!p1 $0x0  }
0x84: {  	s10 =	simm.s32 @!p1 $0x7800;
	[sflag:s8] =	ssyncadd.s32 @!p1 $0xFFFFEC00;
	s8 =	sadd.s32 @!p1 $0x29E0, s7  }
0x85: {  	[spmem:s2] =	stream.indirect.scatter.add.f32 @!p1 [tilespmem:s10], [sflag:$0x7], $0x40, s8, s9, $0xb8;
	[tilespmem:$0x1DA40] =	vst v63  }
0x86: {  	s8 =	simm.s32 @!p1 $0x6  }
0x87: {  	_ =	swait.ge @!p1 [sflag:s8], $0x1400  }
0x88: {  	[sflag:s8] =	ssyncset.done @!p1 $0x0  }
0x89: {  	s7 =	sadd.s32 @!p1 $0x2D0, s7;
	[sflag:s8] =	ssyncadd.s32 @!p1 $0xFFFFEC00;
	s8 =	simm.s32 @!p1 $0x6400  }
0x8a: {  	[tilespmem:s8], [sflag:$0x2] =	stream.indirect.gather @!p1 [hbm4b:s5+s9], $0x40, s7, s9, $0xb8;
	[tilespmem:$0x1DA40] =	vst v63  }
.Ltmp2:
0x8b: {  	_ = 	snop;
	(pc) =	sbr.rel @p1 .LBB2_4-.Ltmp2, $4  }
0x8c: {  	_ =	swait.ge [sflag:s1], $0x1400  }
0x8d: {  	[sflag:s1] =	ssyncset.done $0x0  }
0x8e: {  	s10 =	sadd.s32 $0x2A30, s6;
	[sflag:s1] =	ssyncadd.s32 $0xFFFFEC00  }
0x8f: {  	[spmem:s2] =	stream.indirect.scatter.add.f32 [tilespmem:s25], [sflag:$0x8], $0x40, s10, s19, $0xb8;
	[tilespmem:$0x1DA40] =	vst v63  }
.Ltmp3:
0x90: {  	(pc) =	sbr.rel .LBB2_2-.Ltmp3, $4  }
0x91: {  	_ =	swait.ge [sflag:s0], $0x1400  }
0x92: {  	[sflag:s0] =	ssyncset.done $0x0  }
0x93: {  	s6 =	sadd.s32 $0x320, s6;
	s24 =	sadd.s32 $0xA00, s24;
	[sflag:s0] =	ssyncadd.s32 $0xFFFFEC00  }
0x94: {  	[tilespmem:s23], [sflag:$0x3] =	stream.indirect.gather [hbm4b:s5+s19], $0x40, s6, s19, $0xb8;
	[tilespmem:$0x1DA40] =	vst v63  }
.LBB2_5:
0x95: {  	_ =	sfence.sel $0x180000  }
0x96: {  	[bflag:$0x0] =	sbarrier.arrive $0xFFFF  }
0x97: {  	_ =	strace $0x9000004A  }
0x98: {  	s0 =	stileid.u32;
	[bflag:$0x2] =	sbarrier.arrive $0xFFFF  }
0x99: {  	p0 =	sne.s32 s0, $0x0;
	s0 =	rddreg [dreg:$0x3]  }
0x9a: {  	s0 =	sadd.s32 @!p0 $0x100000, s0  }
0x9b: {  	[sflag:s0] =	ssyncadd.tile.s32 @!p0 $0x1;
	_ =	shalt  }
.Lfunc_end2:
_tile_overlayer_lowered:
.L_overlay_start_2:
0x9c: {  	(tag) =	ssettag $0x2  }
0x9d: {  	s0 =	rddreg [dreg:$0x0];
	s2 =	stileid.u32  }
0x9e: {  	s1 =	rddreg [dreg:$0x1];
	p0 =	sne.s32 s2, $0x0  }
0x9f: {  	s3 =	rddreg [dreg:$0x2];
	[bflag:$0x3] =	sbarrier.arrive $0xFFFF;
	s2 =	simm.s32 @!p0 $0x1C09  }
0xa0: {  	[timem:s3], [sflag:s2] =	dma.local @!p0 [hbm:s0], s1  }
0xa1: {  	s0 =	simm.s32 @!p0 $0x9  }
0xa2: {  	_ =	swait.ge @!p0 [sflag:s0], s1  }
0xa3: {  	s1 =	ssub.s32 @!p0 $0x0, s1;
	[sflag:s0] =	ssyncset.done @!p0 $0x0  }
0xa4: {  	[sflag:s0] =	ssyncadd.s32 @!p0 s1  }
0xa5: {  	[bflag:$0x3] =	sbarrier.arrive $0xFFFF  }
0xa6: {  	_ =	shalt  }

// kernel: kernel.17.cloned.1.call-start
scs
__scs_entry_jumppad:
0x0: {  	(pc) =	sbr.rel $0x88, $3  }
0x1: {  	(tag) =	ssettag $0x0;
	lr =	simm.s32 $0x1  }
0x2: {  	[smem:$0x3F73] =	sst lr;
	_ =	strace $0xD0000000  }
0x3: {  	_ = 	snop  }
0x4: {  	_ = 	snop  }
0x5: {  	_ = 	snop  }
0x6: {  	_ = 	snop  }
0x7: {  	_ = 	snop  }
__scs_overlays_trampoline_lowered:
0x8: {  	[smem:$0x3F82] =	sst s0  }
0x9: {  	[smem:$0x3F83] =	sst s1  }
0xa: {  	[smem:$0x3F84] =	sst s2  }
0xb: {  	[smem:$0x3F85] =	sst s3  }
0xc: {  	[smem:$0x3F86] =	sst s4  }
0xd: {  	[smem:$0x3F87] =	sst s5  }
0xe: {  	[smem:$0x3F88] =	sst s6  }
0xf: {  	[smem:$0x3F89] =	sst s7  }
0x10: {  	[smem:$0x3F8A] =	sst s8  }
0x11: {  	[smem:$0x3F8B] =	sst s9;
	s0 =	simm.s32 @!p0 $0x0  }
0x12: {  	s1 =	sld [smem:$0x3F71];
	s0 =	simm.s32 @p0 $0x1  }
0x13: {  	[smem:$0x3F8C] =	sst s0;
	s0 =	simm.s32 @!p1 $0x0  }
0x14: {  	s2 =	sld [smem:$0x3F70];
	s0 =	simm.s32 @p1 $0x1  }
0x15: {  	[smem:$0x3F8D] =	sst s0;
	s0 =	simm.s32 @!p2 $0x0  }
0x16: {  	s3 =	sld [smem:$0x3FDB];
	s0 =	simm.s32 @p2 $0x1  }
0x17: {  	s4 =	simm.s32 $0x1BF5;
	[smem:$0x3F8F] =	sst s0  }
0x18: {  	s0 =	sld [smem:$0x3F72];
	_ =	swait.ge [sflag:s4], $0x0  }
0x19: {  	s7 =	sld [smem:$0x3F73]  }
0x1a: {  	s8 =	sadd.s32 $0xFFFFE003, lr  }
0x1b: {  	s9 =	sadd.s32 $0xFFFFFEF7, lr;
	s5 =	simm.s32 $0xFFFFFFFF;
	p2 =	slt.u32 s8, $0xFFFFF086  }
0x1c: {  	p1 =	slt.u32 s9, $0xF7A;
	s5 =	simm.s32 @!p2 $0x0  }
0x1d: {  	s5 =	simm.s32 @p1 $0x1;
	p0 =	seq.s32 s7, s2  }
0x1e: {  	s7 =	smul.u32 @!p0 $0xF7A, s2;
	p2 =	seq.s32 @!p0 s5, $0x0  }
0x1f: {  	s9 =	smul.u32 $0xF7A, s1;
	s8 =	simm.s32 @!p0 $0x1BF5;
	p2 =	por !p2, p0  }
0x20: {  	[sflag:s8] =	ssyncset.s32 @!p0 $0xFFFFF086;
	s6 =	sadd.s32 @!p0 s3, s7;
	s7 =	simm.s32 @!p0 $0x108  }
0x21: {  	s3 =	sadd.s32 s3, s9;
	s6 =	sadd.s32 @!p0 $0x88, s6;
	s7 =	simm.s32 @p2 $0x1082  }
0x22: {  	[simem:s7], [sflag:s8] =	dma.local @!p0 [hbm:s6], $0xF7A  }
0x23: {  	s9 =	sor.u32 $0xD0000000, s2;
	s6 =	simm.s32 $0x108;
	_ =	swait.ge @!p0 [sflag:s8], $0x0  }
0x24: {  	s3 =	sadd.s32 $0x88, s3;
	s6 =	simm.s32 @!p1 $0x1082;
	[sflag:s4] =	ssyncset.s32 $0xFFFFF086  }
0x25: {  	[simem:s6], [sflag:s4] =	dma.local [hbm:s3], $0xF7A  }
0x26: {  	[smem:$0x3F73] =	sst s1;
	(tag) =	ssettag s2;
	_ =	strace s9  }
0x27: {  	s1 =	sld [smem:$0x3F83]  }
0x28: {  	s2 =	sld [smem:$0x3F84]  }
0x29: {  	s4 =	sld [smem:$0x3F86]  }
0x2a: {  	p0 =	seq.s32 s5, $0x0;
	s5 =	sld [smem:$0x3F87]  }
0x2b: {  	s6 =	sld [smem:$0x3F88]  }
0x2c: {  	s7 =	sld [smem:$0x3F89]  }
0x2d: {  	s3 =	simm.s32 $0x108;
	s8 =	sld [smem:$0x3F8A]  }
0x2e: {  	s3 =	simm.s32 @!p0 $0x1082;
	s9 =	sld [smem:$0x3F8B]  }
0x2f: {  	lr =	sadd.s32 s0, s3;
	s0 =	sld [smem:$0x3F82]  }
0x30: {  	s3 =	sld [smem:$0x3F85]  }
0x31: {  	[smem:$0x3F8E] =	sst s10  }
0x32: {  	s10 =	sld [smem:$0x3F8C];
	_ =	sdelay $0x3  }
0x33: {  	p0 =	seq.s32 s10, $0x1;
	s10 =	sld [smem:$0x3F8E];
	_ =	sdelay $0x3  }
0x34: {  	[smem:$0x3F8E] =	sst s10  }
0x35: {  	s10 =	sld [smem:$0x3F8D];
	_ =	sdelay $0x3  }
0x36: {  	p1 =	seq.s32 s10, $0x1;
	s10 =	sld [smem:$0x3F8E];
	_ =	sdelay $0x3  }
0x37: {  	[smem:$0x3F8E] =	sst s10  }
0x38: {  	s10 =	sld [smem:$0x3F8F]  }
0x39: {  	_ = 	snop;
	(pc) =	sbr.ind lr, $3  }
0x3a: {  	_ = 	snop  }
0x3b: {  	_ = 	snop  }
0x3c: {  	p2 =	seq.s32 s10, $0x1;
	s10 =	sld [smem:$0x3F8E]  }
0x3d: {  	_ =	shalt  }
0x3e: {  	_ =	shalt  }
0x3f: {  	_ =	shalt  }
0x40: {  	_ =	shalt  }
0x41: {  	_ =	shalt  }
0x42: {  	_ =	shalt  }
0x43: {  	_ =	shalt  }
0x44: {  	_ =	shalt  }
0x45: {  	_ =	shalt  }
0x46: {  	_ =	shalt  }
0x47: {  	_ =	shalt  }
0x48: {  	_ =	shalt  }
0x49: {  	_ =	shalt  }
0x4a: {  	_ =	shalt  }
0x4b: {  	_ =	shalt  }
0x4c: {  	_ =	shalt  }
0x4d: {  	_ =	shalt  }
0x4e: {  	_ =	shalt  }
0x4f: {  	_ =	shalt  }
0x50: {  	_ =	shalt  }
0x51: {  	_ =	shalt  }
0x52: {  	_ =	shalt  }
0x53: {  	_ =	shalt  }
0x54: {  	_ =	shalt  }
0x55: {  	_ =	shalt  }
0x56: {  	_ =	shalt  }
0x57: {  	_ =	shalt  }
0x58: {  	_ =	shalt  }
0x59: {  	_ =	shalt  }
0x5a: {  	_ =	shalt  }
0x5b: {  	_ =	shalt  }
0x5c: {  	_ =	shalt  }
0x5d: {  	_ =	shalt  }
0x5e: {  	_ =	shalt  }
0x5f: {  	_ =	shalt  }
0x60: {  	_ =	shalt  }
0x61: {  	_ =	shalt  }
0x62: {  	_ =	shalt  }
0x63: {  	_ =	shalt  }
0x64: {  	_ =	shalt  }
0x65: {  	_ =	shalt  }
0x66: {  	_ =	shalt  }
0x67: {  	_ =	shalt  }
0x68: {  	_ =	shalt  }
0x69: {  	_ =	shalt  }
0x6a: {  	_ =	shalt  }
0x6b: {  	_ =	shalt  }
0x6c: {  	_ =	shalt  }
0x6d: {  	_ =	shalt  }
0x6e: {  	_ =	shalt  }
0x6f: {  	_ =	shalt  }
0x70: {  	_ =	shalt  }
0x71: {  	_ =	shalt  }
0x72: {  	_ =	shalt  }
0x73: {  	_ =	shalt  }
0x74: {  	_ =	shalt  }
0x75: {  	_ =	shalt  }
0x76: {  	_ =	shalt  }
0x77: {  	_ =	shalt  }
0x78: {  	_ =	shalt  }
0x79: {  	_ =	shalt  }
0x7a: {  	_ =	shalt  }
0x7b: {  	_ =	shalt  }
0x7c: {  	_ =	shalt  }
0x7d: {  	_ =	shalt  }
0x7e: {  	_ =	shalt  }
0x7f: {  	_ =	shalt  }
0x80: {  	_ =	shalt  }
0x81: {  	_ =	shalt  }
0x82: {  	_ =	shalt  }
0x83: {  	_ =	shalt  }
0x84: {  	_ =	shalt  }
0x85: {  	_ =	shalt  }
0x86: {  	_ =	shalt  }
0x87: {  	_ =	shalt  }
.Lfunc_end0:
.L_simem_size_0:
called_computation.2_lowered:
.L_overlay_start_0:
0x88: {  	s2 =	sld [smem:$0x3FD9]  }
0x89: {  	s3 =	sld [smem:$0x3FFE];
	_ =	sdelay $0x1  }
0x8a: {  	s1 =	srdreg.scid  }
0x8b: {  	s0 =	sand.u32 $0x1, s1  }
0x8c: {  	s16 =	sshll.u32 s0, $0xA;
	s2 =	sadd.s32 s3, s2  }
0x8d: {  	s2 =	sadd.s32 s2, s16  }
0x8e: {  	[smem:$0x3F9A] =	sst s2  }
0x8f: {  	_ = 	snop  }
0x90: {  	(tm) =	ssettm $0x1  }
0x91: {  	s17 =	sld [smem:$0x3FFB];
	_ =	sdelay $0x3  }
0x92: {  	_ =	strace s17  }
0x93: {  	s2 =	sld [smem:$0x3FFC];
	_ =	sdelay $0x3  }
0x94: {  	_ =	strace s2  }
0x95: {  	s2 =	sld [smem:$0x3FFD];
	_ =	sdelay $0x3  }
0x96: {  	_ =	strace s2  }
0x97: {  	_ =	strace $0x8FFFFFFF  }
0x98: {  	s18 =	sld [smem:$0x3FDB];
	_ =	sdelay $0x1  }
0x99: {  	s19 =	simm.s32 $_scs_section_size  }
0x9a: {  	s4 =	simm.s32 $_size__tile_overlayer_lowered;
	s5 =	simm.s32 $_tile_overlayer_lowered  }
0x9b: {  	s22 =	simm.s32 $0x1BFF;
	s21 =	sshll.u32 s5, $0x1;
	s2 =	sadd.s32 s19, s18  }
0x9c: {  	s6 =	simm.s32 $0x0;
	s20 =	sshll.u32 s4, $0x1;
	s4 =	sadd.s32 s21, s2  }
0x9d: {  	[timem:s6], [sflag:s22] =	dma.local [hbm:s4], s20  }
0x9e: {  	_ =	swait.ge [sflag:s22], s20  }
0x9f: {  	s3 =	ssub.s32 $0x0, s20;
	[sflag:s22] =	ssyncset.done $0x0  }
0xa0: {  	[sflag:s22] =	ssyncadd.s32 s3;
	_ =	sdelay $0x1  }
0xa1: {  	s23 =	simm.s32 $0x1B8B  }
0xa2: {  	_ =	swait.ge [sflag:s23], $0x1  }
0xa3: {  	[sflag:s23] =	ssyncset.done $0x0  }
0xa4: {  	s25 =	simm.s32 $0x1B8E;
	s24 =	sld [smem:$0x3FFE];
	[sflag:s23] =	ssyncadd.s32 $0xFFFFFFFF  }
0xa5: {  	s26 =	simm.s32 $execute0_lowered;
	[smem:$0x3FD2] =	sst s25  }
0xa6: {  	s4 =	sshll.u32 s26, $0x1;
	_ =	strace $0x8000004C;
	[dreg:$0x1] =	wrdreg $0xFFFFFFFF  }
0xa7: {  	s28 =	simm.s32 $_size_execute0_lowered;
	s2 =	sadd.s32 s2, s4;
	[dreg:$0x0] =	wrdreg $0x0  }
0xa8: {  	s4 =	sshll.u32 s28, $0x1;
	[dreg:$0x2] =	wrdreg s2  }
0xa9: {  	[dreg:$0x3] =	wrdreg s4  }
0xaa: {  	[dreg:$0x4] =	wrdreg $0xC0  }
0xab: {  	_ =	task [dreg:s6], $0x5FFFF  }
0xac: {  	[dreg:$0x1] =	wrdreg $0xFFFFFFFF  }
0xad: {  	[dreg:$0x0] =	wrdreg $0x60  }
0xae: {  	[dreg:$0x2] =	wrdreg s24  }
0xaf: {  	[dreg:$0x3] =	wrdreg $0xA0000  }
0xb0: {  	[dreg:$0x4] =	wrdreg $0x13E000  }
0xb1: {  	[dreg:$0x5] =	wrdreg $0x9  }
0xb2: {  	_ =	task.clear_ibuf [dreg:s6], $0x6FFFF;
	_ =	strace $0x9000004C  }
0xb3: {  	s29 =	simm.s32 $0x9;
	_ =	strace $0x8000004E  }
0xb4: {  	_ =	swait.ge [sflag:s29], $0x1  }
0xb5: {  	[sflag:s29] =	ssyncadd.s32 $0xFFFFFFFF  }
0xb6: {  	_ =	strace $0x9000004E  }
0xb7: {  	_ =	sfence  }
0xb8: {  	s30 =	sld [smem:$0x0];
	_ =	sdelay $0x2  }
0xb9: {  	s31 =	sshll.u32 s1, $0xD;
	s1 =	sshrl.u32 s1, $0x2  }
0xba: {  	s3 =	sand.u32 $0x4000, s31;
	s1 =	sadd.s32 s1, s30  }
0xbb: {  	s0 =	sor.u32 s3, s0;
	s1 =	sshll.u32 s1, $0x11  }
0xbc: {  	s0 =	sor.u32 s1, s0  }
0xbd: {  	s0 =	sadd.s32 $0x8F2B, s0  }
0xbe: {  	[sflag:s0] =	ssyncadd.remote.s32 $0x1  }
0xbf: {  	_ =	sfence.sel $0xFFFF  }
0xc0: {  	[dreg:$0x0] =	wrdreg $0xFFFFFFFF;
	(pc) =	sbr.abs _section_cstart, $3  }
0xc1: {  	[dreg:$0x1] =	wrdreg $0xFFFFFFFF  }
0xc2: {  	_ =	task.clear_ibuf [dreg:s6], $0x2FFFF;
	_ =	strace $0x9FFFFFFF  }
0xc3: {  	(tm) =	ssettm $0x7FFFFFFF  }
tec
execute0_lowered:
.L_overlay_start_1:
0x0: {  	(tag) =	ssettag $0x1  }
0x1: {  	s0 =	srdreg.scid;
	s1 =	rddreg [dreg:$0x0]  }
0x2: {  	s15 =	stileid.u32;
	s2 =	rddreg [dreg:$0x1]  }
0x3: {  	s13 =	simm.s32 $0x9;
	s19 =	simm.s32 $0x50;
	s28 =	simm.s32 $0x2  }
0x4: {  	s29 =	simm.s32 $0x5;
	s30 =	simm.s32 $0x3;
	s31 =	simm.s32 $0x6  }
0x5: {  	s0 =	sand.u32 $0x1, s0;
	s8 =	smul.u32 $0x9E00, s15;
	s5 =	sadd.s32 $0x1BC00, s1  }
0x6: {  	s10 =	smul.u32 $0xA000, s15;
	p0 =	seq.s32 s15, $0xF;
	s26 =	sshll.u32 s15, $0x6  }
0x7: {  	s3 =	sshll.u32 s0, $0x4;
	s7 =	smul.u32 $0x9E000, s0;
	s0 =	ssub.s32 $0x2, s0  }
0x8: {  	s4 =	sor.u32 s15, s3;
	s3 =	rddreg [dreg:$0x2];
	s9 =	sshrl.u32 s8, $0x3  }
0x9: {  	s20 =	sshrl.u32 s0, $0x1;
	s22 =	sadd.s32 s8, s2;
	s24 =	sshrl.u32 s10, $0x3  }
0xa: {  	s15 =	sor.u32 $0x1C09, s26;
	s26 =	simm.s32 $0x1;
	s6 =	smul.u32 $0x2800, s4  }
0xb: {  	s4 =	simm.s32 $0x0;
	s7 =	sadd.s32 s8, s7;
	s9 =	sadd.s32 s9, s1  }
0xc: {  	s0 =	ssub.s32 s0, s20;
	s14 =	sadd.s32 s10, s3;
	s25 =	sadd.s32 s5, s24  }
0xd: {  	s17 =	sadd.s32 $0x96000, s3;
	s16 =	sshrl.u32 s22, $0x3;
	s20 =	simm.s32 $0x5000  }
0xe: {  	s22 =	simm.s32 $0x0;
	[smem:$0x7FF] =	sst s4;
	s7 =	sshrl.u32 s7, $0x3  }
0xf: {  	s23 =	sadd.s32 $0x2F600, s9;
	s12 =	smax.u32 s0, $0x1;
	s17 =	sshrl.u32 @p0 s17, $0x3  }
0x10: {  	s18 =	sshrl.u32 @!p0 s14, $0x3;
	s0 =	simm.s32 $0x7;
	s14 =	simm.s32 $0x8  }
0x11: {  	_ =	strace $0x8000004D;
	s6 =	sshrl.u32 s6, $0x3;
	[dreg:$0x6] =	wrdreg s23  }
.Ltmp0:
0x12: {  	s11 =	sadd.s32 s7, s1;
	[dreg:$0x7] =	wrdreg s25;
	(pc) =	sbr.rel .LBB2_1-.Ltmp0, $4  }
0x13: {  	s23 =	simm.s32 $0x7800;
	s6 =	sadd.s32 s6, s1;
	s1 =	sadd.s32 $0x2E800, s1  }
0x14: {  	s25 =	simm.s32 $0x8C00;
	s21 =	sadd.s32 $0x7C00, s6;
	[dreg:$0x8] =	wrdreg s1  }
0x15: {  	s11 =	sadd.s32 $0x43200, s11;
	s6 =	sadd.s32 $0x11C00, s6;
	[dreg:$0x4] =	wrdreg s21  }
0x16: {  	s1 =	simm.s32 $0x4;
	[dreg:$0x5] =	wrdreg s6;
	s21 =	simm.s32 $0x6400  }
.LBB2_4:
0x17: {  	_ =	swait.ge [sflag:s29], $0x1400  }
0x18: {  	[sflag:s29] =	ssyncset.done $0x0  }
0x19: {  	[sflag:s29] =	ssyncadd.s32 $0xFFFFEC00  }
0x1a: {  	_ =	swait.ge [sflag:s31], $0x1400  }
0x1b: {  	[sflag:s31] =	ssyncset.done $0x0  }
0x1c: {  	[sflag:s31] =	ssyncadd.s32 $0xFFFFEC00  }
0x1d: {  	_ =	swait.ge [sflag:s0], $0x1400  }
0x1e: {  	[sflag:s0] =	ssyncset.done $0x0  }
0x1f: {  	[sflag:s0] =	ssyncadd.s32 $0xFFFFEC00  }
0x20: {  	_ =	swait.ge [sflag:s14], $0x1400  }
0x21: {  	s22 =	sadd.s32 $0x1, s22;
	[sflag:s14] =	ssyncset.done $0x0  }
0x22: {  	p1 =	sne.s32 s22, s12;
	[sflag:s14] =	ssyncadd.s32 $0xFFFFEC00  }
.Ltmp1:
0x23: {  	[bflag:$0x0] =	sbarrier.arrive $0xFFFF;
	(pc) =	sbr.rel @!p1 .LBB2_5-.Ltmp1, $4  }
0x24: {  	[hbm:s11], [sflag:s15] =	dma.local [spmem:s16], $0x13C0  }
0x25: {  	_ =	swait.ge [sflag:s13], $0x13C0  }
0x26: {  	[sflag:s13] =	ssyncset.done $0x0  }
0x27: {  	[sflag:s13] =	ssyncadd.s32 $0xFFFFEC40  }
.LBB2_1:
0x28: {  	s6 =	rddreg [dreg:$0x4]  }
0x29: {  	[tilespmem:s4], [sflag:$0x9] =	stream.linear.gather [hbm4b:s6+s4], $0x2800, $0x38;
	[tilespmem:$0x1DA40] =	vst v63  }
0x2a: {  	_ =	swait.ge [sflag:s13], $0x2800  }
0x2b: {  	[sflag:s13] =	ssyncset.done $0x0  }
0x2c: {  	s7 =	simm.s32 $0x2800;
	s8 =	rddreg [dreg:$0x5];
	[sflag:s13] =	ssyncadd.s32 $0xFFFFD800  }
0x2d: {  	[tilespmem:s7], [sflag:$0x9] =	stream.linear.gather [hbm4b:s8+s4], $0x2800, $0x38;
	[tilespmem:$0x1DA40] =	vst v63  }
0x2e: {  	_ =	swait.ge [sflag:s13], $0x2800  }
0x2f: {  	[sflag:s13] =	ssyncset.done $0x0  }
0x30: {  	s9 =	rddreg [dreg:$0x6];
	[sflag:s13] =	ssyncadd.s32 $0xFFFFD800  }
0x31: {  	[spmem:s16], [sflag:s15] =	dma.local [hbm:s9], $0x13C0  }
0x32: {  	_ =	swait.ge [sflag:s13], $0x13C0  }
0x33: {  	[sflag:s13] =	ssyncset.done $0x0  }
0x34: {  	s6 =	rddreg [dreg:$0x8];
	[sflag:s13] =	ssyncadd.s32 $0xFFFFEC40  }
0x35: {  	[spmem:s17], [sflag:s15] =	dma.local @p0 [hbm:s6], $0xC80  }
0x36: {  	s6 =	simm.s32 @p0 $0x9  }
0x37: {  	_ =	swait.ge @p0 [sflag:s6], $0xC80  }
0x38: {  	[sflag:s6] =	ssyncset.done @p0 $0x0  }
0x39: {  	[sflag:s6] =	ssyncadd.s32 @p0 $0xFFFFF380;
	s6 =	rddreg [dreg:$0x7]  }
0x3a: {  	[spmem:s18], [sflag:s15] =	dma.local @!p0 [hbm:s6], $0x1400  }
0x3b: {  	s6 =	simm.s32 @!p0 $0x9  }
0x3c: {  	_ =	swait.ge @!p0 [sflag:s6], $0x1400  }
0x3d: {  	[sflag:s6] =	ssyncset.done @!p0 $0x0  }
0x3e: {  	[sflag:s6] =	ssyncadd.s32 @!p0 $0xFFFFEC00  }
0x3f: {  	[bflag:$0x0] =	sbarrier.arrive $0xFFFF  }
0x40: {  	[tilespmem:s20], [sflag:$0x1] =	stream.indirect.gather [hbm4b:s5+s19], $0x40, s4, s19, $0xb8;
	[tilespmem:$0x1DA40] =	vst v63  }
0x41: {  	_ = 	snop  }
0x42: {  	[tilespmem:s21], [sflag:$0x2] =	stream.indirect.gather [hbm4b:s5+s19], $0x40, s19, s19, $0xb8;
	[tilespmem:$0x1DA40] =	vst v63  }
0x43: {  	s10 =	simm.s32 $0xA0  }
0x44: {  	[tilespmem:s23], [sflag:$0x3] =	stream.indirect.gather [hbm4b:s5+s19], $0x40, s10, s19, $0xb8;
	[tilespmem:$0x1DA40] =	vst v63  }
0x45: {  	s24 =	simm.s32 $0xF0  }
0x46: {  	[tilespmem:s25], [sflag:$0x4] =	stream.indirect.gather [hbm4b:s5+s19], $0x40, s24, s19, $0xb8;
	[tilespmem:$0x1DA40] =	vst v63  }
0x47: {  	s24 =	simm.s32 $0x0  }
.LBB2_2:
0x48: {  	_ =	swait.ge [sflag:s26], $0x1400  }
0x49: {  	s6 =	sshra.s32 s24, $0x2;
	[sflag:s26] =	ssyncset.done $0x0  }
0x4a: {  	p1 =	seq.s32 s24, $0x0;
	s7 =	sadd.s32 $0x2800, s6;
	[sflag:s26] =	ssyncadd.s32 $0xFFFFEC00  }
0x4b: {  	[spmem:s2] =	stream.indirect.scatter.add.f32 [tilespmem:s20], [sflag:$0x5], $0x40, s7, s19, $0xb8;
	[tilespmem:$0x1DA40] =	vst v63  }
0x4c: {  	s7 =	simm.s32 @!p1 $0x8  }
0x4d: {  	_ =	swait.ge @!p1 [sflag:s7], $0x1400  }
0x4e: {  	[sflag:s7] =	ssyncset.done @!p1 $0x0  }
0x4f: {  	[sflag:s7] =	ssyncadd.s32 @!p1 $0xFFFFEC00;
	s7 =	sshra.s32 @!p1 s24, $0x2  }
0x50: {  	s8 =	simm.s32 @!p1 $0x50;
	s9 =	simm.s32 @!p1 $0x8C00;
	s7 =	sadd.s32 @!p1 $0xF0, s7  }
0x51: {  	[tilespmem:s9], [sflag:$0x4] =	stream.indirect.gather @!p1 [hbm4b:s5+s8], $0x40, s7, s8, $0xb8;
	[tilespmem:$0x1DA40] =	vst v63  }
0x52: {  	_ =	swait.ge [sflag:s28], $0x1400  }
0x53: {  	[sflag:s28] =	ssyncset.done $0x0  }
0x54: {  	s10 =	sadd.s32 $0x2850, s6;
	[sflag:s28] =	ssyncadd.s32 $0xFFFFEC00  }
0x55: {  	[spmem:s2] =	stream.indirect.scatter.add.f32 [tilespmem:s21], [sflag:$0x6], $0x40, s10, s19, $0xb8;
	[tilespmem:$0x1DA40] =	vst v63  }
0x56: {  	_ =	swait.ge [sflag:s29], $0x1400  }
0x57: {  	[sflag:s29] =	ssyncset.done $0x0  }
0x58: {  	s8 =	sadd.s32 $0x140, s6;
	[sflag:s29] =	ssyncadd.s32 $0xFFFFEC00  }
0x59: {  	[tilespmem:s20], [sflag:$0x1] =	stream.indirect.gather [hbm4b:s5+s19], $0x40, s8, s19, $0xb8;
	[tilespmem:$0x1DA40] =	vst v63  }
0x5a: {  	_ =	swait.ge [sflag:s30], $0x1400  }
0x5b: {  	[sflag:s30] =	ssyncset.done $0x0  }
0x5c: {  	s9 =	sadd.s32 $0x28A0, s6;
	[sflag:s30] =	ssyncadd.s32 $0xFFFFEC00  }
0x5d: {  	[spmem:s2] =	stream.indirect.scatter.add.f32 [tilespmem:s23], [sflag:$0x7], $0x40, s9, s19, $0xb8;
	[tilespmem:$0x1DA40] =	vst v63  }
0x5e: {  	_ =	swait.ge [sflag:s31], $0x1400  }
0x5f: {  	[sflag:s31] =	ssyncset.done $0x0  }
0x60: {  	s10 =	sadd.s32 $0x190, s6;
	[sflag:s31] =	ssyncadd.s32 $0xFFFFEC00  }
0x61: {  	[tilespmem:s21], [sflag:$0x2] =	stream.indirect.gather [spmem:s3], $0x40, s10, s19, $0xb8;
	[tilespmem:$0x1DA40] =	vst v63  }
0x62: {  	_ =	swait.ge [sflag:s1], $0x1400  }
0x63: {  	[sflag:s1] =	ssyncset.done $0x0  }
0x64: {  	s8 =	sadd.s32 $0x28F0, s6;
	[sflag:s1] =	ssyncadd.s32 $0xFFFFEC00  }
0x65: {  	[spmem:s2] =	stream.indirect.scatter.add.f32 [tilespmem:s25], [sflag:$0x8], $0x40, s8, s19, $0xb8;
	[tilespmem:$0x1DA40] =	vst v63  }
0x66: {  	_ =	swait.ge [sflag:s0], $0x1400  }
0x67: {  	[sflag:s0] =	ssyncset.done $0x0  }
0x68: {  	s9 =	sadd.s32 $0x1E0, s6;
	[sflag:s0] =	ssyncadd.s32 $0xFFFFEC00  }
0x69: {  	[tilespmem:s23], [sflag:$0x3] =	stream.indirect.gather [spmem:s3], $0x40, s9, s19, $0xb8;
	[tilespmem:$0x1DA40] =	vst v63  }
0x6a: {  	_ =	swait.ge [sflag:s26], $0x1400  }
0x6b: {  	[sflag:s26] =	ssyncset.done $0x0  }
0x6c: {  	s10 =	sadd.s32 $0x2940, s6;
	[sflag:s26] =	ssyncadd.s32 $0xFFFFEC00  }
0x6d: {  	[spmem:s2] =	stream.indirect.scatter.add.f32 [tilespmem:s20], [sflag:$0x5], $0x40, s10, s19, $0xb8;
	[tilespmem:$0x1DA40] =	vst v63  }
0x6e: {  	_ =	swait.ge [sflag:s14], $0x1400  }
0x6f: {  	[sflag:s14] =	ssyncset.done $0x0  }
0x70: {  	s8 =	sadd.s32 $0x230, s6;
	[sflag:s14] =	ssyncadd.s32 $0xFFFFEC00  }
0x71: {  	[tilespmem:s25], [sflag:$0x4] =	stream.indirect.gather [spmem:s3], $0x40, s8, s19, $0xb8;
	[tilespmem:$0x1DA40] =	vst v63  }
0x72: {  	_ =	swait.ge [sflag:s28], $0x1400  }
0x73: {  	p1 =	seq.s32 s24, $0x9600;
	[sflag:s28] =	ssyncset.done $0x0  }
0x74: {  	s7 =	simm.s32 @p1 $0x3;
	s9 =	sadd.s32 $0x2990, s6;
	[sflag:s28] =	ssyncadd.s32 $0xFFFFEC00  }
0x75: {  	[spmem:s2] =	stream.indirect.scatter.add.f32 [tilespmem:s21], [sflag:$0x6], $0x40, s9, s19, $0xb8;
	[tilespmem:$0x1DA40] =	vst v63  }
0x76: {  	_ =	swait.ge @p1 [sflag:s7], $0x1400  }
0x77: {  	[sflag:s7] =	ssyncset.done @p1 $0x0  }
0x78: {  	[sflag:s7] =	ssyncadd.s32 @p1 $0xFFFFEC00;
	s7 =	sshra.s32 @p1 s24, $0x2  }
0x79: {  	s8 =	simm.s32 @p1 $0x50;
	s9 =	simm.s32 @p1 $0x7800;
	s7 =	sadd.s32 @p1 $0x29E0, s7  }
0x7a: {  	[spmem:s2] =	stream.indirect.scatter.add.f32 @p1 [tilespmem:s9], [sflag:$0x7], $0x40, s7, s8, $0xb8;
	[tilespmem:$0x1DA40] =	vst v63  }
0x7b: {  	s7 =	simm.s32 @!p1 $0x5  }
0x7c: {  	_ =	swait.ge @!p1 [sflag:s7], $0x1400  }
0x7d: {  	[sflag:s7] =	ssyncset.done @!p1 $0x0  }
0x7e: {  	[sflag:s7] =	ssyncadd.s32 @!p1 $0xFFFFEC00;
	s7 =	sshra.s32 @!p1 s24, $0x2  }
0x7f: {  	s10 =	simm.s32 @!p1 $0x5000;
	s9 =	simm.s32 @!p1 $0x50;
	s8 =	sadd.s32 @!p1 $0x280, s7  }
0x80: {  	[tilespmem:s10], [sflag:$0x1] =	stream.indirect.gather @!p1 [hbm4b:s5+s9], $0x40, s8, s9, $0xb8;
	[tilespmem:$0x1DA40] =	vst v63  }
0x81: {  	s8 =	simm.s32 @!p1 $0x3  }
0x82: {  	_ =	swait.ge @!p1 [sflag:s8], $0x1400  }
0x83: {  	[sflag:s8] =	ssyncset.done @!p1 $0x0  }
0x84: {  	s10 =	simm.s32 @!p1 $0x7800;
	[sflag:s8] =	ssyncadd.s32 @!p1 $0xFFFFEC00;
	s8 =	sadd.s32 @!p1 $0x29E0, s7  }
0x85: {  	[spmem:s2] =	stream.indirect.scatter.add.f32 @!p1 [tilespmem:s10], [sflag:$0x7], $0x40, s8, s9, $0xb8;
	[tilespmem:$0x1DA40] =	vst v63  }
0x86: {  	s8 =	simm.s32 @!p1 $0x6  }
0x87: {  	_ =	swait.ge @!p1 [sflag:s8], $0x1400  }
0x88: {  	[sflag:s8] =	ssyncset.done @!p1 $0x0  }
0x89: {  	s7 =	sadd.s32 @!p1 $0x2D0, s7;
	[sflag:s8] =	ssyncadd.s32 @!p1 $0xFFFFEC00;
	s8 =	simm.s32 @!p1 $0x6400  }
0x8a: {  	[tilespmem:s8], [sflag:$0x2] =	stream.indirect.gather @!p1 [hbm4b:s5+s9], $0x40, s7, s9, $0xb8;
	[tilespmem:$0x1DA40] =	vst v63  }
.Ltmp2:
0x8b: {  	_ = 	snop;
	(pc) =	sbr.rel @p1 .LBB2_4-.Ltmp2, $4  }
0x8c: {  	_ =	swait.ge [sflag:s1], $0x1400  }
0x8d: {  	[sflag:s1] =	ssyncset.done $0x0  }
0x8e: {  	s10 =	sadd.s32 $0x2A30, s6;
	[sflag:s1] =	ssyncadd.s32 $0xFFFFEC00  }
0x8f: {  	[spmem:s2] =	stream.indirect.scatter.add.f32 [tilespmem:s25], [sflag:$0x8], $0x40, s10, s19, $0xb8;
	[tilespmem:$0x1DA40] =	vst v63  }
.Ltmp3:
0x90: {  	(pc) =	sbr.rel .LBB2_2-.Ltmp3, $4  }
0x91: {  	_ =	swait.ge [sflag:s0], $0x1400  }
0x92: {  	[sflag:s0] =	ssyncset.done $0x0  }
0x93: {  	s6 =	sadd.s32 $0x320, s6;
	s24 =	sadd.s32 $0xA00, s24;
	[sflag:s0] =	ssyncadd.s32 $0xFFFFEC00  }
0x94: {  	[tilespmem:s23], [sflag:$0x3] =	stream.indirect.gather [hbm4b:s5+s19], $0x40, s6, s19, $0xb8;
	[tilespmem:$0x1DA40] =	vst v63  }
.LBB2_5:
0x95: {  	_ =	sfence.sel $0x180000  }
0x96: {  	[bflag:$0x0] =	sbarrier.arrive $0xFFFF  }
0x97: {  	_ =	strace $0x9000004D  }
0x98: {  	s0 =	stileid.u32;
	[bflag:$0x2] =	sbarrier.arrive $0xFFFF  }
0x99: {  	p0 =	sne.s32 s0, $0x0;
	s0 =	rddreg [dreg:$0x3]  }
0x9a: {  	s0 =	sadd.s32 @!p0 $0x100000, s0  }
0x9b: {  	[sflag:s0] =	ssyncadd.tile.s32 @!p0 $0x1;
	_ =	shalt  }
.Lfunc_end2:
_tile_overlayer_lowered:
.L_overlay_start_2:
0x9c: {  	(tag) =	ssettag $0x2  }
0x9d: {  	s0 =	rddreg [dreg:$0x0];
	s2 =	stileid.u32  }
0x9e: {  	s1 =	rddreg [dreg:$0x1];
	p0 =	sne.s32 s2, $0x0  }
0x9f: {  	s3 =	rddreg [dreg:$0x2];
	[bflag:$0x3] =	sbarrier.arrive $0xFFFF;
	s2 =	simm.s32 @!p0 $0x1C09  }
0xa0: {  	[timem:s3], [sflag:s2] =	dma.local @!p0 [hbm:s0], s1  }
0xa1: {  	s0 =	simm.s32 @!p0 $0x9  }
0xa2: {  	_ =	swait.ge @!p0 [sflag:s0], s1  }
0xa3: {  	s1 =	ssub.s32 @!p0 $0x0, s1;
	[sflag:s0] =	ssyncset.done @!p0 $0x0  }
0xa4: {  	[sflag:s0] =	ssyncadd.s32 @!p0 s1  }
0xa5: {  	[bflag:$0x3] =	sbarrier.arrive $0xFFFF  }
0xa6: {  	_ =	shalt  }

// kernel: kernel.20.cloned.1.call-start
scs
__scs_entry_jumppad:
0x0: {  	(pc) =	sbr.rel $0x88, $3  }
0x1: {  	(tag) =	ssettag $0x0;
	lr =	simm.s32 $0x1  }
0x2: {  	[smem:$0x3F73] =	sst lr;
	_ =	strace $0xD0000000  }
0x3: {  	_ = 	snop  }
0x4: {  	_ = 	snop  }
0x5: {  	_ = 	snop  }
0x6: {  	_ = 	snop  }
0x7: {  	_ = 	snop  }
__scs_overlays_trampoline_lowered:
0x8: {  	[smem:$0x3F82] =	sst s0  }
0x9: {  	[smem:$0x3F83] =	sst s1  }
0xa: {  	[smem:$0x3F84] =	sst s2  }
0xb: {  	[smem:$0x3F85] =	sst s3  }
0xc: {  	[smem:$0x3F86] =	sst s4  }
0xd: {  	[smem:$0x3F87] =	sst s5  }
0xe: {  	[smem:$0x3F88] =	sst s6  }
0xf: {  	[smem:$0x3F89] =	sst s7  }
0x10: {  	[smem:$0x3F8A] =	sst s8  }
0x11: {  	[smem:$0x3F8B] =	sst s9;
	s0 =	simm.s32 @!p0 $0x0  }
0x12: {  	s1 =	sld [smem:$0x3F71];
	s0 =	simm.s32 @p0 $0x1  }
0x13: {  	[smem:$0x3F8C] =	sst s0;
	s0 =	simm.s32 @!p1 $0x0  }
0x14: {  	s2 =	sld [smem:$0x3F70];
	s0 =	simm.s32 @p1 $0x1  }
0x15: {  	[smem:$0x3F8D] =	sst s0;
	s0 =	simm.s32 @!p2 $0x0  }
0x16: {  	s3 =	sld [smem:$0x3FDB];
	s0 =	simm.s32 @p2 $0x1  }
0x17: {  	s4 =	simm.s32 $0x1BF5;
	[smem:$0x3F8F] =	sst s0  }
0x18: {  	s0 =	sld [smem:$0x3F72];
	_ =	swait.ge [sflag:s4], $0x0  }
0x19: {  	s7 =	sld [smem:$0x3F73]  }
0x1a: {  	s8 =	sadd.s32 $0xFFFFE003, lr  }
0x1b: {  	s9 =	sadd.s32 $0xFFFFFEF7, lr;
	s5 =	simm.s32 $0xFFFFFFFF;
	p2 =	slt.u32 s8, $0xFFFFF086  }
0x1c: {  	p1 =	slt.u32 s9, $0xF7A;
	s5 =	simm.s32 @!p2 $0x0  }
0x1d: {  	s5 =	simm.s32 @p1 $0x1;
	p0 =	seq.s32 s7, s2  }
0x1e: {  	s7 =	smul.u32 @!p0 $0xF7A, s2;
	p2 =	seq.s32 @!p0 s5, $0x0  }
0x1f: {  	s9 =	smul.u32 $0xF7A, s1;
	s8 =	simm.s32 @!p0 $0x1BF5;
	p2 =	por !p2, p0  }
0x20: {  	[sflag:s8] =	ssyncset.s32 @!p0 $0xFFFFF086;
	s6 =	sadd.s32 @!p0 s3, s7;
	s7 =	simm.s32 @!p0 $0x108  }
0x21: {  	s3 =	sadd.s32 s3, s9;
	s6 =	sadd.s32 @!p0 $0x88, s6;
	s7 =	simm.s32 @p2 $0x1082  }
0x22: {  	[simem:s7], [sflag:s8] =	dma.local @!p0 [hbm:s6], $0xF7A  }
0x23: {  	s9 =	sor.u32 $0xD0000000, s2;
	s6 =	simm.s32 $0x108;
	_ =	swait.ge @!p0 [sflag:s8], $0x0  }
0x24: {  	s3 =	sadd.s32 $0x88, s3;
	s6 =	simm.s32 @!p1 $0x1082;
	[sflag:s4] =	ssyncset.s32 $0xFFFFF086  }
0x25: {  	[simem:s6], [sflag:s4] =	dma.local [hbm:s3], $0xF7A  }
0x26: {  	[smem:$0x3F73] =	sst s1;
	(tag) =	ssettag s2;
	_ =	strace s9  }
0x27: {  	s1 =	sld [smem:$0x3F83]  }
0x28: {  	s2 =	sld [smem:$0x3F84]  }
0x29: {  	s4 =	sld [smem:$0x3F86]  }
0x2a: {  	p0 =	seq.s32 s5, $0x0;
	s5 =	sld [smem:$0x3F87]  }
0x2b: {  	s6 =	sld [smem:$0x3F88]  }
0x2c: {  	s7 =	sld [smem:$0x3F89]  }
0x2d: {  	s3 =	simm.s32 $0x108;
	s8 =	sld [smem:$0x3F8A]  }
0x2e: {  	s3 =	simm.s32 @!p0 $0x1082;
	s9 =	sld [smem:$0x3F8B]  }
0x2f: {  	lr =	sadd.s32 s0, s3;
	s0 =	sld [smem:$0x3F82]  }
0x30: {  	s3 =	sld [smem:$0x3F85]  }
0x31: {  	[smem:$0x3F8E] =	sst s10  }
0x32: {  	s10 =	sld [smem:$0x3F8C];
	_ =	sdelay $0x3  }
0x33: {  	p0 =	seq.s32 s10, $0x1;
	s10 =	sld [smem:$0x3F8E];
	_ =	sdelay $0x3  }
0x34: {  	[smem:$0x3F8E] =	sst s10  }
0x35: {  	s10 =	sld [smem:$0x3F8D];
	_ =	sdelay $0x3  }
0x36: {  	p1 =	seq.s32 s10, $0x1;
	s10 =	sld [smem:$0x3F8E];
	_ =	sdelay $0x3  }
0x37: {  	[smem:$0x3F8E] =	sst s10  }
0x38: {  	s10 =	sld [smem:$0x3F8F]  }
0x39: {  	_ = 	snop;
	(pc) =	sbr.ind lr, $3  }
0x3a: {  	_ = 	snop  }
0x3b: {  	_ = 	snop  }
0x3c: {  	p2 =	seq.s32 s10, $0x1;
	s10 =	sld [smem:$0x3F8E]  }
0x3d: {  	_ =	shalt  }
0x3e: {  	_ =	shalt  }
0x3f: {  	_ =	shalt  }
0x40: {  	_ =	shalt  }
0x41: {  	_ =	shalt  }
0x42: {  	_ =	shalt  }
0x43: {  	_ =	shalt  }
0x44: {  	_ =	shalt  }
0x45: {  	_ =	shalt  }
0x46: {  	_ =	shalt  }
0x47: {  	_ =	shalt  }
0x48: {  	_ =	shalt  }
0x49: {  	_ =	shalt  }
0x4a: {  	_ =	shalt  }
0x4b: {  	_ =	shalt  }
0x4c: {  	_ =	shalt  }
0x4d: {  	_ =	shalt  }
0x4e: {  	_ =	shalt  }
0x4f: {  	_ =	shalt  }
0x50: {  	_ =	shalt  }
0x51: {  	_ =	shalt  }
0x52: {  	_ =	shalt  }
0x53: {  	_ =	shalt  }
0x54: {  	_ =	shalt  }
0x55: {  	_ =	shalt  }
0x56: {  	_ =	shalt  }
0x57: {  	_ =	shalt  }
0x58: {  	_ =	shalt  }
0x59: {  	_ =	shalt  }
0x5a: {  	_ =	shalt  }
0x5b: {  	_ =	shalt  }
0x5c: {  	_ =	shalt  }
0x5d: {  	_ =	shalt  }
0x5e: {  	_ =	shalt  }
0x5f: {  	_ =	shalt  }
0x60: {  	_ =	shalt  }
0x61: {  	_ =	shalt  }
0x62: {  	_ =	shalt  }
0x63: {  	_ =	shalt  }
0x64: {  	_ =	shalt  }
0x65: {  	_ =	shalt  }
0x66: {  	_ =	shalt  }
0x67: {  	_ =	shalt  }
0x68: {  	_ =	shalt  }
0x69: {  	_ =	shalt  }
0x6a: {  	_ =	shalt  }
0x6b: {  	_ =	shalt  }
0x6c: {  	_ =	shalt  }
0x6d: {  	_ =	shalt  }
0x6e: {  	_ =	shalt  }
0x6f: {  	_ =	shalt  }
0x70: {  	_ =	shalt  }
0x71: {  	_ =	shalt  }
0x72: {  	_ =	shalt  }
0x73: {  	_ =	shalt  }
0x74: {  	_ =	shalt  }
0x75: {  	_ =	shalt  }
0x76: {  	_ =	shalt  }
0x77: {  	_ =	shalt  }
0x78: {  	_ =	shalt  }
0x79: {  	_ =	shalt  }
0x7a: {  	_ =	shalt  }
0x7b: {  	_ =	shalt  }
0x7c: {  	_ =	shalt  }
0x7d: {  	_ =	shalt  }
0x7e: {  	_ =	shalt  }
0x7f: {  	_ =	shalt  }
0x80: {  	_ =	shalt  }
0x81: {  	_ =	shalt  }
0x82: {  	_ =	shalt  }
0x83: {  	_ =	shalt  }
0x84: {  	_ =	shalt  }
0x85: {  	_ =	shalt  }
0x86: {  	_ =	shalt  }
0x87: {  	_ =	shalt  }
.Lfunc_end0:
.L_simem_size_0:
called_computation.3_lowered:
.L_overlay_start_0:
0x88: {  	s2 =	sld [smem:$0x3FD9]  }
0x89: {  	s3 =	sld [smem:$0x3FFE];
	_ =	sdelay $0x1  }
0x8a: {  	s1 =	srdreg.scid  }
0x8b: {  	s0 =	sand.u32 $0x1, s1  }
0x8c: {  	s16 =	sshll.u32 s0, $0xA;
	s2 =	sadd.s32 s3, s2  }
0x8d: {  	s2 =	sadd.s32 s2, s16  }
0x8e: {  	[smem:$0x3F9A] =	sst s2  }
0x8f: {  	_ = 	snop  }
0x90: {  	(tm) =	ssettm $0x1  }
0x91: {  	s17 =	sld [smem:$0x3FFB];
	_ =	sdelay $0x3  }
0x92: {  	_ =	strace s17  }
0x93: {  	s2 =	sld [smem:$0x3FFC];
	_ =	sdelay $0x3  }
0x94: {  	_ =	strace s2  }
0x95: {  	s2 =	sld [smem:$0x3FFD];
	_ =	sdelay $0x3  }
0x96: {  	_ =	strace s2  }
0x97: {  	_ =	strace $0x8FFFFFFF  }
0x98: {  	s18 =	sld [smem:$0x3FDB];
	_ =	sdelay $0x1  }
0x99: {  	s19 =	simm.s32 $_scs_section_size  }
0x9a: {  	s4 =	simm.s32 $_size__tile_overlayer_lowered;
	s5 =	simm.s32 $_tile_overlayer_lowered  }
0x9b: {  	s22 =	simm.s32 $0x1BFF;
	s21 =	sshll.u32 s5, $0x1;
	s2 =	sadd.s32 s19, s18  }
0x9c: {  	s6 =	simm.s32 $0x0;
	s20 =	sshll.u32 s4, $0x1;
	s4 =	sadd.s32 s21, s2  }
0x9d: {  	[timem:s6], [sflag:s22] =	dma.local [hbm:s4], s20  }
0x9e: {  	_ =	swait.ge [sflag:s22], s20  }
0x9f: {  	s3 =	ssub.s32 $0x0, s20;
	[sflag:s22] =	ssyncset.done $0x0  }
0xa0: {  	[sflag:s22] =	ssyncadd.s32 s3;
	_ =	sdelay $0x1  }
0xa1: {  	s23 =	simm.s32 $0x1B8B  }
0xa2: {  	_ =	swait.ge [sflag:s23], $0x1  }
0xa3: {  	[sflag:s23] =	ssyncset.done $0x0  }
0xa4: {  	s25 =	simm.s32 $0x1B8E;
	s24 =	sld [smem:$0x3FFE];
	[sflag:s23] =	ssyncadd.s32 $0xFFFFFFFF  }
0xa5: {  	s26 =	simm.s32 $execute0_lowered;
	[smem:$0x3FD2] =	sst s25  }
0xa6: {  	s4 =	sshll.u32 s26, $0x1;
	_ =	strace $0x8000004F;
	[dreg:$0x1] =	wrdreg $0xFFFFFFFF  }
0xa7: {  	s28 =	simm.s32 $_size_execute0_lowered;
	s2 =	sadd.s32 s2, s4;
	[dreg:$0x0] =	wrdreg $0x0  }
0xa8: {  	s4 =	sshll.u32 s28, $0x1;
	[dreg:$0x2] =	wrdreg s2  }
0xa9: {  	[dreg:$0x3] =	wrdreg s4  }
0xaa: {  	[dreg:$0x4] =	wrdreg $0xC0  }
0xab: {  	_ =	task [dreg:s6], $0x5FFFF  }
0xac: {  	[dreg:$0x1] =	wrdreg $0xFFFFFFFF  }
0xad: {  	[dreg:$0x0] =	wrdreg $0x60  }
0xae: {  	[dreg:$0x2] =	wrdreg s24  }
0xaf: {  	[dreg:$0x3] =	wrdreg $0xA0000  }
0xb0: {  	[dreg:$0x4] =	wrdreg $0x13E000  }
0xb1: {  	[dreg:$0x5] =	wrdreg $0x9  }
0xb2: {  	_ =	task.clear_ibuf [dreg:s6], $0x6FFFF;
	_ =	strace $0x9000004F  }
0xb3: {  	s29 =	simm.s32 $0x9;
	_ =	strace $0x80000051  }
0xb4: {  	_ =	swait.ge [sflag:s29], $0x1  }
0xb5: {  	[sflag:s29] =	ssyncadd.s32 $0xFFFFFFFF  }
0xb6: {  	_ =	strace $0x90000051  }
0xb7: {  	_ =	sfence  }
0xb8: {  	s30 =	sld [smem:$0x0];
	_ =	sdelay $0x2  }
0xb9: {  	s31 =	sshll.u32 s1, $0xD;
	s1 =	sshrl.u32 s1, $0x2  }
0xba: {  	s3 =	sand.u32 $0x4000, s31;
	s1 =	sadd.s32 s1, s30  }
0xbb: {  	s0 =	sor.u32 s3, s0;
	s1 =	sshll.u32 s1, $0x11  }
0xbc: {  	s0 =	sor.u32 s1, s0  }
0xbd: {  	s0 =	sadd.s32 $0x8F2B, s0  }
0xbe: {  	[sflag:s0] =	ssyncadd.remote.s32 $0x1  }
0xbf: {  	_ =	sfence.sel $0xFFFF  }
0xc0: {  	[dreg:$0x0] =	wrdreg $0xFFFFFFFF;
	(pc) =	sbr.abs _section_cstart, $3  }
0xc1: {  	[dreg:$0x1] =	wrdreg $0xFFFFFFFF  }
0xc2: {  	_ =	task.clear_ibuf [dreg:s6], $0x2FFFF;
	_ =	strace $0x9FFFFFFF  }
0xc3: {  	(tm) =	ssettm $0x7FFFFFFF  }
tec
execute0_lowered:
.L_overlay_start_1:
0x0: {  	(tag) =	ssettag $0x1  }
0x1: {  	s0 =	srdreg.scid;
	s1 =	rddreg [dreg:$0x0]  }
0x2: {  	s15 =	stileid.u32;
	s2 =	rddreg [dreg:$0x1]  }
0x3: {  	s13 =	simm.s32 $0x9;
	s19 =	simm.s32 $0x50;
	s28 =	simm.s32 $0x2  }
0x4: {  	s29 =	simm.s32 $0x5;
	s30 =	simm.s32 $0x3;
	s31 =	simm.s32 $0x6  }
0x5: {  	s0 =	sand.u32 $0x1, s0;
	s8 =	smul.u32 $0x9E00, s15;
	s5 =	sadd.s32 $0x1BC00, s1  }
0x6: {  	s10 =	smul.u32 $0xA000, s15;
	p0 =	seq.s32 s15, $0xF;
	s26 =	sshll.u32 s15, $0x6  }
0x7: {  	s3 =	sshll.u32 s0, $0x4;
	s7 =	smul.u32 $0x9E000, s0;
	s0 =	ssub.s32 $0x2, s0  }
0x8: {  	s4 =	sor.u32 s15, s3;
	s3 =	rddreg [dreg:$0x2];
	s9 =	sshrl.u32 s8, $0x3  }
0x9: {  	s20 =	sshrl.u32 s0, $0x1;
	s22 =	sadd.s32 s8, s2;
	s24 =	sshrl.u32 s10, $0x3  }
0xa: {  	s15 =	sor.u32 $0x1C09, s26;
	s26 =	simm.s32 $0x1;
	s6 =	smul.u32 $0x2800, s4  }
0xb: {  	s4 =	simm.s32 $0x0;
	s7 =	sadd.s32 s8, s7;
	s9 =	sadd.s32 s9, s1  }
0xc: {  	s0 =	ssub.s32 s0, s20;
	s14 =	sadd.s32 s10, s3;
	s25 =	sadd.s32 s5, s24  }
0xd: {  	s17 =	sadd.s32 $0x96000, s3;
	s16 =	sshrl.u32 s22, $0x3;
	s20 =	simm.s32 $0x5000  }
0xe: {  	s22 =	simm.s32 $0x0;
	[smem:$0x7FF] =	sst s4;
	s7 =	sshrl.u32 s7, $0x3  }
0xf: {  	s23 =	sadd.s32 $0x2F600, s9;
	s12 =	smax.u32 s0, $0x1;
	s17 =	sshrl.u32 @p0 s17, $0x3  }
0x10: {  	s18 =	sshrl.u32 @!p0 s14, $0x3;
	s0 =	simm.s32 $0x7;
	s14 =	simm.s32 $0x8  }
0x11: {  	_ =	strace $0x80000050;
	s6 =	sshrl.u32 s6, $0x3;
	[dreg:$0x6] =	wrdreg s23  }
.Ltmp0:
0x12: {  	s11 =	sadd.s32 s7, s1;
	[dreg:$0x7] =	wrdreg s25;
	(pc) =	sbr.rel .LBB2_1-.Ltmp0, $4  }
0x13: {  	s23 =	simm.s32 $0x7800;
	s6 =	sadd.s32 s6, s1;
	s1 =	sadd.s32 $0x2E800, s1  }
0x14: {  	s25 =	simm.s32 $0x8C00;
	s21 =	sadd.s32 $0x7C00, s6;
	[dreg:$0x8] =	wrdreg s1  }
0x15: {  	s11 =	sadd.s32 $0x43200, s11;
	s6 =	sadd.s32 $0x11C00, s6;
	[dreg:$0x4] =	wrdreg s21  }
0x16: {  	s1 =	simm.s32 $0x4;
	[dreg:$0x5] =	wrdreg s6;
	s21 =	simm.s32 $0x6400  }
.LBB2_4:
0x17: {  	_ =	swait.ge [sflag:s29], $0x1400  }
0x18: {  	[sflag:s29] =	ssyncset.done $0x0  }
0x19: {  	[sflag:s29] =	ssyncadd.s32 $0xFFFFEC00  }
0x1a: {  	_ =	swait.ge [sflag:s31], $0x1400  }
0x1b: {  	[sflag:s31] =	ssyncset.done $0x0  }
0x1c: {  	[sflag:s31] =	ssyncadd.s32 $0xFFFFEC00  }
0x1d: {  	_ =	swait.ge [sflag:s0], $0x1400  }
0x1e: {  	[sflag:s0] =	ssyncset.done $0x0  }
0x1f: {  	[sflag:s0] =	ssyncadd.s32 $0xFFFFEC00  }
0x20: {  	_ =	swait.ge [sflag:s14], $0x1400  }
0x21: {  	s22 =	sadd.s32 $0x1, s22;
	[sflag:s14] =	ssyncset.done $0x0  }
0x22: {  	p1 =	sne.s32 s22, s12;
	[sflag:s14] =	ssyncadd.s32 $0xFFFFEC00  }
.Ltmp1:
0x23: {  	[bflag:$0x0] =	sbarrier.arrive $0xFFFF;
	(pc) =	sbr.rel @!p1 .LBB2_5-.Ltmp1, $4  }
0x24: {  	[hbm:s11], [sflag:s15] =	dma.local [spmem:s16], $0x13C0  }
0x25: {  	_ =	swait.ge [sflag:s13], $0x13C0  }
0x26: {  	[sflag:s13] =	ssyncset.done $0x0  }
0x27: {  	[sflag:s13] =	ssyncadd.s32 $0xFFFFEC40  }
.LBB2_1:
0x28: {  	s6 =	rddreg [dreg:$0x4]  }
0x29: {  	[tilespmem:s4], [sflag:$0x9] =	stream.linear.gather [hbm4b:s6+s4], $0x2800, $0x38;
	[tilespmem:$0x1DA40] =	vst v63  }
0x2a: {  	_ =	swait.ge [sflag:s13], $0x2800  }
0x2b: {  	[sflag:s13] =	ssyncset.done $0x0  }
0x2c: {  	s7 =	simm.s32 $0x2800;
	s8 =	rddreg [dreg:$0x5];
	[sflag:s13] =	ssyncadd.s32 $0xFFFFD800  }
0x2d: {  	[tilespmem:s7], [sflag:$0x9] =	stream.linear.gather [hbm4b:s8+s4], $0x2800, $0x38;
	[tilespmem:$0x1DA40] =	vst v63  }
0x2e: {  	_ =	swait.ge [sflag:s13], $0x2800  }
0x2f: {  	[sflag:s13] =	ssyncset.done $0x0  }
0x30: {  	s9 =	rddreg [dreg:$0x6];
	[sflag:s13] =	ssyncadd.s32 $0xFFFFD800  }
0x31: {  	[spmem:s16], [sflag:s15] =	dma.local [hbm:s9], $0x13C0  }
0x32: {  	_ =	swait.ge [sflag:s13], $0x13C0  }
0x33: {  	[sflag:s13] =	ssyncset.done $0x0  }
0x34: {  	s6 =	rddreg [dreg:$0x8];
	[sflag:s13] =	ssyncadd.s32 $0xFFFFEC40  }
0x35: {  	[spmem:s17], [sflag:s15] =	dma.local @p0 [hbm:s6], $0xC80  }
0x36: {  	s6 =	simm.s32 @p0 $0x9  }
0x37: {  	_ =	swait.ge @p0 [sflag:s6], $0xC80  }
0x38: {  	[sflag:s6] =	ssyncset.done @p0 $0x0  }
0x39: {  	[sflag:s6] =	ssyncadd.s32 @p0 $0xFFFFF380;
	s6 =	rddreg [dreg:$0x7]  }
0x3a: {  	[spmem:s18], [sflag:s15] =	dma.local @!p0 [hbm:s6], $0x1400  }
0x3b: {  	s6 =	simm.s32 @!p0 $0x9  }
0x3c: {  	_ =	swait.ge @!p0 [sflag:s6], $0x1400  }
0x3d: {  	[sflag:s6] =	ssyncset.done @!p0 $0x0  }
0x3e: {  	[sflag:s6] =	ssyncadd.s32 @!p0 $0xFFFFEC00  }
0x3f: {  	[bflag:$0x0] =	sbarrier.arrive $0xFFFF  }
0x40: {  	[tilespmem:s20], [sflag:$0x1] =	stream.indirect.gather [hbm4b:s5+s19], $0x40, s4, s19, $0xb8;
	[tilespmem:$0x1DA40] =	vst v63  }
0x41: {  	_ = 	snop  }
0x42: {  	[tilespmem:s21], [sflag:$0x2] =	stream.indirect.gather [hbm4b:s5+s19], $0x40, s19, s19, $0xb8;
	[tilespmem:$0x1DA40] =	vst v63  }
0x43: {  	s10 =	simm.s32 $0xA0  }
0x44: {  	[tilespmem:s23], [sflag:$0x3] =	stream.indirect.gather [hbm4b:s5+s19], $0x40, s10, s19, $0xb8;
	[tilespmem:$0x1DA40] =	vst v63  }
0x45: {  	s24 =	simm.s32 $0xF0  }
0x46: {  	[tilespmem:s25], [sflag:$0x4] =	stream.indirect.gather [hbm4b:s5+s19], $0x40, s24, s19, $0xb8;
	[tilespmem:$0x1DA40] =	vst v63  }
0x47: {  	s24 =	simm.s32 $0x0  }
.LBB2_2:
0x48: {  	_ =	swait.ge [sflag:s26], $0x1400  }
0x49: {  	s6 =	sshra.s32 s24, $0x2;
	[sflag:s26] =	ssyncset.done $0x0  }
0x4a: {  	p1 =	seq.s32 s24, $0x0;
	s7 =	sadd.s32 $0x2800, s6;
	[sflag:s26] =	ssyncadd.s32 $0xFFFFEC00  }
0x4b: {  	[spmem:s2] =	stream.indirect.scatter.add.f32 [tilespmem:s20], [sflag:$0x5], $0x40, s7, s19, $0xb8;
	[tilespmem:$0x1DA40] =	vst v63  }
0x4c: {  	s7 =	simm.s32 @!p1 $0x8  }
0x4d: {  	_ =	swait.ge @!p1 [sflag:s7], $0x1400  }
0x4e: {  	[sflag:s7] =	ssyncset.done @!p1 $0x0  }
0x4f: {  	[sflag:s7] =	ssyncadd.s32 @!p1 $0xFFFFEC00;
	s7 =	sshra.s32 @!p1 s24, $0x2  }
0x50: {  	s8 =	simm.s32 @!p1 $0x50;
	s9 =	simm.s32 @!p1 $0x8C00;
	s7 =	sadd.s32 @!p1 $0xF0, s7  }
0x51: {  	[tilespmem:s9], [sflag:$0x4] =	stream.indirect.gather @!p1 [hbm4b:s5+s8], $0x40, s7, s8, $0xb8;
	[tilespmem:$0x1DA40] =	vst v63  }
0x52: {  	_ =	swait.ge [sflag:s28], $0x1400  }
0x53: {  	[sflag:s28] =	ssyncset.done $0x0  }
0x54: {  	s10 =	sadd.s32 $0x2850, s6;
	[sflag:s28] =	ssyncadd.s32 $0xFFFFEC00  }
0x55: {  	[spmem:s2] =	stream.indirect.scatter.add.f32 [tilespmem:s21], [sflag:$0x6], $0x40, s10, s19, $0xb8;
	[tilespmem:$0x1DA40] =	vst v63  }
0x56: {  	_ =	swait.ge [sflag:s29], $0x1400  }
0x57: {  	[sflag:s29] =	ssyncset.done $0x0  }
0x58: {  	s8 =	sadd.s32 $0x140, s6;
	[sflag:s29] =	ssyncadd.s32 $0xFFFFEC00  }
0x59: {  	[tilespmem:s20], [sflag:$0x1] =	stream.indirect.gather [hbm4b:s5+s19], $0x40, s8, s19, $0xb8;
	[tilespmem:$0x1DA40] =	vst v63  }
0x5a: {  	_ =	swait.ge [sflag:s30], $0x1400  }
0x5b: {  	[sflag:s30] =	ssyncset.done $0x0  }
0x5c: {  	s9 =	sadd.s32 $0x28A0, s6;
	[sflag:s30] =	ssyncadd.s32 $0xFFFFEC00  }
0x5d: {  	[spmem:s2] =	stream.indirect.scatter.add.f32 [tilespmem:s23], [sflag:$0x7], $0x40, s9, s19, $0xb8;
	[tilespmem:$0x1DA40] =	vst v63  }
0x5e: {  	_ =	swait.ge [sflag:s31], $0x1400  }
0x5f: {  	[sflag:s31] =	ssyncset.done $0x0  }
0x60: {  	s10 =	sadd.s32 $0x190, s6;
	[sflag:s31] =	ssyncadd.s32 $0xFFFFEC00  }
0x61: {  	[tilespmem:s21], [sflag:$0x2] =	stream.indirect.gather [spmem:s3], $0x40, s10, s19, $0xb8;
	[tilespmem:$0x1DA40] =	vst v63  }
0x62: {  	_ =	swait.ge [sflag:s1], $0x1400  }
0x63: {  	[sflag:s1] =	ssyncset.done $0x0  }
0x64: {  	s8 =	sadd.s32 $0x28F0, s6;
	[sflag:s1] =	ssyncadd.s32 $0xFFFFEC00  }
0x65: {  	[spmem:s2] =	stream.indirect.scatter.add.f32 [tilespmem:s25], [sflag:$0x8], $0x40, s8, s19, $0xb8;
	[tilespmem:$0x1DA40] =	vst v63  }
0x66: {  	_ =	swait.ge [sflag:s0], $0x1400  }
0x67: {  	[sflag:s0] =	ssyncset.done $0x0  }
0x68: {  	s9 =	sadd.s32 $0x1E0, s6;
	[sflag:s0] =	ssyncadd.s32 $0xFFFFEC00  }
0x69: {  	[tilespmem:s23], [sflag:$0x3] =	stream.indirect.gather [spmem:s3], $0x40, s9, s19, $0xb8;
	[tilespmem:$0x1DA40] =	vst v63  }
0x6a: {  	_ =	swait.ge [sflag:s26], $0x1400  }
0x6b: {  	[sflag:s26] =	ssyncset.done $0x0  }
0x6c: {  	s10 =	sadd.s32 $0x2940, s6;
	[sflag:s26] =	ssyncadd.s32 $0xFFFFEC00  }
0x6d: {  	[spmem:s2] =	stream.indirect.scatter.add.f32 [tilespmem:s20], [sflag:$0x5], $0x40, s10, s19, $0xb8;
	[tilespmem:$0x1DA40] =	vst v63  }
0x6e: {  	_ =	swait.ge [sflag:s14], $0x1400  }
0x6f: {  	[sflag:s14] =	ssyncset.done $0x0  }
0x70: {  	s8 =	sadd.s32 $0x230, s6;
	[sflag:s14] =	ssyncadd.s32 $0xFFFFEC00  }
0x71: {  	[tilespmem:s25], [sflag:$0x4] =	stream.indirect.gather [spmem:s3], $0x40, s8, s19, $0xb8;
	[tilespmem:$0x1DA40] =	vst v63  }
0x72: {  	_ =	swait.ge [sflag:s28], $0x1400  }
0x73: {  	p1 =	seq.s32 s24, $0x9600;
	[sflag:s28] =	ssyncset.done $0x0  }
0x74: {  	s7 =	simm.s32 @p1 $0x3;
	s9 =	sadd.s32 $0x2990, s6;
	[sflag:s28] =	ssyncadd.s32 $0xFFFFEC00  }
0x75: {  	[spmem:s2] =	stream.indirect.scatter.add.f32 [tilespmem:s21], [sflag:$0x6], $0x40, s9, s19, $0xb8;
	[tilespmem:$0x1DA40] =	vst v63  }
0x76: {  	_ =	swait.ge @p1 [sflag:s7], $0x1400  }
0x77: {  	[sflag:s7] =	ssyncset.done @p1 $0x0  }
0x78: {  	[sflag:s7] =	ssyncadd.s32 @p1 $0xFFFFEC00;
	s7 =	sshra.s32 @p1 s24, $0x2  }
0x79: {  	s8 =	simm.s32 @p1 $0x50;
	s9 =	simm.s32 @p1 $0x7800;
	s7 =	sadd.s32 @p1 $0x29E0, s7  }
0x7a: {  	[spmem:s2] =	stream.indirect.scatter.add.f32 @p1 [tilespmem:s9], [sflag:$0x7], $0x40, s7, s8, $0xb8;
	[tilespmem:$0x1DA40] =	vst v63  }
0x7b: {  	s7 =	simm.s32 @!p1 $0x5  }
0x7c: {  	_ =	swait.ge @!p1 [sflag:s7], $0x1400  }
0x7d: {  	[sflag:s7] =	ssyncset.done @!p1 $0x0  }
0x7e: {  	[sflag:s7] =	ssyncadd.s32 @!p1 $0xFFFFEC00;
	s7 =	sshra.s32 @!p1 s24, $0x2  }
0x7f: {  	s10 =	simm.s32 @!p1 $0x5000;
	s9 =	simm.s32 @!p1 $0x50;
	s8 =	sadd.s32 @!p1 $0x280, s7  }
0x80: {  	[tilespmem:s10], [sflag:$0x1] =	stream.indirect.gather @!p1 [hbm4b:s5+s9], $0x40, s8, s9, $0xb8;
	[tilespmem:$0x1DA40] =	vst v63  }
0x81: {  	s8 =	simm.s32 @!p1 $0x3  }
0x82: {  	_ =	swait.ge @!p1 [sflag:s8], $0x1400  }
0x83: {  	[sflag:s8] =	ssyncset.done @!p1 $0x0  }
0x84: {  	s10 =	simm.s32 @!p1 $0x7800;
	[sflag:s8] =	ssyncadd.s32 @!p1 $0xFFFFEC00;
	s8 =	sadd.s32 @!p1 $0x29E0, s7  }
0x85: {  	[spmem:s2] =	stream.indirect.scatter.add.f32 @!p1 [tilespmem:s10], [sflag:$0x7], $0x40, s8, s9, $0xb8;
	[tilespmem:$0x1DA40] =	vst v63  }
0x86: {  	s8 =	simm.s32 @!p1 $0x6  }
0x87: {  	_ =	swait.ge @!p1 [sflag:s8], $0x1400  }
0x88: {  	[sflag:s8] =	ssyncset.done @!p1 $0x0  }
0x89: {  	s7 =	sadd.s32 @!p1 $0x2D0, s7;
	[sflag:s8] =	ssyncadd.s32 @!p1 $0xFFFFEC00;
	s8 =	simm.s32 @!p1 $0x6400  }
0x8a: {  	[tilespmem:s8], [sflag:$0x2] =	stream.indirect.gather @!p1 [hbm4b:s5+s9], $0x40, s7, s9, $0xb8;
	[tilespmem:$0x1DA40] =	vst v63  }
.Ltmp2:
0x8b: {  	_ = 	snop;
	(pc) =	sbr.rel @p1 .LBB2_4-.Ltmp2, $4  }
0x8c: {  	_ =	swait.ge [sflag:s1], $0x1400  }
0x8d: {  	[sflag:s1] =	ssyncset.done $0x0  }
0x8e: {  	s10 =	sadd.s32 $0x2A30, s6;
	[sflag:s1] =	ssyncadd.s32 $0xFFFFEC00  }
0x8f: {  	[spmem:s2] =	stream.indirect.scatter.add.f32 [tilespmem:s25], [sflag:$0x8], $0x40, s10, s19, $0xb8;
	[tilespmem:$0x1DA40] =	vst v63  }
.Ltmp3:
0x90: {  	(pc) =	sbr.rel .LBB2_2-.Ltmp3, $4  }
0x91: {  	_ =	swait.ge [sflag:s0], $0x1400  }
0x92: {  	[sflag:s0] =	ssyncset.done $0x0  }
0x93: {  	s6 =	sadd.s32 $0x320, s6;
	s24 =	sadd.s32 $0xA00, s24;
	[sflag:s0] =	ssyncadd.s32 $0xFFFFEC00  }
0x94: {  	[tilespmem:s23], [sflag:$0x3] =	stream.indirect.gather [hbm4b:s5+s19], $0x40, s6, s19, $0xb8;
	[tilespmem:$0x1DA40] =	vst v63  }
.LBB2_5:
0x95: {  	_ =	sfence.sel $0x180000  }
0x96: {  	[bflag:$0x0] =	sbarrier.arrive $0xFFFF  }
0x97: {  	_ =	strace $0x90000050  }
0x98: {  	s0 =	stileid.u32;
	[bflag:$0x2] =	sbarrier.arrive $0xFFFF  }
0x99: {  	p0 =	sne.s32 s0, $0x0;
	s0 =	rddreg [dreg:$0x3]  }
0x9a: {  	s0 =	sadd.s32 @!p0 $0x100000, s0  }
0x9b: {  	[sflag:s0] =	ssyncadd.tile.s32 @!p0 $0x1;
	_ =	shalt  }
.Lfunc_end2:
_tile_overlayer_lowered:
.L_overlay_start_2:
0x9c: {  	(tag) =	ssettag $0x2  }
0x9d: {  	s0 =	rddreg [dreg:$0x0];
	s2 =	stileid.u32  }
0x9e: {  	s1 =	rddreg [dreg:$0x1];
	p0 =	sne.s32 s2, $0x0  }
0x9f: {  	s3 =	rddreg [dreg:$0x2];
	[bflag:$0x3] =	sbarrier.arrive $0xFFFF;
	s2 =	simm.s32 @!p0 $0x1C09  }
0xa0: {  	[timem:s3], [sflag:s2] =	dma.local @!p0 [hbm:s0], s1  }
0xa1: {  	s0 =	simm.s32 @!p0 $0x9  }
0xa2: {  	_ =	swait.ge @!p0 [sflag:s0], s1  }
0xa3: {  	s1 =	ssub.s32 @!p0 $0x0, s1;
	[sflag:s0] =	ssyncset.done @!p0 $0x0  }
0xa4: {  	[sflag:s0] =	ssyncadd.s32 @!p0 s1  }
0xa5: {  	[bflag:$0x3] =	sbarrier.arrive $0xFFFF  }
0xa6: {  	_ =	shalt  }

</sc_bundles>
